<compile_context>
chip_gen: v7x
topology: tpu7x:2x2x1
jax: 0.10.2.dev20260603
libtpu: 0.0.44.dev20260713+nightly
codegen_flags: <defaults>
</compile_context>

<pallas_src>
import functools

import jax
import jax.numpy as jnp
from jax import lax
from jax.experimental import pallas as pl
from jax.experimental.pallas import tpu as pltpu
from jax.experimental.pallas import tpu_sc as plsc

N = 10000
E = 100000
D_IN = 128
D_H = 256
N_CLS = 5

NC = 2
NS = 16
NW = NC * NS
N_PAD = 10240
TRASH = N
E_PAD = 102400
PER_SUB = E_PAD // NW
G = 160
NSTEP = PER_SUB // G
NSTEP2 = E_PAD // NS // G
RPT = N_PAD // NS

BN = 1000
NB = N // BN



def _seg_sums(xflat, zeros, srcs_list, dsts):
    L = len(srcs_list)
    mesh = plsc.VectorSubcoreMesh(core_axis_name="c", subcore_axis_name="s")
    out_type = jax.ShapeDtypeStruct((L, 3, NC, N_PAD, 128), jnp.float32)
    scratch = [
        pltpu.VMEM((1, G), jnp.int32),
        pltpu.VMEM((1, G), jnp.int32),
        pltpu.VMEM((G, 128), jnp.float32),
        pltpu.VMEM_SHARED((N_PAD, 128), jnp.float32),
    ]

    @functools.partial(pl.kernel, out_type=out_type, mesh=mesh,
                       scratch_types=scratch)
    def k(x_hbm, z_hbm, *rest):
        srcs_hbms = rest[:L]
        dsts_hbm, sums_hbm, sidx, didx, rows, acc = rest[L:]
        cid = lax.axis_index("c")
        sid = lax.axis_index("s")
        rbase = sid * RPT

        for l in range(L):
            for t in range(3):
                pltpu.sync_copy(z_hbm.at[pl.ds(rbase, RPT)],
                                acc.at[pl.ds(rbase, RPT)])
                plsc.subcore_barrier()

                @pl.loop(0, NSTEP)
                def _(i):
                    pltpu.sync_copy(srcs_hbms[l].at[t, cid, sid, i], sidx)
                    pltpu.sync_copy(dsts_hbm.at[t, cid, sid, i], didx)
                    pltpu.sync_copy(x_hbm.at[sidx.at[0]], rows)
                    pltpu.sync_copy(rows, acc.at[didx.at[0]], add=True)
                plsc.subcore_barrier()

                pltpu.sync_copy(acc.at[pl.ds(rbase, RPT)],
                                sums_hbm.at[l, t, cid, pl.ds(rbase, RPT)])
                plsc.subcore_barrier()

    return k(xflat, zeros, *srcs_list, dsts)


def _seg_sums_ch(xflat, zeros, srcs, dsts):
    mesh = plsc.VectorSubcoreMesh(core_axis_name="c", subcore_axis_name="s")
    out_type = jax.ShapeDtypeStruct((3, NC, N_PAD, 128), jnp.float32)
    scratch = [
        pltpu.VMEM((1, G), jnp.int32),
        pltpu.VMEM((1, G), jnp.int32),
        pltpu.VMEM((1, G), jnp.int32),
        pltpu.VMEM((1, G), jnp.int32),
        pltpu.VMEM((G, 128), jnp.float32),
        pltpu.VMEM((G, 128), jnp.float32),
        pltpu.SemaphoreType.DMA,
        pltpu.SemaphoreType.DMA,
        pltpu.VMEM_SHARED((N_PAD, 128), jnp.float32),
    ]

    @functools.partial(pl.kernel, out_type=out_type, mesh=mesh,
                       scratch_types=scratch)
    def k(x_hbm, z_hbm, srcs_hbm, dsts_hbm, sums_hbm, sidx0, didx0, sidx1,
          didx1, rows0, rows1, gsem0, gsem1, acc):
        cid = lax.axis_index("c")
        sid = lax.axis_index("s")
        rbase = sid * RPT

        for t in range(3):
            pltpu.sync_copy(z_hbm.at[pl.ds(rbase, RPT)],
                            acc.at[pl.ds(rbase, RPT)])
            plsc.subcore_barrier()

            @pl.loop(0, NSTEP2, step=2)
            def _(i):
                pltpu.sync_copy(srcs_hbm.at[cid, t, sid, i], sidx0)
                pltpu.sync_copy(dsts_hbm.at[t, sid, i], didx0)
                pltpu.sync_copy(srcs_hbm.at[cid, t, sid, i + 1], sidx1)
                pltpu.sync_copy(dsts_hbm.at[t, sid, i + 1], didx1)
                g0 = pltpu.async_copy(x_hbm.at[sidx0.at[0]], rows0, gsem0)
                g1 = pltpu.async_copy(x_hbm.at[sidx1.at[0]], rows1, gsem1)
                g0.wait()
                pltpu.sync_copy(rows0, acc.at[didx0.at[0]], add=True)
                g1.wait()
                pltpu.sync_copy(rows1, acc.at[didx1.at[0]], add=True)
            plsc.subcore_barrier()

            pltpu.sync_copy(acc.at[pl.ds(rbase, RPT)],
                            sums_hbm.at[t, cid, pl.ds(rbase, RPT)])
            plsc.subcore_barrier()

    return k(xflat, zeros, srcs, dsts)


def _seg_counts(zeros, ones, dsts):
    mesh = plsc.VectorSubcoreMesh(core_axis_name="c", subcore_axis_name="s")
    out_type = jax.ShapeDtypeStruct((3, NC, N_PAD, 128), jnp.float32)
    scratch = [
        pltpu.VMEM((G, 128), jnp.float32),
        pltpu.VMEM((1, G), jnp.int32),
        pltpu.VMEM_SHARED((N_PAD, 128), jnp.float32),
    ]

    @functools.partial(pl.kernel, out_type=out_type, mesh=mesh,
                       scratch_types=scratch)
    def k(z_hbm, ones_hbm, dsts_hbm, cnt_hbm, ones, didx, cacc):
        cid = lax.axis_index("c")
        sid = lax.axis_index("s")
        rbase = sid * RPT

        pltpu.sync_copy(ones_hbm, ones)

        for t in range(3):
            pltpu.sync_copy(z_hbm.at[pl.ds(rbase, RPT)],
                            cacc.at[pl.ds(rbase, RPT)])
            plsc.subcore_barrier()

            @pl.loop(0, NSTEP)
            def _(i):
                pltpu.sync_copy(dsts_hbm.at[t, cid, sid, i], didx)
                pltpu.sync_copy(ones, cacc.at[didx.at[0]], add=True)
            plsc.subcore_barrier()

            pltpu.sync_copy(cacc.at[pl.ds(rbase, RPT)],
                            cnt_hbm.at[t, cid, pl.ds(rbase, RPT)])
            plsc.subcore_barrier()

    return k(zeros, ones, dsts)



def _p0_body(x_ref, w_ref, b_ref, o_ref):
    t = pl.program_id(0)
    o_ref[0] = jax.nn.relu(
        jnp.dot(x_ref[...], w_ref[0], preferred_element_type=jnp.float32)
        + b_ref[t])


def _project0(x, Wp0, bp0):
    return pl.pallas_call(
        _p0_body,
        grid=(3, NB),
        in_specs=[
            pl.BlockSpec((BN, D_IN), lambda t, i: (i, 0)),
            pl.BlockSpec((1, D_IN, D_IN), lambda t, i: (t, 0, 0)),
            pl.BlockSpec((3, D_IN), lambda t, i: (0, 0)),
        ],
        out_specs=pl.BlockSpec((1, BN, D_IN), lambda t, i: (t, i, 0)),
        out_shape=jax.ShapeDtypeStruct((3, N, D_IN), jnp.float32),
    )(x, Wp0, bp0)


def _combine_body(n_chunk, chunked, normalize, relu_ln, *refs):
    sums_refs = refs[:n_chunk]
    (cnt_ref, x_ref, wl_ref, bl_ref, wr_ref, g_ref, b_ref, h_ref,
     hs_ref) = refs[n_chunk:]
    x = x_ref[...]
    acc = jnp.zeros((BN, D_H), jnp.float32)
    for t in range(3):
        cnt = cnt_ref[t, 0, :, 0] + cnt_ref[t, 1, :, 0]
        cnt = jnp.maximum(cnt, 1.0)
        parts = []
        if chunked:
            for c in range(2):
                parts.append(sums_refs[0][t, c] / cnt[:, None])
        else:
            for c in range(n_chunk):
                s = sums_refs[c][0, t, 0] + sums_refs[c][0, t, 1]
                parts.append(s / cnt[:, None])
        aggr = jnp.concatenate(parts, axis=1) if len(parts) > 1 else parts[0]
        o = (jnp.dot(aggr, wl_ref[t], preferred_element_type=jnp.float32)
             + bl_ref[t]
             + jnp.dot(x, wr_ref[t], preferred_element_type=jnp.float32))
        if normalize:
            nrm = jnp.sqrt(jnp.sum(o * o, axis=-1, keepdims=True))
            o = o / jnp.maximum(nrm, 1e-12)
        acc = acc + o
    h = acc / 3.0
    if relu_ln:
        h = jax.nn.relu(h)
        mu = jnp.mean(h, axis=-1, keepdims=True)
        var = jnp.mean((h - mu) ** 2, axis=-1, keepdims=True)
        h = (h - mu) / jnp.sqrt(var + 1e-5) * g_ref[0] + b_ref[0]
    h_ref[...] = h
    hs_ref[0] = h[:, :128]
    hs_ref[1] = h[:, 128:]


def _combine(sums, n_chunk, chunked, cnt, x, Wl, bl, Wr, ln_g, ln_b,
             normalize, relu_ln):
    d_in = x.shape[1]
    body = functools.partial(_combine_body, n_chunk, chunked, normalize,
                             relu_ln)
    if chunked:
        sum_specs = [pl.BlockSpec((3, NC, BN, 128), lambda i: (0, 0, i, 0))]
    else:
        sum_specs = [
            pl.BlockSpec((1, 3, NC, BN, 128), lambda i, c=c: (c, 0, 0, i, 0))
            for c in range(n_chunk)]
    return pl.pallas_call(
        body,
        grid=(NB,),
        in_specs=sum_specs + [
            pl.BlockSpec((3, NC, BN, 128), lambda i: (0, 0, i, 0)),
            pl.BlockSpec((BN, d_in), lambda i: (i, 0)),
            pl.BlockSpec((3, d_in, D_H), lambda i: (0, 0, 0)),
            pl.BlockSpec((3, D_H), lambda i: (0, 0)),
            pl.BlockSpec((3, d_in, D_H), lambda i: (0, 0, 0)),
            pl.BlockSpec((1, D_H), lambda i: (0, 0)),
            pl.BlockSpec((1, D_H), lambda i: (0, 0)),
        ],
        out_specs=[
            pl.BlockSpec((BN, D_H), lambda i: (i, 0)),
            pl.BlockSpec((2, BN, 128), lambda i: (0, i, 0)),
        ],
        out_shape=[
            jax.ShapeDtypeStruct((N, D_H), jnp.float32),
            jax.ShapeDtypeStruct((2, N, 128), jnp.float32),
        ],
    )(*([sums] * n_chunk), cnt, x, Wl, bl, Wr, ln_g, ln_b)


def _final_body(s_ref, cnt_ref, x_ref, wl_ref, bl_ref, wr_ref,
                cW1_ref, cb1_ref, cW2_ref, cb2_ref, g_ref, b_ref,
                cW3_ref, cb3_ref, o_ref):
    x = x_ref[...]
    acc = jnp.zeros((BN, D_H), jnp.float32)
    for t in range(3):
        cnt = cnt_ref[t, 0, :, 0] + cnt_ref[t, 1, :, 0]
        cnt = jnp.maximum(cnt, 1.0)
        parts = []
        for c in range(2):
            parts.append(s_ref[t, c] / cnt[:, None])
        aggr = jnp.concatenate(parts, axis=1)
        acc = acc + (
            jnp.dot(aggr, wl_ref[t], preferred_element_type=jnp.float32)
            + bl_ref[t]
            + jnp.dot(x, wr_ref[t], preferred_element_type=jnp.float32))
    h = acc / 3.0
    z = jax.nn.relu(
        jnp.dot(h, cW1_ref[...], preferred_element_type=jnp.float32)
        + cb1_ref[...])
    z = jax.nn.relu(
        jnp.dot(z, cW2_ref[...], preferred_element_type=jnp.float32)
        + cb2_ref[...])
    mu = jnp.mean(z, axis=-1, keepdims=True)
    var = jnp.mean((z - mu) ** 2, axis=-1, keepdims=True)
    z = (z - mu) / jnp.sqrt(var + 1e-5) * g_ref[...] + b_ref[...]
    o_ref[...] = (jnp.dot(z, cW3_ref[...], preferred_element_type=jnp.float32)
                  + cb3_ref[...])


def _final(sums, cnt, h, Wl, bl, Wr, cW1, cb1, cW2, cb2, cg, cb, cW3,
           cb3):
    dh2 = D_H // 2
    return pl.pallas_call(
        _final_body,
        grid=(NB,),
        in_specs=[
            pl.BlockSpec((3, NC, BN, 128), lambda i: (0, 0, i, 0)),
            pl.BlockSpec((3, NC, BN, 128), lambda i: (0, 0, i, 0)),
            pl.BlockSpec((BN, D_H), lambda i: (i, 0)),
            pl.BlockSpec((3, D_H, D_H), lambda i: (0, 0, 0)),
            pl.BlockSpec((3, D_H), lambda i: (0, 0)),
            pl.BlockSpec((3, D_H, D_H), lambda i: (0, 0, 0)),
            pl.BlockSpec((D_H, dh2), lambda i: (0, 0)),
            pl.BlockSpec((dh2,), lambda i: (0,)),
            pl.BlockSpec((dh2, dh2), lambda i: (0, 0)),
            pl.BlockSpec((dh2,), lambda i: (0,)),
            pl.BlockSpec((dh2,), lambda i: (0,)),
            pl.BlockSpec((dh2,), lambda i: (0,)),
            pl.BlockSpec((dh2, N_CLS), lambda i: (0, 0)),
            pl.BlockSpec((N_CLS,), lambda i: (0,)),
        ],
        out_specs=pl.BlockSpec((BN, N_CLS), lambda i: (i, 0)),
        out_shape=jax.ShapeDtypeStruct((N, N_CLS), jnp.float32),
    )(sums, cnt, h, Wl, bl, Wr, cW1, cb1, cW2, cb2, cg, cb, cW3, cb3)



def kernel(x, ei, Wp0, bp0, Wl0, bl0, Wr0, Wl1, bl1, Wr1, Wl2, bl2, Wr2,
           ln_g, ln_b, cW1, cb1, cW2, cb2, cln_g, cln_b, cW3, cb3):
    src = ei[:, 0, :]
    dst = ei[:, 1, :]
    src_pad = jnp.pad(src, ((0, 0), (0, E_PAD - E)))
    dst_pad = jnp.pad(dst, ((0, 0), (0, E_PAD - E)), constant_values=TRASH)
    srcs0 = (src_pad + (jnp.arange(3, dtype=jnp.int32) * N)[:, None])
    srcs0 = srcs0.reshape(3, NC, NS, NSTEP, 1, G)
    srcsH = jnp.stack([src_pad, src_pad + N])
    srcsH = srcsH.reshape(NC, 3, NS, NSTEP2, 1, G)
    dst_blk = dst_pad.reshape(3, NC, NS, NSTEP, 1, G)
    dst_ch = dst_pad.reshape(3, NS, NSTEP2, 1, G)

    zeros = jnp.zeros((N_PAD, 128), jnp.float32)
    ones = jnp.ones((G, 128), jnp.float32)
    cnt = _seg_counts(zeros, ones, dst_blk)

    xs = _project0(x, Wp0, bp0)
    sums0 = _seg_sums(xs.reshape(3 * N, D_IN), zeros, [srcs0], dst_blk)
    h, hs = _combine(sums0, 1, False, cnt, x, Wl0, bl0, Wr0, ln_g[0:1],
                     ln_b[0:1], normalize=True, relu_ln=True)

    hsf = hs.reshape(2 * N, 128)
    sums1 = _seg_sums_ch(hsf, zeros, srcsH, dst_ch)
    h2, h2s = _combine(sums1, 1, True, cnt, h, Wl1, bl1, Wr1, ln_g[1:2],
                       ln_b[1:2], normalize=False, relu_ln=True)

    h2sf = h2s.reshape(2 * N, 128)
    sums2 = _seg_sums_ch(h2sf, zeros, srcsH, dst_ch)
    return _final(sums2, cnt, h2, Wl2, bl2, Wr2, cW1, cb1, cW2,
                  cb2, cln_g, cln_b, cW3, cb3)

# --- scband reference (transcript-rebuilt; emitter-appended) ---
"""Pipeline reference for scband-cadence-detection-gnn-43422119362654 (READ-ONLY COPY).

The authoritative reference and input builder live on the scoring server;
editing this copy changes nothing except your own understanding.
"""

import jax, jax.numpy as jnp
import numpy as np

N = 10000
E = 100000
D_IN = 128
D_H = 256
N_CLS = 5

def _layernorm(x, g, b):
    mu = jnp.mean(x, axis=-1, keepdims=True)
    var = jnp.var(x, axis=-1, keepdims=True)
    return (x - mu) / jnp.sqrt(var + 1e-5) * g + b

def _hetero_sage(x, ei, Wl, bl, Wr, Wp=None, bp=None, normalize=False):
    # HeteroConv(aggr='mean') over 3 edge types, each a SAGEConv with mean neighbor aggregation
    outs = []
    for t in range(3):
        src = ei[t, 0]
        dst = ei[t, 1]
        xs = x
        if Wp is not None:
            # SAGEConv(project=True): project + relu source features before aggregation
            xs = jax.nn.relu(x @ Wp[t] + bp[t])
        msg = xs[src]
        s = jax.ops.segment_sum(msg, dst, num_segments=N)
        cnt = jax.ops.segment_sum(jnp.ones((msg.shape[0],), dtype=x.dtype), dst, num_segments=N)
        aggr = s / jnp.maximum(cnt, 1.0)[:, None]
        # lin_l(aggr) + lin_r(x_root) ; lin_r has no bias in PyG SAGEConv
        o = aggr @ Wl[t] + bl[t] + x @ Wr[t]
        if normalize:
            o = o / jnp.maximum(jnp.linalg.norm(o, axis=-1, keepdims=True), 1e-12)
        outs.append(o)
    return jnp.mean(jnp.stack(outs, axis=0), axis=0)

def _forward(x, ei, Wp0, bp0, Wl0, bl0, Wr0, Wl1, bl1, Wr1, Wl2, bl2, Wr2, ln_g, ln_b, cW1, cb1, cW2, cb2, cln_g, cln_b, cW3, cb3):
    # EncodingGNN: conv0 (project+normalize) -> relu -> LN -> conv1 -> relu -> LN -> conv2 (final, raw)
    # dropout is identity in eval mode; neighbor masks / ground_truth are None
    h = _hetero_sage(x, ei, Wl0, bl0, Wr0, Wp0, bp0, normalize=True)
    h = jax.nn.relu(h)
    h = _layernorm(h, ln_g[0], ln_b[0])
    h = _hetero_sage(h, ei, Wl1, bl1, Wr1)
    h = jax.nn.relu(h)
    h = _layernorm(h, ln_g[1], ln_b[1])
    h = _hetero_sage(h, ei, Wl2, bl2, Wr2)
    # classifier head: Linear -> ReLU -> Linear -> ReLU -> LN -> Linear
    z = jax.nn.relu(h @ cW1 + cb1)
    z = jax.nn.relu(z @ cW2 + cb2)
    z = _layernorm(z, cln_g, cln_b)
    return z @ cW3 + cb3

def setup_inputs(seed: int = 0):
    key = jax.random.key(seed)
    ks = jax.random.split(key, 14)
    def p(k, shape, s=0.05):
        return jax.random.normal(k, shape, dtype=jnp.float32) * s
    inp = {}
    inp["x"] = jax.random.normal(ks[0], (N, D_IN), dtype=jnp.float32)
    inp["ei"] = jax.random.randint(ks[1], (3, 2, E), 0, N, dtype=jnp.int32)
    inp["Wp0"] = p(ks[2], (3, D_IN, D_IN))
    inp["bp0"] = jnp.zeros((3, D_IN), dtype=jnp.float32)
    inp["Wl0"] = p(ks[3], (3, D_IN, D_H))
    inp["bl0"] = jnp.zeros((3, D_H), dtype=jnp.float32)
    inp["Wr0"] = p(ks[4], (3, D_IN, D_H))
    inp["Wl1"] = p(ks[5], (3, D_H, D_H))
    inp["bl1"] = jnp.zeros((3, D_H), dtype=jnp.float32)
    inp["Wr1"] = p(ks[6], (3, D_H, D_H))
    inp["Wl2"] = p(ks[7], (3, D_H, D_H))
    inp["bl2"] = jnp.zeros((3, D_H), dtype=jnp.float32)
    inp["Wr2"] = p(ks[8], (3, D_H, D_H))
    inp["ln_g"] = jnp.ones((2, D_H), dtype=jnp.float32)
    inp["ln_b"] = jnp.zeros((2, D_H), dtype=jnp.float32)
    inp["cW1"] = p(ks[9], (D_H, D_H // 2))
    inp["cb1"] = jnp.zeros((D_H // 2,), dtype=jnp.float32)
    inp["cW2"] = p(ks[10], (D_H // 2, D_H // 2))
    inp["cb2"] = jnp.zeros((D_H // 2,), dtype=jnp.float32)
    inp["cln_g"] = jnp.ones((D_H // 2,), dtype=jnp.float32)
    inp["cln_b"] = jnp.zeros((D_H // 2,), dtype=jnp.float32)
    inp["cW3"] = p(ks[11], (D_H // 2, N_CLS))
    inp["cb3"] = jnp.zeros((N_CLS,), dtype=jnp.float32)
    return inp

def reference(x, ei, Wp0, bp0, Wl0, bl0, Wr0, Wl1, bl1, Wr1, Wl2, bl2, Wr2, ln_g, ln_b, cW1, cb1, cW2, cb2, cln_g, cln_b, cW3, cb3):
    return _forward(x, ei, Wp0, bp0, Wl0, bl0, Wr0, Wl1, bl1, Wr1, Wl2, bl2, Wr2, ln_g, ln_b, cW1, cb1, cW2, cb2, cln_g, cln_b, cW3, cb3)

if __name__ == "__main__":
    import jax
    _d = setup_inputs()
    print(jax.jit(kernel)(*tuple(_d.values())))

</pallas_src>

<mosaic_0001>
#map = affine_map<(d0, d1) -> (0, 0)>
#map1 = affine_map<(d0, d1) -> (0, 0, 0, 0, 0, 0)>
#map2 = affine_map<(d0, d1) -> (0, 0, 0, 0, 0)>
module attributes {stable_mosaic.version = 14 : i64} {
  func.func @k(%arg0: i32, %arg1: i32, %arg2: memref<30000x128xf32, #tpu.memory_space<hbm>>, %arg3: memref<10240x128xf32, #tpu.memory_space<hbm>>, %arg4: memref<3x2x16x20x1x160xi32, #tpu.memory_space<hbm>>, %arg5: memref<3x2x16x20x1x160xi32, #tpu.memory_space<hbm>>, %arg6: memref<1x3x2x10240x128xf32, #tpu.memory_space<hbm>>, %arg7: memref<1x160xi32, #tpu.memory_space<vmem>>, %arg8: memref<1x160xi32, #tpu.memory_space<vmem>>, %arg9: memref<160x128xf32, #tpu.memory_space<vmem>>, %arg10: memref<10240x128xf32, #tpu.memory_space<vmem_shared>>) attributes {dimension_semantics = [#tpu.dimension_semantics<core_parallel>, #tpu.dimension_semantics<subcore_parallel>], iteration_bounds = array<i64: 2, 16>, scalar_prefetch = 0 : i64, scratch_operands = 4 : i64, tpu.core_type = #tpu.core_type<sc_vector_subcore>, window_params = [{transform_indices = #map}, {transform_indices = #map}, {transform_indices = #map1}, {transform_indices = #map1}, {transform_indices = #map2}]} {
    %mul3A = arith.constant 640 : i32
    %mul3A_0 = arith.muli %arg1, %mul3A : i32
    "tpu.region"() ({
      %run_scoped3A_28 = tpu.sem_alloc : memref<!tpu.dma_semaphore, #tpu.memory_space<semaphore_mem>>
      %dma_start3A = arith.constant 0 : i32
      %dma_start3A_29 = tpu.memref_slice %arg10[%mul3A_0, %dma_start3A] : memref<10240x128xf32, #tpu.memory_space<vmem_shared>> -> memref<640x128xf32, #tpu.memory_space<vmem_shared>>
      %dma_start3A_30 = arith.constant 0 : i32
      %dma_start3A_31 = tpu.memref_slice %arg3[%mul3A_0, %dma_start3A_30] : memref<10240x128xf32, #tpu.memory_space<hbm>> -> memref<640x128xf32, #tpu.memory_space<hbm>>
      tpu.enqueue_dma source(%dma_start3A_31 : memref<640x128xf32, #tpu.memory_space<hbm>>) target(%dma_start3A_29 : memref<640x128xf32, #tpu.memory_space<vmem_shared>>) target_semaphore(%run_scoped3A_28 : memref<!tpu.dma_semaphore, #tpu.memory_space<semaphore_mem>>)
      %dma_wait3A = arith.constant 0 : i32
      %dma_wait3A_32 = tpu.memref_slice %arg10[%mul3A_0, %dma_wait3A] : memref<10240x128xf32, #tpu.memory_space<vmem_shared>> -> memref<640x128xf32, #tpu.memory_space<vmem_shared>>
      %dma_wait3A_33 = arith.constant 0 : i32
      %dma_wait3A_34 = tpu.memref_slice %arg3[%mul3A_0, %dma_wait3A_33] : memref<10240x128xf32, #tpu.memory_space<hbm>> -> memref<640x128xf32, #tpu.memory_space<hbm>>
      tpu.wait_dma2 semaphore(%run_scoped3A_28 : memref<!tpu.dma_semaphore, #tpu.memory_space<semaphore_mem>>) src(%dma_wait3A_34 : memref<640x128xf32, #tpu.memory_space<hbm>>) dst(%dma_wait3A_32 : memref<640x128xf32, #tpu.memory_space<vmem_shared>>)
      tpu.yield
    }) : () -> ()
    %barrier3A = arith.constant 0 : index
    tpu.barrier barrier_id(%barrier3A)
    %scan3A = arith.constant 0 : i32
    %scan3A_1 = arith.constant 20 : i32
    %scan3A_2 = arith.addi %scan3A, %scan3A_1 : i32
    %scan3A_3 = arith.constant 1 : i32
    scf.for %scan3A_28 = %scan3A to %scan3A_2 step %scan3A_3  : i32 {
      %mul3A_29 = arith.constant 1 : i32
      %mul3A_30 = arith.muli %scan3A_28, %mul3A_29 : i32
      %add3A = arith.constant 0 : i32
      %add3A_31 = arith.addi %add3A, %mul3A_30 : i32
      %run_scoped3A_32 = arith.constant 0 : i32
      "tpu.region"() ({
        %run_scoped3A_36 = tpu.sem_alloc : memref<!tpu.dma_semaphore, #tpu.memory_space<semaphore_mem>>
        %dma_start3A = arith.constant 0 : i32
        %dma_start3A_37 = arith.constant 0 : i32
        %dma_start3A_38 = tpu.memref_slice %arg4[%run_scoped3A_32, %arg0, %arg1, %add3A_31, %dma_start3A, %dma_start3A_37] : memref<3x2x16x20x1x160xi32, #tpu.memory_space<hbm>> -> memref<1x1x1x1x1x160xi32, #tpu.memory_space<hbm>>
        %dma_start3A_39 = tpu.memref_squeeze %dma_start3A_38 : memref<1x1x1x1x1x160xi32, #tpu.memory_space<hbm>> -> memref<1x160xi32, #tpu.memory_space<hbm>>
        %dma_start3A_40 = arith.constant 0 : i32
        %dma_start3A_41 = arith.constant 0 : i32
        %dma_start3A_42 = tpu.memref_slice %arg4[%run_scoped3A_32, %arg0, %arg1, %add3A_31, %dma_start3A_40, %dma_start3A_41] : memref<3x2x16x20x1x160xi32, #tpu.memory_space<hbm>> -> memref<1x1x1x1x1x160xi32, #tpu.memory_space<hbm>>
        %dma_start3A_43 = tpu.memref_squeeze %dma_start3A_42 : memref<1x1x1x1x1x160xi32, #tpu.memory_space<hbm>> -> memref<1x160xi32, #tpu.memory_space<hbm>>
        tpu.enqueue_dma source(%dma_start3A_43 : memref<1x160xi32, #tpu.memory_space<hbm>>) target(%arg7 : memref<1x160xi32, #tpu.memory_space<vmem>>) target_semaphore(%run_scoped3A_36 : memref<!tpu.dma_semaphore, #tpu.memory_space<semaphore_mem>>)
        %dma_wait3A = arith.constant 0 : i32
        %dma_wait3A_44 = arith.constant 0 : i32
        %dma_wait3A_45 = tpu.memref_slice %arg4[%run_scoped3A_32, %arg0, %arg1, %add3A_31, %dma_wait3A, %dma_wait3A_44] : memref<3x2x16x20x1x160xi32, #tpu.memory_space<hbm>> -> memref<1x1x1x1x1x160xi32, #tpu.memory_space<hbm>>
        %dma_wait3A_46 = tpu.memref_squeeze %dma_wait3A_45 : memref<1x1x1x1x1x160xi32, #tpu.memory_space<hbm>> -> memref<1x160xi32, #tpu.memory_space<hbm>>
        %dma_wait3A_47 = arith.constant 0 : i32
        %dma_wait3A_48 = arith.constant 0 : i32
        %dma_wait3A_49 = tpu.memref_slice %arg4[%run_scoped3A_32, %arg0, %arg1, %add3A_31, %dma_wait3A_47, %dma_wait3A_48] : memref<3x2x16x20x1x160xi32, #tpu.memory_space<hbm>> -> memref<1x1x1x1x1x160xi32, #tpu.memory_space<hbm>>
        %dma_wait3A_50 = tpu.memref_squeeze %dma_wait3A_49 : memref<1x1x1x1x1x160xi32, #tpu.memory_space<hbm>> -> memref<1x160xi32, #tpu.memory_space<hbm>>
        tpu.wait_dma2 semaphore(%run_scoped3A_36 : memref<!tpu.dma_semaphore, #tpu.memory_space<semaphore_mem>>) src(%dma_wait3A_50 : memref<1x160xi32, #tpu.memory_space<hbm>>) dst(%arg7 : memref<1x160xi32, #tpu.memory_space<vmem>>)
        tpu.yield
      }) : () -> ()
      %run_scoped3A_33 = arith.constant 0 : i32
      "tpu.region"() ({
        %run_scoped3A_36 = tpu.sem_alloc : memref<!tpu.dma_semaphore, #tpu.memory_space<semaphore_mem>>
        %dma_start3A = arith.constant 0 : i32
        %dma_start3A_37 = arith.constant 0 : i32
        %dma_start3A_38 = tpu.memref_slice %arg5[%run_scoped3A_33, %arg0, %arg1, %add3A_31, %dma_start3A, %dma_start3A_37] : memref<3x2x16x20x1x160xi32, #tpu.memory_space<hbm>> -> memref<1x1x1x1x1x160xi32, #tpu.memory_space<hbm>>
        %dma_start3A_39 = tpu.memref_squeeze %dma_start3A_38 : memref<1x1x1x1x1x160xi32, #tpu.memory_space<hbm>> -> memref<1x160xi32, #tpu.memory_space<hbm>>
        %dma_start3A_40 = arith.constant 0 : i32
        %dma_start3A_41 = arith.constant 0 : i32
        %dma_start3A_42 = tpu.memref_slice %arg5[%run_scoped3A_33, %arg0, %arg1, %add3A_31, %dma_start3A_40, %dma_start3A_41] : memref<3x2x16x20x1x160xi32, #tpu.memory_space<hbm>> -> memref<1x1x1x1x1x160xi32, #tpu.memory_space<hbm>>
        %dma_start3A_43 = tpu.memref_squeeze %dma_start3A_42 : memref<1x1x1x1x1x160xi32, #tpu.memory_space<hbm>> -> memref<1x160xi32, #tpu.memory_space<hbm>>
        tpu.enqueue_dma source(%dma_start3A_43 : memref<1x160xi32, #tpu.memory_space<hbm>>) target(%arg8 : memref<1x160xi32, #tpu.memory_space<vmem>>) target_semaphore(%run_scoped3A_36 : memref<!tpu.dma_semaphore, #tpu.memory_space<semaphore_mem>>)
        %dma_wait3A = arith.constant 0 : i32
        %dma_wait3A_44 = arith.constant 0 : i32
        %dma_wait3A_45 = tpu.memref_slice %arg5[%run_scoped3A_33, %arg0, %arg1, %add3A_31, %dma_wait3A, %dma_wait3A_44] : memref<3x2x16x20x1x160xi32, #tpu.memory_space<hbm>> -> memref<1x1x1x1x1x160xi32, #tpu.memory_space<hbm>>
        %dma_wait3A_46 = tpu.memref_squeeze %dma_wait3A_45 : memref<1x1x1x1x1x160xi32, #tpu.memory_space<hbm>> -> memref<1x160xi32, #tpu.memory_space<hbm>>
        %dma_wait3A_47 = arith.constant 0 : i32
        %dma_wait3A_48 = arith.constant 0 : i32
        %dma_wait3A_49 = tpu.memref_slice %arg5[%run_scoped3A_33, %arg0, %arg1, %add3A_31, %dma_wait3A_47, %dma_wait3A_48] : memref<3x2x16x20x1x160xi32, #tpu.memory_space<hbm>> -> memref<1x1x1x1x1x160xi32, #tpu.memory_space<hbm>>
        %dma_wait3A_50 = tpu.memref_squeeze %dma_wait3A_49 : memref<1x1x1x1x1x160xi32, #tpu.memory_space<hbm>> -> memref<1x160xi32, #tpu.memory_space<hbm>>
        tpu.wait_dma2 semaphore(%run_scoped3A_36 : memref<!tpu.dma_semaphore, #tpu.memory_space<semaphore_mem>>) src(%dma_wait3A_50 : memref<1x160xi32, #tpu.memory_space<hbm>>) dst(%arg8 : memref<1x160xi32, #tpu.memory_space<vmem>>)
        tpu.yield
      }) : () -> ()
      %run_scoped3A_34 = arith.constant 0 : i32
      "tpu.region"() ({
        %run_scoped3A_36 = tpu.sem_alloc : memref<!tpu.dma_semaphore, #tpu.memory_space<semaphore_mem>>
        %dma_start3A = arith.constant 0 : i32
        %dma_start3A_37 = tpu.memref_slice %arg7[%run_scoped3A_34, %dma_start3A] : memref<1x160xi32, #tpu.memory_space<vmem>> -> memref<1x160xi32, #tpu.memory_space<vmem>>
        %dma_start3A_38 = tpu.memref_squeeze %dma_start3A_37 : memref<1x160xi32, #tpu.memory_space<vmem>> -> memref<160xi32, #tpu.memory_space<vmem>>
        %dma_start3A_39 = arith.constant 0 : i32
        %dma_start3A_40 = arith.constant 0 : i32
        %dma_start3A_41 = tpu.memref_slice %arg2[%dma_start3A_39, %dma_start3A_40] : memref<30000x128xf32, #tpu.memory_space<hbm>> -> memref<30000x128xf32, #tpu.memory_space<hbm>>
        tpu.enqueue_indirect_dma source(%dma_start3A_41 : memref<30000x128xf32, #tpu.memory_space<hbm>>) target(%arg9 : memref<160x128xf32, #tpu.memory_space<vmem>>) offsets(%dma_start3A_38 : memref<160xi32, #tpu.memory_space<vmem>>) semaphore(%run_scoped3A_36 : memref<!tpu.dma_semaphore, #tpu.memory_space<semaphore_mem>>)
        %dma_wait3A = arith.constant 0 : i32
        %dma_wait3A_42 = tpu.memref_slice %arg7[%run_scoped3A_34, %dma_wait3A] : memref<1x160xi32, #tpu.memory_space<vmem>> -> memref<1x160xi32, #tpu.memory_space<vmem>>
        %dma_wait3A_43 = tpu.memref_squeeze %dma_wait3A_42 : memref<1x160xi32, #tpu.memory_space<vmem>> -> memref<160xi32, #tpu.memory_space<vmem>>
        %dma_wait3A_44 = arith.constant 0 : i32
        %dma_wait3A_45 = arith.constant 0 : i32
        %dma_wait3A_46 = tpu.memref_slice %arg2[%dma_wait3A_44, %dma_wait3A_45] : memref<30000x128xf32, #tpu.memory_space<hbm>> -> memref<30000x128xf32, #tpu.memory_space<hbm>>
        tpu.wait_indirect_dma semaphore(%run_scoped3A_36 : memref<!tpu.dma_semaphore, #tpu.memory_space<semaphore_mem>>) src(%dma_wait3A_46 : memref<30000x128xf32, #tpu.memory_space<hbm>>) dst(%arg9 : memref<160x128xf32, #tpu.memory_space<vmem>>)
        tpu.yield
      }) : () -> ()
      %run_scoped3A_35 = arith.constant 0 : i32
      "tpu.region"() ({
        %run_scoped3A_36 = tpu.sem_alloc : memref<!tpu.dma_semaphore, #tpu.memory_space<semaphore_mem>>
        %dma_start3A = arith.constant 0 : i32
        %dma_start3A_37 = tpu.memref_slice %arg8[%run_scoped3A_35, %dma_start3A] : memref<1x160xi32, #tpu.memory_space<vmem>> -> memref<1x160xi32, #tpu.memory_space<vmem>>
        %dma_start3A_38 = tpu.memref_squeeze %dma_start3A_37 : memref<1x160xi32, #tpu.memory_space<vmem>> -> memref<160xi32, #tpu.memory_space<vmem>>
        %dma_start3A_39 = arith.constant 0 : i32
        %dma_start3A_40 = arith.constant 0 : i32
        %dma_start3A_41 = tpu.memref_slice %arg10[%dma_start3A_39, %dma_start3A_40] : memref<10240x128xf32, #tpu.memory_space<vmem_shared>> -> memref<10240x128xf32, #tpu.memory_space<vmem_shared>>
        tpu.enqueue_indirect_dma source(%arg9 : memref<160x128xf32, #tpu.memory_space<vmem>>) target(%dma_start3A_41 : memref<10240x128xf32, #tpu.memory_space<vmem_shared>>) offsets(%dma_start3A_38 : memref<160xi32, #tpu.memory_space<vmem>>) semaphore(%run_scoped3A_36 : memref<!tpu.dma_semaphore, #tpu.memory_space<semaphore_mem>>) {add = true}
        %dma_wait3A = arith.constant 0 : i32
        %dma_wait3A_42 = tpu.memref_slice %arg8[%run_scoped3A_35, %dma_wait3A] : memref<1x160xi32, #tpu.memory_space<vmem>> -> memref<1x160xi32, #tpu.memory_space<vmem>>
        %dma_wait3A_43 = tpu.memref_squeeze %dma_wait3A_42 : memref<1x160xi32, #tpu.memory_space<vmem>> -> memref<160xi32, #tpu.memory_space<vmem>>
        %dma_wait3A_44 = arith.constant 0 : i32
        %dma_wait3A_45 = arith.constant 0 : i32
        %dma_wait3A_46 = tpu.memref_slice %arg10[%dma_wait3A_44, %dma_wait3A_45] : memref<10240x128xf32, #tpu.memory_space<vmem_shared>> -> memref<10240x128xf32, #tpu.memory_space<vmem_shared>>
        tpu.wait_indirect_dma semaphore(%run_scoped3A_36 : memref<!tpu.dma_semaphore, #tpu.memory_space<semaphore_mem>>) src(%arg9 : memref<160x128xf32, #tpu.memory_space<vmem>>) dst(%dma_wait3A_46 : memref<10240x128xf32, #tpu.memory_space<vmem_shared>>)
        tpu.yield
      }) : () -> ()
    }
    %scan3A_4 = arith.constant 20 : i32
    %barrier3A_5 = arith.constant 0 : index
    tpu.barrier barrier_id(%barrier3A_5)
    %run_scoped3A = arith.constant 0 : i32
    %run_scoped3A_6 = arith.constant 0 : i32
    "tpu.region"() ({
      %run_scoped3A_28 = tpu.sem_alloc : memref<!tpu.dma_semaphore, #tpu.memory_space<semaphore_mem>>
      %dma_start3A = arith.constant 0 : i32
      %dma_start3A_29 = tpu.memref_slice %arg6[%run_scoped3A, %run_scoped3A_6, %arg0, %mul3A_0, %dma_start3A] : memref<1x3x2x10240x128xf32, #tpu.memory_space<hbm>> -> memref<1x1x1x640x128xf32, #tpu.memory_space<hbm>>
      %dma_start3A_30 = tpu.memref_squeeze %dma_start3A_29 : memref<1x1x1x640x128xf32, #tpu.memory_space<hbm>> -> memref<640x128xf32, #tpu.memory_space<hbm>>
      %dma_start3A_31 = arith.constant 0 : i32
      %dma_start3A_32 = tpu.memref_slice %arg10[%mul3A_0, %dma_start3A_31] : memref<10240x128xf32, #tpu.memory_space<vmem_shared>> -> memref<640x128xf32, #tpu.memory_space<vmem_shared>>
      tpu.enqueue_dma source(%dma_start3A_32 : memref<640x128xf32, #tpu.memory_space<vmem_shared>>) target(%dma_start3A_30 : memref<640x128xf32, #tpu.memory_space<hbm>>) target_semaphore(%run_scoped3A_28 : memref<!tpu.dma_semaphore, #tpu.memory_space<semaphore_mem>>)
      %dma_wait3A = arith.constant 0 : i32
      %dma_wait3A_33 = tpu.memref_slice %arg6[%run_scoped3A, %run_scoped3A_6, %arg0, %mul3A_0, %dma_wait3A] : memref<1x3x2x10240x128xf32, #tpu.memory_space<hbm>> -> memref<1x1x1x640x128xf32, #tpu.memory_space<hbm>>
      %dma_wait3A_34 = tpu.memref_squeeze %dma_wait3A_33 : memref<1x1x1x640x128xf32, #tpu.memory_space<hbm>> -> memref<640x128xf32, #tpu.memory_space<hbm>>
      %dma_wait3A_35 = arith.constant 0 : i32
      %dma_wait3A_36 = tpu.memref_slice %arg10[%mul3A_0, %dma_wait3A_35] : memref<10240x128xf32, #tpu.memory_space<vmem_shared>> -> memref<640x128xf32, #tpu.memory_space<vmem_shared>>
      tpu.wait_dma2 semaphore(%run_scoped3A_28 : memref<!tpu.dma_semaphore, #tpu.memory_space<semaphore_mem>>) src(%dma_wait3A_36 : memref<640x128xf32, #tpu.memory_space<vmem_shared>>) dst(%dma_wait3A_34 : memref<640x128xf32, #tpu.memory_space<hbm>>)
      tpu.yield
    }) : () -> ()
    %barrier3A_7 = arith.constant 0 : index
    tpu.barrier barrier_id(%barrier3A_7)
    "tpu.region"() ({
      %run_scoped3A_28 = tpu.sem_alloc : memref<!tpu.dma_semaphore, #tpu.memory_space<semaphore_mem>>
      %dma_start3A = arith.constant 0 : i32
      %dma_start3A_29 = tpu.memref_slice %arg10[%mul3A_0, %dma_start3A] : memref<10240x128xf32, #tpu.memory_space<vmem_shared>> -> memref<640x128xf32, #tpu.memory_space<vmem_shared>>
      %dma_start3A_30 = arith.constant 0 : i32
      %dma_start3A_31 = tpu.memref_slice %arg3[%mul3A_0, %dma_start3A_30] : memref<10240x128xf32, #tpu.memory_space<hbm>> -> memref<640x128xf32, #tpu.memory_space<hbm>>
      tpu.enqueue_dma source(%dma_start3A_31 : memref<640x128xf32, #tpu.memory_space<hbm>>) target(%dma_start3A_29 : memref<640x128xf32, #tpu.memory_space<vmem_shared>>) target_semaphore(%run_scoped3A_28 : memref<!tpu.dma_semaphore, #tpu.memory_space<semaphore_mem>>)
      %dma_wait3A = arith.constant 0 : i32
      %dma_wait3A_32 = tpu.memref_slice %arg10[%mul3A_0, %dma_wait3A] : memref<10240x128xf32, #tpu.memory_space<vmem_shared>> -> memref<640x128xf32, #tpu.memory_space<vmem_shared>>
      %dma_wait3A_33 = arith.constant 0 : i32
      %dma_wait3A_34 = tpu.memref_slice %arg3[%mul3A_0, %dma_wait3A_33] : memref<10240x128xf32, #tpu.memory_space<hbm>> -> memref<640x128xf32, #tpu.memory_space<hbm>>
      tpu.wait_dma2 semaphore(%run_scoped3A_28 : memref<!tpu.dma_semaphore, #tpu.memory_space<semaphore_mem>>) src(%dma_wait3A_34 : memref<640x128xf32, #tpu.memory_space<hbm>>) dst(%dma_wait3A_32 : memref<640x128xf32, #tpu.memory_space<vmem_shared>>)
      tpu.yield
    }) : () -> ()
    %barrier3A_8 = arith.constant 0 : index
    tpu.barrier barrier_id(%barrier3A_8)
    %scan3A_9 = arith.constant 0 : i32
    %scan3A_10 = arith.constant 20 : i32
    %scan3A_11 = arith.addi %scan3A_9, %scan3A_10 : i32
    %scan3A_12 = arith.constant 1 : i32
    scf.for %scan3A_28 = %scan3A_9 to %scan3A_11 step %scan3A_12  : i32 {
      %mul3A_29 = arith.constant 1 : i32
      %mul3A_30 = arith.muli %scan3A_28, %mul3A_29 : i32
      %add3A = arith.constant 0 : i32
      %add3A_31 = arith.addi %add3A, %mul3A_30 : i32
      %run_scoped3A_32 = arith.constant 1 : i32
      "tpu.region"() ({
        %run_scoped3A_36 = tpu.sem_alloc : memref<!tpu.dma_semaphore, #tpu.memory_space<semaphore_mem>>
        %dma_start3A = arith.constant 0 : i32
        %dma_start3A_37 = arith.constant 0 : i32
        %dma_start3A_38 = tpu.memref_slice %arg4[%run_scoped3A_32, %arg0, %arg1, %add3A_31, %dma_start3A, %dma_start3A_37] : memref<3x2x16x20x1x160xi32, #tpu.memory_space<hbm>> -> memref<1x1x1x1x1x160xi32, #tpu.memory_space<hbm>>
        %dma_start3A_39 = tpu.memref_squeeze %dma_start3A_38 : memref<1x1x1x1x1x160xi32, #tpu.memory_space<hbm>> -> memref<1x160xi32, #tpu.memory_space<hbm>>
        %dma_start3A_40 = arith.constant 0 : i32
        %dma_start3A_41 = arith.constant 0 : i32
        %dma_start3A_42 = tpu.memref_slice %arg4[%run_scoped3A_32, %arg0, %arg1, %add3A_31, %dma_start3A_40, %dma_start3A_41] : memref<3x2x16x20x1x160xi32, #tpu.memory_space<hbm>> -> memref<1x1x1x1x1x160xi32, #tpu.memory_space<hbm>>
        %dma_start3A_43 = tpu.memref_squeeze %dma_start3A_42 : memref<1x1x1x1x1x160xi32, #tpu.memory_space<hbm>> -> memref<1x160xi32, #tpu.memory_space<hbm>>
        tpu.enqueue_dma source(%dma_start3A_43 : memref<1x160xi32, #tpu.memory_space<hbm>>) target(%arg7 : memref<1x160xi32, #tpu.memory_space<vmem>>) target_semaphore(%run_scoped3A_36 : memref<!tpu.dma_semaphore, #tpu.memory_space<semaphore_mem>>)
        %dma_wait3A = arith.constant 0 : i32
        %dma_wait3A_44 = arith.constant 0 : i32
        %dma_wait3A_45 = tpu.memref_slice %arg4[%run_scoped3A_32, %arg0, %arg1, %add3A_31, %dma_wait3A, %dma_wait3A_44] : memref<3x2x16x20x1x160xi32, #tpu.memory_space<hbm>> -> memref<1x1x1x1x1x160xi32, #tpu.memory_space<hbm>>
        %dma_wait3A_46 = tpu.memref_squeeze %dma_wait3A_45 : memref<1x1x1x1x1x160xi32, #tpu.memory_space<hbm>> -> memref<1x160xi32, #tpu.memory_space<hbm>>
        %dma_wait3A_47 = arith.constant 0 : i32
        %dma_wait3A_48 = arith.constant 0 : i32
        %dma_wait3A_49 = tpu.memref_slice %arg4[%run_scoped3A_32, %arg0, %arg1, %add3A_31, %dma_wait3A_47, %dma_wait3A_48] : memref<3x2x16x20x1x160xi32, #tpu.memory_space<hbm>> -> memref<1x1x1x1x1x160xi32, #tpu.memory_space<hbm>>
        %dma_wait3A_50 = tpu.memref_squeeze %dma_wait3A_49 : memref<1x1x1x1x1x160xi32, #tpu.memory_space<hbm>> -> memref<1x160xi32, #tpu.memory_space<hbm>>
        tpu.wait_dma2 semaphore(%run_scoped3A_36 : memref<!tpu.dma_semaphore, #tpu.memory_space<semaphore_mem>>) src(%dma_wait3A_50 : memref<1x160xi32, #tpu.memory_space<hbm>>) dst(%arg7 : memref<1x160xi32, #tpu.memory_space<vmem>>)
        tpu.yield
      }) : () -> ()
      %run_scoped3A_33 = arith.constant 1 : i32
      "tpu.region"() ({
        %run_scoped3A_36 = tpu.sem_alloc : memref<!tpu.dma_semaphore, #tpu.memory_space<semaphore_mem>>
        %dma_start3A = arith.constant 0 : i32
        %dma_start3A_37 = arith.constant 0 : i32
        %dma_start3A_38 = tpu.memref_slice %arg5[%run_scoped3A_33, %arg0, %arg1, %add3A_31, %dma_start3A, %dma_start3A_37] : memref<3x2x16x20x1x160xi32, #tpu.memory_space<hbm>> -> memref<1x1x1x1x1x160xi32, #tpu.memory_space<hbm>>
        %dma_start3A_39 = tpu.memref_squeeze %dma_start3A_38 : memref<1x1x1x1x1x160xi32, #tpu.memory_space<hbm>> -> memref<1x160xi32, #tpu.memory_space<hbm>>
        %dma_start3A_40 = arith.constant 0 : i32
        %dma_start3A_41 = arith.constant 0 : i32
        %dma_start3A_42 = tpu.memref_slice %arg5[%run_scoped3A_33, %arg0, %arg1, %add3A_31, %dma_start3A_40, %dma_start3A_41] : memref<3x2x16x20x1x160xi32, #tpu.memory_space<hbm>> -> memref<1x1x1x1x1x160xi32, #tpu.memory_space<hbm>>
        %dma_start3A_43 = tpu.memref_squeeze %dma_start3A_42 : memref<1x1x1x1x1x160xi32, #tpu.memory_space<hbm>> -> memref<1x160xi32, #tpu.memory_space<hbm>>
        tpu.enqueue_dma source(%dma_start3A_43 : memref<1x160xi32, #tpu.memory_space<hbm>>) target(%arg8 : memref<1x160xi32, #tpu.memory_space<vmem>>) target_semaphore(%run_scoped3A_36 : memref<!tpu.dma_semaphore, #tpu.memory_space<semaphore_mem>>)
        %dma_wait3A = arith.constant 0 : i32
        %dma_wait3A_44 = arith.constant 0 : i32
        %dma_wait3A_45 = tpu.memref_slice %arg5[%run_scoped3A_33, %arg0, %arg1, %add3A_31, %dma_wait3A, %dma_wait3A_44] : memref<3x2x16x20x1x160xi32, #tpu.memory_space<hbm>> -> memref<1x1x1x1x1x160xi32, #tpu.memory_space<hbm>>
        %dma_wait3A_46 = tpu.memref_squeeze %dma_wait3A_45 : memref<1x1x1x1x1x160xi32, #tpu.memory_space<hbm>> -> memref<1x160xi32, #tpu.memory_space<hbm>>
        %dma_wait3A_47 = arith.constant 0 : i32
        %dma_wait3A_48 = arith.constant 0 : i32
        %dma_wait3A_49 = tpu.memref_slice %arg5[%run_scoped3A_33, %arg0, %arg1, %add3A_31, %dma_wait3A_47, %dma_wait3A_48] : memref<3x2x16x20x1x160xi32, #tpu.memory_space<hbm>> -> memref<1x1x1x1x1x160xi32, #tpu.memory_space<hbm>>
        %dma_wait3A_50 = tpu.memref_squeeze %dma_wait3A_49 : memref<1x1x1x1x1x160xi32, #tpu.memory_space<hbm>> -> memref<1x160xi32, #tpu.memory_space<hbm>>
        tpu.wait_dma2 semaphore(%run_scoped3A_36 : memref<!tpu.dma_semaphore, #tpu.memory_space<semaphore_mem>>) src(%dma_wait3A_50 : memref<1x160xi32, #tpu.memory_space<hbm>>) dst(%arg8 : memref<1x160xi32, #tpu.memory_space<vmem>>)
        tpu.yield
      }) : () -> ()
      %run_scoped3A_34 = arith.constant 0 : i32
      "tpu.region"() ({
        %run_scoped3A_36 = tpu.sem_alloc : memref<!tpu.dma_semaphore, #tpu.memory_space<semaphore_mem>>
        %dma_start3A = arith.constant 0 : i32
        %dma_start3A_37 = tpu.memref_slice %arg7[%run_scoped3A_34, %dma_start3A] : memref<1x160xi32, #tpu.memory_space<vmem>> -> memref<1x160xi32, #tpu.memory_space<vmem>>
        %dma_start3A_38 = tpu.memref_squeeze %dma_start3A_37 : memref<1x160xi32, #tpu.memory_space<vmem>> -> memref<160xi32, #tpu.memory_space<vmem>>
        %dma_start3A_39 = arith.constant 0 : i32
        %dma_start3A_40 = arith.constant 0 : i32
        %dma_start3A_41 = tpu.memref_slice %arg2[%dma_start3A_39, %dma_start3A_40] : memref<30000x128xf32, #tpu.memory_space<hbm>> -> memref<30000x128xf32, #tpu.memory_space<hbm>>
        tpu.enqueue_indirect_dma source(%dma_start3A_41 : memref<30000x128xf32, #tpu.memory_space<hbm>>) target(%arg9 : memref<160x128xf32, #tpu.memory_space<vmem>>) offsets(%dma_start3A_38 : memref<160xi32, #tpu.memory_space<vmem>>) semaphore(%run_scoped3A_36 : memref<!tpu.dma_semaphore, #tpu.memory_space<semaphore_mem>>)
        %dma_wait3A = arith.constant 0 : i32
        %dma_wait3A_42 = tpu.memref_slice %arg7[%run_scoped3A_34, %dma_wait3A] : memref<1x160xi32, #tpu.memory_space<vmem>> -> memref<1x160xi32, #tpu.memory_space<vmem>>
        %dma_wait3A_43 = tpu.memref_squeeze %dma_wait3A_42 : memref<1x160xi32, #tpu.memory_space<vmem>> -> memref<160xi32, #tpu.memory_space<vmem>>
        %dma_wait3A_44 = arith.constant 0 : i32
        %dma_wait3A_45 = arith.constant 0 : i32
        %dma_wait3A_46 = tpu.memref_slice %arg2[%dma_wait3A_44, %dma_wait3A_45] : memref<30000x128xf32, #tpu.memory_space<hbm>> -> memref<30000x128xf32, #tpu.memory_space<hbm>>
        tpu.wait_indirect_dma semaphore(%run_scoped3A_36 : memref<!tpu.dma_semaphore, #tpu.memory_space<semaphore_mem>>) src(%dma_wait3A_46 : memref<30000x128xf32, #tpu.memory_space<hbm>>) dst(%arg9 : memref<160x128xf32, #tpu.memory_space<vmem>>)
        tpu.yield
      }) : () -> ()
      %run_scoped3A_35 = arith.constant 0 : i32
      "tpu.region"() ({
        %run_scoped3A_36 = tpu.sem_alloc : memref<!tpu.dma_semaphore, #tpu.memory_space<semaphore_mem>>
        %dma_start3A = arith.constant 0 : i32
        %dma_start3A_37 = tpu.memref_slice %arg8[%run_scoped3A_35, %dma_start3A] : memref<1x160xi32, #tpu.memory_space<vmem>> -> memref<1x160xi32, #tpu.memory_space<vmem>>
        %dma_start3A_38 = tpu.memref_squeeze %dma_start3A_37 : memref<1x160xi32, #tpu.memory_space<vmem>> -> memref<160xi32, #tpu.memory_space<vmem>>
        %dma_start3A_39 = arith.constant 0 : i32
        %dma_start3A_40 = arith.constant 0 : i32
        %dma_start3A_41 = tpu.memref_slice %arg10[%dma_start3A_39, %dma_start3A_40] : memref<10240x128xf32, #tpu.memory_space<vmem_shared>> -> memref<10240x128xf32, #tpu.memory_space<vmem_shared>>
        tpu.enqueue_indirect_dma source(%arg9 : memref<160x128xf32, #tpu.memory_space<vmem>>) target(%dma_start3A_41 : memref<10240x128xf32, #tpu.memory_space<vmem_shared>>) offsets(%dma_start3A_38 : memref<160xi32, #tpu.memory_space<vmem>>) semaphore(%run_scoped3A_36 : memref<!tpu.dma_semaphore, #tpu.memory_space<semaphore_mem>>) {add = true}
        %dma_wait3A = arith.constant 0 : i32
        %dma_wait3A_42 = tpu.memref_slice %arg8[%run_scoped3A_35, %dma_wait3A] : memref<1x160xi32, #tpu.memory_space<vmem>> -> memref<1x160xi32, #tpu.memory_space<vmem>>
        %dma_wait3A_43 = tpu.memref_squeeze %dma_wait3A_42 : memref<1x160xi32, #tpu.memory_space<vmem>> -> memref<160xi32, #tpu.memory_space<vmem>>
        %dma_wait3A_44 = arith.constant 0 : i32
        %dma_wait3A_45 = arith.constant 0 : i32
        %dma_wait3A_46 = tpu.memref_slice %arg10[%dma_wait3A_44, %dma_wait3A_45] : memref<10240x128xf32, #tpu.memory_space<vmem_shared>> -> memref<10240x128xf32, #tpu.memory_space<vmem_shared>>
        tpu.wait_indirect_dma semaphore(%run_scoped3A_36 : memref<!tpu.dma_semaphore, #tpu.memory_space<semaphore_mem>>) src(%arg9 : memref<160x128xf32, #tpu.memory_space<vmem>>) dst(%dma_wait3A_46 : memref<10240x128xf32, #tpu.memory_space<vmem_shared>>)
        tpu.yield
      }) : () -> ()
    }
    %scan3A_13 = arith.constant 20 : i32
    %barrier3A_14 = arith.constant 0 : index
    tpu.barrier barrier_id(%barrier3A_14)
    %run_scoped3A_15 = arith.constant 0 : i32
    %run_scoped3A_16 = arith.constant 1 : i32
    "tpu.region"() ({
      %run_scoped3A_28 = tpu.sem_alloc : memref<!tpu.dma_semaphore, #tpu.memory_space<semaphore_mem>>
      %dma_start3A = arith.constant 0 : i32
      %dma_start3A_29 = tpu.memref_slice %arg6[%run_scoped3A_15, %run_scoped3A_16, %arg0, %mul3A_0, %dma_start3A] : memref<1x3x2x10240x128xf32, #tpu.memory_space<hbm>> -> memref<1x1x1x640x128xf32, #tpu.memory_space<hbm>>
      %dma_start3A_30 = tpu.memref_squeeze %dma_start3A_29 : memref<1x1x1x640x128xf32, #tpu.memory_space<hbm>> -> memref<640x128xf32, #tpu.memory_space<hbm>>
      %dma_start3A_31 = arith.constant 0 : i32
      %dma_start3A_32 = tpu.memref_slice %arg10[%mul3A_0, %dma_start3A_31] : memref<10240x128xf32, #tpu.memory_space<vmem_shared>> -> memref<640x128xf32, #tpu.memory_space<vmem_shared>>
      tpu.enqueue_dma source(%dma_start3A_32 : memref<640x128xf32, #tpu.memory_space<vmem_shared>>) target(%dma_start3A_30 : memref<640x128xf32, #tpu.memory_space<hbm>>) target_semaphore(%run_scoped3A_28 : memref<!tpu.dma_semaphore, #tpu.memory_space<semaphore_mem>>)
      %dma_wait3A = arith.constant 0 : i32
      %dma_wait3A_33 = tpu.memref_slice %arg6[%run_scoped3A_15, %run_scoped3A_16, %arg0, %mul3A_0, %dma_wait3A] : memref<1x3x2x10240x128xf32, #tpu.memory_space<hbm>> -> memref<1x1x1x640x128xf32, #tpu.memory_space<hbm>>
      %dma_wait3A_34 = tpu.memref_squeeze %dma_wait3A_33 : memref<1x1x1x640x128xf32, #tpu.memory_space<hbm>> -> memref<640x128xf32, #tpu.memory_space<hbm>>
      %dma_wait3A_35 = arith.constant 0 : i32
      %dma_wait3A_36 = tpu.memref_slice %arg10[%mul3A_0, %dma_wait3A_35] : memref<10240x128xf32, #tpu.memory_space<vmem_shared>> -> memref<640x128xf32, #tpu.memory_space<vmem_shared>>
      tpu.wait_dma2 semaphore(%run_scoped3A_28 : memref<!tpu.dma_semaphore, #tpu.memory_space<semaphore_mem>>) src(%dma_wait3A_36 : memref<640x128xf32, #tpu.memory_space<vmem_shared>>) dst(%dma_wait3A_34 : memref<640x128xf32, #tpu.memory_space<hbm>>)
      tpu.yield
    }) : () -> ()
    %barrier3A_17 = arith.constant 0 : index
    tpu.barrier barrier_id(%barrier3A_17)
    "tpu.region"() ({
      %run_scoped3A_28 = tpu.sem_alloc : memref<!tpu.dma_semaphore, #tpu.memory_space<semaphore_mem>>
      %dma_start3A = arith.constant 0 : i32
      %dma_start3A_29 = tpu.memref_slice %arg10[%mul3A_0, %dma_start3A] : memref<10240x128xf32, #tpu.memory_space<vmem_shared>> -> memref<640x128xf32, #tpu.memory_space<vmem_shared>>
      %dma_start3A_30 = arith.constant 0 : i32
      %dma_start3A_31 = tpu.memref_slice %arg3[%mul3A_0, %dma_start3A_30] : memref<10240x128xf32, #tpu.memory_space<hbm>> -> memref<640x128xf32, #tpu.memory_space<hbm>>
      tpu.enqueue_dma source(%dma_start3A_31 : memref<640x128xf32, #tpu.memory_space<hbm>>) target(%dma_start3A_29 : memref<640x128xf32, #tpu.memory_space<vmem_shared>>) target_semaphore(%run_scoped3A_28 : memref<!tpu.dma_semaphore, #tpu.memory_space<semaphore_mem>>)
      %dma_wait3A = arith.constant 0 : i32
      %dma_wait3A_32 = tpu.memref_slice %arg10[%mul3A_0, %dma_wait3A] : memref<10240x128xf32, #tpu.memory_space<vmem_shared>> -> memref<640x128xf32, #tpu.memory_space<vmem_shared>>
      %dma_wait3A_33 = arith.constant 0 : i32
      %dma_wait3A_34 = tpu.memref_slice %arg3[%mul3A_0, %dma_wait3A_33] : memref<10240x128xf32, #tpu.memory_space<hbm>> -> memref<640x128xf32, #tpu.memory_space<hbm>>
      tpu.wait_dma2 semaphore(%run_scoped3A_28 : memref<!tpu.dma_semaphore, #tpu.memory_space<semaphore_mem>>) src(%dma_wait3A_34 : memref<640x128xf32, #tpu.memory_space<hbm>>) dst(%dma_wait3A_32 : memref<640x128xf32, #tpu.memory_space<vmem_shared>>)
      tpu.yield
    }) : () -> ()
    %barrier3A_18 = arith.constant 0 : index
    tpu.barrier barrier_id(%barrier3A_18)
    %scan3A_19 = arith.constant 0 : i32
    %scan3A_20 = arith.constant 20 : i32
    %scan3A_21 = arith.addi %scan3A_19, %scan3A_20 : i32
    %scan3A_22 = arith.constant 1 : i32
    scf.for %scan3A_28 = %scan3A_19 to %scan3A_21 step %scan3A_22  : i32 {
      %mul3A_29 = arith.constant 1 : i32
      %mul3A_30 = arith.muli %scan3A_28, %mul3A_29 : i32
      %add3A = arith.constant 0 : i32
      %add3A_31 = arith.addi %add3A, %mul3A_30 : i32
      %run_scoped3A_32 = arith.constant 2 : i32
      "tpu.region"() ({
        %run_scoped3A_36 = tpu.sem_alloc : memref<!tpu.dma_semaphore, #tpu.memory_space<semaphore_mem>>
        %dma_start3A = arith.constant 0 : i32
        %dma_start3A_37 = arith.constant 0 : i32
        %dma_start3A_38 = tpu.memref_slice %arg4[%run_scoped3A_32, %arg0, %arg1, %add3A_31, %dma_start3A, %dma_start3A_37] : memref<3x2x16x20x1x160xi32, #tpu.memory_space<hbm>> -> memref<1x1x1x1x1x160xi32, #tpu.memory_space<hbm>>
        %dma_start3A_39 = tpu.memref_squeeze %dma_start3A_38 : memref<1x1x1x1x1x160xi32, #tpu.memory_space<hbm>> -> memref<1x160xi32, #tpu.memory_space<hbm>>
        %dma_start3A_40 = arith.constant 0 : i32
        %dma_start3A_41 = arith.constant 0 : i32
        %dma_start3A_42 = tpu.memref_slice %arg4[%run_scoped3A_32, %arg0, %arg1, %add3A_31, %dma_start3A_40, %dma_start3A_41] : memref<3x2x16x20x1x160xi32, #tpu.memory_space<hbm>> -> memref<1x1x1x1x1x160xi32, #tpu.memory_space<hbm>>
        %dma_start3A_43 = tpu.memref_squeeze %dma_start3A_42 : memref<1x1x1x1x1x160xi32, #tpu.memory_space<hbm>> -> memref<1x160xi32, #tpu.memory_space<hbm>>
        tpu.enqueue_dma source(%dma_start3A_43 : memref<1x160xi32, #tpu.memory_space<hbm>>) target(%arg7 : memref<1x160xi32, #tpu.memory_space<vmem>>) target_semaphore(%run_scoped3A_36 : memref<!tpu.dma_semaphore, #tpu.memory_space<semaphore_mem>>)
        %dma_wait3A = arith.constant 0 : i32
        %dma_wait3A_44 = arith.constant 0 : i32
        %dma_wait3A_45 = tpu.memref_slice %arg4[%run_scoped3A_32, %arg0, %arg1, %add3A_31, %dma_wait3A, %dma_wait3A_44] : memref<3x2x16x20x1x160xi32, #tpu.memory_space<hbm>> -> memref<1x1x1x1x1x160xi32, #tpu.memory_space<hbm>>
        %dma_wait3A_46 = tpu.memref_squeeze %dma_wait3A_45 : memref<1x1x1x1x1x160xi32, #tpu.memory_space<hbm>> -> memref<1x160xi32, #tpu.memory_space<hbm>>
        %dma_wait3A_47 = arith.constant 0 : i32
        %dma_wait3A_48 = arith.constant 0 : i32
        %dma_wait3A_49 = tpu.memref_slice %arg4[%run_scoped3A_32, %arg0, %arg1, %add3A_31, %dma_wait3A_47, %dma_wait3A_48] : memref<3x2x16x20x1x160xi32, #tpu.memory_space<hbm>> -> memref<1x1x1x1x1x160xi32, #tpu.memory_space<hbm>>
        %dma_wait3A_50 = tpu.memref_squeeze %dma_wait3A_49 : memref<1x1x1x1x1x160xi32, #tpu.memory_space<hbm>> -> memref<1x160xi32, #tpu.memory_space<hbm>>
        tpu.wait_dma2 semaphore(%run_scoped3A_36 : memref<!tpu.dma_semaphore, #tpu.memory_space<semaphore_mem>>) src(%dma_wait3A_50 : memref<1x160xi32, #tpu.memory_space<hbm>>) dst(%arg7 : memref<1x160xi32, #tpu.memory_space<vmem>>)
        tpu.yield
      }) : () -> ()
      %run_scoped3A_33 = arith.constant 2 : i32
      "tpu.region"() ({
        %run_scoped3A_36 = tpu.sem_alloc : memref<!tpu.dma_semaphore, #tpu.memory_space<semaphore_mem>>
        %dma_start3A = arith.constant 0 : i32
        %dma_start3A_37 = arith.constant 0 : i32
        %dma_start3A_38 = tpu.memref_slice %arg5[%run_scoped3A_33, %arg0, %arg1, %add3A_31, %dma_start3A, %dma_start3A_37] : memref<3x2x16x20x1x160xi32, #tpu.memory_space<hbm>> -> memref<1x1x1x1x1x160xi32, #tpu.memory_space<hbm>>
        %dma_start3A_39 = tpu.memref_squeeze %dma_start3A_38 : memref<1x1x1x1x1x160xi32, #tpu.memory_space<hbm>> -> memref<1x160xi32, #tpu.memory_space<hbm>>
        %dma_start3A_40 = arith.constant 0 : i32
        %dma_start3A_41 = arith.constant 0 : i32
        %dma_start3A_42 = tpu.memref_slice %arg5[%run_scoped3A_33, %arg0, %arg1, %add3A_31, %dma_start3A_40, %dma_start3A_41] : memref<3x2x16x20x1x160xi32, #tpu.memory_space<hbm>> -> memref<1x1x1x1x1x160xi32, #tpu.memory_space<hbm>>
        %dma_start3A_43 = tpu.memref_squeeze %dma_start3A_42 : memref<1x1x1x1x1x160xi32, #tpu.memory_space<hbm>> -> memref<1x160xi32, #tpu.memory_space<hbm>>
        tpu.enqueue_dma source(%dma_start3A_43 : memref<1x160xi32, #tpu.memory_space<hbm>>) target(%arg8 : memref<1x160xi32, #tpu.memory_space<vmem>>) target_semaphore(%run_scoped3A_36 : memref<!tpu.dma_semaphore, #tpu.memory_space<semaphore_mem>>)
        %dma_wait3A = arith.constant 0 : i32
        %dma_wait3A_44 = arith.constant 0 : i32
        %dma_wait3A_45 = tpu.memref_slice %arg5[%run_scoped3A_33, %arg0, %arg1, %add3A_31, %dma_wait3A, %dma_wait3A_44] : memref<3x2x16x20x1x160xi32, #tpu.memory_space<hbm>> -> memref<1x1x1x1x1x160xi32, #tpu.memory_space<hbm>>
        %dma_wait3A_46 = tpu.memref_squeeze %dma_wait3A_45 : memref<1x1x1x1x1x160xi32, #tpu.memory_space<hbm>> -> memref<1x160xi32, #tpu.memory_space<hbm>>
        %dma_wait3A_47 = arith.constant 0 : i32
        %dma_wait3A_48 = arith.constant 0 : i32
        %dma_wait3A_49 = tpu.memref_slice %arg5[%run_scoped3A_33, %arg0, %arg1, %add3A_31, %dma_wait3A_47, %dma_wait3A_48] : memref<3x2x16x20x1x160xi32, #tpu.memory_space<hbm>> -> memref<1x1x1x1x1x160xi32, #tpu.memory_space<hbm>>
        %dma_wait3A_50 = tpu.memref_squeeze %dma_wait3A_49 : memref<1x1x1x1x1x160xi32, #tpu.memory_space<hbm>> -> memref<1x160xi32, #tpu.memory_space<hbm>>
        tpu.wait_dma2 semaphore(%run_scoped3A_36 : memref<!tpu.dma_semaphore, #tpu.memory_space<semaphore_mem>>) src(%dma_wait3A_50 : memref<1x160xi32, #tpu.memory_space<hbm>>) dst(%arg8 : memref<1x160xi32, #tpu.memory_space<vmem>>)
        tpu.yield
      }) : () -> ()
      %run_scoped3A_34 = arith.constant 0 : i32
      "tpu.region"() ({
        %run_scoped3A_36 = tpu.sem_alloc : memref<!tpu.dma_semaphore, #tpu.memory_space<semaphore_mem>>
        %dma_start3A = arith.constant 0 : i32
        %dma_start3A_37 = tpu.memref_slice %arg7[%run_scoped3A_34, %dma_start3A] : memref<1x160xi32, #tpu.memory_space<vmem>> -> memref<1x160xi32, #tpu.memory_space<vmem>>
        %dma_start3A_38 = tpu.memref_squeeze %dma_start3A_37 : memref<1x160xi32, #tpu.memory_space<vmem>> -> memref<160xi32, #tpu.memory_space<vmem>>
        %dma_start3A_39 = arith.constant 0 : i32
        %dma_start3A_40 = arith.constant 0 : i32
        %dma_start3A_41 = tpu.memref_slice %arg2[%dma_start3A_39, %dma_start3A_40] : memref<30000x128xf32, #tpu.memory_space<hbm>> -> memref<30000x128xf32, #tpu.memory_space<hbm>>
        tpu.enqueue_indirect_dma source(%dma_start3A_41 : memref<30000x128xf32, #tpu.memory_space<hbm>>) target(%arg9 : memref<160x128xf32, #tpu.memory_space<vmem>>) offsets(%dma_start3A_38 : memref<160xi32, #tpu.memory_space<vmem>>) semaphore(%run_scoped3A_36 : memref<!tpu.dma_semaphore, #tpu.memory_space<semaphore_mem>>)
        %dma_wait3A = arith.constant 0 : i32
        %dma_wait3A_42 = tpu.memref_slice %arg7[%run_scoped3A_34, %dma_wait3A] : memref<1x160xi32, #tpu.memory_space<vmem>> -> memref<1x160xi32, #tpu.memory_space<vmem>>
        %dma_wait3A_43 = tpu.memref_squeeze %dma_wait3A_42 : memref<1x160xi32, #tpu.memory_space<vmem>> -> memref<160xi32, #tpu.memory_space<vmem>>
        %dma_wait3A_44 = arith.constant 0 : i32
        %dma_wait3A_45 = arith.constant 0 : i32
        %dma_wait3A_46 = tpu.memref_slice %arg2[%dma_wait3A_44, %dma_wait3A_45] : memref<30000x128xf32, #tpu.memory_space<hbm>> -> memref<30000x128xf32, #tpu.memory_space<hbm>>
        tpu.wait_indirect_dma semaphore(%run_scoped3A_36 : memref<!tpu.dma_semaphore, #tpu.memory_space<semaphore_mem>>) src(%dma_wait3A_46 : memref<30000x128xf32, #tpu.memory_space<hbm>>) dst(%arg9 : memref<160x128xf32, #tpu.memory_space<vmem>>)
        tpu.yield
      }) : () -> ()
      %run_scoped3A_35 = arith.constant 0 : i32
      "tpu.region"() ({
        %run_scoped3A_36 = tpu.sem_alloc : memref<!tpu.dma_semaphore, #tpu.memory_space<semaphore_mem>>
        %dma_start3A = arith.constant 0 : i32
        %dma_start3A_37 = tpu.memref_slice %arg8[%run_scoped3A_35, %dma_start3A] : memref<1x160xi32, #tpu.memory_space<vmem>> -> memref<1x160xi32, #tpu.memory_space<vmem>>
        %dma_start3A_38 = tpu.memref_squeeze %dma_start3A_37 : memref<1x160xi32, #tpu.memory_space<vmem>> -> memref<160xi32, #tpu.memory_space<vmem>>
        %dma_start3A_39 = arith.constant 0 : i32
        %dma_start3A_40 = arith.constant 0 : i32
        %dma_start3A_41 = tpu.memref_slice %arg10[%dma_start3A_39, %dma_start3A_40] : memref<10240x128xf32, #tpu.memory_space<vmem_shared>> -> memref<10240x128xf32, #tpu.memory_space<vmem_shared>>
        tpu.enqueue_indirect_dma source(%arg9 : memref<160x128xf32, #tpu.memory_space<vmem>>) target(%dma_start3A_41 : memref<10240x128xf32, #tpu.memory_space<vmem_shared>>) offsets(%dma_start3A_38 : memref<160xi32, #tpu.memory_space<vmem>>) semaphore(%run_scoped3A_36 : memref<!tpu.dma_semaphore, #tpu.memory_space<semaphore_mem>>) {add = true}
        %dma_wait3A = arith.constant 0 : i32
        %dma_wait3A_42 = tpu.memref_slice %arg8[%run_scoped3A_35, %dma_wait3A] : memref<1x160xi32, #tpu.memory_space<vmem>> -> memref<1x160xi32, #tpu.memory_space<vmem>>
        %dma_wait3A_43 = tpu.memref_squeeze %dma_wait3A_42 : memref<1x160xi32, #tpu.memory_space<vmem>> -> memref<160xi32, #tpu.memory_space<vmem>>
        %dma_wait3A_44 = arith.constant 0 : i32
        %dma_wait3A_45 = arith.constant 0 : i32
        %dma_wait3A_46 = tpu.memref_slice %arg10[%dma_wait3A_44, %dma_wait3A_45] : memref<10240x128xf32, #tpu.memory_space<vmem_shared>> -> memref<10240x128xf32, #tpu.memory_space<vmem_shared>>
        tpu.wait_indirect_dma semaphore(%run_scoped3A_36 : memref<!tpu.dma_semaphore, #tpu.memory_space<semaphore_mem>>) src(%arg9 : memref<160x128xf32, #tpu.memory_space<vmem>>) dst(%dma_wait3A_46 : memref<10240x128xf32, #tpu.memory_space<vmem_shared>>)
        tpu.yield
      }) : () -> ()
    }
    %scan3A_23 = arith.constant 20 : i32
    %barrier3A_24 = arith.constant 0 : index
    tpu.barrier barrier_id(%barrier3A_24)
    %run_scoped3A_25 = arith.constant 0 : i32
    %run_scoped3A_26 = arith.constant 2 : i32
    "tpu.region"() ({
      %run_scoped3A_28 = tpu.sem_alloc : memref<!tpu.dma_semaphore, #tpu.memory_space<semaphore_mem>>
      %dma_start3A = arith.constant 0 : i32
      %dma_start3A_29 = tpu.memref_slice %arg6[%run_scoped3A_25, %run_scoped3A_26, %arg0, %mul3A_0, %dma_start3A] : memref<1x3x2x10240x128xf32, #tpu.memory_space<hbm>> -> memref<1x1x1x640x128xf32, #tpu.memory_space<hbm>>
      %dma_start3A_30 = tpu.memref_squeeze %dma_start3A_29 : memref<1x1x1x640x128xf32, #tpu.memory_space<hbm>> -> memref<640x128xf32, #tpu.memory_space<hbm>>
      %dma_start3A_31 = arith.constant 0 : i32
      %dma_start3A_32 = tpu.memref_slice %arg10[%mul3A_0, %dma_start3A_31] : memref<10240x128xf32, #tpu.memory_space<vmem_shared>> -> memref<640x128xf32, #tpu.memory_space<vmem_shared>>
      tpu.enqueue_dma source(%dma_start3A_32 : memref<640x128xf32, #tpu.memory_space<vmem_shared>>) target(%dma_start3A_30 : memref<640x128xf32, #tpu.memory_space<hbm>>) target_semaphore(%run_scoped3A_28 : memref<!tpu.dma_semaphore, #tpu.memory_space<semaphore_mem>>)
      %dma_wait3A = arith.constant 0 : i32
      %dma_wait3A_33 = tpu.memref_slice %arg6[%run_scoped3A_25, %run_scoped3A_26, %arg0, %mul3A_0, %dma_wait3A] : memref<1x3x2x10240x128xf32, #tpu.memory_space<hbm>> -> memref<1x1x1x640x128xf32, #tpu.memory_space<hbm>>
      %dma_wait3A_34 = tpu.memref_squeeze %dma_wait3A_33 : memref<1x1x1x640x128xf32, #tpu.memory_space<hbm>> -> memref<640x128xf32, #tpu.memory_space<hbm>>
      %dma_wait3A_35 = arith.constant 0 : i32
      %dma_wait3A_36 = tpu.memref_slice %arg10[%mul3A_0, %dma_wait3A_35] : memref<10240x128xf32, #tpu.memory_space<vmem_shared>> -> memref<640x128xf32, #tpu.memory_space<vmem_shared>>
      tpu.wait_dma2 semaphore(%run_scoped3A_28 : memref<!tpu.dma_semaphore, #tpu.memory_space<semaphore_mem>>) src(%dma_wait3A_36 : memref<640x128xf32, #tpu.memory_space<vmem_shared>>) dst(%dma_wait3A_34 : memref<640x128xf32, #tpu.memory_space<hbm>>)
      tpu.yield
    }) : () -> ()
    %barrier3A_27 = arith.constant 0 : index
    tpu.barrier barrier_id(%barrier3A_27)
    return
  }
}

#map = affine_map<(d0, d1) -> (0, 0)>
#map1 = affine_map<(d0, d1) -> (0, 0, 0, 0, 0, 0)>
#map2 = affine_map<(d0, d1) -> (0, 0, 0, 0)>
module attributes {stable_mosaic.version = 14 : i64} {
  func.func @k(%arg0: i32, %arg1: i32, %arg2: memref<10240x128xf32, #tpu.memory_space<hbm>>, %arg3: memref<160x128xf32, #tpu.memory_space<hbm>>, %arg4: memref<3x2x16x20x1x160xi32, #tpu.memory_space<hbm>>, %arg5: memref<3x2x10240x128xf32, #tpu.memory_space<hbm>>, %arg6: memref<160x128xf32, #tpu.memory_space<vmem>>, %arg7: memref<1x160xi32, #tpu.memory_space<vmem>>, %arg8: memref<10240x128xf32, #tpu.memory_space<vmem_shared>>) attributes {dimension_semantics = [#tpu.dimension_semantics<core_parallel>, #tpu.dimension_semantics<subcore_parallel>], iteration_bounds = array<i64: 2, 16>, scalar_prefetch = 0 : i64, scratch_operands = 3 : i64, tpu.core_type = #tpu.core_type<sc_vector_subcore>, window_params = [{transform_indices = #map}, {transform_indices = #map}, {transform_indices = #map1}, {transform_indices = #map2}]} {
    %mul3A = arith.constant 640 : i32
    %mul3A_0 = arith.muli %arg1, %mul3A : i32
    "tpu.region"() ({
      %run_scoped3A_25 = tpu.sem_alloc : memref<!tpu.dma_semaphore, #tpu.memory_space<semaphore_mem>>
      tpu.enqueue_dma source(%arg3 : memref<160x128xf32, #tpu.memory_space<hbm>>) target(%arg6 : memref<160x128xf32, #tpu.memory_space<vmem>>) target_semaphore(%run_scoped3A_25 : memref<!tpu.dma_semaphore, #tpu.memory_space<semaphore_mem>>)
      tpu.wait_dma2 semaphore(%run_scoped3A_25 : memref<!tpu.dma_semaphore, #tpu.memory_space<semaphore_mem>>) src(%arg3 : memref<160x128xf32, #tpu.memory_space<hbm>>) dst(%arg6 : memref<160x128xf32, #tpu.memory_space<vmem>>)
      tpu.yield
    }) : () -> ()
    "tpu.region"() ({
      %run_scoped3A_25 = tpu.sem_alloc : memref<!tpu.dma_semaphore, #tpu.memory_space<semaphore_mem>>
      %dma_start3A = arith.constant 0 : i32
      %dma_start3A_26 = tpu.memref_slice %arg8[%mul3A_0, %dma_start3A] : memref<10240x128xf32, #tpu.memory_space<vmem_shared>> -> memref<640x128xf32, #tpu.memory_space<vmem_shared>>
      %dma_start3A_27 = arith.constant 0 : i32
      %dma_start3A_28 = tpu.memref_slice %arg2[%mul3A_0, %dma_start3A_27] : memref<10240x128xf32, #tpu.memory_space<hbm>> -> memref<640x128xf32, #tpu.memory_space<hbm>>
      tpu.enqueue_dma source(%dma_start3A_28 : memref<640x128xf32, #tpu.memory_space<hbm>>) target(%dma_start3A_26 : memref<640x128xf32, #tpu.memory_space<vmem_shared>>) target_semaphore(%run_scoped3A_25 : memref<!tpu.dma_semaphore, #tpu.memory_space<semaphore_mem>>)
      %dma_wait3A = arith.constant 0 : i32
      %dma_wait3A_29 = tpu.memref_slice %arg8[%mul3A_0, %dma_wait3A] : memref<10240x128xf32, #tpu.memory_space<vmem_shared>> -> memref<640x128xf32, #tpu.memory_space<vmem_shared>>
      %dma_wait3A_30 = arith.constant 0 : i32
      %dma_wait3A_31 = tpu.memref_slice %arg2[%mul3A_0, %dma_wait3A_30] : memref<10240x128xf32, #tpu.memory_space<hbm>> -> memref<640x128xf32, #tpu.memory_space<hbm>>
      tpu.wait_dma2 semaphore(%run_scoped3A_25 : memref<!tpu.dma_semaphore, #tpu.memory_space<semaphore_mem>>) src(%dma_wait3A_31 : memref<640x128xf32, #tpu.memory_space<hbm>>) dst(%dma_wait3A_29 : memref<640x128xf32, #tpu.memory_space<vmem_shared>>)
      tpu.yield
    }) : () -> ()
    %barrier3A = arith.constant 0 : index
    tpu.barrier barrier_id(%barrier3A)
    %scan3A = arith.constant 0 : i32
    %scan3A_1 = arith.constant 20 : i32
    %scan3A_2 = arith.addi %scan3A, %scan3A_1 : i32
    %scan3A_3 = arith.constant 1 : i32
    scf.for %scan3A_25 = %scan3A to %scan3A_2 step %scan3A_3  : i32 {
      %mul3A_26 = arith.constant 1 : i32
      %mul3A_27 = arith.muli %scan3A_25, %mul3A_26 : i32
      %add3A = arith.constant 0 : i32
      %add3A_28 = arith.addi %add3A, %mul3A_27 : i32
      %run_scoped3A_29 = arith.constant 0 : i32
      "tpu.region"() ({
        %run_scoped3A_31 = tpu.sem_alloc : memref<!tpu.dma_semaphore, #tpu.memory_space<semaphore_mem>>
        %dma_start3A = arith.constant 0 : i32
        %dma_start3A_32 = arith.constant 0 : i32
        %dma_start3A_33 = tpu.memref_slice %arg4[%run_scoped3A_29, %arg0, %arg1, %add3A_28, %dma_start3A, %dma_start3A_32] : memref<3x2x16x20x1x160xi32, #tpu.memory_space<hbm>> -> memref<1x1x1x1x1x160xi32, #tpu.memory_space<hbm>>
        %dma_start3A_34 = tpu.memref_squeeze %dma_start3A_33 : memref<1x1x1x1x1x160xi32, #tpu.memory_space<hbm>> -> memref<1x160xi32, #tpu.memory_space<hbm>>
        %dma_start3A_35 = arith.constant 0 : i32
        %dma_start3A_36 = arith.constant 0 : i32
        %dma_start3A_37 = tpu.memref_slice %arg4[%run_scoped3A_29, %arg0, %arg1, %add3A_28, %dma_start3A_35, %dma_start3A_36] : memref<3x2x16x20x1x160xi32, #tpu.memory_space<hbm>> -> memref<1x1x1x1x1x160xi32, #tpu.memory_space<hbm>>
        %dma_start3A_38 = tpu.memref_squeeze %dma_start3A_37 : memref<1x1x1x1x1x160xi32, #tpu.memory_space<hbm>> -> memref<1x160xi32, #tpu.memory_space<hbm>>
        tpu.enqueue_dma source(%dma_start3A_38 : memref<1x160xi32, #tpu.memory_space<hbm>>) target(%arg7 : memref<1x160xi32, #tpu.memory_space<vmem>>) target_semaphore(%run_scoped3A_31 : memref<!tpu.dma_semaphore, #tpu.memory_space<semaphore_mem>>)
        %dma_wait3A = arith.constant 0 : i32
        %dma_wait3A_39 = arith.constant 0 : i32
        %dma_wait3A_40 = tpu.memref_slice %arg4[%run_scoped3A_29, %arg0, %arg1, %add3A_28, %dma_wait3A, %dma_wait3A_39] : memref<3x2x16x20x1x160xi32, #tpu.memory_space<hbm>> -> memref<1x1x1x1x1x160xi32, #tpu.memory_space<hbm>>
        %dma_wait3A_41 = tpu.memref_squeeze %dma_wait3A_40 : memref<1x1x1x1x1x160xi32, #tpu.memory_space<hbm>> -> memref<1x160xi32, #tpu.memory_space<hbm>>
        %dma_wait3A_42 = arith.constant 0 : i32
        %dma_wait3A_43 = arith.constant 0 : i32
        %dma_wait3A_44 = tpu.memref_slice %arg4[%run_scoped3A_29, %arg0, %arg1, %add3A_28, %dma_wait3A_42, %dma_wait3A_43] : memref<3x2x16x20x1x160xi32, #tpu.memory_space<hbm>> -> memref<1x1x1x1x1x160xi32, #tpu.memory_space<hbm>>
        %dma_wait3A_45 = tpu.memref_squeeze %dma_wait3A_44 : memref<1x1x1x1x1x160xi32, #tpu.memory_space<hbm>> -> memref<1x160xi32, #tpu.memory_space<hbm>>
        tpu.wait_dma2 semaphore(%run_scoped3A_31 : memref<!tpu.dma_semaphore, #tpu.memory_space<semaphore_mem>>) src(%dma_wait3A_45 : memref<1x160xi32, #tpu.memory_space<hbm>>) dst(%arg7 : memref<1x160xi32, #tpu.memory_space<vmem>>)
        tpu.yield
      }) : () -> ()
      %run_scoped3A_30 = arith.constant 0 : i32
      "tpu.region"() ({
        %run_scoped3A_31 = tpu.sem_alloc : memref<!tpu.dma_semaphore, #tpu.memory_space<semaphore_mem>>
        %dma_start3A = arith.constant 0 : i32
        %dma_start3A_32 = tpu.memref_slice %arg7[%run_scoped3A_30, %dma_start3A] : memref<1x160xi32, #tpu.memory_space<vmem>> -> memref<1x160xi32, #tpu.memory_space<vmem>>
        %dma_start3A_33 = tpu.memref_squeeze %dma_start3A_32 : memref<1x160xi32, #tpu.memory_space<vmem>> -> memref<160xi32, #tpu.memory_space<vmem>>
        %dma_start3A_34 = arith.constant 0 : i32
        %dma_start3A_35 = arith.constant 0 : i32
        %dma_start3A_36 = tpu.memref_slice %arg8[%dma_start3A_34, %dma_start3A_35] : memref<10240x128xf32, #tpu.memory_space<vmem_shared>> -> memref<10240x128xf32, #tpu.memory_space<vmem_shared>>
        tpu.enqueue_indirect_dma source(%arg6 : memref<160x128xf32, #tpu.memory_space<vmem>>) target(%dma_start3A_36 : memref<10240x128xf32, #tpu.memory_space<vmem_shared>>) offsets(%dma_start3A_33 : memref<160xi32, #tpu.memory_space<vmem>>) semaphore(%run_scoped3A_31 : memref<!tpu.dma_semaphore, #tpu.memory_space<semaphore_mem>>) {add = true}
        %dma_wait3A = arith.constant 0 : i32
        %dma_wait3A_37 = tpu.memref_slice %arg7[%run_scoped3A_30, %dma_wait3A] : memref<1x160xi32, #tpu.memory_space<vmem>> -> memref<1x160xi32, #tpu.memory_space<vmem>>
        %dma_wait3A_38 = tpu.memref_squeeze %dma_wait3A_37 : memref<1x160xi32, #tpu.memory_space<vmem>> -> memref<160xi32, #tpu.memory_space<vmem>>
        %dma_wait3A_39 = arith.constant 0 : i32
        %dma_wait3A_40 = arith.constant 0 : i32
        %dma_wait3A_41 = tpu.memref_slice %arg8[%dma_wait3A_39, %dma_wait3A_40] : memref<10240x128xf32, #tpu.memory_space<vmem_shared>> -> memref<10240x128xf32, #tpu.memory_space<vmem_shared>>
        tpu.wait_indirect_dma semaphore(%run_scoped3A_31 : memref<!tpu.dma_semaphore, #tpu.memory_space<semaphore_mem>>) src(%arg6 : memref<160x128xf32, #tpu.memory_space<vmem>>) dst(%dma_wait3A_41 : memref<10240x128xf32, #tpu.memory_space<vmem_shared>>)
        tpu.yield
      }) : () -> ()
    }
    %scan3A_4 = arith.constant 20 : i32
    %barrier3A_5 = arith.constant 0 : index
    tpu.barrier barrier_id(%barrier3A_5)
    %run_scoped3A = arith.constant 0 : i32
    "tpu.region"() ({
      %run_scoped3A_25 = tpu.sem_alloc : memref<!tpu.dma_semaphore, #tpu.memory_space<semaphore_mem>>
      %dma_start3A = arith.constant 0 : i32
      %dma_start3A_26 = tpu.memref_slice %arg5[%run_scoped3A, %arg0, %mul3A_0, %dma_start3A] : memref<3x2x10240x128xf32, #tpu.memory_space<hbm>> -> memref<1x1x640x128xf32, #tpu.memory_space<hbm>>
      %dma_start3A_27 = tpu.memref_squeeze %dma_start3A_26 : memref<1x1x640x128xf32, #tpu.memory_space<hbm>> -> memref<640x128xf32, #tpu.memory_space<hbm>>
      %dma_start3A_28 = arith.constant 0 : i32
      %dma_start3A_29 = tpu.memref_slice %arg8[%mul3A_0, %dma_start3A_28] : memref<10240x128xf32, #tpu.memory_space<vmem_shared>> -> memref<640x128xf32, #tpu.memory_space<vmem_shared>>
      tpu.enqueue_dma source(%dma_start3A_29 : memref<640x128xf32, #tpu.memory_space<vmem_shared>>) target(%dma_start3A_27 : memref<640x128xf32, #tpu.memory_space<hbm>>) target_semaphore(%run_scoped3A_25 : memref<!tpu.dma_semaphore, #tpu.memory_space<semaphore_mem>>)
      %dma_wait3A = arith.constant 0 : i32
      %dma_wait3A_30 = tpu.memref_slice %arg5[%run_scoped3A, %arg0, %mul3A_0, %dma_wait3A] : memref<3x2x10240x128xf32, #tpu.memory_space<hbm>> -> memref<1x1x640x128xf32, #tpu.memory_space<hbm>>
      %dma_wait3A_31 = tpu.memref_squeeze %dma_wait3A_30 : memref<1x1x640x128xf32, #tpu.memory_space<hbm>> -> memref<640x128xf32, #tpu.memory_space<hbm>>
      %dma_wait3A_32 = arith.constant 0 : i32
      %dma_wait3A_33 = tpu.memref_slice %arg8[%mul3A_0, %dma_wait3A_32] : memref<10240x128xf32, #tpu.memory_space<vmem_shared>> -> memref<640x128xf32, #tpu.memory_space<vmem_shared>>
      tpu.wait_dma2 semaphore(%run_scoped3A_25 : memref<!tpu.dma_semaphore, #tpu.memory_space<semaphore_mem>>) src(%dma_wait3A_33 : memref<640x128xf32, #tpu.memory_space<vmem_shared>>) dst(%dma_wait3A_31 : memref<640x128xf32, #tpu.memory_space<hbm>>)
      tpu.yield
    }) : () -> ()
    %barrier3A_6 = arith.constant 0 : index
    tpu.barrier barrier_id(%barrier3A_6)
    "tpu.region"() ({
      %run_scoped3A_25 = tpu.sem_alloc : memref<!tpu.dma_semaphore, #tpu.memory_space<semaphore_mem>>
      %dma_start3A = arith.constant 0 : i32
      %dma_start3A_26 = tpu.memref_slice %arg8[%mul3A_0, %dma_start3A] : memref<10240x128xf32, #tpu.memory_space<vmem_shared>> -> memref<640x128xf32, #tpu.memory_space<vmem_shared>>
      %dma_start3A_27 = arith.constant 0 : i32
      %dma_start3A_28 = tpu.memref_slice %arg2[%mul3A_0, %dma_start3A_27] : memref<10240x128xf32, #tpu.memory_space<hbm>> -> memref<640x128xf32, #tpu.memory_space<hbm>>
      tpu.enqueue_dma source(%dma_start3A_28 : memref<640x128xf32, #tpu.memory_space<hbm>>) target(%dma_start3A_26 : memref<640x128xf32, #tpu.memory_space<vmem_shared>>) target_semaphore(%run_scoped3A_25 : memref<!tpu.dma_semaphore, #tpu.memory_space<semaphore_mem>>)
      %dma_wait3A = arith.constant 0 : i32
      %dma_wait3A_29 = tpu.memref_slice %arg8[%mul3A_0, %dma_wait3A] : memref<10240x128xf32, #tpu.memory_space<vmem_shared>> -> memref<640x128xf32, #tpu.memory_space<vmem_shared>>
      %dma_wait3A_30 = arith.constant 0 : i32
      %dma_wait3A_31 = tpu.memref_slice %arg2[%mul3A_0, %dma_wait3A_30] : memref<10240x128xf32, #tpu.memory_space<hbm>> -> memref<640x128xf32, #tpu.memory_space<hbm>>
      tpu.wait_dma2 semaphore(%run_scoped3A_25 : memref<!tpu.dma_semaphore, #tpu.memory_space<semaphore_mem>>) src(%dma_wait3A_31 : memref<640x128xf32, #tpu.memory_space<hbm>>) dst(%dma_wait3A_29 : memref<640x128xf32, #tpu.memory_space<vmem_shared>>)
      tpu.yield
    }) : () -> ()
    %barrier3A_7 = arith.constant 0 : index
    tpu.barrier barrier_id(%barrier3A_7)
    %scan3A_8 = arith.constant 0 : i32
    %scan3A_9 = arith.constant 20 : i32
    %scan3A_10 = arith.addi %scan3A_8, %scan3A_9 : i32
    %scan3A_11 = arith.constant 1 : i32
    scf.for %scan3A_25 = %scan3A_8 to %scan3A_10 step %scan3A_11  : i32 {
      %mul3A_26 = arith.constant 1 : i32
      %mul3A_27 = arith.muli %scan3A_25, %mul3A_26 : i32
      %add3A = arith.constant 0 : i32
      %add3A_28 = arith.addi %add3A, %mul3A_27 : i32
      %run_scoped3A_29 = arith.constant 1 : i32
      "tpu.region"() ({
        %run_scoped3A_31 = tpu.sem_alloc : memref<!tpu.dma_semaphore, #tpu.memory_space<semaphore_mem>>
        %dma_start3A = arith.constant 0 : i32
        %dma_start3A_32 = arith.constant 0 : i32
        %dma_start3A_33 = tpu.memref_slice %arg4[%run_scoped3A_29, %arg0, %arg1, %add3A_28, %dma_start3A, %dma_start3A_32] : memref<3x2x16x20x1x160xi32, #tpu.memory_space<hbm>> -> memref<1x1x1x1x1x160xi32, #tpu.memory_space<hbm>>
        %dma_start3A_34 = tpu.memref_squeeze %dma_start3A_33 : memref<1x1x1x1x1x160xi32, #tpu.memory_space<hbm>> -> memref<1x160xi32, #tpu.memory_space<hbm>>
        %dma_start3A_35 = arith.constant 0 : i32
        %dma_start3A_36 = arith.constant 0 : i32
        %dma_start3A_37 = tpu.memref_slice %arg4[%run_scoped3A_29, %arg0, %arg1, %add3A_28, %dma_start3A_35, %dma_start3A_36] : memref<3x2x16x20x1x160xi32, #tpu.memory_space<hbm>> -> memref<1x1x1x1x1x160xi32, #tpu.memory_space<hbm>>
        %dma_start3A_38 = tpu.memref_squeeze %dma_start3A_37 : memref<1x1x1x1x1x160xi32, #tpu.memory_space<hbm>> -> memref<1x160xi32, #tpu.memory_space<hbm>>
        tpu.enqueue_dma source(%dma_start3A_38 : memref<1x160xi32, #tpu.memory_space<hbm>>) target(%arg7 : memref<1x160xi32, #tpu.memory_space<vmem>>) target_semaphore(%run_scoped3A_31 : memref<!tpu.dma_semaphore, #tpu.memory_space<semaphore_mem>>)
        %dma_wait3A = arith.constant 0 : i32
        %dma_wait3A_39 = arith.constant 0 : i32
        %dma_wait3A_40 = tpu.memref_slice %arg4[%run_scoped3A_29, %arg0, %arg1, %add3A_28, %dma_wait3A, %dma_wait3A_39] : memref<3x2x16x20x1x160xi32, #tpu.memory_space<hbm>> -> memref<1x1x1x1x1x160xi32, #tpu.memory_space<hbm>>
        %dma_wait3A_41 = tpu.memref_squeeze %dma_wait3A_40 : memref<1x1x1x1x1x160xi32, #tpu.memory_space<hbm>> -> memref<1x160xi32, #tpu.memory_space<hbm>>
        %dma_wait3A_42 = arith.constant 0 : i32
        %dma_wait3A_43 = arith.constant 0 : i32
        %dma_wait3A_44 = tpu.memref_slice %arg4[%run_scoped3A_29, %arg0, %arg1, %add3A_28, %dma_wait3A_42, %dma_wait3A_43] : memref<3x2x16x20x1x160xi32, #tpu.memory_space<hbm>> -> memref<1x1x1x1x1x160xi32, #tpu.memory_space<hbm>>
        %dma_wait3A_45 = tpu.memref_squeeze %dma_wait3A_44 : memref<1x1x1x1x1x160xi32, #tpu.memory_space<hbm>> -> memref<1x160xi32, #tpu.memory_space<hbm>>
        tpu.wait_dma2 semaphore(%run_scoped3A_31 : memref<!tpu.dma_semaphore, #tpu.memory_space<semaphore_mem>>) src(%dma_wait3A_45 : memref<1x160xi32, #tpu.memory_space<hbm>>) dst(%arg7 : memref<1x160xi32, #tpu.memory_space<vmem>>)
        tpu.yield
      }) : () -> ()
      %run_scoped3A_30 = arith.constant 0 : i32
      "tpu.region"() ({
        %run_scoped3A_31 = tpu.sem_alloc : memref<!tpu.dma_semaphore, #tpu.memory_space<semaphore_mem>>
        %dma_start3A = arith.constant 0 : i32
        %dma_start3A_32 = tpu.memref_slice %arg7[%run_scoped3A_30, %dma_start3A] : memref<1x160xi32, #tpu.memory_space<vmem>> -> memref<1x160xi32, #tpu.memory_space<vmem>>
        %dma_start3A_33 = tpu.memref_squeeze %dma_start3A_32 : memref<1x160xi32, #tpu.memory_space<vmem>> -> memref<160xi32, #tpu.memory_space<vmem>>
        %dma_start3A_34 = arith.constant 0 : i32
        %dma_start3A_35 = arith.constant 0 : i32
        %dma_start3A_36 = tpu.memref_slice %arg8[%dma_start3A_34, %dma_start3A_35] : memref<10240x128xf32, #tpu.memory_space<vmem_shared>> -> memref<10240x128xf32, #tpu.memory_space<vmem_shared>>
        tpu.enqueue_indirect_dma source(%arg6 : memref<160x128xf32, #tpu.memory_space<vmem>>) target(%dma_start3A_36 : memref<10240x128xf32, #tpu.memory_space<vmem_shared>>) offsets(%dma_start3A_33 : memref<160xi32, #tpu.memory_space<vmem>>) semaphore(%run_scoped3A_31 : memref<!tpu.dma_semaphore, #tpu.memory_space<semaphore_mem>>) {add = true}
        %dma_wait3A = arith.constant 0 : i32
        %dma_wait3A_37 = tpu.memref_slice %arg7[%run_scoped3A_30, %dma_wait3A] : memref<1x160xi32, #tpu.memory_space<vmem>> -> memref<1x160xi32, #tpu.memory_space<vmem>>
        %dma_wait3A_38 = tpu.memref_squeeze %dma_wait3A_37 : memref<1x160xi32, #tpu.memory_space<vmem>> -> memref<160xi32, #tpu.memory_space<vmem>>
        %dma_wait3A_39 = arith.constant 0 : i32
        %dma_wait3A_40 = arith.constant 0 : i32
        %dma_wait3A_41 = tpu.memref_slice %arg8[%dma_wait3A_39, %dma_wait3A_40] : memref<10240x128xf32, #tpu.memory_space<vmem_shared>> -> memref<10240x128xf32, #tpu.memory_space<vmem_shared>>
        tpu.wait_indirect_dma semaphore(%run_scoped3A_31 : memref<!tpu.dma_semaphore, #tpu.memory_space<semaphore_mem>>) src(%arg6 : memref<160x128xf32, #tpu.memory_space<vmem>>) dst(%dma_wait3A_41 : memref<10240x128xf32, #tpu.memory_space<vmem_shared>>)
        tpu.yield
      }) : () -> ()
    }
    %scan3A_12 = arith.constant 20 : i32
    %barrier3A_13 = arith.constant 0 : index
    tpu.barrier barrier_id(%barrier3A_13)
    %run_scoped3A_14 = arith.constant 1 : i32
    "tpu.region"() ({
      %run_scoped3A_25 = tpu.sem_alloc : memref<!tpu.dma_semaphore, #tpu.memory_space<semaphore_mem>>
      %dma_start3A = arith.constant 0 : i32
      %dma_start3A_26 = tpu.memref_slice %arg5[%run_scoped3A_14, %arg0, %mul3A_0, %dma_start3A] : memref<3x2x10240x128xf32, #tpu.memory_space<hbm>> -> memref<1x1x640x128xf32, #tpu.memory_space<hbm>>
      %dma_start3A_27 = tpu.memref_squeeze %dma_start3A_26 : memref<1x1x640x128xf32, #tpu.memory_space<hbm>> -> memref<640x128xf32, #tpu.memory_space<hbm>>
      %dma_start3A_28 = arith.constant 0 : i32
      %dma_start3A_29 = tpu.memref_slice %arg8[%mul3A_0, %dma_start3A_28] : memref<10240x128xf32, #tpu.memory_space<vmem_shared>> -> memref<640x128xf32, #tpu.memory_space<vmem_shared>>
      tpu.enqueue_dma source(%dma_start3A_29 : memref<640x128xf32, #tpu.memory_space<vmem_shared>>) target(%dma_start3A_27 : memref<640x128xf32, #tpu.memory_space<hbm>>) target_semaphore(%run_scoped3A_25 : memref<!tpu.dma_semaphore, #tpu.memory_space<semaphore_mem>>)
      %dma_wait3A = arith.constant 0 : i32
      %dma_wait3A_30 = tpu.memref_slice %arg5[%run_scoped3A_14, %arg0, %mul3A_0, %dma_wait3A] : memref<3x2x10240x128xf32, #tpu.memory_space<hbm>> -> memref<1x1x640x128xf32, #tpu.memory_space<hbm>>
      %dma_wait3A_31 = tpu.memref_squeeze %dma_wait3A_30 : memref<1x1x640x128xf32, #tpu.memory_space<hbm>> -> memref<640x128xf32, #tpu.memory_space<hbm>>
      %dma_wait3A_32 = arith.constant 0 : i32
      %dma_wait3A_33 = tpu.memref_slice %arg8[%mul3A_0, %dma_wait3A_32] : memref<10240x128xf32, #tpu.memory_space<vmem_shared>> -> memref<640x128xf32, #tpu.memory_space<vmem_shared>>
      tpu.wait_dma2 semaphore(%run_scoped3A_25 : memref<!tpu.dma_semaphore, #tpu.memory_space<semaphore_mem>>) src(%dma_wait3A_33 : memref<640x128xf32, #tpu.memory_space<vmem_shared>>) dst(%dma_wait3A_31 : memref<640x128xf32, #tpu.memory_space<hbm>>)
      tpu.yield
    }) : () -> ()
    %barrier3A_15 = arith.constant 0 : index
    tpu.barrier barrier_id(%barrier3A_15)
    "tpu.region"() ({
      %run_scoped3A_25 = tpu.sem_alloc : memref<!tpu.dma_semaphore, #tpu.memory_space<semaphore_mem>>
      %dma_start3A = arith.constant 0 : i32
      %dma_start3A_26 = tpu.memref_slice %arg8[%mul3A_0, %dma_start3A] : memref<10240x128xf32, #tpu.memory_space<vmem_shared>> -> memref<640x128xf32, #tpu.memory_space<vmem_shared>>
      %dma_start3A_27 = arith.constant 0 : i32
      %dma_start3A_28 = tpu.memref_slice %arg2[%mul3A_0, %dma_start3A_27] : memref<10240x128xf32, #tpu.memory_space<hbm>> -> memref<640x128xf32, #tpu.memory_space<hbm>>
      tpu.enqueue_dma source(%dma_start3A_28 : memref<640x128xf32, #tpu.memory_space<hbm>>) target(%dma_start3A_26 : memref<640x128xf32, #tpu.memory_space<vmem_shared>>) target_semaphore(%run_scoped3A_25 : memref<!tpu.dma_semaphore, #tpu.memory_space<semaphore_mem>>)
      %dma_wait3A = arith.constant 0 : i32
      %dma_wait3A_29 = tpu.memref_slice %arg8[%mul3A_0, %dma_wait3A] : memref<10240x128xf32, #tpu.memory_space<vmem_shared>> -> memref<640x128xf32, #tpu.memory_space<vmem_shared>>
      %dma_wait3A_30 = arith.constant 0 : i32
      %dma_wait3A_31 = tpu.memref_slice %arg2[%mul3A_0, %dma_wait3A_30] : memref<10240x128xf32, #tpu.memory_space<hbm>> -> memref<640x128xf32, #tpu.memory_space<hbm>>
      tpu.wait_dma2 semaphore(%run_scoped3A_25 : memref<!tpu.dma_semaphore, #tpu.memory_space<semaphore_mem>>) src(%dma_wait3A_31 : memref<640x128xf32, #tpu.memory_space<hbm>>) dst(%dma_wait3A_29 : memref<640x128xf32, #tpu.memory_space<vmem_shared>>)
      tpu.yield
    }) : () -> ()
    %barrier3A_16 = arith.constant 0 : index
    tpu.barrier barrier_id(%barrier3A_16)
    %scan3A_17 = arith.constant 0 : i32
    %scan3A_18 = arith.constant 20 : i32
    %scan3A_19 = arith.addi %scan3A_17, %scan3A_18 : i32
    %scan3A_20 = arith.constant 1 : i32
    scf.for %scan3A_25 = %scan3A_17 to %scan3A_19 step %scan3A_20  : i32 {
      %mul3A_26 = arith.constant 1 : i32
      %mul3A_27 = arith.muli %scan3A_25, %mul3A_26 : i32
      %add3A = arith.constant 0 : i32
      %add3A_28 = arith.addi %add3A, %mul3A_27 : i32
      %run_scoped3A_29 = arith.constant 2 : i32
      "tpu.region"() ({
        %run_scoped3A_31 = tpu.sem_alloc : memref<!tpu.dma_semaphore, #tpu.memory_space<semaphore_mem>>
        %dma_start3A = arith.constant 0 : i32
        %dma_start3A_32 = arith.constant 0 : i32
        %dma_start3A_33 = tpu.memref_slice %arg4[%run_scoped3A_29, %arg0, %arg1, %add3A_28, %dma_start3A, %dma_start3A_32] : memref<3x2x16x20x1x160xi32, #tpu.memory_space<hbm>> -> memref<1x1x1x1x1x160xi32, #tpu.memory_space<hbm>>
        %dma_start3A_34 = tpu.memref_squeeze %dma_start3A_33 : memref<1x1x1x1x1x160xi32, #tpu.memory_space<hbm>> -> memref<1x160xi32, #tpu.memory_space<hbm>>
        %dma_start3A_35 = arith.constant 0 : i32
        %dma_start3A_36 = arith.constant 0 : i32
        %dma_start3A_37 = tpu.memref_slice %arg4[%run_scoped3A_29, %arg0, %arg1, %add3A_28, %dma_start3A_35, %dma_start3A_36] : memref<3x2x16x20x1x160xi32, #tpu.memory_space<hbm>> -> memref<1x1x1x1x1x160xi32, #tpu.memory_space<hbm>>
        %dma_start3A_38 = tpu.memref_squeeze %dma_start3A_37 : memref<1x1x1x1x1x160xi32, #tpu.memory_space<hbm>> -> memref<1x160xi32, #tpu.memory_space<hbm>>
        tpu.enqueue_dma source(%dma_start3A_38 : memref<1x160xi32, #tpu.memory_space<hbm>>) target(%arg7 : memref<1x160xi32, #tpu.memory_space<vmem>>) target_semaphore(%run_scoped3A_31 : memref<!tpu.dma_semaphore, #tpu.memory_space<semaphore_mem>>)
        %dma_wait3A = arith.constant 0 : i32
        %dma_wait3A_39 = arith.constant 0 : i32
        %dma_wait3A_40 = tpu.memref_slice %arg4[%run_scoped3A_29, %arg0, %arg1, %add3A_28, %dma_wait3A, %dma_wait3A_39] : memref<3x2x16x20x1x160xi32, #tpu.memory_space<hbm>> -> memref<1x1x1x1x1x160xi32, #tpu.memory_space<hbm>>
        %dma_wait3A_41 = tpu.memref_squeeze %dma_wait3A_40 : memref<1x1x1x1x1x160xi32, #tpu.memory_space<hbm>> -> memref<1x160xi32, #tpu.memory_space<hbm>>
        %dma_wait3A_42 = arith.constant 0 : i32
        %dma_wait3A_43 = arith.constant 0 : i32
        %dma_wait3A_44 = tpu.memref_slice %arg4[%run_scoped3A_29, %arg0, %arg1, %add3A_28, %dma_wait3A_42, %dma_wait3A_43] : memref<3x2x16x20x1x160xi32, #tpu.memory_space<hbm>> -> memref<1x1x1x1x1x160xi32, #tpu.memory_space<hbm>>
        %dma_wait3A_45 = tpu.memref_squeeze %dma_wait3A_44 : memref<1x1x1x1x1x160xi32, #tpu.memory_space<hbm>> -> memref<1x160xi32, #tpu.memory_space<hbm>>
        tpu.wait_dma2 semaphore(%run_scoped3A_31 : memref<!tpu.dma_semaphore, #tpu.memory_space<semaphore_mem>>) src(%dma_wait3A_45 : memref<1x160xi32, #tpu.memory_space<hbm>>) dst(%arg7 : memref<1x160xi32, #tpu.memory_space<vmem>>)
        tpu.yield
      }) : () -> ()
      %run_scoped3A_30 = arith.constant 0 : i32
      "tpu.region"() ({
        %run_scoped3A_31 = tpu.sem_alloc : memref<!tpu.dma_semaphore, #tpu.memory_space<semaphore_mem>>
        %dma_start3A = arith.constant 0 : i32
        %dma_start3A_32 = tpu.memref_slice %arg7[%run_scoped3A_30, %dma_start3A] : memref<1x160xi32, #tpu.memory_space<vmem>> -> memref<1x160xi32, #tpu.memory_space<vmem>>
        %dma_start3A_33 = tpu.memref_squeeze %dma_start3A_32 : memref<1x160xi32, #tpu.memory_space<vmem>> -> memref<160xi32, #tpu.memory_space<vmem>>
        %dma_start3A_34 = arith.constant 0 : i32
        %dma_start3A_35 = arith.constant 0 : i32
        %dma_start3A_36 = tpu.memref_slice %arg8[%dma_start3A_34, %dma_start3A_35] : memref<10240x128xf32, #tpu.memory_space<vmem_shared>> -> memref<10240x128xf32, #tpu.memory_space<vmem_shared>>
        tpu.enqueue_indirect_dma source(%arg6 : memref<160x128xf32, #tpu.memory_space<vmem>>) target(%dma_start3A_36 : memref<10240x128xf32, #tpu.memory_space<vmem_shared>>) offsets(%dma_start3A_33 : memref<160xi32, #tpu.memory_space<vmem>>) semaphore(%run_scoped3A_31 : memref<!tpu.dma_semaphore, #tpu.memory_space<semaphore_mem>>) {add = true}
        %dma_wait3A = arith.constant 0 : i32
        %dma_wait3A_37 = tpu.memref_slice %arg7[%run_scoped3A_30, %dma_wait3A] : memref<1x160xi32, #tpu.memory_space<vmem>> -> memref<1x160xi32, #tpu.memory_space<vmem>>
        %dma_wait3A_38 = tpu.memref_squeeze %dma_wait3A_37 : memref<1x160xi32, #tpu.memory_space<vmem>> -> memref<160xi32, #tpu.memory_space<vmem>>
        %dma_wait3A_39 = arith.constant 0 : i32
        %dma_wait3A_40 = arith.constant 0 : i32
        %dma_wait3A_41 = tpu.memref_slice %arg8[%dma_wait3A_39, %dma_wait3A_40] : memref<10240x128xf32, #tpu.memory_space<vmem_shared>> -> memref<10240x128xf32, #tpu.memory_space<vmem_shared>>
        tpu.wait_indirect_dma semaphore(%run_scoped3A_31 : memref<!tpu.dma_semaphore, #tpu.memory_space<semaphore_mem>>) src(%arg6 : memref<160x128xf32, #tpu.memory_space<vmem>>) dst(%dma_wait3A_41 : memref<10240x128xf32, #tpu.memory_space<vmem_shared>>)
        tpu.yield
      }) : () -> ()
    }
    %scan3A_21 = arith.constant 20 : i32
    %barrier3A_22 = arith.constant 0 : index
    tpu.barrier barrier_id(%barrier3A_22)
    %run_scoped3A_23 = arith.constant 2 : i32
    "tpu.region"() ({
      %run_scoped3A_25 = tpu.sem_alloc : memref<!tpu.dma_semaphore, #tpu.memory_space<semaphore_mem>>
      %dma_start3A = arith.constant 0 : i32
      %dma_start3A_26 = tpu.memref_slice %arg5[%run_scoped3A_23, %arg0, %mul3A_0, %dma_start3A] : memref<3x2x10240x128xf32, #tpu.memory_space<hbm>> -> memref<1x1x640x128xf32, #tpu.memory_space<hbm>>
      %dma_start3A_27 = tpu.memref_squeeze %dma_start3A_26 : memref<1x1x640x128xf32, #tpu.memory_space<hbm>> -> memref<640x128xf32, #tpu.memory_space<hbm>>
      %dma_start3A_28 = arith.constant 0 : i32
      %dma_start3A_29 = tpu.memref_slice %arg8[%mul3A_0, %dma_start3A_28] : memref<10240x128xf32, #tpu.memory_space<vmem_shared>> -> memref<640x128xf32, #tpu.memory_space<vmem_shared>>
      tpu.enqueue_dma source(%dma_start3A_29 : memref<640x128xf32, #tpu.memory_space<vmem_shared>>) target(%dma_start3A_27 : memref<640x128xf32, #tpu.memory_space<hbm>>) target_semaphore(%run_scoped3A_25 : memref<!tpu.dma_semaphore, #tpu.memory_space<semaphore_mem>>)
      %dma_wait3A = arith.constant 0 : i32
      %dma_wait3A_30 = tpu.memref_slice %arg5[%run_scoped3A_23, %arg0, %mul3A_0, %dma_wait3A] : memref<3x2x10240x128xf32, #tpu.memory_space<hbm>> -> memref<1x1x640x128xf32, #tpu.memory_space<hbm>>
      %dma_wait3A_31 = tpu.memref_squeeze %dma_wait3A_30 : memref<1x1x640x128xf32, #tpu.memory_space<hbm>> -> memref<640x128xf32, #tpu.memory_space<hbm>>
      %dma_wait3A_32 = arith.constant 0 : i32
      %dma_wait3A_33 = tpu.memref_slice %arg8[%mul3A_0, %dma_wait3A_32] : memref<10240x128xf32, #tpu.memory_space<vmem_shared>> -> memref<640x128xf32, #tpu.memory_space<vmem_shared>>
      tpu.wait_dma2 semaphore(%run_scoped3A_25 : memref<!tpu.dma_semaphore, #tpu.memory_space<semaphore_mem>>) src(%dma_wait3A_33 : memref<640x128xf32, #tpu.memory_space<vmem_shared>>) dst(%dma_wait3A_31 : memref<640x128xf32, #tpu.memory_space<hbm>>)
      tpu.yield
    }) : () -> ()
    %barrier3A_24 = arith.constant 0 : index
    tpu.barrier barrier_id(%barrier3A_24)
    return
  }
}

#map = affine_map<(d0, d1) -> (0, 0)>
#map1 = affine_map<(d0, d1) -> (0, 0, 0, 0, 0, 0)>
#map2 = affine_map<(d0, d1) -> (0, 0, 0, 0, 0)>
#map3 = affine_map<(d0, d1) -> (0, 0, 0, 0)>
module attributes {stable_mosaic.version = 14 : i64} {
  func.func @k(%arg0: i32, %arg1: i32, %arg2: memref<20000x128xf32, #tpu.memory_space<hbm>>, %arg3: memref<10240x128xf32, #tpu.memory_space<hbm>>, %arg4: memref<2x3x16x40x1x160xi32, #tpu.memory_space<hbm>>, %arg5: memref<3x16x40x1x160xi32, #tpu.memory_space<hbm>>, %arg6: memref<3x2x10240x128xf32, #tpu.memory_space<hbm>>, %arg7: memref<1x160xi32, #tpu.memory_space<vmem>>, %arg8: memref<1x160xi32, #tpu.memory_space<vmem>>, %arg9: memref<1x160xi32, #tpu.memory_space<vmem>>, %arg10: memref<1x160xi32, #tpu.memory_space<vmem>>, %arg11: memref<160x128xf32, #tpu.memory_space<vmem>>, %arg12: memref<160x128xf32, #tpu.memory_space<vmem>>, %arg13: memref<!tpu.dma_semaphore, #tpu.memory_space<semaphore_mem>>, %arg14: memref<!tpu.dma_semaphore, #tpu.memory_space<semaphore_mem>>, %arg15: memref<10240x128xf32, #tpu.memory_space<vmem_shared>>) attributes {dimension_semantics = [#tpu.dimension_semantics<core_parallel>, #tpu.dimension_semantics<subcore_parallel>], iteration_bounds = array<i64: 2, 16>, scalar_prefetch = 0 : i64, scratch_operands = 9 : i64, tpu.core_type = #tpu.core_type<sc_vector_subcore>, window_params = [{transform_indices = #map}, {transform_indices = #map}, {transform_indices = #map1}, {transform_indices = #map2}, {transform_indices = #map3}]} {
    %mul3A = arith.constant 640 : i32
    %mul3A_0 = arith.muli %arg1, %mul3A : i32
    "tpu.region"() ({
      %run_scoped3A_25 = tpu.sem_alloc : memref<!tpu.dma_semaphore, #tpu.memory_space<semaphore_mem>>
      %dma_start3A = arith.constant 0 : i32
      %dma_start3A_26 = tpu.memref_slice %arg15[%mul3A_0, %dma_start3A] : memref<10240x128xf32, #tpu.memory_space<vmem_shared>> -> memref<640x128xf32, #tpu.memory_space<vmem_shared>>
      %dma_start3A_27 = arith.constant 0 : i32
      %dma_start3A_28 = tpu.memref_slice %arg3[%mul3A_0, %dma_start3A_27] : memref<10240x128xf32, #tpu.memory_space<hbm>> -> memref<640x128xf32, #tpu.memory_space<hbm>>
      tpu.enqueue_dma source(%dma_start3A_28 : memref<640x128xf32, #tpu.memory_space<hbm>>) target(%dma_start3A_26 : memref<640x128xf32, #tpu.memory_space<vmem_shared>>) target_semaphore(%run_scoped3A_25 : memref<!tpu.dma_semaphore, #tpu.memory_space<semaphore_mem>>)
      %dma_wait3A = arith.constant 0 : i32
      %dma_wait3A_29 = tpu.memref_slice %arg15[%mul3A_0, %dma_wait3A] : memref<10240x128xf32, #tpu.memory_space<vmem_shared>> -> memref<640x128xf32, #tpu.memory_space<vmem_shared>>
      %dma_wait3A_30 = arith.constant 0 : i32
      %dma_wait3A_31 = tpu.memref_slice %arg3[%mul3A_0, %dma_wait3A_30] : memref<10240x128xf32, #tpu.memory_space<hbm>> -> memref<640x128xf32, #tpu.memory_space<hbm>>
      tpu.wait_dma2 semaphore(%run_scoped3A_25 : memref<!tpu.dma_semaphore, #tpu.memory_space<semaphore_mem>>) src(%dma_wait3A_31 : memref<640x128xf32, #tpu.memory_space<hbm>>) dst(%dma_wait3A_29 : memref<640x128xf32, #tpu.memory_space<vmem_shared>>)
      tpu.yield
    }) : () -> ()
    %barrier3A = arith.constant 0 : index
    tpu.barrier barrier_id(%barrier3A)
    %scan3A = arith.constant 0 : i32
    %scan3A_1 = arith.constant 20 : i32
    %scan3A_2 = arith.addi %scan3A, %scan3A_1 : i32
    %scan3A_3 = arith.constant 1 : i32
    scf.for %scan3A_25 = %scan3A to %scan3A_2 step %scan3A_3  : i32 {
      %mul3A_26 = arith.constant 2 : i32
      %mul3A_27 = arith.muli %scan3A_25, %mul3A_26 : i32
      %add3A = arith.constant 0 : i32
      %add3A_28 = arith.addi %add3A, %mul3A_27 : i32
      %run_scoped3A_29 = arith.constant 0 : i32
      "tpu.region"() ({
        %run_scoped3A_65 = tpu.sem_alloc : memref<!tpu.dma_semaphore, #tpu.memory_space<semaphore_mem>>
        %dma_start3A_66 = arith.constant 0 : i32
        %dma_start3A_67 = arith.constant 0 : i32
        %dma_start3A_68 = tpu.memref_slice %arg4[%arg0, %run_scoped3A_29, %arg1, %add3A_28, %dma_start3A_66, %dma_start3A_67] : memref<2x3x16x40x1x160xi32, #tpu.memory_space<hbm>> -> memref<1x1x1x1x1x160xi32, #tpu.memory_space<hbm>>
        %dma_start3A_69 = tpu.memref_squeeze %dma_start3A_68 : memref<1x1x1x1x1x160xi32, #tpu.memory_space<hbm>> -> memref<1x160xi32, #tpu.memory_space<hbm>>
        %dma_start3A_70 = arith.constant 0 : i32
        %dma_start3A_71 = arith.constant 0 : i32
        %dma_start3A_72 = tpu.memref_slice %arg4[%arg0, %run_scoped3A_29, %arg1, %add3A_28, %dma_start3A_70, %dma_start3A_71] : memref<2x3x16x40x1x160xi32, #tpu.memory_space<hbm>> -> memref<1x1x1x1x1x160xi32, #tpu.memory_space<hbm>>
        %dma_start3A_73 = tpu.memref_squeeze %dma_start3A_72 : memref<1x1x1x1x1x160xi32, #tpu.memory_space<hbm>> -> memref<1x160xi32, #tpu.memory_space<hbm>>
        tpu.enqueue_dma source(%dma_start3A_73 : memref<1x160xi32, #tpu.memory_space<hbm>>) target(%arg7 : memref<1x160xi32, #tpu.memory_space<vmem>>) target_semaphore(%run_scoped3A_65 : memref<!tpu.dma_semaphore, #tpu.memory_space<semaphore_mem>>)
        %dma_wait3A_74 = arith.constant 0 : i32
        %dma_wait3A_75 = arith.constant 0 : i32
        %dma_wait3A_76 = tpu.memref_slice %arg4[%arg0, %run_scoped3A_29, %arg1, %add3A_28, %dma_wait3A_74, %dma_wait3A_75] : memref<2x3x16x40x1x160xi32, #tpu.memory_space<hbm>> -> memref<1x1x1x1x1x160xi32, #tpu.memory_space<hbm>>
        %dma_wait3A_77 = tpu.memref_squeeze %dma_wait3A_76 : memref<1x1x1x1x1x160xi32, #tpu.memory_space<hbm>> -> memref<1x160xi32, #tpu.memory_space<hbm>>
        %dma_wait3A_78 = arith.constant 0 : i32
        %dma_wait3A_79 = arith.constant 0 : i32
        %dma_wait3A_80 = tpu.memref_slice %arg4[%arg0, %run_scoped3A_29, %arg1, %add3A_28, %dma_wait3A_78, %dma_wait3A_79] : memref<2x3x16x40x1x160xi32, #tpu.memory_space<hbm>> -> memref<1x1x1x1x1x160xi32, #tpu.memory_space<hbm>>
        %dma_wait3A_81 = tpu.memref_squeeze %dma_wait3A_80 : memref<1x1x1x1x1x160xi32, #tpu.memory_space<hbm>> -> memref<1x160xi32, #tpu.memory_space<hbm>>
        tpu.wait_dma2 semaphore(%run_scoped3A_65 : memref<!tpu.dma_semaphore, #tpu.memory_space<semaphore_mem>>) src(%dma_wait3A_81 : memref<1x160xi32, #tpu.memory_space<hbm>>) dst(%arg7 : memref<1x160xi32, #tpu.memory_space<vmem>>)
        tpu.yield
      }) : () -> ()
      %run_scoped3A_30 = arith.constant 0 : i32
      "tpu.region"() ({
        %run_scoped3A_65 = tpu.sem_alloc : memref<!tpu.dma_semaphore, #tpu.memory_space<semaphore_mem>>
        %dma_start3A_66 = arith.constant 0 : i32
        %dma_start3A_67 = arith.constant 0 : i32
        %dma_start3A_68 = tpu.memref_slice %arg5[%run_scoped3A_30, %arg1, %add3A_28, %dma_start3A_66, %dma_start3A_67] : memref<3x16x40x1x160xi32, #tpu.memory_space<hbm>> -> memref<1x1x1x1x160xi32, #tpu.memory_space<hbm>>
        %dma_start3A_69 = tpu.memref_squeeze %dma_start3A_68 : memref<1x1x1x1x160xi32, #tpu.memory_space<hbm>> -> memref<1x160xi32, #tpu.memory_space<hbm>>
        %dma_start3A_70 = arith.constant 0 : i32
        %dma_start3A_71 = arith.constant 0 : i32
        %dma_start3A_72 = tpu.memref_slice %arg5[%run_scoped3A_30, %arg1, %add3A_28, %dma_start3A_70, %dma_start3A_71] : memref<3x16x40x1x160xi32, #tpu.memory_space<hbm>> -> memref<1x1x1x1x160xi32, #tpu.memory_space<hbm>>
        %dma_start3A_73 = tpu.memref_squeeze %dma_start3A_72 : memref<1x1x1x1x160xi32, #tpu.memory_space<hbm>> -> memref<1x160xi32, #tpu.memory_space<hbm>>
        tpu.enqueue_dma source(%dma_start3A_73 : memref<1x160xi32, #tpu.memory_space<hbm>>) target(%arg8 : memref<1x160xi32, #tpu.memory_space<vmem>>) target_semaphore(%run_scoped3A_65 : memref<!tpu.dma_semaphore, #tpu.memory_space<semaphore_mem>>)
        %dma_wait3A_74 = arith.constant 0 : i32
        %dma_wait3A_75 = arith.constant 0 : i32
        %dma_wait3A_76 = tpu.memref_slice %arg5[%run_scoped3A_30, %arg1, %add3A_28, %dma_wait3A_74, %dma_wait3A_75] : memref<3x16x40x1x160xi32, #tpu.memory_space<hbm>> -> memref<1x1x1x1x160xi32, #tpu.memory_space<hbm>>
        %dma_wait3A_77 = tpu.memref_squeeze %dma_wait3A_76 : memref<1x1x1x1x160xi32, #tpu.memory_space<hbm>> -> memref<1x160xi32, #tpu.memory_space<hbm>>
        %dma_wait3A_78 = arith.constant 0 : i32
        %dma_wait3A_79 = arith.constant 0 : i32
        %dma_wait3A_80 = tpu.memref_slice %arg5[%run_scoped3A_30, %arg1, %add3A_28, %dma_wait3A_78, %dma_wait3A_79] : memref<3x16x40x1x160xi32, #tpu.memory_space<hbm>> -> memref<1x1x1x1x160xi32, #tpu.memory_space<hbm>>
        %dma_wait3A_81 = tpu.memref_squeeze %dma_wait3A_80 : memref<1x1x1x1x160xi32, #tpu.memory_space<hbm>> -> memref<1x160xi32, #tpu.memory_space<hbm>>
        tpu.wait_dma2 semaphore(%run_scoped3A_65 : memref<!tpu.dma_semaphore, #tpu.memory_space<semaphore_mem>>) src(%dma_wait3A_81 : memref<1x160xi32, #tpu.memory_space<hbm>>) dst(%arg8 : memref<1x160xi32, #tpu.memory_space<vmem>>)
        tpu.yield
      }) : () -> ()
      %add3A_31 = arith.constant 1 : i32
      %add3A_32 = arith.addi %add3A_28, %add3A_31 : i32
      %run_scoped3A_33 = arith.constant 0 : i32
      "tpu.region"() ({
        %run_scoped3A_65 = tpu.sem_alloc : memref<!tpu.dma_semaphore, #tpu.memory_space<semaphore_mem>>
        %dma_start3A_66 = arith.constant 0 : i32
        %dma_start3A_67 = arith.constant 0 : i32
        %dma_start3A_68 = tpu.memref_slice %arg4[%arg0, %run_scoped3A_33, %arg1, %add3A_32, %dma_start3A_66, %dma_start3A_67] : memref<2x3x16x40x1x160xi32, #tpu.memory_space<hbm>> -> memref<1x1x1x1x1x160xi32, #tpu.memory_space<hbm>>
        %dma_start3A_69 = tpu.memref_squeeze %dma_start3A_68 : memref<1x1x1x1x1x160xi32, #tpu.memory_space<hbm>> -> memref<1x160xi32, #tpu.memory_space<hbm>>
        %dma_start3A_70 = arith.constant 0 : i32
        %dma_start3A_71 = arith.constant 0 : i32
        %dma_start3A_72 = tpu.memref_slice %arg4[%arg0, %run_scoped3A_33, %arg1, %add3A_32, %dma_start3A_70, %dma_start3A_71] : memref<2x3x16x40x1x160xi32, #tpu.memory_space<hbm>> -> memref<1x1x1x1x1x160xi32, #tpu.memory_space<hbm>>
        %dma_start3A_73 = tpu.memref_squeeze %dma_start3A_72 : memref<1x1x1x1x1x160xi32, #tpu.memory_space<hbm>> -> memref<1x160xi32, #tpu.memory_space<hbm>>
        tpu.enqueue_dma source(%dma_start3A_73 : memref<1x160xi32, #tpu.memory_space<hbm>>) target(%arg9 : memref<1x160xi32, #tpu.memory_space<vmem>>) target_semaphore(%run_scoped3A_65 : memref<!tpu.dma_semaphore, #tpu.memory_space<semaphore_mem>>)
        %dma_wait3A_74 = arith.constant 0 : i32
        %dma_wait3A_75 = arith.constant 0 : i32
        %dma_wait3A_76 = tpu.memref_slice %arg4[%arg0, %run_scoped3A_33, %arg1, %add3A_32, %dma_wait3A_74, %dma_wait3A_75] : memref<2x3x16x40x1x160xi32, #tpu.memory_space<hbm>> -> memref<1x1x1x1x1x160xi32, #tpu.memory_space<hbm>>
        %dma_wait3A_77 = tpu.memref_squeeze %dma_wait3A_76 : memref<1x1x1x1x1x160xi32, #tpu.memory_space<hbm>> -> memref<1x160xi32, #tpu.memory_space<hbm>>
        %dma_wait3A_78 = arith.constant 0 : i32
        %dma_wait3A_79 = arith.constant 0 : i32
        %dma_wait3A_80 = tpu.memref_slice %arg4[%arg0, %run_scoped3A_33, %arg1, %add3A_32, %dma_wait3A_78, %dma_wait3A_79] : memref<2x3x16x40x1x160xi32, #tpu.memory_space<hbm>> -> memref<1x1x1x1x1x160xi32, #tpu.memory_space<hbm>>
        %dma_wait3A_81 = tpu.memref_squeeze %dma_wait3A_80 : memref<1x1x1x1x1x160xi32, #tpu.memory_space<hbm>> -> memref<1x160xi32, #tpu.memory_space<hbm>>
        tpu.wait_dma2 semaphore(%run_scoped3A_65 : memref<!tpu.dma_semaphore, #tpu.memory_space<semaphore_mem>>) src(%dma_wait3A_81 : memref<1x160xi32, #tpu.memory_space<hbm>>) dst(%arg9 : memref<1x160xi32, #tpu.memory_space<vmem>>)
        tpu.yield
      }) : () -> ()
      %add3A_34 = arith.constant 1 : i32
      %add3A_35 = arith.addi %add3A_28, %add3A_34 : i32
      %run_scoped3A_36 = arith.constant 0 : i32
      "tpu.region"() ({
        %run_scoped3A_65 = tpu.sem_alloc : memref<!tpu.dma_semaphore, #tpu.memory_space<semaphore_mem>>
        %dma_start3A_66 = arith.constant 0 : i32
        %dma_start3A_67 = arith.constant 0 : i32
        %dma_start3A_68 = tpu.memref_slice %arg5[%run_scoped3A_36, %arg1, %add3A_35, %dma_start3A_66, %dma_start3A_67] : memref<3x16x40x1x160xi32, #tpu.memory_space<hbm>> -> memref<1x1x1x1x160xi32, #tpu.memory_space<hbm>>
        %dma_start3A_69 = tpu.memref_squeeze %dma_start3A_68 : memref<1x1x1x1x160xi32, #tpu.memory_space<hbm>> -> memref<1x160xi32, #tpu.memory_space<hbm>>
        %dma_start3A_70 = arith.constant 0 : i32
        %dma_start3A_71 = arith.constant 0 : i32
        %dma_start3A_72 = tpu.memref_slice %arg5[%run_scoped3A_36, %arg1, %add3A_35, %dma_start3A_70, %dma_start3A_71] : memref<3x16x40x1x160xi32, #tpu.memory_space<hbm>> -> memref<1x1x1x1x160xi32, #tpu.memory_space<hbm>>
        %dma_start3A_73 = tpu.memref_squeeze %dma_start3A_72 : memref<1x1x1x1x160xi32, #tpu.memory_space<hbm>> -> memref<1x160xi32, #tpu.memory_space<hbm>>
        tpu.enqueue_dma source(%dma_start3A_73 : memref<1x160xi32, #tpu.memory_space<hbm>>) target(%arg10 : memref<1x160xi32, #tpu.memory_space<vmem>>) target_semaphore(%run_scoped3A_65 : memref<!tpu.dma_semaphore, #tpu.memory_space<semaphore_mem>>)
        %dma_wait3A_74 = arith.constant 0 : i32
        %dma_wait3A_75 = arith.constant 0 : i32
        %dma_wait3A_76 = tpu.memref_slice %arg5[%run_scoped3A_36, %arg1, %add3A_35, %dma_wait3A_74, %dma_wait3A_75] : memref<3x16x40x1x160xi32, #tpu.memory_space<hbm>> -> memref<1x1x1x1x160xi32, #tpu.memory_space<hbm>>
        %dma_wait3A_77 = tpu.memref_squeeze %dma_wait3A_76 : memref<1x1x1x1x160xi32, #tpu.memory_space<hbm>> -> memref<1x160xi32, #tpu.memory_space<hbm>>
        %dma_wait3A_78 = arith.constant 0 : i32
        %dma_wait3A_79 = arith.constant 0 : i32
        %dma_wait3A_80 = tpu.memref_slice %arg5[%run_scoped3A_36, %arg1, %add3A_35, %dma_wait3A_78, %dma_wait3A_79] : memref<3x16x40x1x160xi32, #tpu.memory_space<hbm>> -> memref<1x1x1x1x160xi32, #tpu.memory_space<hbm>>
        %dma_wait3A_81 = tpu.memref_squeeze %dma_wait3A_80 : memref<1x1x1x1x160xi32, #tpu.memory_space<hbm>> -> memref<1x160xi32, #tpu.memory_space<hbm>>
        tpu.wait_dma2 semaphore(%run_scoped3A_65 : memref<!tpu.dma_semaphore, #tpu.memory_space<semaphore_mem>>) src(%dma_wait3A_81 : memref<1x160xi32, #tpu.memory_space<hbm>>) dst(%arg10 : memref<1x160xi32, #tpu.memory_space<vmem>>)
        tpu.yield
      }) : () -> ()
      %dma_start3A = arith.constant 0 : i32
      %dma_start3A_37 = arith.constant 0 : i32
      %dma_start3A_38 = tpu.memref_slice %arg7[%dma_start3A, %dma_start3A_37] : memref<1x160xi32, #tpu.memory_space<vmem>> -> memref<1x160xi32, #tpu.memory_space<vmem>>
      %dma_start3A_39 = tpu.memref_squeeze %dma_start3A_38 : memref<1x160xi32, #tpu.memory_space<vmem>> -> memref<160xi32, #tpu.memory_space<vmem>>
      %dma_start3A_40 = arith.constant 0 : i32
      %dma_start3A_41 = arith.constant 0 : i32
      %dma_start3A_42 = tpu.memref_slice %arg2[%dma_start3A_40, %dma_start3A_41] : memref<20000x128xf32, #tpu.memory_space<hbm>> -> memref<20000x128xf32, #tpu.memory_space<hbm>>
      tpu.enqueue_indirect_dma source(%dma_start3A_42 : memref<20000x128xf32, #tpu.memory_space<hbm>>) target(%arg11 : memref<160x128xf32, #tpu.memory_space<vmem>>) offsets(%dma_start3A_39 : memref<160xi32, #tpu.memory_space<vmem>>) semaphore(%arg13 : memref<!tpu.dma_semaphore, #tpu.memory_space<semaphore_mem>>)
      %dma_start3A_43 = arith.constant 0 : i32
      %dma_start3A_44 = arith.constant 0 : i32
      %dma_start3A_45 = tpu.memref_slice %arg9[%dma_start3A_43, %dma_start3A_44] : memref<1x160xi32, #tpu.memory_space<vmem>> -> memref<1x160xi32, #tpu.memory_space<vmem>>
      %dma_start3A_46 = tpu.memref_squeeze %dma_start3A_45 : memref<1x160xi32, #tpu.memory_space<vmem>> -> memref<160xi32, #tpu.memory_space<vmem>>
      %dma_start3A_47 = arith.constant 0 : i32
      %dma_start3A_48 = arith.constant 0 : i32
      %dma_start3A_49 = tpu.memref_slice %arg2[%dma_start3A_47, %dma_start3A_48] : memref<20000x128xf32, #tpu.memory_space<hbm>> -> memref<20000x128xf32, #tpu.memory_space<hbm>>
      tpu.enqueue_indirect_dma source(%dma_start3A_49 : memref<20000x128xf32, #tpu.memory_space<hbm>>) target(%arg12 : memref<160x128xf32, #tpu.memory_space<vmem>>) offsets(%dma_start3A_46 : memref<160xi32, #tpu.memory_space<vmem>>) semaphore(%arg14 : memref<!tpu.dma_semaphore, #tpu.memory_space<semaphore_mem>>)
      %dma_wait3A = arith.constant 0 : i32
      %dma_wait3A_50 = arith.constant 0 : i32
      %dma_wait3A_51 = tpu.memref_slice %arg7[%dma_wait3A, %dma_wait3A_50] : memref<1x160xi32, #tpu.memory_space<vmem>> -> memref<1x160xi32, #tpu.memory_space<vmem>>
      %dma_wait3A_52 = tpu.memref_squeeze %dma_wait3A_51 : memref<1x160xi32, #tpu.memory_space<vmem>> -> memref<160xi32, #tpu.memory_space<vmem>>
      %dma_wait3A_53 = arith.constant 0 : i32
      %dma_wait3A_54 = arith.constant 0 : i32
      %dma_wait3A_55 = tpu.memref_slice %arg2[%dma_wait3A_53, %dma_wait3A_54] : memref<20000x128xf32, #tpu.memory_space<hbm>> -> memref<20000x128xf32, #tpu.memory_space<hbm>>
      tpu.wait_indirect_dma semaphore(%arg13 : memref<!tpu.dma_semaphore, #tpu.memory_space<semaphore_mem>>) src(%dma_wait3A_55 : memref<20000x128xf32, #tpu.memory_space<hbm>>) dst(%arg11 : memref<160x128xf32, #tpu.memory_space<vmem>>)
      %run_scoped3A_56 = arith.constant 0 : i32
      "tpu.region"() ({
        %run_scoped3A_65 = tpu.sem_alloc : memref<!tpu.dma_semaphore, #tpu.memory_space<semaphore_mem>>
        %dma_start3A_66 = arith.constant 0 : i32
        %dma_start3A_67 = tpu.memref_slice %arg8[%run_scoped3A_56, %dma_start3A_66] : memref<1x160xi32, #tpu.memory_space<vmem>> -> memref<1x160xi32, #tpu.memory_space<vmem>>
        %dma_start3A_68 = tpu.memref_squeeze %dma_start3A_67 : memref<1x160xi32, #tpu.memory_space<vmem>> -> memref<160xi32, #tpu.memory_space<vmem>>
        %dma_start3A_69 = arith.constant 0 : i32
        %dma_start3A_70 = arith.constant 0 : i32
        %dma_start3A_71 = tpu.memref_slice %arg15[%dma_start3A_69, %dma_start3A_70] : memref<10240x128xf32, #tpu.memory_space<vmem_shared>> -> memref<10240x128xf32, #tpu.memory_space<vmem_shared>>
        tpu.enqueue_indirect_dma source(%arg11 : memref<160x128xf32, #tpu.memory_space<vmem>>) target(%dma_start3A_71 : memref<10240x128xf32, #tpu.memory_space<vmem_shared>>) offsets(%dma_start3A_68 : memref<160xi32, #tpu.memory_space<vmem>>) semaphore(%run_scoped3A_65 : memref<!tpu.dma_semaphore, #tpu.memory_space<semaphore_mem>>) {add = true}
        %dma_wait3A_72 = arith.constant 0 : i32
        %dma_wait3A_73 = tpu.memref_slice %arg8[%run_scoped3A_56, %dma_wait3A_72] : memref<1x160xi32, #tpu.memory_space<vmem>> -> memref<1x160xi32, #tpu.memory_space<vmem>>
        %dma_wait3A_74 = tpu.memref_squeeze %dma_wait3A_73 : memref<1x160xi32, #tpu.memory_space<vmem>> -> memref<160xi32, #tpu.memory_space<vmem>>
        %dma_wait3A_75 = arith.constant 0 : i32
        %dma_wait3A_76 = arith.constant 0 : i32
        %dma_wait3A_77 = tpu.memref_slice %arg15[%dma_wait3A_75, %dma_wait3A_76] : memref<10240x128xf32, #tpu.memory_space<vmem_shared>> -> memref<10240x128xf32, #tpu.memory_space<vmem_shared>>
        tpu.wait_indirect_dma semaphore(%run_scoped3A_65 : memref<!tpu.dma_semaphore, #tpu.memory_space<semaphore_mem>>) src(%arg11 : memref<160x128xf32, #tpu.memory_space<vmem>>) dst(%dma_wait3A_77 : memref<10240x128xf32, #tpu.memory_space<vmem_shared>>)
        tpu.yield
      }) : () -> ()
      %dma_wait3A_57 = arith.constant 0 : i32
      %dma_wait3A_58 = arith.constant 0 : i32
      %dma_wait3A_59 = tpu.memref_slice %arg9[%dma_wait3A_57, %dma_wait3A_58] : memref<1x160xi32, #tpu.memory_space<vmem>> -> memref<1x160xi32, #tpu.memory_space<vmem>>
      %dma_wait3A_60 = tpu.memref_squeeze %dma_wait3A_59 : memref<1x160xi32, #tpu.memory_space<vmem>> -> memref<160xi32, #tpu.memory_space<vmem>>
      %dma_wait3A_61 = arith.constant 0 : i32
      %dma_wait3A_62 = arith.constant 0 : i32
      %dma_wait3A_63 = tpu.memref_slice %arg2[%dma_wait3A_61, %dma_wait3A_62] : memref<20000x128xf32, #tpu.memory_space<hbm>> -> memref<20000x128xf32, #tpu.memory_space<hbm>>
      tpu.wait_indirect_dma semaphore(%arg14 : memref<!tpu.dma_semaphore, #tpu.memory_space<semaphore_mem>>) src(%dma_wait3A_63 : memref<20000x128xf32, #tpu.memory_space<hbm>>) dst(%arg12 : memref<160x128xf32, #tpu.memory_space<vmem>>)
      %run_scoped3A_64 = arith.constant 0 : i32
      "tpu.region"() ({
        %run_scoped3A_65 = tpu.sem_alloc : memref<!tpu.dma_semaphore, #tpu.memory_space<semaphore_mem>>
        %dma_start3A_66 = arith.constant 0 : i32
        %dma_start3A_67 = tpu.memref_slice %arg10[%run_scoped3A_64, %dma_start3A_66] : memref<1x160xi32, #tpu.memory_space<vmem>> -> memref<1x160xi32, #tpu.memory_space<vmem>>
        %dma_start3A_68 = tpu.memref_squeeze %dma_start3A_67 : memref<1x160xi32, #tpu.memory_space<vmem>> -> memref<160xi32, #tpu.memory_space<vmem>>
        %dma_start3A_69 = arith.constant 0 : i32
        %dma_start3A_70 = arith.constant 0 : i32
        %dma_start3A_71 = tpu.memref_slice %arg15[%dma_start3A_69, %dma_start3A_70] : memref<10240x128xf32, #tpu.memory_space<vmem_shared>> -> memref<10240x128xf32, #tpu.memory_space<vmem_shared>>
        tpu.enqueue_indirect_dma source(%arg12 : memref<160x128xf32, #tpu.memory_space<vmem>>) target(%dma_start3A_71 : memref<10240x128xf32, #tpu.memory_space<vmem_shared>>) offsets(%dma_start3A_68 : memref<160xi32, #tpu.memory_space<vmem>>) semaphore(%run_scoped3A_65 : memref<!tpu.dma_semaphore, #tpu.memory_space<semaphore_mem>>) {add = true}
        %dma_wait3A_72 = arith.constant 0 : i32
        %dma_wait3A_73 = tpu.memref_slice %arg10[%run_scoped3A_64, %dma_wait3A_72] : memref<1x160xi32, #tpu.memory_space<vmem>> -> memref<1x160xi32, #tpu.memory_space<vmem>>
        %dma_wait3A_74 = tpu.memref_squeeze %dma_wait3A_73 : memref<1x160xi32, #tpu.memory_space<vmem>> -> memref<160xi32, #tpu.memory_space<vmem>>
        %dma_wait3A_75 = arith.constant 0 : i32
        %dma_wait3A_76 = arith.constant 0 : i32
        %dma_wait3A_77 = tpu.memref_slice %arg15[%dma_wait3A_75, %dma_wait3A_76] : memref<10240x128xf32, #tpu.memory_space<vmem_shared>> -> memref<10240x128xf32, #tpu.memory_space<vmem_shared>>
        tpu.wait_indirect_dma semaphore(%run_scoped3A_65 : memref<!tpu.dma_semaphore, #tpu.memory_space<semaphore_mem>>) src(%arg12 : memref<160x128xf32, #tpu.memory_space<vmem>>) dst(%dma_wait3A_77 : memref<10240x128xf32, #tpu.memory_space<vmem_shared>>)
        tpu.yield
      }) : () -> ()
    }
    %scan3A_4 = arith.constant 20 : i32
    %barrier3A_5 = arith.constant 0 : index
    tpu.barrier barrier_id(%barrier3A_5)
    %run_scoped3A = arith.constant 0 : i32
    "tpu.region"() ({
      %run_scoped3A_25 = tpu.sem_alloc : memref<!tpu.dma_semaphore, #tpu.memory_space<semaphore_mem>>
      %dma_start3A = arith.constant 0 : i32
      %dma_start3A_26 = tpu.memref_slice %arg6[%run_scoped3A, %arg0, %mul3A_0, %dma_start3A] : memref<3x2x10240x128xf32, #tpu.memory_space<hbm>> -> memref<1x1x640x128xf32, #tpu.memory_space<hbm>>
      %dma_start3A_27 = tpu.memref_squeeze %dma_start3A_26 : memref<1x1x640x128xf32, #tpu.memory_space<hbm>> -> memref<640x128xf32, #tpu.memory_space<hbm>>
      %dma_start3A_28 = arith.constant 0 : i32
      %dma_start3A_29 = tpu.memref_slice %arg15[%mul3A_0, %dma_start3A_28] : memref<10240x128xf32, #tpu.memory_space<vmem_shared>> -> memref<640x128xf32, #tpu.memory_space<vmem_shared>>
      tpu.enqueue_dma source(%dma_start3A_29 : memref<640x128xf32, #tpu.memory_space<vmem_shared>>) target(%dma_start3A_27 : memref<640x128xf32, #tpu.memory_space<hbm>>) target_semaphore(%run_scoped3A_25 : memref<!tpu.dma_semaphore, #tpu.memory_space<semaphore_mem>>)
      %dma_wait3A = arith.constant 0 : i32
      %dma_wait3A_30 = tpu.memref_slice %arg6[%run_scoped3A, %arg0, %mul3A_0, %dma_wait3A] : memref<3x2x10240x128xf32, #tpu.memory_space<hbm>> -> memref<1x1x640x128xf32, #tpu.memory_space<hbm>>
      %dma_wait3A_31 = tpu.memref_squeeze %dma_wait3A_30 : memref<1x1x640x128xf32, #tpu.memory_space<hbm>> -> memref<640x128xf32, #tpu.memory_space<hbm>>
      %dma_wait3A_32 = arith.constant 0 : i32
      %dma_wait3A_33 = tpu.memref_slice %arg15[%mul3A_0, %dma_wait3A_32] : memref<10240x128xf32, #tpu.memory_space<vmem_shared>> -> memref<640x128xf32, #tpu.memory_space<vmem_shared>>
      tpu.wait_dma2 semaphore(%run_scoped3A_25 : memref<!tpu.dma_semaphore, #tpu.memory_space<semaphore_mem>>) src(%dma_wait3A_33 : memref<640x128xf32, #tpu.memory_space<vmem_shared>>) dst(%dma_wait3A_31 : memref<640x128xf32, #tpu.memory_space<hbm>>)
      tpu.yield
    }) : () -> ()
    %barrier3A_6 = arith.constant 0 : index
    tpu.barrier barrier_id(%barrier3A_6)
    "tpu.region"() ({
      %run_scoped3A_25 = tpu.sem_alloc : memref<!tpu.dma_semaphore, #tpu.memory_space<semaphore_mem>>
      %dma_start3A = arith.constant 0 : i32
      %dma_start3A_26 = tpu.memref_slice %arg15[%mul3A_0, %dma_start3A] : memref<10240x128xf32, #tpu.memory_space<vmem_shared>> -> memref<640x128xf32, #tpu.memory_space<vmem_shared>>
      %dma_start3A_27 = arith.constant 0 : i32
      %dma_start3A_28 = tpu.memref_slice %arg3[%mul3A_0, %dma_start3A_27] : memref<10240x128xf32, #tpu.memory_space<hbm>> -> memref<640x128xf32, #tpu.memory_space<hbm>>
      tpu.enqueue_dma source(%dma_start3A_28 : memref<640x128xf32, #tpu.memory_space<hbm>>) target(%dma_start3A_26 : memref<640x128xf32, #tpu.memory_space<vmem_shared>>) target_semaphore(%run_scoped3A_25 : memref<!tpu.dma_semaphore, #tpu.memory_space<semaphore_mem>>)
      %dma_wait3A = arith.constant 0 : i32
      %dma_wait3A_29 = tpu.memref_slice %arg15[%mul3A_0, %dma_wait3A] : memref<10240x128xf32, #tpu.memory_space<vmem_shared>> -> memref<640x128xf32, #tpu.memory_space<vmem_shared>>
      %dma_wait3A_30 = arith.constant 0 : i32
      %dma_wait3A_31 = tpu.memref_slice %arg3[%mul3A_0, %dma_wait3A_30] : memref<10240x128xf32, #tpu.memory_space<hbm>> -> memref<640x128xf32, #tpu.memory_space<hbm>>
      tpu.wait_dma2 semaphore(%run_scoped3A_25 : memref<!tpu.dma_semaphore, #tpu.memory_space<semaphore_mem>>) src(%dma_wait3A_31 : memref<640x128xf32, #tpu.memory_space<hbm>>) dst(%dma_wait3A_29 : memref<640x128xf32, #tpu.memory_space<vmem_shared>>)
      tpu.yield
    }) : () -> ()
    %barrier3A_7 = arith.constant 0 : index
    tpu.barrier barrier_id(%barrier3A_7)
    %scan3A_8 = arith.constant 0 : i32
    %scan3A_9 = arith.constant 20 : i32
    %scan3A_10 = arith.addi %scan3A_8, %scan3A_9 : i32
    %scan3A_11 = arith.constant 1 : i32
    scf.for %scan3A_25 = %scan3A_8 to %scan3A_10 step %scan3A_11  : i32 {
      %mul3A_26 = arith.constant 2 : i32
      %mul3A_27 = arith.muli %scan3A_25, %mul3A_26 : i32
      %add3A = arith.constant 0 : i32
      %add3A_28 = arith.addi %add3A, %mul3A_27 : i32
      %run_scoped3A_29 = arith.constant 1 : i32
      "tpu.region"() ({
        %run_scoped3A_65 = tpu.sem_alloc : memref<!tpu.dma_semaphore, #tpu.memory_space<semaphore_mem>>
        %dma_start3A_66 = arith.constant 0 : i32
        %dma_start3A_67 = arith.constant 0 : i32
        %dma_start3A_68 = tpu.memref_slice %arg4[%arg0, %run_scoped3A_29, %arg1, %add3A_28, %dma_start3A_66, %dma_start3A_67] : memref<2x3x16x40x1x160xi32, #tpu.memory_space<hbm>> -> memref<1x1x1x1x1x160xi32, #tpu.memory_space<hbm>>
        %dma_start3A_69 = tpu.memref_squeeze %dma_start3A_68 : memref<1x1x1x1x1x160xi32, #tpu.memory_space<hbm>> -> memref<1x160xi32, #tpu.memory_space<hbm>>
        %dma_start3A_70 = arith.constant 0 : i32
        %dma_start3A_71 = arith.constant 0 : i32
        %dma_start3A_72 = tpu.memref_slice %arg4[%arg0, %run_scoped3A_29, %arg1, %add3A_28, %dma_start3A_70, %dma_start3A_71] : memref<2x3x16x40x1x160xi32, #tpu.memory_space<hbm>> -> memref<1x1x1x1x1x160xi32, #tpu.memory_space<hbm>>
        %dma_start3A_73 = tpu.memref_squeeze %dma_start3A_72 : memref<1x1x1x1x1x160xi32, #tpu.memory_space<hbm>> -> memref<1x160xi32, #tpu.memory_space<hbm>>
        tpu.enqueue_dma source(%dma_start3A_73 : memref<1x160xi32, #tpu.memory_space<hbm>>) target(%arg7 : memref<1x160xi32, #tpu.memory_space<vmem>>) target_semaphore(%run_scoped3A_65 : memref<!tpu.dma_semaphore, #tpu.memory_space<semaphore_mem>>)
        %dma_wait3A_74 = arith.constant 0 : i32
        %dma_wait3A_75 = arith.constant 0 : i32
        %dma_wait3A_76 = tpu.memref_slice %arg4[%arg0, %run_scoped3A_29, %arg1, %add3A_28, %dma_wait3A_74, %dma_wait3A_75] : memref<2x3x16x40x1x160xi32, #tpu.memory_space<hbm>> -> memref<1x1x1x1x1x160xi32, #tpu.memory_space<hbm>>
        %dma_wait3A_77 = tpu.memref_squeeze %dma_wait3A_76 : memref<1x1x1x1x1x160xi32, #tpu.memory_space<hbm>> -> memref<1x160xi32, #tpu.memory_space<hbm>>
        %dma_wait3A_78 = arith.constant 0 : i32
        %dma_wait3A_79 = arith.constant 0 : i32
        %dma_wait3A_80 = tpu.memref_slice %arg4[%arg0, %run_scoped3A_29, %arg1, %add3A_28, %dma_wait3A_78, %dma_wait3A_79] : memref<2x3x16x40x1x160xi32, #tpu.memory_space<hbm>> -> memref<1x1x1x1x1x160xi32, #tpu.memory_space<hbm>>
        %dma_wait3A_81 = tpu.memref_squeeze %dma_wait3A_80 : memref<1x1x1x1x1x160xi32, #tpu.memory_space<hbm>> -> memref<1x160xi32, #tpu.memory_space<hbm>>
        tpu.wait_dma2 semaphore(%run_scoped3A_65 : memref<!tpu.dma_semaphore, #tpu.memory_space<semaphore_mem>>) src(%dma_wait3A_81 : memref<1x160xi32, #tpu.memory_space<hbm>>) dst(%arg7 : memref<1x160xi32, #tpu.memory_space<vmem>>)
        tpu.yield
      }) : () -> ()
      %run_scoped3A_30 = arith.constant 1 : i32
      "tpu.region"() ({
        %run_scoped3A_65 = tpu.sem_alloc : memref<!tpu.dma_semaphore, #tpu.memory_space<semaphore_mem>>
        %dma_start3A_66 = arith.constant 0 : i32
        %dma_start3A_67 = arith.constant 0 : i32
        %dma_start3A_68 = tpu.memref_slice %arg5[%run_scoped3A_30, %arg1, %add3A_28, %dma_start3A_66, %dma_start3A_67] : memref<3x16x40x1x160xi32, #tpu.memory_space<hbm>> -> memref<1x1x1x1x160xi32, #tpu.memory_space<hbm>>
        %dma_start3A_69 = tpu.memref_squeeze %dma_start3A_68 : memref<1x1x1x1x160xi32, #tpu.memory_space<hbm>> -> memref<1x160xi32, #tpu.memory_space<hbm>>
        %dma_start3A_70 = arith.constant 0 : i32
        %dma_start3A_71 = arith.constant 0 : i32
        %dma_start3A_72 = tpu.memref_slice %arg5[%run_scoped3A_30, %arg1, %add3A_28, %dma_start3A_70, %dma_start3A_71] : memref<3x16x40x1x160xi32, #tpu.memory_space<hbm>> -> memref<1x1x1x1x160xi32, #tpu.memory_space<hbm>>
        %dma_start3A_73 = tpu.memref_squeeze %dma_start3A_72 : memref<1x1x1x1x160xi32, #tpu.memory_space<hbm>> -> memref<1x160xi32, #tpu.memory_space<hbm>>
        tpu.enqueue_dma source(%dma_start3A_73 : memref<1x160xi32, #tpu.memory_space<hbm>>) target(%arg8 : memref<1x160xi32, #tpu.memory_space<vmem>>) target_semaphore(%run_scoped3A_65 : memref<!tpu.dma_semaphore, #tpu.memory_space<semaphore_mem>>)
        %dma_wait3A_74 = arith.constant 0 : i32
        %dma_wait3A_75 = arith.constant 0 : i32
        %dma_wait3A_76 = tpu.memref_slice %arg5[%run_scoped3A_30, %arg1, %add3A_28, %dma_wait3A_74, %dma_wait3A_75] : memref<3x16x40x1x160xi32, #tpu.memory_space<hbm>> -> memref<1x1x1x1x160xi32, #tpu.memory_space<hbm>>
        %dma_wait3A_77 = tpu.memref_squeeze %dma_wait3A_76 : memref<1x1x1x1x160xi32, #tpu.memory_space<hbm>> -> memref<1x160xi32, #tpu.memory_space<hbm>>
        %dma_wait3A_78 = arith.constant 0 : i32
        %dma_wait3A_79 = arith.constant 0 : i32
        %dma_wait3A_80 = tpu.memref_slice %arg5[%run_scoped3A_30, %arg1, %add3A_28, %dma_wait3A_78, %dma_wait3A_79] : memref<3x16x40x1x160xi32, #tpu.memory_space<hbm>> -> memref<1x1x1x1x160xi32, #tpu.memory_space<hbm>>
        %dma_wait3A_81 = tpu.memref_squeeze %dma_wait3A_80 : memref<1x1x1x1x160xi32, #tpu.memory_space<hbm>> -> memref<1x160xi32, #tpu.memory_space<hbm>>
        tpu.wait_dma2 semaphore(%run_scoped3A_65 : memref<!tpu.dma_semaphore, #tpu.memory_space<semaphore_mem>>) src(%dma_wait3A_81 : memref<1x160xi32, #tpu.memory_space<hbm>>) dst(%arg8 : memref<1x160xi32, #tpu.memory_space<vmem>>)
        tpu.yield
      }) : () -> ()
      %add3A_31 = arith.constant 1 : i32
      %add3A_32 = arith.addi %add3A_28, %add3A_31 : i32
      %run_scoped3A_33 = arith.constant 1 : i32
      "tpu.region"() ({
        %run_scoped3A_65 = tpu.sem_alloc : memref<!tpu.dma_semaphore, #tpu.memory_space<semaphore_mem>>
        %dma_start3A_66 = arith.constant 0 : i32
        %dma_start3A_67 = arith.constant 0 : i32
        %dma_start3A_68 = tpu.memref_slice %arg4[%arg0, %run_scoped3A_33, %arg1, %add3A_32, %dma_start3A_66, %dma_start3A_67] : memref<2x3x16x40x1x160xi32, #tpu.memory_space<hbm>> -> memref<1x1x1x1x1x160xi32, #tpu.memory_space<hbm>>
        %dma_start3A_69 = tpu.memref_squeeze %dma_start3A_68 : memref<1x1x1x1x1x160xi32, #tpu.memory_space<hbm>> -> memref<1x160xi32, #tpu.memory_space<hbm>>
        %dma_start3A_70 = arith.constant 0 : i32
        %dma_start3A_71 = arith.constant 0 : i32
        %dma_start3A_72 = tpu.memref_slice %arg4[%arg0, %run_scoped3A_33, %arg1, %add3A_32, %dma_start3A_70, %dma_start3A_71] : memref<2x3x16x40x1x160xi32, #tpu.memory_space<hbm>> -> memref<1x1x1x1x1x160xi32, #tpu.memory_space<hbm>>
        %dma_start3A_73 = tpu.memref_squeeze %dma_start3A_72 : memref<1x1x1x1x1x160xi32, #tpu.memory_space<hbm>> -> memref<1x160xi32, #tpu.memory_space<hbm>>
        tpu.enqueue_dma source(%dma_start3A_73 : memref<1x160xi32, #tpu.memory_space<hbm>>) target(%arg9 : memref<1x160xi32, #tpu.memory_space<vmem>>) target_semaphore(%run_scoped3A_65 : memref<!tpu.dma_semaphore, #tpu.memory_space<semaphore_mem>>)
        %dma_wait3A_74 = arith.constant 0 : i32
        %dma_wait3A_75 = arith.constant 0 : i32
        %dma_wait3A_76 = tpu.memref_slice %arg4[%arg0, %run_scoped3A_33, %arg1, %add3A_32, %dma_wait3A_74, %dma_wait3A_75] : memref<2x3x16x40x1x160xi32, #tpu.memory_space<hbm>> -> memref<1x1x1x1x1x160xi32, #tpu.memory_space<hbm>>
        %dma_wait3A_77 = tpu.memref_squeeze %dma_wait3A_76 : memref<1x1x1x1x1x160xi32, #tpu.memory_space<hbm>> -> memref<1x160xi32, #tpu.memory_space<hbm>>
        %dma_wait3A_78 = arith.constant 0 : i32
        %dma_wait3A_79 = arith.constant 0 : i32
        %dma_wait3A_80 = tpu.memref_slice %arg4[%arg0, %run_scoped3A_33, %arg1, %add3A_32, %dma_wait3A_78, %dma_wait3A_79] : memref<2x3x16x40x1x160xi32, #tpu.memory_space<hbm>> -> memref<1x1x1x1x1x160xi32, #tpu.memory_space<hbm>>
        %dma_wait3A_81 = tpu.memref_squeeze %dma_wait3A_80 : memref<1x1x1x1x1x160xi32, #tpu.memory_space<hbm>> -> memref<1x160xi32, #tpu.memory_space<hbm>>
        tpu.wait_dma2 semaphore(%run_scoped3A_65 : memref<!tpu.dma_semaphore, #tpu.memory_space<semaphore_mem>>) src(%dma_wait3A_81 : memref<1x160xi32, #tpu.memory_space<hbm>>) dst(%arg9 : memref<1x160xi32, #tpu.memory_space<vmem>>)
        tpu.yield
      }) : () -> ()
      %add3A_34 = arith.constant 1 : i32
      %add3A_35 = arith.addi %add3A_28, %add3A_34 : i32
      %run_scoped3A_36 = arith.constant 1 : i32
      "tpu.region"() ({
        %run_scoped3A_65 = tpu.sem_alloc : memref<!tpu.dma_semaphore, #tpu.memory_space<semaphore_mem>>
        %dma_start3A_66 = arith.constant 0 : i32
        %dma_start3A_67 = arith.constant 0 : i32
        %dma_start3A_68 = tpu.memref_slice %arg5[%run_scoped3A_36, %arg1, %add3A_35, %dma_start3A_66, %dma_start3A_67] : memref<3x16x40x1x160xi32, #tpu.memory_space<hbm>> -> memref<1x1x1x1x160xi32, #tpu.memory_space<hbm>>
        %dma_start3A_69 = tpu.memref_squeeze %dma_start3A_68 : memref<1x1x1x1x160xi32, #tpu.memory_space<hbm>> -> memref<1x160xi32, #tpu.memory_space<hbm>>
        %dma_start3A_70 = arith.constant 0 : i32
        %dma_start3A_71 = arith.constant 0 : i32
        %dma_start3A_72 = tpu.memref_slice %arg5[%run_scoped3A_36, %arg1, %add3A_35, %dma_start3A_70, %dma_start3A_71] : memref<3x16x40x1x160xi32, #tpu.memory_space<hbm>> -> memref<1x1x1x1x160xi32, #tpu.memory_space<hbm>>
        %dma_start3A_73 = tpu.memref_squeeze %dma_start3A_72 : memref<1x1x1x1x160xi32, #tpu.memory_space<hbm>> -> memref<1x160xi32, #tpu.memory_space<hbm>>
        tpu.enqueue_dma source(%dma_start3A_73 : memref<1x160xi32, #tpu.memory_space<hbm>>) target(%arg10 : memref<1x160xi32, #tpu.memory_space<vmem>>) target_semaphore(%run_scoped3A_65 : memref<!tpu.dma_semaphore, #tpu.memory_space<semaphore_mem>>)
        %dma_wait3A_74 = arith.constant 0 : i32
        %dma_wait3A_75 = arith.constant 0 : i32
        %dma_wait3A_76 = tpu.memref_slice %arg5[%run_scoped3A_36, %arg1, %add3A_35, %dma_wait3A_74, %dma_wait3A_75] : memref<3x16x40x1x160xi32, #tpu.memory_space<hbm>> -> memref<1x1x1x1x160xi32, #tpu.memory_space<hbm>>
        %dma_wait3A_77 = tpu.memref_squeeze %dma_wait3A_76 : memref<1x1x1x1x160xi32, #tpu.memory_space<hbm>> -> memref<1x160xi32, #tpu.memory_space<hbm>>
        %dma_wait3A_78 = arith.constant 0 : i32
        %dma_wait3A_79 = arith.constant 0 : i32
        %dma_wait3A_80 = tpu.memref_slice %arg5[%run_scoped3A_36, %arg1, %add3A_35, %dma_wait3A_78, %dma_wait3A_79] : memref<3x16x40x1x160xi32, #tpu.memory_space<hbm>> -> memref<1x1x1x1x160xi32, #tpu.memory_space<hbm>>
        %dma_wait3A_81 = tpu.memref_squeeze %dma_wait3A_80 : memref<1x1x1x1x160xi32, #tpu.memory_space<hbm>> -> memref<1x160xi32, #tpu.memory_space<hbm>>
        tpu.wait_dma2 semaphore(%run_scoped3A_65 : memref<!tpu.dma_semaphore, #tpu.memory_space<semaphore_mem>>) src(%dma_wait3A_81 : memref<1x160xi32, #tpu.memory_space<hbm>>) dst(%arg10 : memref<1x160xi32, #tpu.memory_space<vmem>>)
        tpu.yield
      }) : () -> ()
      %dma_start3A = arith.constant 0 : i32
      %dma_start3A_37 = arith.constant 0 : i32
      %dma_start3A_38 = tpu.memref_slice %arg7[%dma_start3A, %dma_start3A_37] : memref<1x160xi32, #tpu.memory_space<vmem>> -> memref<1x160xi32, #tpu.memory_space<vmem>>
      %dma_start3A_39 = tpu.memref_squeeze %dma_start3A_38 : memref<1x160xi32, #tpu.memory_space<vmem>> -> memref<160xi32, #tpu.memory_space<vmem>>
      %dma_start3A_40 = arith.constant 0 : i32
      %dma_start3A_41 = arith.constant 0 : i32
      %dma_start3A_42 = tpu.memref_slice %arg2[%dma_start3A_40, %dma_start3A_41] : memref<20000x128xf32, #tpu.memory_space<hbm>> -> memref<20000x128xf32, #tpu.memory_space<hbm>>
      tpu.enqueue_indirect_dma source(%dma_start3A_42 : memref<20000x128xf32, #tpu.memory_space<hbm>>) target(%arg11 : memref<160x128xf32, #tpu.memory_space<vmem>>) offsets(%dma_start3A_39 : memref<160xi32, #tpu.memory_space<vmem>>) semaphore(%arg13 : memref<!tpu.dma_semaphore, #tpu.memory_space<semaphore_mem>>)
      %dma_start3A_43 = arith.constant 0 : i32
      %dma_start3A_44 = arith.constant 0 : i32
      %dma_start3A_45 = tpu.memref_slice %arg9[%dma_start3A_43, %dma_start3A_44] : memref<1x160xi32, #tpu.memory_space<vmem>> -> memref<1x160xi32, #tpu.memory_space<vmem>>
      %dma_start3A_46 = tpu.memref_squeeze %dma_start3A_45 : memref<1x160xi32, #tpu.memory_space<vmem>> -> memref<160xi32, #tpu.memory_space<vmem>>
      %dma_start3A_47 = arith.constant 0 : i32
      %dma_start3A_48 = arith.constant 0 : i32
      %dma_start3A_49 = tpu.memref_slice %arg2[%dma_start3A_47, %dma_start3A_48] : memref<20000x128xf32, #tpu.memory_space<hbm>> -> memref<20000x128xf32, #tpu.memory_space<hbm>>
      tpu.enqueue_indirect_dma source(%dma_start3A_49 : memref<20000x128xf32, #tpu.memory_space<hbm>>) target(%arg12 : memref<160x128xf32, #tpu.memory_space<vmem>>) offsets(%dma_start3A_46 : memref<160xi32, #tpu.memory_space<vmem>>) semaphore(%arg14 : memref<!tpu.dma_semaphore, #tpu.memory_space<semaphore_mem>>)
      %dma_wait3A = arith.constant 0 : i32
      %dma_wait3A_50 = arith.constant 0 : i32
      %dma_wait3A_51 = tpu.memref_slice %arg7[%dma_wait3A, %dma_wait3A_50] : memref<1x160xi32, #tpu.memory_space<vmem>> -> memref<1x160xi32, #tpu.memory_space<vmem>>
      %dma_wait3A_52 = tpu.memref_squeeze %dma_wait3A_51 : memref<1x160xi32, #tpu.memory_space<vmem>> -> memref<160xi32, #tpu.memory_space<vmem>>
      %dma_wait3A_53 = arith.constant 0 : i32
      %dma_wait3A_54 = arith.constant 0 : i32
      %dma_wait3A_55 = tpu.memref_slice %arg2[%dma_wait3A_53, %dma_wait3A_54] : memref<20000x128xf32, #tpu.memory_space<hbm>> -> memref<20000x128xf32, #tpu.memory_space<hbm>>
      tpu.wait_indirect_dma semaphore(%arg13 : memref<!tpu.dma_semaphore, #tpu.memory_space<semaphore_mem>>) src(%dma_wait3A_55 : memref<20000x128xf32, #tpu.memory_space<hbm>>) dst(%arg11 : memref<160x128xf32, #tpu.memory_space<vmem>>)
      %run_scoped3A_56 = arith.constant 0 : i32
      "tpu.region"() ({
        %run_scoped3A_65 = tpu.sem_alloc : memref<!tpu.dma_semaphore, #tpu.memory_space<semaphore_mem>>
        %dma_start3A_66 = arith.constant 0 : i32
        %dma_start3A_67 = tpu.memref_slice %arg8[%run_scoped3A_56, %dma_start3A_66] : memref<1x160xi32, #tpu.memory_space<vmem>> -> memref<1x160xi32, #tpu.memory_space<vmem>>
        %dma_start3A_68 = tpu.memref_squeeze %dma_start3A_67 : memref<1x160xi32, #tpu.memory_space<vmem>> -> memref<160xi32, #tpu.memory_space<vmem>>
        %dma_start3A_69 = arith.constant 0 : i32
        %dma_start3A_70 = arith.constant 0 : i32
        %dma_start3A_71 = tpu.memref_slice %arg15[%dma_start3A_69, %dma_start3A_70] : memref<10240x128xf32, #tpu.memory_space<vmem_shared>> -> memref<10240x128xf32, #tpu.memory_space<vmem_shared>>
        tpu.enqueue_indirect_dma source(%arg11 : memref<160x128xf32, #tpu.memory_space<vmem>>) target(%dma_start3A_71 : memref<10240x128xf32, #tpu.memory_space<vmem_shared>>) offsets(%dma_start3A_68 : memref<160xi32, #tpu.memory_space<vmem>>) semaphore(%run_scoped3A_65 : memref<!tpu.dma_semaphore, #tpu.memory_space<semaphore_mem>>) {add = true}
        %dma_wait3A_72 = arith.constant 0 : i32
        %dma_wait3A_73 = tpu.memref_slice %arg8[%run_scoped3A_56, %dma_wait3A_72] : memref<1x160xi32, #tpu.memory_space<vmem>> -> memref<1x160xi32, #tpu.memory_space<vmem>>
        %dma_wait3A_74 = tpu.memref_squeeze %dma_wait3A_73 : memref<1x160xi32, #tpu.memory_space<vmem>> -> memref<160xi32, #tpu.memory_space<vmem>>
        %dma_wait3A_75 = arith.constant 0 : i32
        %dma_wait3A_76 = arith.constant 0 : i32
        %dma_wait3A_77 = tpu.memref_slice %arg15[%dma_wait3A_75, %dma_wait3A_76] : memref<10240x128xf32, #tpu.memory_space<vmem_shared>> -> memref<10240x128xf32, #tpu.memory_space<vmem_shared>>
        tpu.wait_indirect_dma semaphore(%run_scoped3A_65 : memref<!tpu.dma_semaphore, #tpu.memory_space<semaphore_mem>>) src(%arg11 : memref<160x128xf32, #tpu.memory_space<vmem>>) dst(%dma_wait3A_77 : memref<10240x128xf32, #tpu.memory_space<vmem_shared>>)
        tpu.yield
      }) : () -> ()
      %dma_wait3A_57 = arith.constant 0 : i32
      %dma_wait3A_58 = arith.constant 0 : i32
      %dma_wait3A_59 = tpu.memref_slice %arg9[%dma_wait3A_57, %dma_wait3A_58] : memref<1x160xi32, #tpu.memory_space<vmem>> -> memref<1x160xi32, #tpu.memory_space<vmem>>
      %dma_wait3A_60 = tpu.memref_squeeze %dma_wait3A_59 : memref<1x160xi32, #tpu.memory_space<vmem>> -> memref<160xi32, #tpu.memory_space<vmem>>
      %dma_wait3A_61 = arith.constant 0 : i32
      %dma_wait3A_62 = arith.constant 0 : i32
      %dma_wait3A_63 = tpu.memref_slice %arg2[%dma_wait3A_61, %dma_wait3A_62] : memref<20000x128xf32, #tpu.memory_space<hbm>> -> memref<20000x128xf32, #tpu.memory_space<hbm>>
      tpu.wait_indirect_dma semaphore(%arg14 : memref<!tpu.dma_semaphore, #tpu.memory_space<semaphore_mem>>) src(%dma_wait3A_63 : memref<20000x128xf32, #tpu.memory_space<hbm>>) dst(%arg12 : memref<160x128xf32, #tpu.memory_space<vmem>>)
      %run_scoped3A_64 = arith.constant 0 : i32
      "tpu.region"() ({
        %run_scoped3A_65 = tpu.sem_alloc : memref<!tpu.dma_semaphore, #tpu.memory_space<semaphore_mem>>
        %dma_start3A_66 = arith.constant 0 : i32
        %dma_start3A_67 = tpu.memref_slice %arg10[%run_scoped3A_64, %dma_start3A_66] : memref<1x160xi32, #tpu.memory_space<vmem>> -> memref<1x160xi32, #tpu.memory_space<vmem>>
        %dma_start3A_68 = tpu.memref_squeeze %dma_start3A_67 : memref<1x160xi32, #tpu.memory_space<vmem>> -> memref<160xi32, #tpu.memory_space<vmem>>
        %dma_start3A_69 = arith.constant 0 : i32
        %dma_start3A_70 = arith.constant 0 : i32
        %dma_start3A_71 = tpu.memref_slice %arg15[%dma_start3A_69, %dma_start3A_70] : memref<10240x128xf32, #tpu.memory_space<vmem_shared>> -> memref<10240x128xf32, #tpu.memory_space<vmem_shared>>
        tpu.enqueue_indirect_dma source(%arg12 : memref<160x128xf32, #tpu.memory_space<vmem>>) target(%dma_start3A_71 : memref<10240x128xf32, #tpu.memory_space<vmem_shared>>) offsets(%dma_start3A_68 : memref<160xi32, #tpu.memory_space<vmem>>) semaphore(%run_scoped3A_65 : memref<!tpu.dma_semaphore, #tpu.memory_space<semaphore_mem>>) {add = true}
        %dma_wait3A_72 = arith.constant 0 : i32
        %dma_wait3A_73 = tpu.memref_slice %arg10[%run_scoped3A_64, %dma_wait3A_72] : memref<1x160xi32, #tpu.memory_space<vmem>> -> memref<1x160xi32, #tpu.memory_space<vmem>>
        %dma_wait3A_74 = tpu.memref_squeeze %dma_wait3A_73 : memref<1x160xi32, #tpu.memory_space<vmem>> -> memref<160xi32, #tpu.memory_space<vmem>>
        %dma_wait3A_75 = arith.constant 0 : i32
        %dma_wait3A_76 = arith.constant 0 : i32
        %dma_wait3A_77 = tpu.memref_slice %arg15[%dma_wait3A_75, %dma_wait3A_76] : memref<10240x128xf32, #tpu.memory_space<vmem_shared>> -> memref<10240x128xf32, #tpu.memory_space<vmem_shared>>
        tpu.wait_indirect_dma semaphore(%run_scoped3A_65 : memref<!tpu.dma_semaphore, #tpu.memory_space<semaphore_mem>>) src(%arg12 : memref<160x128xf32, #tpu.memory_space<vmem>>) dst(%dma_wait3A_77 : memref<10240x128xf32, #tpu.memory_space<vmem_shared>>)
        tpu.yield
      }) : () -> ()
    }
    %scan3A_12 = arith.constant 20 : i32
    %barrier3A_13 = arith.constant 0 : index
    tpu.barrier barrier_id(%barrier3A_13)
    %run_scoped3A_14 = arith.constant 1 : i32
    "tpu.region"() ({
      %run_scoped3A_25 = tpu.sem_alloc : memref<!tpu.dma_semaphore, #tpu.memory_space<semaphore_mem>>
      %dma_start3A = arith.constant 0 : i32
      %dma_start3A_26 = tpu.memref_slice %arg6[%run_scoped3A_14, %arg0, %mul3A_0, %dma_start3A] : memref<3x2x10240x128xf32, #tpu.memory_space<hbm>> -> memref<1x1x640x128xf32, #tpu.memory_space<hbm>>
      %dma_start3A_27 = tpu.memref_squeeze %dma_start3A_26 : memref<1x1x640x128xf32, #tpu.memory_space<hbm>> -> memref<640x128xf32, #tpu.memory_space<hbm>>
      %dma_start3A_28 = arith.constant 0 : i32
      %dma_start3A_29 = tpu.memref_slice %arg15[%mul3A_0, %dma_start3A_28] : memref<10240x128xf32, #tpu.memory_space<vmem_shared>> -> memref<640x128xf32, #tpu.memory_space<vmem_shared>>
      tpu.enqueue_dma source(%dma_start3A_29 : memref<640x128xf32, #tpu.memory_space<vmem_shared>>) target(%dma_start3A_27 : memref<640x128xf32, #tpu.memory_space<hbm>>) target_semaphore(%run_scoped3A_25 : memref<!tpu.dma_semaphore, #tpu.memory_space<semaphore_mem>>)
      %dma_wait3A = arith.constant 0 : i32
      %dma_wait3A_30 = tpu.memref_slice %arg6[%run_scoped3A_14, %arg0, %mul3A_0, %dma_wait3A] : memref<3x2x10240x128xf32, #tpu.memory_space<hbm>> -> memref<1x1x640x128xf32, #tpu.memory_space<hbm>>
      %dma_wait3A_31 = tpu.memref_squeeze %dma_wait3A_30 : memref<1x1x640x128xf32, #tpu.memory_space<hbm>> -> memref<640x128xf32, #tpu.memory_space<hbm>>
      %dma_wait3A_32 = arith.constant 0 : i32
      %dma_wait3A_33 = tpu.memref_slice %arg15[%mul3A_0, %dma_wait3A_32] : memref<10240x128xf32, #tpu.memory_space<vmem_shared>> -> memref<640x128xf32, #tpu.memory_space<vmem_shared>>
      tpu.wait_dma2 semaphore(%run_scoped3A_25 : memref<!tpu.dma_semaphore, #tpu.memory_space<semaphore_mem>>) src(%dma_wait3A_33 : memref<640x128xf32, #tpu.memory_space<vmem_shared>>) dst(%dma_wait3A_31 : memref<640x128xf32, #tpu.memory_space<hbm>>)
      tpu.yield
    }) : () -> ()
    %barrier3A_15 = arith.constant 0 : index
    tpu.barrier barrier_id(%barrier3A_15)
    "tpu.region"() ({
      %run_scoped3A_25 = tpu.sem_alloc : memref<!tpu.dma_semaphore, #tpu.memory_space<semaphore_mem>>
      %dma_start3A = arith.constant 0 : i32
      %dma_start3A_26 = tpu.memref_slice %arg15[%mul3A_0, %dma_start3A] : memref<10240x128xf32, #tpu.memory_space<vmem_shared>> -> memref<640x128xf32, #tpu.memory_space<vmem_shared>>
      %dma_start3A_27 = arith.constant 0 : i32
      %dma_start3A_28 = tpu.memref_slice %arg3[%mul3A_0, %dma_start3A_27] : memref<10240x128xf32, #tpu.memory_space<hbm>> -> memref<640x128xf32, #tpu.memory_space<hbm>>
      tpu.enqueue_dma source(%dma_start3A_28 : memref<640x128xf32, #tpu.memory_space<hbm>>) target(%dma_start3A_26 : memref<640x128xf32, #tpu.memory_space<vmem_shared>>) target_semaphore(%run_scoped3A_25 : memref<!tpu.dma_semaphore, #tpu.memory_space<semaphore_mem>>)
      %dma_wait3A = arith.constant 0 : i32
      %dma_wait3A_29 = tpu.memref_slice %arg15[%mul3A_0, %dma_wait3A] : memref<10240x128xf32, #tpu.memory_space<vmem_shared>> -> memref<640x128xf32, #tpu.memory_space<vmem_shared>>
      %dma_wait3A_30 = arith.constant 0 : i32
      %dma_wait3A_31 = tpu.memref_slice %arg3[%mul3A_0, %dma_wait3A_30] : memref<10240x128xf32, #tpu.memory_space<hbm>> -> memref<640x128xf32, #tpu.memory_space<hbm>>
      tpu.wait_dma2 semaphore(%run_scoped3A_25 : memref<!tpu.dma_semaphore, #tpu.memory_space<semaphore_mem>>) src(%dma_wait3A_31 : memref<640x128xf32, #tpu.memory_space<hbm>>) dst(%dma_wait3A_29 : memref<640x128xf32, #tpu.memory_space<vmem_shared>>)
      tpu.yield
    }) : () -> ()
    %barrier3A_16 = arith.constant 0 : index
    tpu.barrier barrier_id(%barrier3A_16)
    %scan3A_17 = arith.constant 0 : i32
    %scan3A_18 = arith.constant 20 : i32
    %scan3A_19 = arith.addi %scan3A_17, %scan3A_18 : i32
    %scan3A_20 = arith.constant 1 : i32
    scf.for %scan3A_25 = %scan3A_17 to %scan3A_19 step %scan3A_20  : i32 {
      %mul3A_26 = arith.constant 2 : i32
      %mul3A_27 = arith.muli %scan3A_25, %mul3A_26 : i32
      %add3A = arith.constant 0 : i32
      %add3A_28 = arith.addi %add3A, %mul3A_27 : i32
      %run_scoped3A_29 = arith.constant 2 : i32
      "tpu.region"() ({
        %run_scoped3A_65 = tpu.sem_alloc : memref<!tpu.dma_semaphore, #tpu.memory_space<semaphore_mem>>
        %dma_start3A_66 = arith.constant 0 : i32
        %dma_start3A_67 = arith.constant 0 : i32
        %dma_start3A_68 = tpu.memref_slice %arg4[%arg0, %run_scoped3A_29, %arg1, %add3A_28, %dma_start3A_66, %dma_start3A_67] : memref<2x3x16x40x1x160xi32, #tpu.memory_space<hbm>> -> memref<1x1x1x1x1x160xi32, #tpu.memory_space<hbm>>
        %dma_start3A_69 = tpu.memref_squeeze %dma_start3A_68 : memref<1x1x1x1x1x160xi32, #tpu.memory_space<hbm>> -> memref<1x160xi32, #tpu.memory_space<hbm>>
        %dma_start3A_70 = arith.constant 0 : i32
        %dma_start3A_71 = arith.constant 0 : i32
        %dma_start3A_72 = tpu.memref_slice %arg4[%arg0, %run_scoped3A_29, %arg1, %add3A_28, %dma_start3A_70, %dma_start3A_71] : memref<2x3x16x40x1x160xi32, #tpu.memory_space<hbm>> -> memref<1x1x1x1x1x160xi32, #tpu.memory_space<hbm>>
        %dma_start3A_73 = tpu.memref_squeeze %dma_start3A_72 : memref<1x1x1x1x1x160xi32, #tpu.memory_space<hbm>> -> memref<1x160xi32, #tpu.memory_space<hbm>>
        tpu.enqueue_dma source(%dma_start3A_73 : memref<1x160xi32, #tpu.memory_space<hbm>>) target(%arg7 : memref<1x160xi32, #tpu.memory_space<vmem>>) target_semaphore(%run_scoped3A_65 : memref<!tpu.dma_semaphore, #tpu.memory_space<semaphore_mem>>)
        %dma_wait3A_74 = arith.constant 0 : i32
        %dma_wait3A_75 = arith.constant 0 : i32
        %dma_wait3A_76 = tpu.memref_slice %arg4[%arg0, %run_scoped3A_29, %arg1, %add3A_28, %dma_wait3A_74, %dma_wait3A_75] : memref<2x3x16x40x1x160xi32, #tpu.memory_space<hbm>> -> memref<1x1x1x1x1x160xi32, #tpu.memory_space<hbm>>
        %dma_wait3A_77 = tpu.memref_squeeze %dma_wait3A_76 : memref<1x1x1x1x1x160xi32, #tpu.memory_space<hbm>> -> memref<1x160xi32, #tpu.memory_space<hbm>>
        %dma_wait3A_78 = arith.constant 0 : i32
        %dma_wait3A_79 = arith.constant 0 : i32
        %dma_wait3A_80 = tpu.memref_slice %arg4[%arg0, %run_scoped3A_29, %arg1, %add3A_28, %dma_wait3A_78, %dma_wait3A_79] : memref<2x3x16x40x1x160xi32, #tpu.memory_space<hbm>> -> memref<1x1x1x1x1x160xi32, #tpu.memory_space<hbm>>
        %dma_wait3A_81 = tpu.memref_squeeze %dma_wait3A_80 : memref<1x1x1x1x1x160xi32, #tpu.memory_space<hbm>> -> memref<1x160xi32, #tpu.memory_space<hbm>>
        tpu.wait_dma2 semaphore(%run_scoped3A_65 : memref<!tpu.dma_semaphore, #tpu.memory_space<semaphore_mem>>) src(%dma_wait3A_81 : memref<1x160xi32, #tpu.memory_space<hbm>>) dst(%arg7 : memref<1x160xi32, #tpu.memory_space<vmem>>)
        tpu.yield
      }) : () -> ()
      %run_scoped3A_30 = arith.constant 2 : i32
      "tpu.region"() ({
        %run_scoped3A_65 = tpu.sem_alloc : memref<!tpu.dma_semaphore, #tpu.memory_space<semaphore_mem>>
        %dma_start3A_66 = arith.constant 0 : i32
        %dma_start3A_67 = arith.constant 0 : i32
        %dma_start3A_68 = tpu.memref_slice %arg5[%run_scoped3A_30, %arg1, %add3A_28, %dma_start3A_66, %dma_start3A_67] : memref<3x16x40x1x160xi32, #tpu.memory_space<hbm>> -> memref<1x1x1x1x160xi32, #tpu.memory_space<hbm>>
        %dma_start3A_69 = tpu.memref_squeeze %dma_start3A_68 : memref<1x1x1x1x160xi32, #tpu.memory_space<hbm>> -> memref<1x160xi32, #tpu.memory_space<hbm>>
        %dma_start3A_70 = arith.constant 0 : i32
        %dma_start3A_71 = arith.constant 0 : i32
        %dma_start3A_72 = tpu.memref_slice %arg5[%run_scoped3A_30, %arg1, %add3A_28, %dma_start3A_70, %dma_start3A_71] : memref<3x16x40x1x160xi32, #tpu.memory_space<hbm>> -> memref<1x1x1x1x160xi32, #tpu.memory_space<hbm>>
        %dma_start3A_73 = tpu.memref_squeeze %dma_start3A_72 : memref<1x1x1x1x160xi32, #tpu.memory_space<hbm>> -> memref<1x160xi32, #tpu.memory_space<hbm>>
        tpu.enqueue_dma source(%dma_start3A_73 : memref<1x160xi32, #tpu.memory_space<hbm>>) target(%arg8 : memref<1x160xi32, #tpu.memory_space<vmem>>) target_semaphore(%run_scoped3A_65 : memref<!tpu.dma_semaphore, #tpu.memory_space<semaphore_mem>>)
        %dma_wait3A_74 = arith.constant 0 : i32
        %dma_wait3A_75 = arith.constant 0 : i32
        %dma_wait3A_76 = tpu.memref_slice %arg5[%run_scoped3A_30, %arg1, %add3A_28, %dma_wait3A_74, %dma_wait3A_75] : memref<3x16x40x1x160xi32, #tpu.memory_space<hbm>> -> memref<1x1x1x1x160xi32, #tpu.memory_space<hbm>>
        %dma_wait3A_77 = tpu.memref_squeeze %dma_wait3A_76 : memref<1x1x1x1x160xi32, #tpu.memory_space<hbm>> -> memref<1x160xi32, #tpu.memory_space<hbm>>
        %dma_wait3A_78 = arith.constant 0 : i32
        %dma_wait3A_79 = arith.constant 0 : i32
        %dma_wait3A_80 = tpu.memref_slice %arg5[%run_scoped3A_30, %arg1, %add3A_28, %dma_wait3A_78, %dma_wait3A_79] : memref<3x16x40x1x160xi32, #tpu.memory_space<hbm>> -> memref<1x1x1x1x160xi32, #tpu.memory_space<hbm>>
        %dma_wait3A_81 = tpu.memref_squeeze %dma_wait3A_80 : memref<1x1x1x1x160xi32, #tpu.memory_space<hbm>> -> memref<1x160xi32, #tpu.memory_space<hbm>>
        tpu.wait_dma2 semaphore(%run_scoped3A_65 : memref<!tpu.dma_semaphore, #tpu.memory_space<semaphore_mem>>) src(%dma_wait3A_81 : memref<1x160xi32, #tpu.memory_space<hbm>>) dst(%arg8 : memref<1x160xi32, #tpu.memory_space<vmem>>)
        tpu.yield
      }) : () -> ()
      %add3A_31 = arith.constant 1 : i32
      %add3A_32 = arith.addi %add3A_28, %add3A_31 : i32
      %run_scoped3A_33 = arith.constant 2 : i32
      "tpu.region"() ({
        %run_scoped3A_65 = tpu.sem_alloc : memref<!tpu.dma_semaphore, #tpu.memory_space<semaphore_mem>>
        %dma_start3A_66 = arith.constant 0 : i32
        %dma_start3A_67 = arith.constant 0 : i32
        %dma_start3A_68 = tpu.memref_slice %arg4[%arg0, %run_scoped3A_33, %arg1, %add3A_32, %dma_start3A_66, %dma_start3A_67] : memref<2x3x16x40x1x160xi32, #tpu.memory_space<hbm>> -> memref<1x1x1x1x1x160xi32, #tpu.memory_space<hbm>>
        %dma_start3A_69 = tpu.memref_squeeze %dma_start3A_68 : memref<1x1x1x1x1x160xi32, #tpu.memory_space<hbm>> -> memref<1x160xi32, #tpu.memory_space<hbm>>
        %dma_start3A_70 = arith.constant 0 : i32
        %dma_start3A_71 = arith.constant 0 : i32
        %dma_start3A_72 = tpu.memref_slice %arg4[%arg0, %run_scoped3A_33, %arg1, %add3A_32, %dma_start3A_70, %dma_start3A_71] : memref<2x3x16x40x1x160xi32, #tpu.memory_space<hbm>> -> memref<1x1x1x1x1x160xi32, #tpu.memory_space<hbm>>
        %dma_start3A_73 = tpu.memref_squeeze %dma_start3A_72 : memref<1x1x1x1x1x160xi32, #tpu.memory_space<hbm>> -> memref<1x160xi32, #tpu.memory_space<hbm>>
        tpu.enqueue_dma source(%dma_start3A_73 : memref<1x160xi32, #tpu.memory_space<hbm>>) target(%arg9 : memref<1x160xi32, #tpu.memory_space<vmem>>) target_semaphore(%run_scoped3A_65 : memref<!tpu.dma_semaphore, #tpu.memory_space<semaphore_mem>>)
        %dma_wait3A_74 = arith.constant 0 : i32
        %dma_wait3A_75 = arith.constant 0 : i32
        %dma_wait3A_76 = tpu.memref_slice %arg4[%arg0, %run_scoped3A_33, %arg1, %add3A_32, %dma_wait3A_74, %dma_wait3A_75] : memref<2x3x16x40x1x160xi32, #tpu.memory_space<hbm>> -> memref<1x1x1x1x1x160xi32, #tpu.memory_space<hbm>>
        %dma_wait3A_77 = tpu.memref_squeeze %dma_wait3A_76 : memref<1x1x1x1x1x160xi32, #tpu.memory_space<hbm>> -> memref<1x160xi32, #tpu.memory_space<hbm>>
        %dma_wait3A_78 = arith.constant 0 : i32
        %dma_wait3A_79 = arith.constant 0 : i32
        %dma_wait3A_80 = tpu.memref_slice %arg4[%arg0, %run_scoped3A_33, %arg1, %add3A_32, %dma_wait3A_78, %dma_wait3A_79] : memref<2x3x16x40x1x160xi32, #tpu.memory_space<hbm>> -> memref<1x1x1x1x1x160xi32, #tpu.memory_space<hbm>>
        %dma_wait3A_81 = tpu.memref_squeeze %dma_wait3A_80 : memref<1x1x1x1x1x160xi32, #tpu.memory_space<hbm>> -> memref<1x160xi32, #tpu.memory_space<hbm>>
        tpu.wait_dma2 semaphore(%run_scoped3A_65 : memref<!tpu.dma_semaphore, #tpu.memory_space<semaphore_mem>>) src(%dma_wait3A_81 : memref<1x160xi32, #tpu.memory_space<hbm>>) dst(%arg9 : memref<1x160xi32, #tpu.memory_space<vmem>>)
        tpu.yield
      }) : () -> ()
      %add3A_34 = arith.constant 1 : i32
      %add3A_35 = arith.addi %add3A_28, %add3A_34 : i32
      %run_scoped3A_36 = arith.constant 2 : i32
      "tpu.region"() ({
        %run_scoped3A_65 = tpu.sem_alloc : memref<!tpu.dma_semaphore, #tpu.memory_space<semaphore_mem>>
        %dma_start3A_66 = arith.constant 0 : i32
        %dma_start3A_67 = arith.constant 0 : i32
        %dma_start3A_68 = tpu.memref_slice %arg5[%run_scoped3A_36, %arg1, %add3A_35, %dma_start3A_66, %dma_start3A_67] : memref<3x16x40x1x160xi32, #tpu.memory_space<hbm>> -> memref<1x1x1x1x160xi32, #tpu.memory_space<hbm>>
        %dma_start3A_69 = tpu.memref_squeeze %dma_start3A_68 : memref<1x1x1x1x160xi32, #tpu.memory_space<hbm>> -> memref<1x160xi32, #tpu.memory_space<hbm>>
        %dma_start3A_70 = arith.constant 0 : i32
        %dma_start3A_71 = arith.constant 0 : i32
        %dma_start3A_72 = tpu.memref_slice %arg5[%run_scoped3A_36, %arg1, %add3A_35, %dma_start3A_70, %dma_start3A_71] : memref<3x16x40x1x160xi32, #tpu.memory_space<hbm>> -> memref<1x1x1x1x160xi32, #tpu.memory_space<hbm>>
        %dma_start3A_73 = tpu.memref_squeeze %dma_start3A_72 : memref<1x1x1x1x160xi32, #tpu.memory_space<hbm>> -> memref<1x160xi32, #tpu.memory_space<hbm>>
        tpu.enqueue_dma source(%dma_start3A_73 : memref<1x160xi32, #tpu.memory_space<hbm>>) target(%arg10 : memref<1x160xi32, #tpu.memory_space<vmem>>) target_semaphore(%run_scoped3A_65 : memref<!tpu.dma_semaphore, #tpu.memory_space<semaphore_mem>>)
        %dma_wait3A_74 = arith.constant 0 : i32
        %dma_wait3A_75 = arith.constant 0 : i32
        %dma_wait3A_76 = tpu.memref_slice %arg5[%run_scoped3A_36, %arg1, %add3A_35, %dma_wait3A_74, %dma_wait3A_75] : memref<3x16x40x1x160xi32, #tpu.memory_space<hbm>> -> memref<1x1x1x1x160xi32, #tpu.memory_space<hbm>>
        %dma_wait3A_77 = tpu.memref_squeeze %dma_wait3A_76 : memref<1x1x1x1x160xi32, #tpu.memory_space<hbm>> -> memref<1x160xi32, #tpu.memory_space<hbm>>
        %dma_wait3A_78 = arith.constant 0 : i32
        %dma_wait3A_79 = arith.constant 0 : i32
        %dma_wait3A_80 = tpu.memref_slice %arg5[%run_scoped3A_36, %arg1, %add3A_35, %dma_wait3A_78, %dma_wait3A_79] : memref<3x16x40x1x160xi32, #tpu.memory_space<hbm>> -> memref<1x1x1x1x160xi32, #tpu.memory_space<hbm>>
        %dma_wait3A_81 = tpu.memref_squeeze %dma_wait3A_80 : memref<1x1x1x1x160xi32, #tpu.memory_space<hbm>> -> memref<1x160xi32, #tpu.memory_space<hbm>>
        tpu.wait_dma2 semaphore(%run_scoped3A_65 : memref<!tpu.dma_semaphore, #tpu.memory_space<semaphore_mem>>) src(%dma_wait3A_81 : memref<1x160xi32, #tpu.memory_space<hbm>>) dst(%arg10 : memref<1x160xi32, #tpu.memory_space<vmem>>)
        tpu.yield
      }) : () -> ()
      %dma_start3A = arith.constant 0 : i32
      %dma_start3A_37 = arith.constant 0 : i32
      %dma_start3A_38 = tpu.memref_slice %arg7[%dma_start3A, %dma_start3A_37] : memref<1x160xi32, #tpu.memory_space<vmem>> -> memref<1x160xi32, #tpu.memory_space<vmem>>
      %dma_start3A_39 = tpu.memref_squeeze %dma_start3A_38 : memref<1x160xi32, #tpu.memory_space<vmem>> -> memref<160xi32, #tpu.memory_space<vmem>>
      %dma_start3A_40 = arith.constant 0 : i32
      %dma_start3A_41 = arith.constant 0 : i32
      %dma_start3A_42 = tpu.memref_slice %arg2[%dma_start3A_40, %dma_start3A_41] : memref<20000x128xf32, #tpu.memory_space<hbm>> -> memref<20000x128xf32, #tpu.memory_space<hbm>>
      tpu.enqueue_indirect_dma source(%dma_start3A_42 : memref<20000x128xf32, #tpu.memory_space<hbm>>) target(%arg11 : memref<160x128xf32, #tpu.memory_space<vmem>>) offsets(%dma_start3A_39 : memref<160xi32, #tpu.memory_space<vmem>>) semaphore(%arg13 : memref<!tpu.dma_semaphore, #tpu.memory_space<semaphore_mem>>)
      %dma_start3A_43 = arith.constant 0 : i32
      %dma_start3A_44 = arith.constant 0 : i32
      %dma_start3A_45 = tpu.memref_slice %arg9[%dma_start3A_43, %dma_start3A_44] : memref<1x160xi32, #tpu.memory_space<vmem>> -> memref<1x160xi32, #tpu.memory_space<vmem>>
      %dma_start3A_46 = tpu.memref_squeeze %dma_start3A_45 : memref<1x160xi32, #tpu.memory_space<vmem>> -> memref<160xi32, #tpu.memory_space<vmem>>
      %dma_start3A_47 = arith.constant 0 : i32
      %dma_start3A_48 = arith.constant 0 : i32
      %dma_start3A_49 = tpu.memref_slice %arg2[%dma_start3A_47, %dma_start3A_48] : memref<20000x128xf32, #tpu.memory_space<hbm>> -> memref<20000x128xf32, #tpu.memory_space<hbm>>
      tpu.enqueue_indirect_dma source(%dma_start3A_49 : memref<20000x128xf32, #tpu.memory_space<hbm>>) target(%arg12 : memref<160x128xf32, #tpu.memory_space<vmem>>) offsets(%dma_start3A_46 : memref<160xi32, #tpu.memory_space<vmem>>) semaphore(%arg14 : memref<!tpu.dma_semaphore, #tpu.memory_space<semaphore_mem>>)
      %dma_wait3A = arith.constant 0 : i32
      %dma_wait3A_50 = arith.constant 0 : i32
      %dma_wait3A_51 = tpu.memref_slice %arg7[%dma_wait3A, %dma_wait3A_50] : memref<1x160xi32, #tpu.memory_space<vmem>> -> memref<1x160xi32, #tpu.memory_space<vmem>>
      %dma_wait3A_52 = tpu.memref_squeeze %dma_wait3A_51 : memref<1x160xi32, #tpu.memory_space<vmem>> -> memref<160xi32, #tpu.memory_space<vmem>>
      %dma_wait3A_53 = arith.constant 0 : i32
      %dma_wait3A_54 = arith.constant 0 : i32
      %dma_wait3A_55 = tpu.memref_slice %arg2[%dma_wait3A_53, %dma_wait3A_54] : memref<20000x128xf32, #tpu.memory_space<hbm>> -> memref<20000x128xf32, #tpu.memory_space<hbm>>
      tpu.wait_indirect_dma semaphore(%arg13 : memref<!tpu.dma_semaphore, #tpu.memory_space<semaphore_mem>>) src(%dma_wait3A_55 : memref<20000x128xf32, #tpu.memory_space<hbm>>) dst(%arg11 : memref<160x128xf32, #tpu.memory_space<vmem>>)
      %run_scoped3A_56 = arith.constant 0 : i32
      "tpu.region"() ({
        %run_scoped3A_65 = tpu.sem_alloc : memref<!tpu.dma_semaphore, #tpu.memory_space<semaphore_mem>>
        %dma_start3A_66 = arith.constant 0 : i32
        %dma_start3A_67 = tpu.memref_slice %arg8[%run_scoped3A_56, %dma_start3A_66] : memref<1x160xi32, #tpu.memory_space<vmem>> -> memref<1x160xi32, #tpu.memory_space<vmem>>
        %dma_start3A_68 = tpu.memref_squeeze %dma_start3A_67 : memref<1x160xi32, #tpu.memory_space<vmem>> -> memref<160xi32, #tpu.memory_space<vmem>>
        %dma_start3A_69 = arith.constant 0 : i32
        %dma_start3A_70 = arith.constant 0 : i32
        %dma_start3A_71 = tpu.memref_slice %arg15[%dma_start3A_69, %dma_start3A_70] : memref<10240x128xf32, #tpu.memory_space<vmem_shared>> -> memref<10240x128xf32, #tpu.memory_space<vmem_shared>>
        tpu.enqueue_indirect_dma source(%arg11 : memref<160x128xf32, #tpu.memory_space<vmem>>) target(%dma_start3A_71 : memref<10240x128xf32, #tpu.memory_space<vmem_shared>>) offsets(%dma_start3A_68 : memref<160xi32, #tpu.memory_space<vmem>>) semaphore(%run_scoped3A_65 : memref<!tpu.dma_semaphore, #tpu.memory_space<semaphore_mem>>) {add = true}
        %dma_wait3A_72 = arith.constant 0 : i32
        %dma_wait3A_73 = tpu.memref_slice %arg8[%run_scoped3A_56, %dma_wait3A_72] : memref<1x160xi32, #tpu.memory_space<vmem>> -> memref<1x160xi32, #tpu.memory_space<vmem>>
        %dma_wait3A_74 = tpu.memref_squeeze %dma_wait3A_73 : memref<1x160xi32, #tpu.memory_space<vmem>> -> memref<160xi32, #tpu.memory_space<vmem>>
        %dma_wait3A_75 = arith.constant 0 : i32
        %dma_wait3A_76 = arith.constant 0 : i32
        %dma_wait3A_77 = tpu.memref_slice %arg15[%dma_wait3A_75, %dma_wait3A_76] : memref<10240x128xf32, #tpu.memory_space<vmem_shared>> -> memref<10240x128xf32, #tpu.memory_space<vmem_shared>>
        tpu.wait_indirect_dma semaphore(%run_scoped3A_65 : memref<!tpu.dma_semaphore, #tpu.memory_space<semaphore_mem>>) src(%arg11 : memref<160x128xf32, #tpu.memory_space<vmem>>) dst(%dma_wait3A_77 : memref<10240x128xf32, #tpu.memory_space<vmem_shared>>)
        tpu.yield
      }) : () -> ()
      %dma_wait3A_57 = arith.constant 0 : i32
      %dma_wait3A_58 = arith.constant 0 : i32
      %dma_wait3A_59 = tpu.memref_slice %arg9[%dma_wait3A_57, %dma_wait3A_58] : memref<1x160xi32, #tpu.memory_space<vmem>> -> memref<1x160xi32, #tpu.memory_space<vmem>>
      %dma_wait3A_60 = tpu.memref_squeeze %dma_wait3A_59 : memref<1x160xi32, #tpu.memory_space<vmem>> -> memref<160xi32, #tpu.memory_space<vmem>>
      %dma_wait3A_61 = arith.constant 0 : i32
      %dma_wait3A_62 = arith.constant 0 : i32
      %dma_wait3A_63 = tpu.memref_slice %arg2[%dma_wait3A_61, %dma_wait3A_62] : memref<20000x128xf32, #tpu.memory_space<hbm>> -> memref<20000x128xf32, #tpu.memory_space<hbm>>
      tpu.wait_indirect_dma semaphore(%arg14 : memref<!tpu.dma_semaphore, #tpu.memory_space<semaphore_mem>>) src(%dma_wait3A_63 : memref<20000x128xf32, #tpu.memory_space<hbm>>) dst(%arg12 : memref<160x128xf32, #tpu.memory_space<vmem>>)
      %run_scoped3A_64 = arith.constant 0 : i32
      "tpu.region"() ({
        %run_scoped3A_65 = tpu.sem_alloc : memref<!tpu.dma_semaphore, #tpu.memory_space<semaphore_mem>>
        %dma_start3A_66 = arith.constant 0 : i32
        %dma_start3A_67 = tpu.memref_slice %arg10[%run_scoped3A_64, %dma_start3A_66] : memref<1x160xi32, #tpu.memory_space<vmem>> -> memref<1x160xi32, #tpu.memory_space<vmem>>
        %dma_start3A_68 = tpu.memref_squeeze %dma_start3A_67 : memref<1x160xi32, #tpu.memory_space<vmem>> -> memref<160xi32, #tpu.memory_space<vmem>>
        %dma_start3A_69 = arith.constant 0 : i32
        %dma_start3A_70 = arith.constant 0 : i32
        %dma_start3A_71 = tpu.memref_slice %arg15[%dma_start3A_69, %dma_start3A_70] : memref<10240x128xf32, #tpu.memory_space<vmem_shared>> -> memref<10240x128xf32, #tpu.memory_space<vmem_shared>>
        tpu.enqueue_indirect_dma source(%arg12 : memref<160x128xf32, #tpu.memory_space<vmem>>) target(%dma_start3A_71 : memref<10240x128xf32, #tpu.memory_space<vmem_shared>>) offsets(%dma_start3A_68 : memref<160xi32, #tpu.memory_space<vmem>>) semaphore(%run_scoped3A_65 : memref<!tpu.dma_semaphore, #tpu.memory_space<semaphore_mem>>) {add = true}
        %dma_wait3A_72 = arith.constant 0 : i32
        %dma_wait3A_73 = tpu.memref_slice %arg10[%run_scoped3A_64, %dma_wait3A_72] : memref<1x160xi32, #tpu.memory_space<vmem>> -> memref<1x160xi32, #tpu.memory_space<vmem>>
        %dma_wait3A_74 = tpu.memref_squeeze %dma_wait3A_73 : memref<1x160xi32, #tpu.memory_space<vmem>> -> memref<160xi32, #tpu.memory_space<vmem>>
        %dma_wait3A_75 = arith.constant 0 : i32
        %dma_wait3A_76 = arith.constant 0 : i32
        %dma_wait3A_77 = tpu.memref_slice %arg15[%dma_wait3A_75, %dma_wait3A_76] : memref<10240x128xf32, #tpu.memory_space<vmem_shared>> -> memref<10240x128xf32, #tpu.memory_space<vmem_shared>>
        tpu.wait_indirect_dma semaphore(%run_scoped3A_65 : memref<!tpu.dma_semaphore, #tpu.memory_space<semaphore_mem>>) src(%arg12 : memref<160x128xf32, #tpu.memory_space<vmem>>) dst(%dma_wait3A_77 : memref<10240x128xf32, #tpu.memory_space<vmem_shared>>)
        tpu.yield
      }) : () -> ()
    }
    %scan3A_21 = arith.constant 20 : i32
    %barrier3A_22 = arith.constant 0 : index
    tpu.barrier barrier_id(%barrier3A_22)
    %run_scoped3A_23 = arith.constant 2 : i32
    "tpu.region"() ({
      %run_scoped3A_25 = tpu.sem_alloc : memref<!tpu.dma_semaphore, #tpu.memory_space<semaphore_mem>>
      %dma_start3A = arith.constant 0 : i32
      %dma_start3A_26 = tpu.memref_slice %arg6[%run_scoped3A_23, %arg0, %mul3A_0, %dma_start3A] : memref<3x2x10240x128xf32, #tpu.memory_space<hbm>> -> memref<1x1x640x128xf32, #tpu.memory_space<hbm>>
      %dma_start3A_27 = tpu.memref_squeeze %dma_start3A_26 : memref<1x1x640x128xf32, #tpu.memory_space<hbm>> -> memref<640x128xf32, #tpu.memory_space<hbm>>
      %dma_start3A_28 = arith.constant 0 : i32
      %dma_start3A_29 = tpu.memref_slice %arg15[%mul3A_0, %dma_start3A_28] : memref<10240x128xf32, #tpu.memory_space<vmem_shared>> -> memref<640x128xf32, #tpu.memory_space<vmem_shared>>
      tpu.enqueue_dma source(%dma_start3A_29 : memref<640x128xf32, #tpu.memory_space<vmem_shared>>) target(%dma_start3A_27 : memref<640x128xf32, #tpu.memory_space<hbm>>) target_semaphore(%run_scoped3A_25 : memref<!tpu.dma_semaphore, #tpu.memory_space<semaphore_mem>>)
      %dma_wait3A = arith.constant 0 : i32
      %dma_wait3A_30 = tpu.memref_slice %arg6[%run_scoped3A_23, %arg0, %mul3A_0, %dma_wait3A] : memref<3x2x10240x128xf32, #tpu.memory_space<hbm>> -> memref<1x1x640x128xf32, #tpu.memory_space<hbm>>
      %dma_wait3A_31 = tpu.memref_squeeze %dma_wait3A_30 : memref<1x1x640x128xf32, #tpu.memory_space<hbm>> -> memref<640x128xf32, #tpu.memory_space<hbm>>
      %dma_wait3A_32 = arith.constant 0 : i32
      %dma_wait3A_33 = tpu.memref_slice %arg15[%mul3A_0, %dma_wait3A_32] : memref<10240x128xf32, #tpu.memory_space<vmem_shared>> -> memref<640x128xf32, #tpu.memory_space<vmem_shared>>
      tpu.wait_dma2 semaphore(%run_scoped3A_25 : memref<!tpu.dma_semaphore, #tpu.memory_space<semaphore_mem>>) src(%dma_wait3A_33 : memref<640x128xf32, #tpu.memory_space<vmem_shared>>) dst(%dma_wait3A_31 : memref<640x128xf32, #tpu.memory_space<hbm>>)
      tpu.yield
    }) : () -> ()
    %barrier3A_24 = arith.constant 0 : index
    tpu.barrier barrier_id(%barrier3A_24)
    return
  }
}

#map = affine_map<(d0, d1) -> (0, 0)>
#map1 = affine_map<(d0, d1) -> (0, 0, 0, 0, 0, 0)>
#map2 = affine_map<(d0, d1) -> (0, 0, 0, 0, 0)>
#map3 = affine_map<(d0, d1) -> (0, 0, 0, 0)>
module attributes {stable_mosaic.version = 14 : i64} {
  func.func @k(%arg0: i32, %arg1: i32, %arg2: memref<20000x128xf32, #tpu.memory_space<hbm>>, %arg3: memref<10240x128xf32, #tpu.memory_space<hbm>>, %arg4: memref<2x3x16x40x1x160xi32, #tpu.memory_space<hbm>>, %arg5: memref<3x16x40x1x160xi32, #tpu.memory_space<hbm>>, %arg6: memref<3x2x10240x128xf32, #tpu.memory_space<hbm>>, %arg7: memref<1x160xi32, #tpu.memory_space<vmem>>, %arg8: memref<1x160xi32, #tpu.memory_space<vmem>>, %arg9: memref<1x160xi32, #tpu.memory_space<vmem>>, %arg10: memref<1x160xi32, #tpu.memory_space<vmem>>, %arg11: memref<160x128xf32, #tpu.memory_space<vmem>>, %arg12: memref<160x128xf32, #tpu.memory_space<vmem>>, %arg13: memref<!tpu.dma_semaphore, #tpu.memory_space<semaphore_mem>>, %arg14: memref<!tpu.dma_semaphore, #tpu.memory_space<semaphore_mem>>, %arg15: memref<10240x128xf32, #tpu.memory_space<vmem_shared>>) attributes {dimension_semantics = [#tpu.dimension_semantics<core_parallel>, #tpu.dimension_semantics<subcore_parallel>], iteration_bounds = array<i64: 2, 16>, scalar_prefetch = 0 : i64, scratch_operands = 9 : i64, tpu.core_type = #tpu.core_type<sc_vector_subcore>, window_params = [{transform_indices = #map}, {transform_indices = #map}, {transform_indices = #map1}, {transform_indices = #map2}, {transform_indices = #map3}]} {
    %mul3A = arith.constant 640 : i32
    %mul3A_0 = arith.muli %arg1, %mul3A : i32
    "tpu.region"() ({
      %run_scoped3A_25 = tpu.sem_alloc : memref<!tpu.dma_semaphore, #tpu.memory_space<semaphore_mem>>
      %dma_start3A = arith.constant 0 : i32
      %dma_start3A_26 = tpu.memref_slice %arg15[%mul3A_0, %dma_start3A] : memref<10240x128xf32, #tpu.memory_space<vmem_shared>> -> memref<640x128xf32, #tpu.memory_space<vmem_shared>>
      %dma_start3A_27 = arith.constant 0 : i32
      %dma_start3A_28 = tpu.memref_slice %arg3[%mul3A_0, %dma_start3A_27] : memref<10240x128xf32, #tpu.memory_space<hbm>> -> memref<640x128xf32, #tpu.memory_space<hbm>>
      tpu.enqueue_dma source(%dma_start3A_28 : memref<640x128xf32, #tpu.memory_space<hbm>>) target(%dma_start3A_26 : memref<640x128xf32, #tpu.memory_space<vmem_shared>>) target_semaphore(%run_scoped3A_25 : memref<!tpu.dma_semaphore, #tpu.memory_space<semaphore_mem>>)
      %dma_wait3A = arith.constant 0 : i32
      %dma_wait3A_29 = tpu.memref_slice %arg15[%mul3A_0, %dma_wait3A] : memref<10240x128xf32, #tpu.memory_space<vmem_shared>> -> memref<640x128xf32, #tpu.memory_space<vmem_shared>>
      %dma_wait3A_30 = arith.constant 0 : i32
      %dma_wait3A_31 = tpu.memref_slice %arg3[%mul3A_0, %dma_wait3A_30] : memref<10240x128xf32, #tpu.memory_space<hbm>> -> memref<640x128xf32, #tpu.memory_space<hbm>>
      tpu.wait_dma2 semaphore(%run_scoped3A_25 : memref<!tpu.dma_semaphore, #tpu.memory_space<semaphore_mem>>) src(%dma_wait3A_31 : memref<640x128xf32, #tpu.memory_space<hbm>>) dst(%dma_wait3A_29 : memref<640x128xf32, #tpu.memory_space<vmem_shared>>)
      tpu.yield
    }) : () -> ()
    %barrier3A = arith.constant 0 : index
    tpu.barrier barrier_id(%barrier3A)
    %scan3A = arith.constant 0 : i32
    %scan3A_1 = arith.constant 20 : i32
    %scan3A_2 = arith.addi %scan3A, %scan3A_1 : i32
    %scan3A_3 = arith.constant 1 : i32
    scf.for %scan3A_25 = %scan3A to %scan3A_2 step %scan3A_3  : i32 {
      %mul3A_26 = arith.constant 2 : i32
      %mul3A_27 = arith.muli %scan3A_25, %mul3A_26 : i32
      %add3A = arith.constant 0 : i32
      %add3A_28 = arith.addi %add3A, %mul3A_27 : i32
      %run_scoped3A_29 = arith.constant 0 : i32
      "tpu.region"() ({
        %run_scoped3A_65 = tpu.sem_alloc : memref<!tpu.dma_semaphore, #tpu.memory_space<semaphore_mem>>
        %dma_start3A_66 = arith.constant 0 : i32
        %dma_start3A_67 = arith.constant 0 : i32
        %dma_start3A_68 = tpu.memref_slice %arg4[%arg0, %run_scoped3A_29, %arg1, %add3A_28, %dma_start3A_66, %dma_start3A_67] : memref<2x3x16x40x1x160xi32, #tpu.memory_space<hbm>> -> memref<1x1x1x1x1x160xi32, #tpu.memory_space<hbm>>
        %dma_start3A_69 = tpu.memref_squeeze %dma_start3A_68 : memref<1x1x1x1x1x160xi32, #tpu.memory_space<hbm>> -> memref<1x160xi32, #tpu.memory_space<hbm>>
        %dma_start3A_70 = arith.constant 0 : i32
        %dma_start3A_71 = arith.constant 0 : i32
        %dma_start3A_72 = tpu.memref_slice %arg4[%arg0, %run_scoped3A_29, %arg1, %add3A_28, %dma_start3A_70, %dma_start3A_71] : memref<2x3x16x40x1x160xi32, #tpu.memory_space<hbm>> -> memref<1x1x1x1x1x160xi32, #tpu.memory_space<hbm>>
        %dma_start3A_73 = tpu.memref_squeeze %dma_start3A_72 : memref<1x1x1x1x1x160xi32, #tpu.memory_space<hbm>> -> memref<1x160xi32, #tpu.memory_space<hbm>>
        tpu.enqueue_dma source(%dma_start3A_73 : memref<1x160xi32, #tpu.memory_space<hbm>>) target(%arg7 : memref<1x160xi32, #tpu.memory_space<vmem>>) target_semaphore(%run_scoped3A_65 : memref<!tpu.dma_semaphore, #tpu.memory_space<semaphore_mem>>)
        %dma_wait3A_74 = arith.constant 0 : i32
        %dma_wait3A_75 = arith.constant 0 : i32
        %dma_wait3A_76 = tpu.memref_slice %arg4[%arg0, %run_scoped3A_29, %arg1, %add3A_28, %dma_wait3A_74, %dma_wait3A_75] : memref<2x3x16x40x1x160xi32, #tpu.memory_space<hbm>> -> memref<1x1x1x1x1x160xi32, #tpu.memory_space<hbm>>
        %dma_wait3A_77 = tpu.memref_squeeze %dma_wait3A_76 : memref<1x1x1x1x1x160xi32, #tpu.memory_space<hbm>> -> memref<1x160xi32, #tpu.memory_space<hbm>>
        %dma_wait3A_78 = arith.constant 0 : i32
        %dma_wait3A_79 = arith.constant 0 : i32
        %dma_wait3A_80 = tpu.memref_slice %arg4[%arg0, %run_scoped3A_29, %arg1, %add3A_28, %dma_wait3A_78, %dma_wait3A_79] : memref<2x3x16x40x1x160xi32, #tpu.memory_space<hbm>> -> memref<1x1x1x1x1x160xi32, #tpu.memory_space<hbm>>
        %dma_wait3A_81 = tpu.memref_squeeze %dma_wait3A_80 : memref<1x1x1x1x1x160xi32, #tpu.memory_space<hbm>> -> memref<1x160xi32, #tpu.memory_space<hbm>>
        tpu.wait_dma2 semaphore(%run_scoped3A_65 : memref<!tpu.dma_semaphore, #tpu.memory_space<semaphore_mem>>) src(%dma_wait3A_81 : memref<1x160xi32, #tpu.memory_space<hbm>>) dst(%arg7 : memref<1x160xi32, #tpu.memory_space<vmem>>)
        tpu.yield
      }) : () -> ()
      %run_scoped3A_30 = arith.constant 0 : i32
      "tpu.region"() ({
        %run_scoped3A_65 = tpu.sem_alloc : memref<!tpu.dma_semaphore, #tpu.memory_space<semaphore_mem>>
        %dma_start3A_66 = arith.constant 0 : i32
        %dma_start3A_67 = arith.constant 0 : i32
        %dma_start3A_68 = tpu.memref_slice %arg5[%run_scoped3A_30, %arg1, %add3A_28, %dma_start3A_66, %dma_start3A_67] : memref<3x16x40x1x160xi32, #tpu.memory_space<hbm>> -> memref<1x1x1x1x160xi32, #tpu.memory_space<hbm>>
        %dma_start3A_69 = tpu.memref_squeeze %dma_start3A_68 : memref<1x1x1x1x160xi32, #tpu.memory_space<hbm>> -> memref<1x160xi32, #tpu.memory_space<hbm>>
        %dma_start3A_70 = arith.constant 0 : i32
        %dma_start3A_71 = arith.constant 0 : i32
        %dma_start3A_72 = tpu.memref_slice %arg5[%run_scoped3A_30, %arg1, %add3A_28, %dma_start3A_70, %dma_start3A_71] : memref<3x16x40x1x160xi32, #tpu.memory_space<hbm>> -> memref<1x1x1x1x160xi32, #tpu.memory_space<hbm>>
        %dma_start3A_73 = tpu.memref_squeeze %dma_start3A_72 : memref<1x1x1x1x160xi32, #tpu.memory_space<hbm>> -> memref<1x160xi32, #tpu.memory_space<hbm>>
        tpu.enqueue_dma source(%dma_start3A_73 : memref<1x160xi32, #tpu.memory_space<hbm>>) target(%arg8 : memref<1x160xi32, #tpu.memory_space<vmem>>) target_semaphore(%run_scoped3A_65 : memref<!tpu.dma_semaphore, #tpu.memory_space<semaphore_mem>>)
        %dma_wait3A_74 = arith.constant 0 : i32
        %dma_wait3A_75 = arith.constant 0 : i32
        %dma_wait3A_76 = tpu.memref_slice %arg5[%run_scoped3A_30, %arg1, %add3A_28, %dma_wait3A_74, %dma_wait3A_75] : memref<3x16x40x1x160xi32, #tpu.memory_space<hbm>> -> memref<1x1x1x1x160xi32, #tpu.memory_space<hbm>>
        %dma_wait3A_77 = tpu.memref_squeeze %dma_wait3A_76 : memref<1x1x1x1x160xi32, #tpu.memory_space<hbm>> -> memref<1x160xi32, #tpu.memory_space<hbm>>
        %dma_wait3A_78 = arith.constant 0 : i32
        %dma_wait3A_79 = arith.constant 0 : i32
        %dma_wait3A_80 = tpu.memref_slice %arg5[%run_scoped3A_30, %arg1, %add3A_28, %dma_wait3A_78, %dma_wait3A_79] : memref<3x16x40x1x160xi32, #tpu.memory_space<hbm>> -> memref<1x1x1x1x160xi32, #tpu.memory_space<hbm>>
        %dma_wait3A_81 = tpu.memref_squeeze %dma_wait3A_80 : memref<1x1x1x1x160xi32, #tpu.memory_space<hbm>> -> memref<1x160xi32, #tpu.memory_space<hbm>>
        tpu.wait_dma2 semaphore(%run_scoped3A_65 : memref<!tpu.dma_semaphore, #tpu.memory_space<semaphore_mem>>) src(%dma_wait3A_81 : memref<1x160xi32, #tpu.memory_space<hbm>>) dst(%arg8 : memref<1x160xi32, #tpu.memory_space<vmem>>)
        tpu.yield
      }) : () -> ()
      %add3A_31 = arith.constant 1 : i32
      %add3A_32 = arith.addi %add3A_28, %add3A_31 : i32
      %run_scoped3A_33 = arith.constant 0 : i32
      "tpu.region"() ({
        %run_scoped3A_65 = tpu.sem_alloc : memref<!tpu.dma_semaphore, #tpu.memory_space<semaphore_mem>>
        %dma_start3A_66 = arith.constant 0 : i32
        %dma_start3A_67 = arith.constant 0 : i32
        %dma_start3A_68 = tpu.memref_slice %arg4[%arg0, %run_scoped3A_33, %arg1, %add3A_32, %dma_start3A_66, %dma_start3A_67] : memref<2x3x16x40x1x160xi32, #tpu.memory_space<hbm>> -> memref<1x1x1x1x1x160xi32, #tpu.memory_space<hbm>>
        %dma_start3A_69 = tpu.memref_squeeze %dma_start3A_68 : memref<1x1x1x1x1x160xi32, #tpu.memory_space<hbm>> -> memref<1x160xi32, #tpu.memory_space<hbm>>
        %dma_start3A_70 = arith.constant 0 : i32
        %dma_start3A_71 = arith.constant 0 : i32
        %dma_start3A_72 = tpu.memref_slice %arg4[%arg0, %run_scoped3A_33, %arg1, %add3A_32, %dma_start3A_70, %dma_start3A_71] : memref<2x3x16x40x1x160xi32, #tpu.memory_space<hbm>> -> memref<1x1x1x1x1x160xi32, #tpu.memory_space<hbm>>
        %dma_start3A_73 = tpu.memref_squeeze %dma_start3A_72 : memref<1x1x1x1x1x160xi32, #tpu.memory_space<hbm>> -> memref<1x160xi32, #tpu.memory_space<hbm>>
        tpu.enqueue_dma source(%dma_start3A_73 : memref<1x160xi32, #tpu.memory_space<hbm>>) target(%arg9 : memref<1x160xi32, #tpu.memory_space<vmem>>) target_semaphore(%run_scoped3A_65 : memref<!tpu.dma_semaphore, #tpu.memory_space<semaphore_mem>>)
        %dma_wait3A_74 = arith.constant 0 : i32
        %dma_wait3A_75 = arith.constant 0 : i32
        %dma_wait3A_76 = tpu.memref_slice %arg4[%arg0, %run_scoped3A_33, %arg1, %add3A_32, %dma_wait3A_74, %dma_wait3A_75] : memref<2x3x16x40x1x160xi32, #tpu.memory_space<hbm>> -> memref<1x1x1x1x1x160xi32, #tpu.memory_space<hbm>>
        %dma_wait3A_77 = tpu.memref_squeeze %dma_wait3A_76 : memref<1x1x1x1x1x160xi32, #tpu.memory_space<hbm>> -> memref<1x160xi32, #tpu.memory_space<hbm>>
        %dma_wait3A_78 = arith.constant 0 : i32
        %dma_wait3A_79 = arith.constant 0 : i32
        %dma_wait3A_80 = tpu.memref_slice %arg4[%arg0, %run_scoped3A_33, %arg1, %add3A_32, %dma_wait3A_78, %dma_wait3A_79] : memref<2x3x16x40x1x160xi32, #tpu.memory_space<hbm>> -> memref<1x1x1x1x1x160xi32, #tpu.memory_space<hbm>>
        %dma_wait3A_81 = tpu.memref_squeeze %dma_wait3A_80 : memref<1x1x1x1x1x160xi32, #tpu.memory_space<hbm>> -> memref<1x160xi32, #tpu.memory_space<hbm>>
        tpu.wait_dma2 semaphore(%run_scoped3A_65 : memref<!tpu.dma_semaphore, #tpu.memory_space<semaphore_mem>>) src(%dma_wait3A_81 : memref<1x160xi32, #tpu.memory_space<hbm>>) dst(%arg9 : memref<1x160xi32, #tpu.memory_space<vmem>>)
        tpu.yield
      }) : () -> ()
      %add3A_34 = arith.constant 1 : i32
      %add3A_35 = arith.addi %add3A_28, %add3A_34 : i32
      %run_scoped3A_36 = arith.constant 0 : i32
      "tpu.region"() ({
        %run_scoped3A_65 = tpu.sem_alloc : memref<!tpu.dma_semaphore, #tpu.memory_space<semaphore_mem>>
        %dma_start3A_66 = arith.constant 0 : i32
        %dma_start3A_67 = arith.constant 0 : i32
        %dma_start3A_68 = tpu.memref_slice %arg5[%run_scoped3A_36, %arg1, %add3A_35, %dma_start3A_66, %dma_start3A_67] : memref<3x16x40x1x160xi32, #tpu.memory_space<hbm>> -> memref<1x1x1x1x160xi32, #tpu.memory_space<hbm>>
        %dma_start3A_69 = tpu.memref_squeeze %dma_start3A_68 : memref<1x1x1x1x160xi32, #tpu.memory_space<hbm>> -> memref<1x160xi32, #tpu.memory_space<hbm>>
        %dma_start3A_70 = arith.constant 0 : i32
        %dma_start3A_71 = arith.constant 0 : i32
        %dma_start3A_72 = tpu.memref_slice %arg5[%run_scoped3A_36, %arg1, %add3A_35, %dma_start3A_70, %dma_start3A_71] : memref<3x16x40x1x160xi32, #tpu.memory_space<hbm>> -> memref<1x1x1x1x160xi32, #tpu.memory_space<hbm>>
        %dma_start3A_73 = tpu.memref_squeeze %dma_start3A_72 : memref<1x1x1x1x160xi32, #tpu.memory_space<hbm>> -> memref<1x160xi32, #tpu.memory_space<hbm>>
        tpu.enqueue_dma source(%dma_start3A_73 : memref<1x160xi32, #tpu.memory_space<hbm>>) target(%arg10 : memref<1x160xi32, #tpu.memory_space<vmem>>) target_semaphore(%run_scoped3A_65 : memref<!tpu.dma_semaphore, #tpu.memory_space<semaphore_mem>>)
        %dma_wait3A_74 = arith.constant 0 : i32
        %dma_wait3A_75 = arith.constant 0 : i32
        %dma_wait3A_76 = tpu.memref_slice %arg5[%run_scoped3A_36, %arg1, %add3A_35, %dma_wait3A_74, %dma_wait3A_75] : memref<3x16x40x1x160xi32, #tpu.memory_space<hbm>> -> memref<1x1x1x1x160xi32, #tpu.memory_space<hbm>>
        %dma_wait3A_77 = tpu.memref_squeeze %dma_wait3A_76 : memref<1x1x1x1x160xi32, #tpu.memory_space<hbm>> -> memref<1x160xi32, #tpu.memory_space<hbm>>
        %dma_wait3A_78 = arith.constant 0 : i32
        %dma_wait3A_79 = arith.constant 0 : i32
        %dma_wait3A_80 = tpu.memref_slice %arg5[%run_scoped3A_36, %arg1, %add3A_35, %dma_wait3A_78, %dma_wait3A_79] : memref<3x16x40x1x160xi32, #tpu.memory_space<hbm>> -> memref<1x1x1x1x160xi32, #tpu.memory_space<hbm>>
        %dma_wait3A_81 = tpu.memref_squeeze %dma_wait3A_80 : memref<1x1x1x1x160xi32, #tpu.memory_space<hbm>> -> memref<1x160xi32, #tpu.memory_space<hbm>>
        tpu.wait_dma2 semaphore(%run_scoped3A_65 : memref<!tpu.dma_semaphore, #tpu.memory_space<semaphore_mem>>) src(%dma_wait3A_81 : memref<1x160xi32, #tpu.memory_space<hbm>>) dst(%arg10 : memref<1x160xi32, #tpu.memory_space<vmem>>)
        tpu.yield
      }) : () -> ()
      %dma_start3A = arith.constant 0 : i32
      %dma_start3A_37 = arith.constant 0 : i32
      %dma_start3A_38 = tpu.memref_slice %arg7[%dma_start3A, %dma_start3A_37] : memref<1x160xi32, #tpu.memory_space<vmem>> -> memref<1x160xi32, #tpu.memory_space<vmem>>
      %dma_start3A_39 = tpu.memref_squeeze %dma_start3A_38 : memref<1x160xi32, #tpu.memory_space<vmem>> -> memref<160xi32, #tpu.memory_space<vmem>>
      %dma_start3A_40 = arith.constant 0 : i32
      %dma_start3A_41 = arith.constant 0 : i32
      %dma_start3A_42 = tpu.memref_slice %arg2[%dma_start3A_40, %dma_start3A_41] : memref<20000x128xf32, #tpu.memory_space<hbm>> -> memref<20000x128xf32, #tpu.memory_space<hbm>>
      tpu.enqueue_indirect_dma source(%dma_start3A_42 : memref<20000x128xf32, #tpu.memory_space<hbm>>) target(%arg11 : memref<160x128xf32, #tpu.memory_space<vmem>>) offsets(%dma_start3A_39 : memref<160xi32, #tpu.memory_space<vmem>>) semaphore(%arg13 : memref<!tpu.dma_semaphore, #tpu.memory_space<semaphore_mem>>)
      %dma_start3A_43 = arith.constant 0 : i32
      %dma_start3A_44 = arith.constant 0 : i32
      %dma_start3A_45 = tpu.memref_slice %arg9[%dma_start3A_43, %dma_start3A_44] : memref<1x160xi32, #tpu.memory_space<vmem>> -> memref<1x160xi32, #tpu.memory_space<vmem>>
      %dma_start3A_46 = tpu.memref_squeeze %dma_start3A_45 : memref<1x160xi32, #tpu.memory_space<vmem>> -> memref<160xi32, #tpu.memory_space<vmem>>
      %dma_start3A_47 = arith.constant 0 : i32
      %dma_start3A_48 = arith.constant 0 : i32
      %dma_start3A_49 = tpu.memref_slice %arg2[%dma_start3A_47, %dma_start3A_48] : memref<20000x128xf32, #tpu.memory_space<hbm>> -> memref<20000x128xf32, #tpu.memory_space<hbm>>
      tpu.enqueue_indirect_dma source(%dma_start3A_49 : memref<20000x128xf32, #tpu.memory_space<hbm>>) target(%arg12 : memref<160x128xf32, #tpu.memory_space<vmem>>) offsets(%dma_start3A_46 : memref<160xi32, #tpu.memory_space<vmem>>) semaphore(%arg14 : memref<!tpu.dma_semaphore, #tpu.memory_space<semaphore_mem>>)
      %dma_wait3A = arith.constant 0 : i32
      %dma_wait3A_50 = arith.constant 0 : i32
      %dma_wait3A_51 = tpu.memref_slice %arg7[%dma_wait3A, %dma_wait3A_50] : memref<1x160xi32, #tpu.memory_space<vmem>> -> memref<1x160xi32, #tpu.memory_space<vmem>>
      %dma_wait3A_52 = tpu.memref_squeeze %dma_wait3A_51 : memref<1x160xi32, #tpu.memory_space<vmem>> -> memref<160xi32, #tpu.memory_space<vmem>>
      %dma_wait3A_53 = arith.constant 0 : i32
      %dma_wait3A_54 = arith.constant 0 : i32
      %dma_wait3A_55 = tpu.memref_slice %arg2[%dma_wait3A_53, %dma_wait3A_54] : memref<20000x128xf32, #tpu.memory_space<hbm>> -> memref<20000x128xf32, #tpu.memory_space<hbm>>
      tpu.wait_indirect_dma semaphore(%arg13 : memref<!tpu.dma_semaphore, #tpu.memory_space<semaphore_mem>>) src(%dma_wait3A_55 : memref<20000x128xf32, #tpu.memory_space<hbm>>) dst(%arg11 : memref<160x128xf32, #tpu.memory_space<vmem>>)
      %run_scoped3A_56 = arith.constant 0 : i32
      "tpu.region"() ({
        %run_scoped3A_65 = tpu.sem_alloc : memref<!tpu.dma_semaphore, #tpu.memory_space<semaphore_mem>>
        %dma_start3A_66 = arith.constant 0 : i32
        %dma_start3A_67 = tpu.memref_slice %arg8[%run_scoped3A_56, %dma_start3A_66] : memref<1x160xi32, #tpu.memory_space<vmem>> -> memref<1x160xi32, #tpu.memory_space<vmem>>
        %dma_start3A_68 = tpu.memref_squeeze %dma_start3A_67 : memref<1x160xi32, #tpu.memory_space<vmem>> -> memref<160xi32, #tpu.memory_space<vmem>>
        %dma_start3A_69 = arith.constant 0 : i32
        %dma_start3A_70 = arith.constant 0 : i32
        %dma_start3A_71 = tpu.memref_slice %arg15[%dma_start3A_69, %dma_start3A_70] : memref<10240x128xf32, #tpu.memory_space<vmem_shared>> -> memref<10240x128xf32, #tpu.memory_space<vmem_shared>>
        tpu.enqueue_indirect_dma source(%arg11 : memref<160x128xf32, #tpu.memory_space<vmem>>) target(%dma_start3A_71 : memref<10240x128xf32, #tpu.memory_space<vmem_shared>>) offsets(%dma_start3A_68 : memref<160xi32, #tpu.memory_space<vmem>>) semaphore(%run_scoped3A_65 : memref<!tpu.dma_semaphore, #tpu.memory_space<semaphore_mem>>) {add = true}
        %dma_wait3A_72 = arith.constant 0 : i32
        %dma_wait3A_73 = tpu.memref_slice %arg8[%run_scoped3A_56, %dma_wait3A_72] : memref<1x160xi32, #tpu.memory_space<vmem>> -> memref<1x160xi32, #tpu.memory_space<vmem>>
        %dma_wait3A_74 = tpu.memref_squeeze %dma_wait3A_73 : memref<1x160xi32, #tpu.memory_space<vmem>> -> memref<160xi32, #tpu.memory_space<vmem>>
        %dma_wait3A_75 = arith.constant 0 : i32
        %dma_wait3A_76 = arith.constant 0 : i32
        %dma_wait3A_77 = tpu.memref_slice %arg15[%dma_wait3A_75, %dma_wait3A_76] : memref<10240x128xf32, #tpu.memory_space<vmem_shared>> -> memref<10240x128xf32, #tpu.memory_space<vmem_shared>>
        tpu.wait_indirect_dma semaphore(%run_scoped3A_65 : memref<!tpu.dma_semaphore, #tpu.memory_space<semaphore_mem>>) src(%arg11 : memref<160x128xf32, #tpu.memory_space<vmem>>) dst(%dma_wait3A_77 : memref<10240x128xf32, #tpu.memory_space<vmem_shared>>)
        tpu.yield
      }) : () -> ()
      %dma_wait3A_57 = arith.constant 0 : i32
      %dma_wait3A_58 = arith.constant 0 : i32
      %dma_wait3A_59 = tpu.memref_slice %arg9[%dma_wait3A_57, %dma_wait3A_58] : memref<1x160xi32, #tpu.memory_space<vmem>> -> memref<1x160xi32, #tpu.memory_space<vmem>>
      %dma_wait3A_60 = tpu.memref_squeeze %dma_wait3A_59 : memref<1x160xi32, #tpu.memory_space<vmem>> -> memref<160xi32, #tpu.memory_space<vmem>>
      %dma_wait3A_61 = arith.constant 0 : i32
      %dma_wait3A_62 = arith.constant 0 : i32
      %dma_wait3A_63 = tpu.memref_slice %arg2[%dma_wait3A_61, %dma_wait3A_62] : memref<20000x128xf32, #tpu.memory_space<hbm>> -> memref<20000x128xf32, #tpu.memory_space<hbm>>
      tpu.wait_indirect_dma semaphore(%arg14 : memref<!tpu.dma_semaphore, #tpu.memory_space<semaphore_mem>>) src(%dma_wait3A_63 : memref<20000x128xf32, #tpu.memory_space<hbm>>) dst(%arg12 : memref<160x128xf32, #tpu.memory_space<vmem>>)
      %run_scoped3A_64 = arith.constant 0 : i32
      "tpu.region"() ({
        %run_scoped3A_65 = tpu.sem_alloc : memref<!tpu.dma_semaphore, #tpu.memory_space<semaphore_mem>>
        %dma_start3A_66 = arith.constant 0 : i32
        %dma_start3A_67 = tpu.memref_slice %arg10[%run_scoped3A_64, %dma_start3A_66] : memref<1x160xi32, #tpu.memory_space<vmem>> -> memref<1x160xi32, #tpu.memory_space<vmem>>
        %dma_start3A_68 = tpu.memref_squeeze %dma_start3A_67 : memref<1x160xi32, #tpu.memory_space<vmem>> -> memref<160xi32, #tpu.memory_space<vmem>>
        %dma_start3A_69 = arith.constant 0 : i32
        %dma_start3A_70 = arith.constant 0 : i32
        %dma_start3A_71 = tpu.memref_slice %arg15[%dma_start3A_69, %dma_start3A_70] : memref<10240x128xf32, #tpu.memory_space<vmem_shared>> -> memref<10240x128xf32, #tpu.memory_space<vmem_shared>>
        tpu.enqueue_indirect_dma source(%arg12 : memref<160x128xf32, #tpu.memory_space<vmem>>) target(%dma_start3A_71 : memref<10240x128xf32, #tpu.memory_space<vmem_shared>>) offsets(%dma_start3A_68 : memref<160xi32, #tpu.memory_space<vmem>>) semaphore(%run_scoped3A_65 : memref<!tpu.dma_semaphore, #tpu.memory_space<semaphore_mem>>) {add = true}
        %dma_wait3A_72 = arith.constant 0 : i32
        %dma_wait3A_73 = tpu.memref_slice %arg10[%run_scoped3A_64, %dma_wait3A_72] : memref<1x160xi32, #tpu.memory_space<vmem>> -> memref<1x160xi32, #tpu.memory_space<vmem>>
        %dma_wait3A_74 = tpu.memref_squeeze %dma_wait3A_73 : memref<1x160xi32, #tpu.memory_space<vmem>> -> memref<160xi32, #tpu.memory_space<vmem>>
        %dma_wait3A_75 = arith.constant 0 : i32
        %dma_wait3A_76 = arith.constant 0 : i32
        %dma_wait3A_77 = tpu.memref_slice %arg15[%dma_wait3A_75, %dma_wait3A_76] : memref<10240x128xf32, #tpu.memory_space<vmem_shared>> -> memref<10240x128xf32, #tpu.memory_space<vmem_shared>>
        tpu.wait_indirect_dma semaphore(%run_scoped3A_65 : memref<!tpu.dma_semaphore, #tpu.memory_space<semaphore_mem>>) src(%arg12 : memref<160x128xf32, #tpu.memory_space<vmem>>) dst(%dma_wait3A_77 : memref<10240x128xf32, #tpu.memory_space<vmem_shared>>)
        tpu.yield
      }) : () -> ()
    }
    %scan3A_4 = arith.constant 20 : i32
    %barrier3A_5 = arith.constant 0 : index
    tpu.barrier barrier_id(%barrier3A_5)
    %run_scoped3A = arith.constant 0 : i32
    "tpu.region"() ({
      %run_scoped3A_25 = tpu.sem_alloc : memref<!tpu.dma_semaphore, #tpu.memory_space<semaphore_mem>>
      %dma_start3A = arith.constant 0 : i32
      %dma_start3A_26 = tpu.memref_slice %arg6[%run_scoped3A, %arg0, %mul3A_0, %dma_start3A] : memref<3x2x10240x128xf32, #tpu.memory_space<hbm>> -> memref<1x1x640x128xf32, #tpu.memory_space<hbm>>
      %dma_start3A_27 = tpu.memref_squeeze %dma_start3A_26 : memref<1x1x640x128xf32, #tpu.memory_space<hbm>> -> memref<640x128xf32, #tpu.memory_space<hbm>>
      %dma_start3A_28 = arith.constant 0 : i32
      %dma_start3A_29 = tpu.memref_slice %arg15[%mul3A_0, %dma_start3A_28] : memref<10240x128xf32, #tpu.memory_space<vmem_shared>> -> memref<640x128xf32, #tpu.memory_space<vmem_shared>>
      tpu.enqueue_dma source(%dma_start3A_29 : memref<640x128xf32, #tpu.memory_space<vmem_shared>>) target(%dma_start3A_27 : memref<640x128xf32, #tpu.memory_space<hbm>>) target_semaphore(%run_scoped3A_25 : memref<!tpu.dma_semaphore, #tpu.memory_space<semaphore_mem>>)
      %dma_wait3A = arith.constant 0 : i32
      %dma_wait3A_30 = tpu.memref_slice %arg6[%run_scoped3A, %arg0, %mul3A_0, %dma_wait3A] : memref<3x2x10240x128xf32, #tpu.memory_space<hbm>> -> memref<1x1x640x128xf32, #tpu.memory_space<hbm>>
      %dma_wait3A_31 = tpu.memref_squeeze %dma_wait3A_30 : memref<1x1x640x128xf32, #tpu.memory_space<hbm>> -> memref<640x128xf32, #tpu.memory_space<hbm>>
      %dma_wait3A_32 = arith.constant 0 : i32
      %dma_wait3A_33 = tpu.memref_slice %arg15[%mul3A_0, %dma_wait3A_32] : memref<10240x128xf32, #tpu.memory_space<vmem_shared>> -> memref<640x128xf32, #tpu.memory_space<vmem_shared>>
      tpu.wait_dma2 semaphore(%run_scoped3A_25 : memref<!tpu.dma_semaphore, #tpu.memory_space<semaphore_mem>>) src(%dma_wait3A_33 : memref<640x128xf32, #tpu.memory_space<vmem_shared>>) dst(%dma_wait3A_31 : memref<640x128xf32, #tpu.memory_space<hbm>>)
      tpu.yield
    }) : () -> ()
    %barrier3A_6 = arith.constant 0 : index
    tpu.barrier barrier_id(%barrier3A_6)
    "tpu.region"() ({
      %run_scoped3A_25 = tpu.sem_alloc : memref<!tpu.dma_semaphore, #tpu.memory_space<semaphore_mem>>
      %dma_start3A = arith.constant 0 : i32
      %dma_start3A_26 = tpu.memref_slice %arg15[%mul3A_0, %dma_start3A] : memref<10240x128xf32, #tpu.memory_space<vmem_shared>> -> memref<640x128xf32, #tpu.memory_space<vmem_shared>>
      %dma_start3A_27 = arith.constant 0 : i32
      %dma_start3A_28 = tpu.memref_slice %arg3[%mul3A_0, %dma_start3A_27] : memref<10240x128xf32, #tpu.memory_space<hbm>> -> memref<640x128xf32, #tpu.memory_space<hbm>>
      tpu.enqueue_dma source(%dma_start3A_28 : memref<640x128xf32, #tpu.memory_space<hbm>>) target(%dma_start3A_26 : memref<640x128xf32, #tpu.memory_space<vmem_shared>>) target_semaphore(%run_scoped3A_25 : memref<!tpu.dma_semaphore, #tpu.memory_space<semaphore_mem>>)
      %dma_wait3A = arith.constant 0 : i32
      %dma_wait3A_29 = tpu.memref_slice %arg15[%mul3A_0, %dma_wait3A] : memref<10240x128xf32, #tpu.memory_space<vmem_shared>> -> memref<640x128xf32, #tpu.memory_space<vmem_shared>>
      %dma_wait3A_30 = arith.constant 0 : i32
      %dma_wait3A_31 = tpu.memref_slice %arg3[%mul3A_0, %dma_wait3A_30] : memref<10240x128xf32, #tpu.memory_space<hbm>> -> memref<640x128xf32, #tpu.memory_space<hbm>>
      tpu.wait_dma2 semaphore(%run_scoped3A_25 : memref<!tpu.dma_semaphore, #tpu.memory_space<semaphore_mem>>) src(%dma_wait3A_31 : memref<640x128xf32, #tpu.memory_space<hbm>>) dst(%dma_wait3A_29 : memref<640x128xf32, #tpu.memory_space<vmem_shared>>)
      tpu.yield
    }) : () -> ()
    %barrier3A_7 = arith.constant 0 : index
    tpu.barrier barrier_id(%barrier3A_7)
    %scan3A_8 = arith.constant 0 : i32
    %scan3A_9 = arith.constant 20 : i32
    %scan3A_10 = arith.addi %scan3A_8, %scan3A_9 : i32
    %scan3A_11 = arith.constant 1 : i32
    scf.for %scan3A_25 = %scan3A_8 to %scan3A_10 step %scan3A_11  : i32 {
      %mul3A_26 = arith.constant 2 : i32
      %mul3A_27 = arith.muli %scan3A_25, %mul3A_26 : i32
      %add3A = arith.constant 0 : i32
      %add3A_28 = arith.addi %add3A, %mul3A_27 : i32
      %run_scoped3A_29 = arith.constant 1 : i32
      "tpu.region"() ({
        %run_scoped3A_65 = tpu.sem_alloc : memref<!tpu.dma_semaphore, #tpu.memory_space<semaphore_mem>>
        %dma_start3A_66 = arith.constant 0 : i32
        %dma_start3A_67 = arith.constant 0 : i32
        %dma_start3A_68 = tpu.memref_slice %arg4[%arg0, %run_scoped3A_29, %arg1, %add3A_28, %dma_start3A_66, %dma_start3A_67] : memref<2x3x16x40x1x160xi32, #tpu.memory_space<hbm>> -> memref<1x1x1x1x1x160xi32, #tpu.memory_space<hbm>>
        %dma_start3A_69 = tpu.memref_squeeze %dma_start3A_68 : memref<1x1x1x1x1x160xi32, #tpu.memory_space<hbm>> -> memref<1x160xi32, #tpu.memory_space<hbm>>
        %dma_start3A_70 = arith.constant 0 : i32
        %dma_start3A_71 = arith.constant 0 : i32
        %dma_start3A_72 = tpu.memref_slice %arg4[%arg0, %run_scoped3A_29, %arg1, %add3A_28, %dma_start3A_70, %dma_start3A_71] : memref<2x3x16x40x1x160xi32, #tpu.memory_space<hbm>> -> memref<1x1x1x1x1x160xi32, #tpu.memory_space<hbm>>
        %dma_start3A_73 = tpu.memref_squeeze %dma_start3A_72 : memref<1x1x1x1x1x160xi32, #tpu.memory_space<hbm>> -> memref<1x160xi32, #tpu.memory_space<hbm>>
        tpu.enqueue_dma source(%dma_start3A_73 : memref<1x160xi32, #tpu.memory_space<hbm>>) target(%arg7 : memref<1x160xi32, #tpu.memory_space<vmem>>) target_semaphore(%run_scoped3A_65 : memref<!tpu.dma_semaphore, #tpu.memory_space<semaphore_mem>>)
        %dma_wait3A_74 = arith.constant 0 : i32
        %dma_wait3A_75 = arith.constant 0 : i32
        %dma_wait3A_76 = tpu.memref_slice %arg4[%arg0, %run_scoped3A_29, %arg1, %add3A_28, %dma_wait3A_74, %dma_wait3A_75] : memref<2x3x16x40x1x160xi32, #tpu.memory_space<hbm>> -> memref<1x1x1x1x1x160xi32, #tpu.memory_space<hbm>>
        %dma_wait3A_77 = tpu.memref_squeeze %dma_wait3A_76 : memref<1x1x1x1x1x160xi32, #tpu.memory_space<hbm>> -> memref<1x160xi32, #tpu.memory_space<hbm>>
        %dma_wait3A_78 = arith.constant 0 : i32
        %dma_wait3A_79 = arith.constant 0 : i32
        %dma_wait3A_80 = tpu.memref_slice %arg4[%arg0, %run_scoped3A_29, %arg1, %add3A_28, %dma_wait3A_78, %dma_wait3A_79] : memref<2x3x16x40x1x160xi32, #tpu.memory_space<hbm>> -> memref<1x1x1x1x1x160xi32, #tpu.memory_space<hbm>>
        %dma_wait3A_81 = tpu.memref_squeeze %dma_wait3A_80 : memref<1x1x1x1x1x160xi32, #tpu.memory_space<hbm>> -> memref<1x160xi32, #tpu.memory_space<hbm>>
        tpu.wait_dma2 semaphore(%run_scoped3A_65 : memref<!tpu.dma_semaphore, #tpu.memory_space<semaphore_mem>>) src(%dma_wait3A_81 : memref<1x160xi32, #tpu.memory_space<hbm>>) dst(%arg7 : memref<1x160xi32, #tpu.memory_space<vmem>>)
        tpu.yield
      }) : () -> ()
      %run_scoped3A_30 = arith.constant 1 : i32
      "tpu.region"() ({
        %run_scoped3A_65 = tpu.sem_alloc : memref<!tpu.dma_semaphore, #tpu.memory_space<semaphore_mem>>
        %dma_start3A_66 = arith.constant 0 : i32
        %dma_start3A_67 = arith.constant 0 : i32
        %dma_start3A_68 = tpu.memref_slice %arg5[%run_scoped3A_30, %arg1, %add3A_28, %dma_start3A_66, %dma_start3A_67] : memref<3x16x40x1x160xi32, #tpu.memory_space<hbm>> -> memref<1x1x1x1x160xi32, #tpu.memory_space<hbm>>
        %dma_start3A_69 = tpu.memref_squeeze %dma_start3A_68 : memref<1x1x1x1x160xi32, #tpu.memory_space<hbm>> -> memref<1x160xi32, #tpu.memory_space<hbm>>
        %dma_start3A_70 = arith.constant 0 : i32
        %dma_start3A_71 = arith.constant 0 : i32
        %dma_start3A_72 = tpu.memref_slice %arg5[%run_scoped3A_30, %arg1, %add3A_28, %dma_start3A_70, %dma_start3A_71] : memref<3x16x40x1x160xi32, #tpu.memory_space<hbm>> -> memref<1x1x1x1x160xi32, #tpu.memory_space<hbm>>
        %dma_start3A_73 = tpu.memref_squeeze %dma_start3A_72 : memref<1x1x1x1x160xi32, #tpu.memory_space<hbm>> -> memref<1x160xi32, #tpu.memory_space<hbm>>
        tpu.enqueue_dma source(%dma_start3A_73 : memref<1x160xi32, #tpu.memory_space<hbm>>) target(%arg8 : memref<1x160xi32, #tpu.memory_space<vmem>>) target_semaphore(%run_scoped3A_65 : memref<!tpu.dma_semaphore, #tpu.memory_space<semaphore_mem>>)
        %dma_wait3A_74 = arith.constant 0 : i32
        %dma_wait3A_75 = arith.constant 0 : i32
        %dma_wait3A_76 = tpu.memref_slice %arg5[%run_scoped3A_30, %arg1, %add3A_28, %dma_wait3A_74, %dma_wait3A_75] : memref<3x16x40x1x160xi32, #tpu.memory_space<hbm>> -> memref<1x1x1x1x160xi32, #tpu.memory_space<hbm>>
        %dma_wait3A_77 = tpu.memref_squeeze %dma_wait3A_76 : memref<1x1x1x1x160xi32, #tpu.memory_space<hbm>> -> memref<1x160xi32, #tpu.memory_space<hbm>>
        %dma_wait3A_78 = arith.constant 0 : i32
        %dma_wait3A_79 = arith.constant 0 : i32
        %dma_wait3A_80 = tpu.memref_slice %arg5[%run_scoped3A_30, %arg1, %add3A_28, %dma_wait3A_78, %dma_wait3A_79] : memref<3x16x40x1x160xi32, #tpu.memory_space<hbm>> -> memref<1x1x1x1x160xi32, #tpu.memory_space<hbm>>
        %dma_wait3A_81 = tpu.memref_squeeze %dma_wait3A_80 : memref<1x1x1x1x160xi32, #tpu.memory_space<hbm>> -> memref<1x160xi32, #tpu.memory_space<hbm>>
        tpu.wait_dma2 semaphore(%run_scoped3A_65 : memref<!tpu.dma_semaphore, #tpu.memory_space<semaphore_mem>>) src(%dma_wait3A_81 : memref<1x160xi32, #tpu.memory_space<hbm>>) dst(%arg8 : memref<1x160xi32, #tpu.memory_space<vmem>>)
        tpu.yield
      }) : () -> ()
      %add3A_31 = arith.constant 1 : i32
      %add3A_32 = arith.addi %add3A_28, %add3A_31 : i32
      %run_scoped3A_33 = arith.constant 1 : i32
      "tpu.region"() ({
        %run_scoped3A_65 = tpu.sem_alloc : memref<!tpu.dma_semaphore, #tpu.memory_space<semaphore_mem>>
        %dma_start3A_66 = arith.constant 0 : i32
        %dma_start3A_67 = arith.constant 0 : i32
        %dma_start3A_68 = tpu.memref_slice %arg4[%arg0, %run_scoped3A_33, %arg1, %add3A_32, %dma_start3A_66, %dma_start3A_67] : memref<2x3x16x40x1x160xi32, #tpu.memory_space<hbm>> -> memref<1x1x1x1x1x160xi32, #tpu.memory_space<hbm>>
        %dma_start3A_69 = tpu.memref_squeeze %dma_start3A_68 : memref<1x1x1x1x1x160xi32, #tpu.memory_space<hbm>> -> memref<1x160xi32, #tpu.memory_space<hbm>>
        %dma_start3A_70 = arith.constant 0 : i32
        %dma_start3A_71 = arith.constant 0 : i32
        %dma_start3A_72 = tpu.memref_slice %arg4[%arg0, %run_scoped3A_33, %arg1, %add3A_32, %dma_start3A_70, %dma_start3A_71] : memref<2x3x16x40x1x160xi32, #tpu.memory_space<hbm>> -> memref<1x1x1x1x1x160xi32, #tpu.memory_space<hbm>>
        %dma_start3A_73 = tpu.memref_squeeze %dma_start3A_72 : memref<1x1x1x1x1x160xi32, #tpu.memory_space<hbm>> -> memref<1x160xi32, #tpu.memory_space<hbm>>
        tpu.enqueue_dma source(%dma_start3A_73 : memref<1x160xi32, #tpu.memory_space<hbm>>) target(%arg9 : memref<1x160xi32, #tpu.memory_space<vmem>>) target_semaphore(%run_scoped3A_65 : memref<!tpu.dma_semaphore, #tpu.memory_space<semaphore_mem>>)
        %dma_wait3A_74 = arith.constant 0 : i32
        %dma_wait3A_75 = arith.constant 0 : i32
        %dma_wait3A_76 = tpu.memref_slice %arg4[%arg0, %run_scoped3A_33, %arg1, %add3A_32, %dma_wait3A_74, %dma_wait3A_75] : memref<2x3x16x40x1x160xi32, #tpu.memory_space<hbm>> -> memref<1x1x1x1x1x160xi32, #tpu.memory_space<hbm>>
        %dma_wait3A_77 = tpu.memref_squeeze %dma_wait3A_76 : memref<1x1x1x1x1x160xi32, #tpu.memory_space<hbm>> -> memref<1x160xi32, #tpu.memory_space<hbm>>
        %dma_wait3A_78 = arith.constant 0 : i32
        %dma_wait3A_79 = arith.constant 0 : i32
        %dma_wait3A_80 = tpu.memref_slice %arg4[%arg0, %run_scoped3A_33, %arg1, %add3A_32, %dma_wait3A_78, %dma_wait3A_79] : memref<2x3x16x40x1x160xi32, #tpu.memory_space<hbm>> -> memref<1x1x1x1x1x160xi32, #tpu.memory_space<hbm>>
        %dma_wait3A_81 = tpu.memref_squeeze %dma_wait3A_80 : memref<1x1x1x1x1x160xi32, #tpu.memory_space<hbm>> -> memref<1x160xi32, #tpu.memory_space<hbm>>
        tpu.wait_dma2 semaphore(%run_scoped3A_65 : memref<!tpu.dma_semaphore, #tpu.memory_space<semaphore_mem>>) src(%dma_wait3A_81 : memref<1x160xi32, #tpu.memory_space<hbm>>) dst(%arg9 : memref<1x160xi32, #tpu.memory_space<vmem>>)
        tpu.yield
      }) : () -> ()
      %add3A_34 = arith.constant 1 : i32
      %add3A_35 = arith.addi %add3A_28, %add3A_34 : i32
      %run_scoped3A_36 = arith.constant 1 : i32
      "tpu.region"() ({
        %run_scoped3A_65 = tpu.sem_alloc : memref<!tpu.dma_semaphore, #tpu.memory_space<semaphore_mem>>
        %dma_start3A_66 = arith.constant 0 : i32
        %dma_start3A_67 = arith.constant 0 : i32
        %dma_start3A_68 = tpu.memref_slice %arg5[%run_scoped3A_36, %arg1, %add3A_35, %dma_start3A_66, %dma_start3A_67] : memref<3x16x40x1x160xi32, #tpu.memory_space<hbm>> -> memref<1x1x1x1x160xi32, #tpu.memory_space<hbm>>
        %dma_start3A_69 = tpu.memref_squeeze %dma_start3A_68 : memref<1x1x1x1x160xi32, #tpu.memory_space<hbm>> -> memref<1x160xi32, #tpu.memory_space<hbm>>
        %dma_start3A_70 = arith.constant 0 : i32
        %dma_start3A_71 = arith.constant 0 : i32
        %dma_start3A_72 = tpu.memref_slice %arg5[%run_scoped3A_36, %arg1, %add3A_35, %dma_start3A_70, %dma_start3A_71] : memref<3x16x40x1x160xi32, #tpu.memory_space<hbm>> -> memref<1x1x1x1x160xi32, #tpu.memory_space<hbm>>
        %dma_start3A_73 = tpu.memref_squeeze %dma_start3A_72 : memref<1x1x1x1x160xi32, #tpu.memory_space<hbm>> -> memref<1x160xi32, #tpu.memory_space<hbm>>
        tpu.enqueue_dma source(%dma_start3A_73 : memref<1x160xi32, #tpu.memory_space<hbm>>) target(%arg10 : memref<1x160xi32, #tpu.memory_space<vmem>>) target_semaphore(%run_scoped3A_65 : memref<!tpu.dma_semaphore, #tpu.memory_space<semaphore_mem>>)
        %dma_wait3A_74 = arith.constant 0 : i32
        %dma_wait3A_75 = arith.constant 0 : i32
        %dma_wait3A_76 = tpu.memref_slice %arg5[%run_scoped3A_36, %arg1, %add3A_35, %dma_wait3A_74, %dma_wait3A_75] : memref<3x16x40x1x160xi32, #tpu.memory_space<hbm>> -> memref<1x1x1x1x160xi32, #tpu.memory_space<hbm>>
        %dma_wait3A_77 = tpu.memref_squeeze %dma_wait3A_76 : memref<1x1x1x1x160xi32, #tpu.memory_space<hbm>> -> memref<1x160xi32, #tpu.memory_space<hbm>>
        %dma_wait3A_78 = arith.constant 0 : i32
        %dma_wait3A_79 = arith.constant 0 : i32
        %dma_wait3A_80 = tpu.memref_slice %arg5[%run_scoped3A_36, %arg1, %add3A_35, %dma_wait3A_78, %dma_wait3A_79] : memref<3x16x40x1x160xi32, #tpu.memory_space<hbm>> -> memref<1x1x1x1x160xi32, #tpu.memory_space<hbm>>
        %dma_wait3A_81 = tpu.memref_squeeze %dma_wait3A_80 : memref<1x1x1x1x160xi32, #tpu.memory_space<hbm>> -> memref<1x160xi32, #tpu.memory_space<hbm>>
        tpu.wait_dma2 semaphore(%run_scoped3A_65 : memref<!tpu.dma_semaphore, #tpu.memory_space<semaphore_mem>>) src(%dma_wait3A_81 : memref<1x160xi32, #tpu.memory_space<hbm>>) dst(%arg10 : memref<1x160xi32, #tpu.memory_space<vmem>>)
        tpu.yield
      }) : () -> ()
      %dma_start3A = arith.constant 0 : i32
      %dma_start3A_37 = arith.constant 0 : i32
      %dma_start3A_38 = tpu.memref_slice %arg7[%dma_start3A, %dma_start3A_37] : memref<1x160xi32, #tpu.memory_space<vmem>> -> memref<1x160xi32, #tpu.memory_space<vmem>>
      %dma_start3A_39 = tpu.memref_squeeze %dma_start3A_38 : memref<1x160xi32, #tpu.memory_space<vmem>> -> memref<160xi32, #tpu.memory_space<vmem>>
      %dma_start3A_40 = arith.constant 0 : i32
      %dma_start3A_41 = arith.constant 0 : i32
      %dma_start3A_42 = tpu.memref_slice %arg2[%dma_start3A_40, %dma_start3A_41] : memref<20000x128xf32, #tpu.memory_space<hbm>> -> memref<20000x128xf32, #tpu.memory_space<hbm>>
      tpu.enqueue_indirect_dma source(%dma_start3A_42 : memref<20000x128xf32, #tpu.memory_space<hbm>>) target(%arg11 : memref<160x128xf32, #tpu.memory_space<vmem>>) offsets(%dma_start3A_39 : memref<160xi32, #tpu.memory_space<vmem>>) semaphore(%arg13 : memref<!tpu.dma_semaphore, #tpu.memory_space<semaphore_mem>>)
      %dma_start3A_43 = arith.constant 0 : i32
      %dma_start3A_44 = arith.constant 0 : i32
      %dma_start3A_45 = tpu.memref_slice %arg9[%dma_start3A_43, %dma_start3A_44] : memref<1x160xi32, #tpu.memory_space<vmem>> -> memref<1x160xi32, #tpu.memory_space<vmem>>
      %dma_start3A_46 = tpu.memref_squeeze %dma_start3A_45 : memref<1x160xi32, #tpu.memory_space<vmem>> -> memref<160xi32, #tpu.memory_space<vmem>>
      %dma_start3A_47 = arith.constant 0 : i32
      %dma_start3A_48 = arith.constant 0 : i32
      %dma_start3A_49 = tpu.memref_slice %arg2[%dma_start3A_47, %dma_start3A_48] : memref<20000x128xf32, #tpu.memory_space<hbm>> -> memref<20000x128xf32, #tpu.memory_space<hbm>>
      tpu.enqueue_indirect_dma source(%dma_start3A_49 : memref<20000x128xf32, #tpu.memory_space<hbm>>) target(%arg12 : memref<160x128xf32, #tpu.memory_space<vmem>>) offsets(%dma_start3A_46 : memref<160xi32, #tpu.memory_space<vmem>>) semaphore(%arg14 : memref<!tpu.dma_semaphore, #tpu.memory_space<semaphore_mem>>)
      %dma_wait3A = arith.constant 0 : i32
      %dma_wait3A_50 = arith.constant 0 : i32
      %dma_wait3A_51 = tpu.memref_slice %arg7[%dma_wait3A, %dma_wait3A_50] : memref<1x160xi32, #tpu.memory_space<vmem>> -> memref<1x160xi32, #tpu.memory_space<vmem>>
      %dma_wait3A_52 = tpu.memref_squeeze %dma_wait3A_51 : memref<1x160xi32, #tpu.memory_space<vmem>> -> memref<160xi32, #tpu.memory_space<vmem>>
      %dma_wait3A_53 = arith.constant 0 : i32
      %dma_wait3A_54 = arith.constant 0 : i32
      %dma_wait3A_55 = tpu.memref_slice %arg2[%dma_wait3A_53, %dma_wait3A_54] : memref<20000x128xf32, #tpu.memory_space<hbm>> -> memref<20000x128xf32, #tpu.memory_space<hbm>>
      tpu.wait_indirect_dma semaphore(%arg13 : memref<!tpu.dma_semaphore, #tpu.memory_space<semaphore_mem>>) src(%dma_wait3A_55 : memref<20000x128xf32, #tpu.memory_space<hbm>>) dst(%arg11 : memref<160x128xf32, #tpu.memory_space<vmem>>)
      %run_scoped3A_56 = arith.constant 0 : i32
      "tpu.region"() ({
        %run_scoped3A_65 = tpu.sem_alloc : memref<!tpu.dma_semaphore, #tpu.memory_space<semaphore_mem>>
        %dma_start3A_66 = arith.constant 0 : i32
        %dma_start3A_67 = tpu.memref_slice %arg8[%run_scoped3A_56, %dma_start3A_66] : memref<1x160xi32, #tpu.memory_space<vmem>> -> memref<1x160xi32, #tpu.memory_space<vmem>>
        %dma_start3A_68 = tpu.memref_squeeze %dma_start3A_67 : memref<1x160xi32, #tpu.memory_space<vmem>> -> memref<160xi32, #tpu.memory_space<vmem>>
        %dma_start3A_69 = arith.constant 0 : i32
        %dma_start3A_70 = arith.constant 0 : i32
        %dma_start3A_71 = tpu.memref_slice %arg15[%dma_start3A_69, %dma_start3A_70] : memref<10240x128xf32, #tpu.memory_space<vmem_shared>> -> memref<10240x128xf32, #tpu.memory_space<vmem_shared>>
        tpu.enqueue_indirect_dma source(%arg11 : memref<160x128xf32, #tpu.memory_space<vmem>>) target(%dma_start3A_71 : memref<10240x128xf32, #tpu.memory_space<vmem_shared>>) offsets(%dma_start3A_68 : memref<160xi32, #tpu.memory_space<vmem>>) semaphore(%run_scoped3A_65 : memref<!tpu.dma_semaphore, #tpu.memory_space<semaphore_mem>>) {add = true}
        %dma_wait3A_72 = arith.constant 0 : i32
        %dma_wait3A_73 = tpu.memref_slice %arg8[%run_scoped3A_56, %dma_wait3A_72] : memref<1x160xi32, #tpu.memory_space<vmem>> -> memref<1x160xi32, #tpu.memory_space<vmem>>
        %dma_wait3A_74 = tpu.memref_squeeze %dma_wait3A_73 : memref<1x160xi32, #tpu.memory_space<vmem>> -> memref<160xi32, #tpu.memory_space<vmem>>
        %dma_wait3A_75 = arith.constant 0 : i32
        %dma_wait3A_76 = arith.constant 0 : i32
        %dma_wait3A_77 = tpu.memref_slice %arg15[%dma_wait3A_75, %dma_wait3A_76] : memref<10240x128xf32, #tpu.memory_space<vmem_shared>> -> memref<10240x128xf32, #tpu.memory_space<vmem_shared>>
        tpu.wait_indirect_dma semaphore(%run_scoped3A_65 : memref<!tpu.dma_semaphore, #tpu.memory_space<semaphore_mem>>) src(%arg11 : memref<160x128xf32, #tpu.memory_space<vmem>>) dst(%dma_wait3A_77 : memref<10240x128xf32, #tpu.memory_space<vmem_shared>>)
        tpu.yield
      }) : () -> ()
      %dma_wait3A_57 = arith.constant 0 : i32
      %dma_wait3A_58 = arith.constant 0 : i32
      %dma_wait3A_59 = tpu.memref_slice %arg9[%dma_wait3A_57, %dma_wait3A_58] : memref<1x160xi32, #tpu.memory_space<vmem>> -> memref<1x160xi32, #tpu.memory_space<vmem>>
      %dma_wait3A_60 = tpu.memref_squeeze %dma_wait3A_59 : memref<1x160xi32, #tpu.memory_space<vmem>> -> memref<160xi32, #tpu.memory_space<vmem>>
      %dma_wait3A_61 = arith.constant 0 : i32
      %dma_wait3A_62 = arith.constant 0 : i32
      %dma_wait3A_63 = tpu.memref_slice %arg2[%dma_wait3A_61, %dma_wait3A_62] : memref<20000x128xf32, #tpu.memory_space<hbm>> -> memref<20000x128xf32, #tpu.memory_space<hbm>>
      tpu.wait_indirect_dma semaphore(%arg14 : memref<!tpu.dma_semaphore, #tpu.memory_space<semaphore_mem>>) src(%dma_wait3A_63 : memref<20000x128xf32, #tpu.memory_space<hbm>>) dst(%arg12 : memref<160x128xf32, #tpu.memory_space<vmem>>)
      %run_scoped3A_64 = arith.constant 0 : i32
      "tpu.region"() ({
        %run_scoped3A_65 = tpu.sem_alloc : memref<!tpu.dma_semaphore, #tpu.memory_space<semaphore_mem>>
        %dma_start3A_66 = arith.constant 0 : i32
        %dma_start3A_67 = tpu.memref_slice %arg10[%run_scoped3A_64, %dma_start3A_66] : memref<1x160xi32, #tpu.memory_space<vmem>> -> memref<1x160xi32, #tpu.memory_space<vmem>>
        %dma_start3A_68 = tpu.memref_squeeze %dma_start3A_67 : memref<1x160xi32, #tpu.memory_space<vmem>> -> memref<160xi32, #tpu.memory_space<vmem>>
        %dma_start3A_69 = arith.constant 0 : i32
        %dma_start3A_70 = arith.constant 0 : i32
        %dma_start3A_71 = tpu.memref_slice %arg15[%dma_start3A_69, %dma_start3A_70] : memref<10240x128xf32, #tpu.memory_space<vmem_shared>> -> memref<10240x128xf32, #tpu.memory_space<vmem_shared>>
        tpu.enqueue_indirect_dma source(%arg12 : memref<160x128xf32, #tpu.memory_space<vmem>>) target(%dma_start3A_71 : memref<10240x128xf32, #tpu.memory_space<vmem_shared>>) offsets(%dma_start3A_68 : memref<160xi32, #tpu.memory_space<vmem>>) semaphore(%run_scoped3A_65 : memref<!tpu.dma_semaphore, #tpu.memory_space<semaphore_mem>>) {add = true}
        %dma_wait3A_72 = arith.constant 0 : i32
        %dma_wait3A_73 = tpu.memref_slice %arg10[%run_scoped3A_64, %dma_wait3A_72] : memref<1x160xi32, #tpu.memory_space<vmem>> -> memref<1x160xi32, #tpu.memory_space<vmem>>
        %dma_wait3A_74 = tpu.memref_squeeze %dma_wait3A_73 : memref<1x160xi32, #tpu.memory_space<vmem>> -> memref<160xi32, #tpu.memory_space<vmem>>
        %dma_wait3A_75 = arith.constant 0 : i32
        %dma_wait3A_76 = arith.constant 0 : i32
        %dma_wait3A_77 = tpu.memref_slice %arg15[%dma_wait3A_75, %dma_wait3A_76] : memref<10240x128xf32, #tpu.memory_space<vmem_shared>> -> memref<10240x128xf32, #tpu.memory_space<vmem_shared>>
        tpu.wait_indirect_dma semaphore(%run_scoped3A_65 : memref<!tpu.dma_semaphore, #tpu.memory_space<semaphore_mem>>) src(%arg12 : memref<160x128xf32, #tpu.memory_space<vmem>>) dst(%dma_wait3A_77 : memref<10240x128xf32, #tpu.memory_space<vmem_shared>>)
        tpu.yield
      }) : () -> ()
    }
    %scan3A_12 = arith.constant 20 : i32
    %barrier3A_13 = arith.constant 0 : index
    tpu.barrier barrier_id(%barrier3A_13)
    %run_scoped3A_14 = arith.constant 1 : i32
    "tpu.region"() ({
      %run_scoped3A_25 = tpu.sem_alloc : memref<!tpu.dma_semaphore, #tpu.memory_space<semaphore_mem>>
      %dma_start3A = arith.constant 0 : i32
      %dma_start3A_26 = tpu.memref_slice %arg6[%run_scoped3A_14, %arg0, %mul3A_0, %dma_start3A] : memref<3x2x10240x128xf32, #tpu.memory_space<hbm>> -> memref<1x1x640x128xf32, #tpu.memory_space<hbm>>
      %dma_start3A_27 = tpu.memref_squeeze %dma_start3A_26 : memref<1x1x640x128xf32, #tpu.memory_space<hbm>> -> memref<640x128xf32, #tpu.memory_space<hbm>>
      %dma_start3A_28 = arith.constant 0 : i32
      %dma_start3A_29 = tpu.memref_slice %arg15[%mul3A_0, %dma_start3A_28] : memref<10240x128xf32, #tpu.memory_space<vmem_shared>> -> memref<640x128xf32, #tpu.memory_space<vmem_shared>>
      tpu.enqueue_dma source(%dma_start3A_29 : memref<640x128xf32, #tpu.memory_space<vmem_shared>>) target(%dma_start3A_27 : memref<640x128xf32, #tpu.memory_space<hbm>>) target_semaphore(%run_scoped3A_25 : memref<!tpu.dma_semaphore, #tpu.memory_space<semaphore_mem>>)
      %dma_wait3A = arith.constant 0 : i32
      %dma_wait3A_30 = tpu.memref_slice %arg6[%run_scoped3A_14, %arg0, %mul3A_0, %dma_wait3A] : memref<3x2x10240x128xf32, #tpu.memory_space<hbm>> -> memref<1x1x640x128xf32, #tpu.memory_space<hbm>>
      %dma_wait3A_31 = tpu.memref_squeeze %dma_wait3A_30 : memref<1x1x640x128xf32, #tpu.memory_space<hbm>> -> memref<640x128xf32, #tpu.memory_space<hbm>>
      %dma_wait3A_32 = arith.constant 0 : i32
      %dma_wait3A_33 = tpu.memref_slice %arg15[%mul3A_0, %dma_wait3A_32] : memref<10240x128xf32, #tpu.memory_space<vmem_shared>> -> memref<640x128xf32, #tpu.memory_space<vmem_shared>>
      tpu.wait_dma2 semaphore(%run_scoped3A_25 : memref<!tpu.dma_semaphore, #tpu.memory_space<semaphore_mem>>) src(%dma_wait3A_33 : memref<640x128xf32, #tpu.memory_space<vmem_shared>>) dst(%dma_wait3A_31 : memref<640x128xf32, #tpu.memory_space<hbm>>)
      tpu.yield
    }) : () -> ()
    %barrier3A_15 = arith.constant 0 : index
    tpu.barrier barrier_id(%barrier3A_15)
    "tpu.region"() ({
      %run_scoped3A_25 = tpu.sem_alloc : memref<!tpu.dma_semaphore, #tpu.memory_space<semaphore_mem>>
      %dma_start3A = arith.constant 0 : i32
      %dma_start3A_26 = tpu.memref_slice %arg15[%mul3A_0, %dma_start3A] : memref<10240x128xf32, #tpu.memory_space<vmem_shared>> -> memref<640x128xf32, #tpu.memory_space<vmem_shared>>
      %dma_start3A_27 = arith.constant 0 : i32
      %dma_start3A_28 = tpu.memref_slice %arg3[%mul3A_0, %dma_start3A_27] : memref<10240x128xf32, #tpu.memory_space<hbm>> -> memref<640x128xf32, #tpu.memory_space<hbm>>
      tpu.enqueue_dma source(%dma_start3A_28 : memref<640x128xf32, #tpu.memory_space<hbm>>) target(%dma_start3A_26 : memref<640x128xf32, #tpu.memory_space<vmem_shared>>) target_semaphore(%run_scoped3A_25 : memref<!tpu.dma_semaphore, #tpu.memory_space<semaphore_mem>>)
      %dma_wait3A = arith.constant 0 : i32
      %dma_wait3A_29 = tpu.memref_slice %arg15[%mul3A_0, %dma_wait3A] : memref<10240x128xf32, #tpu.memory_space<vmem_shared>> -> memref<640x128xf32, #tpu.memory_space<vmem_shared>>
      %dma_wait3A_30 = arith.constant 0 : i32
      %dma_wait3A_31 = tpu.memref_slice %arg3[%mul3A_0, %dma_wait3A_30] : memref<10240x128xf32, #tpu.memory_space<hbm>> -> memref<640x128xf32, #tpu.memory_space<hbm>>
      tpu.wait_dma2 semaphore(%run_scoped3A_25 : memref<!tpu.dma_semaphore, #tpu.memory_space<semaphore_mem>>) src(%dma_wait3A_31 : memref<640x128xf32, #tpu.memory_space<hbm>>) dst(%dma_wait3A_29 : memref<640x128xf32, #tpu.memory_space<vmem_shared>>)
      tpu.yield
    }) : () -> ()
    %barrier3A_16 = arith.constant 0 : index
    tpu.barrier barrier_id(%barrier3A_16)
    %scan3A_17 = arith.constant 0 : i32
    %scan3A_18 = arith.constant 20 : i32
    %scan3A_19 = arith.addi %scan3A_17, %scan3A_18 : i32
    %scan3A_20 = arith.constant 1 : i32
    scf.for %scan3A_25 = %scan3A_17 to %scan3A_19 step %scan3A_20  : i32 {
      %mul3A_26 = arith.constant 2 : i32
      %mul3A_27 = arith.muli %scan3A_25, %mul3A_26 : i32
      %add3A = arith.constant 0 : i32
      %add3A_28 = arith.addi %add3A, %mul3A_27 : i32
      %run_scoped3A_29 = arith.constant 2 : i32
      "tpu.region"() ({
        %run_scoped3A_65 = tpu.sem_alloc : memref<!tpu.dma_semaphore, #tpu.memory_space<semaphore_mem>>
        %dma_start3A_66 = arith.constant 0 : i32
        %dma_start3A_67 = arith.constant 0 : i32
        %dma_start3A_68 = tpu.memref_slice %arg4[%arg0, %run_scoped3A_29, %arg1, %add3A_28, %dma_start3A_66, %dma_start3A_67] : memref<2x3x16x40x1x160xi32, #tpu.memory_space<hbm>> -> memref<1x1x1x1x1x160xi32, #tpu.memory_space<hbm>>
        %dma_start3A_69 = tpu.memref_squeeze %dma_start3A_68 : memref<1x1x1x1x1x160xi32, #tpu.memory_space<hbm>> -> memref<1x160xi32, #tpu.memory_space<hbm>>
        %dma_start3A_70 = arith.constant 0 : i32
        %dma_start3A_71 = arith.constant 0 : i32
        %dma_start3A_72 = tpu.memref_slice %arg4[%arg0, %run_scoped3A_29, %arg1, %add3A_28, %dma_start3A_70, %dma_start3A_71] : memref<2x3x16x40x1x160xi32, #tpu.memory_space<hbm>> -> memref<1x1x1x1x1x160xi32, #tpu.memory_space<hbm>>
        %dma_start3A_73 = tpu.memref_squeeze %dma_start3A_72 : memref<1x1x1x1x1x160xi32, #tpu.memory_space<hbm>> -> memref<1x160xi32, #tpu.memory_space<hbm>>
        tpu.enqueue_dma source(%dma_start3A_73 : memref<1x160xi32, #tpu.memory_space<hbm>>) target(%arg7 : memref<1x160xi32, #tpu.memory_space<vmem>>) target_semaphore(%run_scoped3A_65 : memref<!tpu.dma_semaphore, #tpu.memory_space<semaphore_mem>>)
        %dma_wait3A_74 = arith.constant 0 : i32
        %dma_wait3A_75 = arith.constant 0 : i32
        %dma_wait3A_76 = tpu.memref_slice %arg4[%arg0, %run_scoped3A_29, %arg1, %add3A_28, %dma_wait3A_74, %dma_wait3A_75] : memref<2x3x16x40x1x160xi32, #tpu.memory_space<hbm>> -> memref<1x1x1x1x1x160xi32, #tpu.memory_space<hbm>>
        %dma_wait3A_77 = tpu.memref_squeeze %dma_wait3A_76 : memref<1x1x1x1x1x160xi32, #tpu.memory_space<hbm>> -> memref<1x160xi32, #tpu.memory_space<hbm>>
        %dma_wait3A_78 = arith.constant 0 : i32
        %dma_wait3A_79 = arith.constant 0 : i32
        %dma_wait3A_80 = tpu.memref_slice %arg4[%arg0, %run_scoped3A_29, %arg1, %add3A_28, %dma_wait3A_78, %dma_wait3A_79] : memref<2x3x16x40x1x160xi32, #tpu.memory_space<hbm>> -> memref<1x1x1x1x1x160xi32, #tpu.memory_space<hbm>>
        %dma_wait3A_81 = tpu.memref_squeeze %dma_wait3A_80 : memref<1x1x1x1x1x160xi32, #tpu.memory_space<hbm>> -> memref<1x160xi32, #tpu.memory_space<hbm>>
        tpu.wait_dma2 semaphore(%run_scoped3A_65 : memref<!tpu.dma_semaphore, #tpu.memory_space<semaphore_mem>>) src(%dma_wait3A_81 : memref<1x160xi32, #tpu.memory_space<hbm>>) dst(%arg7 : memref<1x160xi32, #tpu.memory_space<vmem>>)
        tpu.yield
      }) : () -> ()
      %run_scoped3A_30 = arith.constant 2 : i32
      "tpu.region"() ({
        %run_scoped3A_65 = tpu.sem_alloc : memref<!tpu.dma_semaphore, #tpu.memory_space<semaphore_mem>>
        %dma_start3A_66 = arith.constant 0 : i32
        %dma_start3A_67 = arith.constant 0 : i32
        %dma_start3A_68 = tpu.memref_slice %arg5[%run_scoped3A_30, %arg1, %add3A_28, %dma_start3A_66, %dma_start3A_67] : memref<3x16x40x1x160xi32, #tpu.memory_space<hbm>> -> memref<1x1x1x1x160xi32, #tpu.memory_space<hbm>>
        %dma_start3A_69 = tpu.memref_squeeze %dma_start3A_68 : memref<1x1x1x1x160xi32, #tpu.memory_space<hbm>> -> memref<1x160xi32, #tpu.memory_space<hbm>>
        %dma_start3A_70 = arith.constant 0 : i32
        %dma_start3A_71 = arith.constant 0 : i32
        %dma_start3A_72 = tpu.memref_slice %arg5[%run_scoped3A_30, %arg1, %add3A_28, %dma_start3A_70, %dma_start3A_71] : memref<3x16x40x1x160xi32, #tpu.memory_space<hbm>> -> memref<1x1x1x1x160xi32, #tpu.memory_space<hbm>>
        %dma_start3A_73 = tpu.memref_squeeze %dma_start3A_72 : memref<1x1x1x1x160xi32, #tpu.memory_space<hbm>> -> memref<1x160xi32, #tpu.memory_space<hbm>>
        tpu.enqueue_dma source(%dma_start3A_73 : memref<1x160xi32, #tpu.memory_space<hbm>>) target(%arg8 : memref<1x160xi32, #tpu.memory_space<vmem>>) target_semaphore(%run_scoped3A_65 : memref<!tpu.dma_semaphore, #tpu.memory_space<semaphore_mem>>)
        %dma_wait3A_74 = arith.constant 0 : i32
        %dma_wait3A_75 = arith.constant 0 : i32
        %dma_wait3A_76 = tpu.memref_slice %arg5[%run_scoped3A_30, %arg1, %add3A_28, %dma_wait3A_74, %dma_wait3A_75] : memref<3x16x40x1x160xi32, #tpu.memory_space<hbm>> -> memref<1x1x1x1x160xi32, #tpu.memory_space<hbm>>
        %dma_wait3A_77 = tpu.memref_squeeze %dma_wait3A_76 : memref<1x1x1x1x160xi32, #tpu.memory_space<hbm>> -> memref<1x160xi32, #tpu.memory_space<hbm>>
        %dma_wait3A_78 = arith.constant 0 : i32
        %dma_wait3A_79 = arith.constant 0 : i32
        %dma_wait3A_80 = tpu.memref_slice %arg5[%run_scoped3A_30, %arg1, %add3A_28, %dma_wait3A_78, %dma_wait3A_79] : memref<3x16x40x1x160xi32, #tpu.memory_space<hbm>> -> memref<1x1x1x1x160xi32, #tpu.memory_space<hbm>>
        %dma_wait3A_81 = tpu.memref_squeeze %dma_wait3A_80 : memref<1x1x1x1x160xi32, #tpu.memory_space<hbm>> -> memref<1x160xi32, #tpu.memory_space<hbm>>
        tpu.wait_dma2 semaphore(%run_scoped3A_65 : memref<!tpu.dma_semaphore, #tpu.memory_space<semaphore_mem>>) src(%dma_wait3A_81 : memref<1x160xi32, #tpu.memory_space<hbm>>) dst(%arg8 : memref<1x160xi32, #tpu.memory_space<vmem>>)
        tpu.yield
      }) : () -> ()
      %add3A_31 = arith.constant 1 : i32
      %add3A_32 = arith.addi %add3A_28, %add3A_31 : i32
      %run_scoped3A_33 = arith.constant 2 : i32
      "tpu.region"() ({
        %run_scoped3A_65 = tpu.sem_alloc : memref<!tpu.dma_semaphore, #tpu.memory_space<semaphore_mem>>
        %dma_start3A_66 = arith.constant 0 : i32
        %dma_start3A_67 = arith.constant 0 : i32
        %dma_start3A_68 = tpu.memref_slice %arg4[%arg0, %run_scoped3A_33, %arg1, %add3A_32, %dma_start3A_66, %dma_start3A_67] : memref<2x3x16x40x1x160xi32, #tpu.memory_space<hbm>> -> memref<1x1x1x1x1x160xi32, #tpu.memory_space<hbm>>
        %dma_start3A_69 = tpu.memref_squeeze %dma_start3A_68 : memref<1x1x1x1x1x160xi32, #tpu.memory_space<hbm>> -> memref<1x160xi32, #tpu.memory_space<hbm>>
        %dma_start3A_70 = arith.constant 0 : i32
        %dma_start3A_71 = arith.constant 0 : i32
        %dma_start3A_72 = tpu.memref_slice %arg4[%arg0, %run_scoped3A_33, %arg1, %add3A_32, %dma_start3A_70, %dma_start3A_71] : memref<2x3x16x40x1x160xi32, #tpu.memory_space<hbm>> -> memref<1x1x1x1x1x160xi32, #tpu.memory_space<hbm>>
        %dma_start3A_73 = tpu.memref_squeeze %dma_start3A_72 : memref<1x1x1x1x1x160xi32, #tpu.memory_space<hbm>> -> memref<1x160xi32, #tpu.memory_space<hbm>>
        tpu.enqueue_dma source(%dma_start3A_73 : memref<1x160xi32, #tpu.memory_space<hbm>>) target(%arg9 : memref<1x160xi32, #tpu.memory_space<vmem>>) target_semaphore(%run_scoped3A_65 : memref<!tpu.dma_semaphore, #tpu.memory_space<semaphore_mem>>)
        %dma_wait3A_74 = arith.constant 0 : i32
        %dma_wait3A_75 = arith.constant 0 : i32
        %dma_wait3A_76 = tpu.memref_slice %arg4[%arg0, %run_scoped3A_33, %arg1, %add3A_32, %dma_wait3A_74, %dma_wait3A_75] : memref<2x3x16x40x1x160xi32, #tpu.memory_space<hbm>> -> memref<1x1x1x1x1x160xi32, #tpu.memory_space<hbm>>
        %dma_wait3A_77 = tpu.memref_squeeze %dma_wait3A_76 : memref<1x1x1x1x1x160xi32, #tpu.memory_space<hbm>> -> memref<1x160xi32, #tpu.memory_space<hbm>>
        %dma_wait3A_78 = arith.constant 0 : i32
        %dma_wait3A_79 = arith.constant 0 : i32
        %dma_wait3A_80 = tpu.memref_slice %arg4[%arg0, %run_scoped3A_33, %arg1, %add3A_32, %dma_wait3A_78, %dma_wait3A_79] : memref<2x3x16x40x1x160xi32, #tpu.memory_space<hbm>> -> memref<1x1x1x1x1x160xi32, #tpu.memory_space<hbm>>
        %dma_wait3A_81 = tpu.memref_squeeze %dma_wait3A_80 : memref<1x1x1x1x1x160xi32, #tpu.memory_space<hbm>> -> memref<1x160xi32, #tpu.memory_space<hbm>>
        tpu.wait_dma2 semaphore(%run_scoped3A_65 : memref<!tpu.dma_semaphore, #tpu.memory_space<semaphore_mem>>) src(%dma_wait3A_81 : memref<1x160xi32, #tpu.memory_space<hbm>>) dst(%arg9 : memref<1x160xi32, #tpu.memory_space<vmem>>)
        tpu.yield
      }) : () -> ()
      %add3A_34 = arith.constant 1 : i32
      %add3A_35 = arith.addi %add3A_28, %add3A_34 : i32
      %run_scoped3A_36 = arith.constant 2 : i32
      "tpu.region"() ({
        %run_scoped3A_65 = tpu.sem_alloc : memref<!tpu.dma_semaphore, #tpu.memory_space<semaphore_mem>>
        %dma_start3A_66 = arith.constant 0 : i32
        %dma_start3A_67 = arith.constant 0 : i32
        %dma_start3A_68 = tpu.memref_slice %arg5[%run_scoped3A_36, %arg1, %add3A_35, %dma_start3A_66, %dma_start3A_67] : memref<3x16x40x1x160xi32, #tpu.memory_space<hbm>> -> memref<1x1x1x1x160xi32, #tpu.memory_space<hbm>>
        %dma_start3A_69 = tpu.memref_squeeze %dma_start3A_68 : memref<1x1x1x1x160xi32, #tpu.memory_space<hbm>> -> memref<1x160xi32, #tpu.memory_space<hbm>>
        %dma_start3A_70 = arith.constant 0 : i32
        %dma_start3A_71 = arith.constant 0 : i32
        %dma_start3A_72 = tpu.memref_slice %arg5[%run_scoped3A_36, %arg1, %add3A_35, %dma_start3A_70, %dma_start3A_71] : memref<3x16x40x1x160xi32, #tpu.memory_space<hbm>> -> memref<1x1x1x1x160xi32, #tpu.memory_space<hbm>>
        %dma_start3A_73 = tpu.memref_squeeze %dma_start3A_72 : memref<1x1x1x1x160xi32, #tpu.memory_space<hbm>> -> memref<1x160xi32, #tpu.memory_space<hbm>>
        tpu.enqueue_dma source(%dma_start3A_73 : memref<1x160xi32, #tpu.memory_space<hbm>>) target(%arg10 : memref<1x160xi32, #tpu.memory_space<vmem>>) target_semaphore(%run_scoped3A_65 : memref<!tpu.dma_semaphore, #tpu.memory_space<semaphore_mem>>)
        %dma_wait3A_74 = arith.constant 0 : i32
        %dma_wait3A_75 = arith.constant 0 : i32
        %dma_wait3A_76 = tpu.memref_slice %arg5[%run_scoped3A_36, %arg1, %add3A_35, %dma_wait3A_74, %dma_wait3A_75] : memref<3x16x40x1x160xi32, #tpu.memory_space<hbm>> -> memref<1x1x1x1x160xi32, #tpu.memory_space<hbm>>
        %dma_wait3A_77 = tpu.memref_squeeze %dma_wait3A_76 : memref<1x1x1x1x160xi32, #tpu.memory_space<hbm>> -> memref<1x160xi32, #tpu.memory_space<hbm>>
        %dma_wait3A_78 = arith.constant 0 : i32
        %dma_wait3A_79 = arith.constant 0 : i32
        %dma_wait3A_80 = tpu.memref_slice %arg5[%run_scoped3A_36, %arg1, %add3A_35, %dma_wait3A_78, %dma_wait3A_79] : memref<3x16x40x1x160xi32, #tpu.memory_space<hbm>> -> memref<1x1x1x1x160xi32, #tpu.memory_space<hbm>>
        %dma_wait3A_81 = tpu.memref_squeeze %dma_wait3A_80 : memref<1x1x1x1x160xi32, #tpu.memory_space<hbm>> -> memref<1x160xi32, #tpu.memory_space<hbm>>
        tpu.wait_dma2 semaphore(%run_scoped3A_65 : memref<!tpu.dma_semaphore, #tpu.memory_space<semaphore_mem>>) src(%dma_wait3A_81 : memref<1x160xi32, #tpu.memory_space<hbm>>) dst(%arg10 : memref<1x160xi32, #tpu.memory_space<vmem>>)
        tpu.yield
      }) : () -> ()
      %dma_start3A = arith.constant 0 : i32
      %dma_start3A_37 = arith.constant 0 : i32
      %dma_start3A_38 = tpu.memref_slice %arg7[%dma_start3A, %dma_start3A_37] : memref<1x160xi32, #tpu.memory_space<vmem>> -> memref<1x160xi32, #tpu.memory_space<vmem>>
      %dma_start3A_39 = tpu.memref_squeeze %dma_start3A_38 : memref<1x160xi32, #tpu.memory_space<vmem>> -> memref<160xi32, #tpu.memory_space<vmem>>
      %dma_start3A_40 = arith.constant 0 : i32
      %dma_start3A_41 = arith.constant 0 : i32
      %dma_start3A_42 = tpu.memref_slice %arg2[%dma_start3A_40, %dma_start3A_41] : memref<20000x128xf32, #tpu.memory_space<hbm>> -> memref<20000x128xf32, #tpu.memory_space<hbm>>
      tpu.enqueue_indirect_dma source(%dma_start3A_42 : memref<20000x128xf32, #tpu.memory_space<hbm>>) target(%arg11 : memref<160x128xf32, #tpu.memory_space<vmem>>) offsets(%dma_start3A_39 : memref<160xi32, #tpu.memory_space<vmem>>) semaphore(%arg13 : memref<!tpu.dma_semaphore, #tpu.memory_space<semaphore_mem>>)
      %dma_start3A_43 = arith.constant 0 : i32
      %dma_start3A_44 = arith.constant 0 : i32
      %dma_start3A_45 = tpu.memref_slice %arg9[%dma_start3A_43, %dma_start3A_44] : memref<1x160xi32, #tpu.memory_space<vmem>> -> memref<1x160xi32, #tpu.memory_space<vmem>>
      %dma_start3A_46 = tpu.memref_squeeze %dma_start3A_45 : memref<1x160xi32, #tpu.memory_space<vmem>> -> memref<160xi32, #tpu.memory_space<vmem>>
      %dma_start3A_47 = arith.constant 0 : i32
      %dma_start3A_48 = arith.constant 0 : i32
      %dma_start3A_49 = tpu.memref_slice %arg2[%dma_start3A_47, %dma_start3A_48] : memref<20000x128xf32, #tpu.memory_space<hbm>> -> memref<20000x128xf32, #tpu.memory_space<hbm>>
      tpu.enqueue_indirect_dma source(%dma_start3A_49 : memref<20000x128xf32, #tpu.memory_space<hbm>>) target(%arg12 : memref<160x128xf32, #tpu.memory_space<vmem>>) offsets(%dma_start3A_46 : memref<160xi32, #tpu.memory_space<vmem>>) semaphore(%arg14 : memref<!tpu.dma_semaphore, #tpu.memory_space<semaphore_mem>>)
      %dma_wait3A = arith.constant 0 : i32
      %dma_wait3A_50 = arith.constant 0 : i32
      %dma_wait3A_51 = tpu.memref_slice %arg7[%dma_wait3A, %dma_wait3A_50] : memref<1x160xi32, #tpu.memory_space<vmem>> -> memref<1x160xi32, #tpu.memory_space<vmem>>
      %dma_wait3A_52 = tpu.memref_squeeze %dma_wait3A_51 : memref<1x160xi32, #tpu.memory_space<vmem>> -> memref<160xi32, #tpu.memory_space<vmem>>
      %dma_wait3A_53 = arith.constant 0 : i32
      %dma_wait3A_54 = arith.constant 0 : i32
      %dma_wait3A_55 = tpu.memref_slice %arg2[%dma_wait3A_53, %dma_wait3A_54] : memref<20000x128xf32, #tpu.memory_space<hbm>> -> memref<20000x128xf32, #tpu.memory_space<hbm>>
      tpu.wait_indirect_dma semaphore(%arg13 : memref<!tpu.dma_semaphore, #tpu.memory_space<semaphore_mem>>) src(%dma_wait3A_55 : memref<20000x128xf32, #tpu.memory_space<hbm>>) dst(%arg11 : memref<160x128xf32, #tpu.memory_space<vmem>>)
      %run_scoped3A_56 = arith.constant 0 : i32
      "tpu.region"() ({
        %run_scoped3A_65 = tpu.sem_alloc : memref<!tpu.dma_semaphore, #tpu.memory_space<semaphore_mem>>
        %dma_start3A_66 = arith.constant 0 : i32
        %dma_start3A_67 = tpu.memref_slice %arg8[%run_scoped3A_56, %dma_start3A_66] : memref<1x160xi32, #tpu.memory_space<vmem>> -> memref<1x160xi32, #tpu.memory_space<vmem>>
        %dma_start3A_68 = tpu.memref_squeeze %dma_start3A_67 : memref<1x160xi32, #tpu.memory_space<vmem>> -> memref<160xi32, #tpu.memory_space<vmem>>
        %dma_start3A_69 = arith.constant 0 : i32
        %dma_start3A_70 = arith.constant 0 : i32
        %dma_start3A_71 = tpu.memref_slice %arg15[%dma_start3A_69, %dma_start3A_70] : memref<10240x128xf32, #tpu.memory_space<vmem_shared>> -> memref<10240x128xf32, #tpu.memory_space<vmem_shared>>
        tpu.enqueue_indirect_dma source(%arg11 : memref<160x128xf32, #tpu.memory_space<vmem>>) target(%dma_start3A_71 : memref<10240x128xf32, #tpu.memory_space<vmem_shared>>) offsets(%dma_start3A_68 : memref<160xi32, #tpu.memory_space<vmem>>) semaphore(%run_scoped3A_65 : memref<!tpu.dma_semaphore, #tpu.memory_space<semaphore_mem>>) {add = true}
        %dma_wait3A_72 = arith.constant 0 : i32
        %dma_wait3A_73 = tpu.memref_slice %arg8[%run_scoped3A_56, %dma_wait3A_72] : memref<1x160xi32, #tpu.memory_space<vmem>> -> memref<1x160xi32, #tpu.memory_space<vmem>>
        %dma_wait3A_74 = tpu.memref_squeeze %dma_wait3A_73 : memref<1x160xi32, #tpu.memory_space<vmem>> -> memref<160xi32, #tpu.memory_space<vmem>>
        %dma_wait3A_75 = arith.constant 0 : i32
        %dma_wait3A_76 = arith.constant 0 : i32
        %dma_wait3A_77 = tpu.memref_slice %arg15[%dma_wait3A_75, %dma_wait3A_76] : memref<10240x128xf32, #tpu.memory_space<vmem_shared>> -> memref<10240x128xf32, #tpu.memory_space<vmem_shared>>
        tpu.wait_indirect_dma semaphore(%run_scoped3A_65 : memref<!tpu.dma_semaphore, #tpu.memory_space<semaphore_mem>>) src(%arg11 : memref<160x128xf32, #tpu.memory_space<vmem>>) dst(%dma_wait3A_77 : memref<10240x128xf32, #tpu.memory_space<vmem_shared>>)
        tpu.yield
      }) : () -> ()
      %dma_wait3A_57 = arith.constant 0 : i32
      %dma_wait3A_58 = arith.constant 0 : i32
      %dma_wait3A_59 = tpu.memref_slice %arg9[%dma_wait3A_57, %dma_wait3A_58] : memref<1x160xi32, #tpu.memory_space<vmem>> -> memref<1x160xi32, #tpu.memory_space<vmem>>
      %dma_wait3A_60 = tpu.memref_squeeze %dma_wait3A_59 : memref<1x160xi32, #tpu.memory_space<vmem>> -> memref<160xi32, #tpu.memory_space<vmem>>
      %dma_wait3A_61 = arith.constant 0 : i32
      %dma_wait3A_62 = arith.constant 0 : i32
      %dma_wait3A_63 = tpu.memref_slice %arg2[%dma_wait3A_61, %dma_wait3A_62] : memref<20000x128xf32, #tpu.memory_space<hbm>> -> memref<20000x128xf32, #tpu.memory_space<hbm>>
      tpu.wait_indirect_dma semaphore(%arg14 : memref<!tpu.dma_semaphore, #tpu.memory_space<semaphore_mem>>) src(%dma_wait3A_63 : memref<20000x128xf32, #tpu.memory_space<hbm>>) dst(%arg12 : memref<160x128xf32, #tpu.memory_space<vmem>>)
      %run_scoped3A_64 = arith.constant 0 : i32
      "tpu.region"() ({
        %run_scoped3A_65 = tpu.sem_alloc : memref<!tpu.dma_semaphore, #tpu.memory_space<semaphore_mem>>
        %dma_start3A_66 = arith.constant 0 : i32
        %dma_start3A_67 = tpu.memref_slice %arg10[%run_scoped3A_64, %dma_start3A_66] : memref<1x160xi32, #tpu.memory_space<vmem>> -> memref<1x160xi32, #tpu.memory_space<vmem>>
        %dma_start3A_68 = tpu.memref_squeeze %dma_start3A_67 : memref<1x160xi32, #tpu.memory_space<vmem>> -> memref<160xi32, #tpu.memory_space<vmem>>
        %dma_start3A_69 = arith.constant 0 : i32
        %dma_start3A_70 = arith.constant 0 : i32
        %dma_start3A_71 = tpu.memref_slice %arg15[%dma_start3A_69, %dma_start3A_70] : memref<10240x128xf32, #tpu.memory_space<vmem_shared>> -> memref<10240x128xf32, #tpu.memory_space<vmem_shared>>
        tpu.enqueue_indirect_dma source(%arg12 : memref<160x128xf32, #tpu.memory_space<vmem>>) target(%dma_start3A_71 : memref<10240x128xf32, #tpu.memory_space<vmem_shared>>) offsets(%dma_start3A_68 : memref<160xi32, #tpu.memory_space<vmem>>) semaphore(%run_scoped3A_65 : memref<!tpu.dma_semaphore, #tpu.memory_space<semaphore_mem>>) {add = true}
        %dma_wait3A_72 = arith.constant 0 : i32
        %dma_wait3A_73 = tpu.memref_slice %arg10[%run_scoped3A_64, %dma_wait3A_72] : memref<1x160xi32, #tpu.memory_space<vmem>> -> memref<1x160xi32, #tpu.memory_space<vmem>>
        %dma_wait3A_74 = tpu.memref_squeeze %dma_wait3A_73 : memref<1x160xi32, #tpu.memory_space<vmem>> -> memref<160xi32, #tpu.memory_space<vmem>>
        %dma_wait3A_75 = arith.constant 0 : i32
        %dma_wait3A_76 = arith.constant 0 : i32
        %dma_wait3A_77 = tpu.memref_slice %arg15[%dma_wait3A_75, %dma_wait3A_76] : memref<10240x128xf32, #tpu.memory_space<vmem_shared>> -> memref<10240x128xf32, #tpu.memory_space<vmem_shared>>
        tpu.wait_indirect_dma semaphore(%run_scoped3A_65 : memref<!tpu.dma_semaphore, #tpu.memory_space<semaphore_mem>>) src(%arg12 : memref<160x128xf32, #tpu.memory_space<vmem>>) dst(%dma_wait3A_77 : memref<10240x128xf32, #tpu.memory_space<vmem_shared>>)
        tpu.yield
      }) : () -> ()
    }
    %scan3A_21 = arith.constant 20 : i32
    %barrier3A_22 = arith.constant 0 : index
    tpu.barrier barrier_id(%barrier3A_22)
    %run_scoped3A_23 = arith.constant 2 : i32
    "tpu.region"() ({
      %run_scoped3A_25 = tpu.sem_alloc : memref<!tpu.dma_semaphore, #tpu.memory_space<semaphore_mem>>
      %dma_start3A = arith.constant 0 : i32
      %dma_start3A_26 = tpu.memref_slice %arg6[%run_scoped3A_23, %arg0, %mul3A_0, %dma_start3A] : memref<3x2x10240x128xf32, #tpu.memory_space<hbm>> -> memref<1x1x640x128xf32, #tpu.memory_space<hbm>>
      %dma_start3A_27 = tpu.memref_squeeze %dma_start3A_26 : memref<1x1x640x128xf32, #tpu.memory_space<hbm>> -> memref<640x128xf32, #tpu.memory_space<hbm>>
      %dma_start3A_28 = arith.constant 0 : i32
      %dma_start3A_29 = tpu.memref_slice %arg15[%mul3A_0, %dma_start3A_28] : memref<10240x128xf32, #tpu.memory_space<vmem_shared>> -> memref<640x128xf32, #tpu.memory_space<vmem_shared>>
      tpu.enqueue_dma source(%dma_start3A_29 : memref<640x128xf32, #tpu.memory_space<vmem_shared>>) target(%dma_start3A_27 : memref<640x128xf32, #tpu.memory_space<hbm>>) target_semaphore(%run_scoped3A_25 : memref<!tpu.dma_semaphore, #tpu.memory_space<semaphore_mem>>)
      %dma_wait3A = arith.constant 0 : i32
      %dma_wait3A_30 = tpu.memref_slice %arg6[%run_scoped3A_23, %arg0, %mul3A_0, %dma_wait3A] : memref<3x2x10240x128xf32, #tpu.memory_space<hbm>> -> memref<1x1x640x128xf32, #tpu.memory_space<hbm>>
      %dma_wait3A_31 = tpu.memref_squeeze %dma_wait3A_30 : memref<1x1x640x128xf32, #tpu.memory_space<hbm>> -> memref<640x128xf32, #tpu.memory_space<hbm>>
      %dma_wait3A_32 = arith.constant 0 : i32
      %dma_wait3A_33 = tpu.memref_slice %arg15[%mul3A_0, %dma_wait3A_32] : memref<10240x128xf32, #tpu.memory_space<vmem_shared>> -> memref<640x128xf32, #tpu.memory_space<vmem_shared>>
      tpu.wait_dma2 semaphore(%run_scoped3A_25 : memref<!tpu.dma_semaphore, #tpu.memory_space<semaphore_mem>>) src(%dma_wait3A_33 : memref<640x128xf32, #tpu.memory_space<vmem_shared>>) dst(%dma_wait3A_31 : memref<640x128xf32, #tpu.memory_space<hbm>>)
      tpu.yield
    }) : () -> ()
    %barrier3A_24 = arith.constant 0 : index
    tpu.barrier barrier_id(%barrier3A_24)
    return
  }
}

module attributes {stable_mosaic.version = 14 : i64} {
  func.func @_p0_body(%arg0: i32, %arg1: i32, %arg2: memref<1000x128xf32, #tpu.memory_space<vmem>>, %arg3: memref<1x128x128xf32, #tpu.memory_space<vmem>>, %arg4: memref<3x128xf32, #tpu.memory_space<vmem>>, %arg5: memref<1x1000x128xf32, #tpu.memory_space<vmem>>) attributes {dimension_semantics = [#tpu.dimension_semantics<arbitrary>, #tpu.dimension_semantics<arbitrary>], iteration_bounds = array<i64: 3, 10>, scalar_prefetch = 0 : i64, scratch_operands = 0 : i64, tpu.core_type = #tpu.core_type<tc>, window_params = [{transform_indices = @transform_0, window_bounds = array<i64: 1000, 128>}, {transform_indices = @transform_1, window_bounds = array<i64: 1, 128, 128>}, {pipeline_mode = #tpu.pipeline_mode<synchronous>, transform_indices = @transform_2, window_bounds = array<i64: 3, 128>}, {transform_indices = @transform_3, window_bounds = array<i64: 1, 1000, 128>}]} {
    %get3A = arith.constant 0 : index
    %get3A_0 = arith.constant 0 : index
    %get3A_1 = vector.load %arg2[%get3A, %get3A_0] : memref<1000x128xf32, #tpu.memory_space<vmem>>, vector<1000x128xf32>
    %get3A_2 = arith.constant 0 : index
    %get3A_3 = arith.constant 0 : index
    %get3A_4 = arith.constant 0 : index
    %get3A_5 = vector.load %arg3[%get3A_2, %get3A_3, %get3A_4] : memref<1x128x128xf32, #tpu.memory_space<vmem>>, vector<1x128x128xf32>
    %get3A_6 = vector.shape_cast %get3A_5 : vector<1x128x128xf32> to vector<128x128xf32>
    %dot_general3A = arith.constant dense<0.000000e+00> : vector<1000x128xf32>
    %dot_general3A_7 = tpu.matmul %get3A_1, %get3A_6, %dot_general3A {dimension_numbers = #tpu.dot_dimension_numbers<[1], [0], [0], [1], [0, 0, 1, 1], [], []>, transpose_lhs_hint = false} : vector<1000x128xf32>, vector<128x128xf32>, vector<1000x128xf32> -> vector<1000x128xf32>
    %get3A_8 = arith.index_cast %arg0 : i32 to index
    %get3A_9 = arith.constant 0 : index
    %get3A_10 = vector.load %arg4[%get3A_8, %get3A_9] : memref<3x128xf32, #tpu.memory_space<vmem>>, vector<1x128xf32>
    %get3A_11 = vector.shape_cast %get3A_10 : vector<1x128xf32> to vector<128xf32>
    %broadcast_in_dim3A = vector.shape_cast %get3A_11 : vector<128xf32> to vector<1x128xf32>
    %add3A = vector.broadcast %broadcast_in_dim3A : vector<1x128xf32> to vector<1000x128xf32>
    %add3A_12 = arith.addf %dot_general3A_7, %add3A : vector<1000x128xf32>
    %max3A = arith.constant 0.000000e+00 : f32
    %max3A_13 = vector.broadcast %max3A : f32 to vector<1000x128xf32>
    %max3A_14 = arith.maximumf %add3A_12, %max3A_13 : vector<1000x128xf32>
    %swap3A = arith.constant 0 : index
    %swap3A_15 = arith.constant 0 : index
    %swap3A_16 = arith.constant 0 : index
    %swap3A_17 = vector.load %arg5[%swap3A, %swap3A_15, %swap3A_16] : memref<1x1000x128xf32, #tpu.memory_space<vmem>>, vector<1x1000x128xf32>
    %swap3A_18 = vector.shape_cast %swap3A_17 : vector<1x1000x128xf32> to vector<1000x128xf32>
    %swap3A_19 = vector.shape_cast %max3A_14 : vector<1000x128xf32> to vector<1x1000x128xf32>
    tpu.vector_store %arg5[%swap3A, %swap3A_15, %swap3A_16], %swap3A_19 {strides = array<i32>} : memref<1x1000x128xf32, #tpu.memory_space<vmem>>, vector<1x1000x128xf32>,
    return
  }
  func.func @transform_0(%arg0: i32, %arg1: i32) -> (i32, i32) {
    %c0_i32 = arith.constant 0 : i32
    %c0_i32_0 = arith.constant 0 : i32
    return %arg1, %c0_i32 : i32, i32
  }
  func.func @transform_1(%arg0: i32, %arg1: i32) -> (i32, i32, i32) {
    %c0_i32 = arith.constant 0 : i32
    %c0_i32_0 = arith.constant 0 : i32
    %c0_i32_1 = arith.constant 0 : i32
    return %arg0, %c0_i32, %c0_i32_0 : i32, i32, i32
  }
  func.func @transform_2(%arg0: i32, %arg1: i32) -> (i32, i32) {
    %c0_i32 = arith.constant 0 : i32
    %c0_i32_0 = arith.constant 0 : i32
    %c0_i32_1 = arith.constant 0 : i32
    return %c0_i32, %c0_i32_0 : i32, i32
  }
  func.func @transform_3(%arg0: i32, %arg1: i32) -> (i32, i32, i32) {
    %c0_i32 = arith.constant 0 : i32
    %c0_i32_0 = arith.constant 0 : i32
    return %arg0, %arg1, %c0_i32 : i32, i32, i32
  }
}

module attributes {stable_mosaic.version = 14 : i64} {
  func.func @_combine_body(%arg0: i32, %arg1: memref<1x3x2x1000x128xf32, #tpu.memory_space<vmem>>, %arg2: memref<3x2x1000x128xf32, #tpu.memory_space<vmem>>, %arg3: memref<1000x128xf32, #tpu.memory_space<vmem>>, %arg4: memref<3x128x256xf32, #tpu.memory_space<vmem>>, %arg5: memref<3x256xf32, #tpu.memory_space<vmem>>, %arg6: memref<3x128x256xf32, #tpu.memory_space<vmem>>, %arg7: memref<1x256xf32, #tpu.memory_space<vmem>>, %arg8: memref<1x256xf32, #tpu.memory_space<vmem>>, %arg9: memref<1000x256xf32, #tpu.memory_space<vmem>>, %arg10: memref<2x1000x128xf32, #tpu.memory_space<vmem>>) attributes {dimension_semantics = [#tpu.dimension_semantics<arbitrary>], iteration_bounds = array<i64: 10>, scalar_prefetch = 0 : i64, scratch_operands = 0 : i64, tpu.core_type = #tpu.core_type<tc>, window_params = [{transform_indices = @transform_0, window_bounds = array<i64: 1, 3, 2, 1000, 128>}, {transform_indices = @transform_1, window_bounds = array<i64: 3, 2, 1000, 128>}, {transform_indices = @transform_2, window_bounds = array<i64: 1000, 128>}, {pipeline_mode = #tpu.pipeline_mode<synchronous>, transform_indices = @transform_3, window_bounds = array<i64: 3, 128, 256>}, {pipeline_mode = #tpu.pipeline_mode<synchronous>, transform_indices = @transform_4, window_bounds = array<i64: 3, 256>}, {pipeline_mode = #tpu.pipeline_mode<synchronous>, transform_indices = @transform_5, window_bounds = array<i64: 3, 128, 256>}, {pipeline_mode = #tpu.pipeline_mode<synchronous>, transform_indices = @transform_6, window_bounds = array<i64: 1, 256>}, {pipeline_mode = #tpu.pipeline_mode<synchronous>, transform_indices = @transform_7, window_bounds = array<i64: 1, 256>}, {transform_indices = @transform_8, window_bounds = array<i64: 1000, 256>}, {transform_indices = @transform_9, window_bounds = array<i64: 2, 1000, 128>}]} {
    %get3A = arith.constant 0 : index
    %get3A_0 = arith.constant 0 : index
    %get3A_1 = vector.load %arg3[%get3A, %get3A_0] : memref<1000x128xf32, #tpu.memory_space<vmem>>, vector<1000x128xf32>
    %broadcast_in_dim3A = arith.constant 0.000000e+00 : f32
    %broadcast_in_dim3A_2 = vector.broadcast %broadcast_in_dim3A : f32 to vector<1000x256xf32>
    %get3A_3 = arith.constant 0 : index
    %get3A_4 = arith.constant 0 : index
    %get3A_5 = arith.constant 0 : index
    %get3A_6 = arith.constant 0 : index
    %get3A_7 = vector.load %arg2[%get3A_3, %get3A_4, %get3A_5, %get3A_6] : memref<3x2x1000x128xf32, #tpu.memory_space<vmem>>, vector<1x1x1000x1xf32>
    %get3A_8 = vector.shape_cast %get3A_7 : vector<1x1x1000x1xf32> to vector<1000xf32>
    %get3A_9 = arith.constant 0 : index
    %get3A_10 = arith.constant 1 : index
    %get3A_11 = arith.constant 0 : index
    %get3A_12 = arith.constant 0 : index
    %get3A_13 = vector.load %arg2[%get3A_9, %get3A_10, %get3A_11, %get3A_12] : memref<3x2x1000x128xf32, #tpu.memory_space<vmem>>, vector<1x1x1000x1xf32>
    %get3A_14 = vector.shape_cast %get3A_13 : vector<1x1x1000x1xf32> to vector<1000xf32>
    %add3A = arith.addf %get3A_8, %get3A_14 : vector<1000xf32>
    %max3A = arith.constant 1.000000e+00 : f32
    %max3A_15 = vector.broadcast %max3A : f32 to vector<1000xf32>
    %max3A_16 = arith.maximumf %add3A, %max3A_15 : vector<1000xf32>
    %get3A_17 = arith.constant 0 : index
    %get3A_18 = arith.constant 0 : index
    %get3A_19 = arith.constant 0 : index
    %get3A_20 = arith.constant 0 : index
    %get3A_21 = arith.constant 0 : index
    %get3A_22 = vector.load %arg1[%get3A_17, %get3A_18, %get3A_19, %get3A_20, %get3A_21] : memref<1x3x2x1000x128xf32, #tpu.memory_space<vmem>>, vector<1x1x1x1000x128xf32>
    %get3A_23 = vector.shape_cast %get3A_22 : vector<1x1x1x1000x128xf32> to vector<1000x128xf32>
    %get3A_24 = arith.constant 0 : index
    %get3A_25 = arith.constant 0 : index
    %get3A_26 = arith.constant 1 : index
    %get3A_27 = arith.constant 0 : index
    %get3A_28 = arith.constant 0 : index
    %get3A_29 = vector.load %arg1[%get3A_24, %get3A_25, %get3A_26, %get3A_27, %get3A_28] : memref<1x3x2x1000x128xf32, #tpu.memory_space<vmem>>, vector<1x1x1x1000x128xf32>
    %get3A_30 = vector.shape_cast %get3A_29 : vector<1x1x1x1000x128xf32> to vector<1000x128xf32>
    %add3A_31 = arith.addf %get3A_23, %get3A_30 : vector<1000x128xf32>
    %broadcast_in_dim3A_32 = vector.shape_cast %max3A_16 : vector<1000xf32> to vector<1000x1xf32>
    %div3A = vector.broadcast %broadcast_in_dim3A_32 : vector<1000x1xf32> to vector<1000x128xf32>
    %div3A_33 = arith.divf %add3A_31, %div3A : vector<1000x128xf32>
    %get3A_34 = arith.constant 0 : index
    %get3A_35 = arith.constant 0 : index
    %get3A_36 = arith.constant 0 : index
    %get3A_37 = vector.load %arg4[%get3A_34, %get3A_35, %get3A_36] : memref<3x128x256xf32, #tpu.memory_space<vmem>>, vector<1x128x256xf32>
    %get3A_38 = vector.shape_cast %get3A_37 : vector<1x128x256xf32> to vector<128x256xf32>
    %dot_general3A = arith.constant dense<0.000000e+00> : vector<1000x256xf32>
    %dot_general3A_39 = tpu.matmul %div3A_33, %get3A_38, %dot_general3A {dimension_numbers = #tpu.dot_dimension_numbers<[1], [0], [0], [1], [0, 0, 1, 1], [], []>, transpose_lhs_hint = false} : vector<1000x128xf32>, vector<128x256xf32>, vector<1000x256xf32> -> vector<1000x256xf32>
    %get3A_40 = arith.constant 0 : index
    %get3A_41 = arith.constant 0 : index
    %get3A_42 = vector.load %arg5[%get3A_40, %get3A_41] : memref<3x256xf32, #tpu.memory_space<vmem>>, vector<1x256xf32>
    %get3A_43 = vector.shape_cast %get3A_42 : vector<1x256xf32> to vector<256xf32>
    %broadcast_in_dim3A_44 = vector.shape_cast %get3A_43 : vector<256xf32> to vector<1x256xf32>
    %add3A_45 = vector.broadcast %broadcast_in_dim3A_44 : vector<1x256xf32> to vector<1000x256xf32>
    %add3A_46 = arith.addf %dot_general3A_39, %add3A_45 : vector<1000x256xf32>
    %get3A_47 = arith.constant 0 : index
    %get3A_48 = arith.constant 0 : index
    %get3A_49 = arith.constant 0 : index
    %get3A_50 = vector.load %arg6[%get3A_47, %get3A_48, %get3A_49] : memref<3x128x256xf32, #tpu.memory_space<vmem>>, vector<1x128x256xf32>
    %get3A_51 = vector.shape_cast %get3A_50 : vector<1x128x256xf32> to vector<128x256xf32>
    %dot_general3A_52 = arith.constant dense<0.000000e+00> : vector<1000x256xf32>
    %dot_general3A_53 = tpu.matmul %get3A_1, %get3A_51, %dot_general3A_52 {dimension_numbers = #tpu.dot_dimension_numbers<[1], [0], [0], [1], [0, 0, 1, 1], [], []>, transpose_lhs_hint = false} : vector<1000x128xf32>, vector<128x256xf32>, vector<1000x256xf32> -> vector<1000x256xf32>
    %add3A_54 = arith.addf %add3A_46, %dot_general3A_53 : vector<1000x256xf32>
    %mul3A = arith.mulf %add3A_54, %add3A_54 : vector<1000x256xf32>
    %reduce_sum3A = arith.constant dense<0.000000e+00> : vector<1000xf32>
    %reduce_sum3A_55 = vector.multi_reduction <add>, %mul3A, %reduce_sum3A [1] : vector<1000x256xf32> to vector<1000xf32>
    %broadcast_in_dim3A_56 = vector.shape_cast %reduce_sum3A_55 : vector<1000xf32> to vector<1000x1xf32>
    %sqrt3A = math.sqrt %broadcast_in_dim3A_56 : vector<1000x1xf32>
    %max3A_57 = arith.constant 9.99999996E-13 : f32
    %max3A_58 = vector.broadcast %max3A_57 : f32 to vector<1000x1xf32>
    %max3A_59 = arith.maximumf %sqrt3A, %max3A_58 : vector<1000x1xf32>
    %div3A_60 = vector.broadcast %max3A_59 : vector<1000x1xf32> to vector<1000x256xf32>
    %div3A_61 = arith.divf %add3A_54, %div3A_60 : vector<1000x256xf32>
    %add3A_62 = arith.addf %broadcast_in_dim3A_2, %div3A_61 : vector<1000x256xf32>
    %get3A_63 = arith.constant 1 : index
    %get3A_64 = arith.constant 0 : index
    %get3A_65 = arith.constant 0 : index
    %get3A_66 = arith.constant 0 : index
    %get3A_67 = vector.load %arg2[%get3A_63, %get3A_64, %get3A_65, %get3A_66] : memref<3x2x1000x128xf32, #tpu.memory_space<vmem>>, vector<1x1x1000x1xf32>
    %get3A_68 = vector.shape_cast %get3A_67 : vector<1x1x1000x1xf32> to vector<1000xf32>
    %get3A_69 = arith.constant 1 : index
    %get3A_70 = arith.constant 1 : index
    %get3A_71 = arith.constant 0 : index
    %get3A_72 = arith.constant 0 : index
    %get3A_73 = vector.load %arg2[%get3A_69, %get3A_70, %get3A_71, %get3A_72] : memref<3x2x1000x128xf32, #tpu.memory_space<vmem>>, vector<1x1x1000x1xf32>
    %get3A_74 = vector.shape_cast %get3A_73 : vector<1x1x1000x1xf32> to vector<1000xf32>
    %add3A_75 = arith.addf %get3A_68, %get3A_74 : vector<1000xf32>
    %max3A_76 = arith.constant 1.000000e+00 : f32
    %max3A_77 = vector.broadcast %max3A_76 : f32 to vector<1000xf32>
    %max3A_78 = arith.maximumf %add3A_75, %max3A_77 : vector<1000xf32>
    %get3A_79 = arith.constant 0 : index
    %get3A_80 = arith.constant 1 : index
    %get3A_81 = arith.constant 0 : index
    %get3A_82 = arith.constant 0 : index
    %get3A_83 = arith.constant 0 : index
    %get3A_84 = vector.load %arg1[%get3A_79, %get3A_80, %get3A_81, %get3A_82, %get3A_83] : memref<1x3x2x1000x128xf32, #tpu.memory_space<vmem>>, vector<1x1x1x1000x128xf32>
    %get3A_85 = vector.shape_cast %get3A_84 : vector<1x1x1x1000x128xf32> to vector<1000x128xf32>
    %get3A_86 = arith.constant 0 : index
    %get3A_87 = arith.constant 1 : index
    %get3A_88 = arith.constant 1 : index
    %get3A_89 = arith.constant 0 : index
    %get3A_90 = arith.constant 0 : index
    %get3A_91 = vector.load %arg1[%get3A_86, %get3A_87, %get3A_88, %get3A_89, %get3A_90] : memref<1x3x2x1000x128xf32, #tpu.memory_space<vmem>>, vector<1x1x1x1000x128xf32>
    %get3A_92 = vector.shape_cast %get3A_91 : vector<1x1x1x1000x128xf32> to vector<1000x128xf32>
    %add3A_93 = arith.addf %get3A_85, %get3A_92 : vector<1000x128xf32>
    %broadcast_in_dim3A_94 = vector.shape_cast %max3A_78 : vector<1000xf32> to vector<1000x1xf32>
    %div3A_95 = vector.broadcast %broadcast_in_dim3A_94 : vector<1000x1xf32> to vector<1000x128xf32>
    %div3A_96 = arith.divf %add3A_93, %div3A_95 : vector<1000x128xf32>
    %get3A_97 = arith.constant 1 : index
    %get3A_98 = arith.constant 0 : index
    %get3A_99 = arith.constant 0 : index
    %get3A_100 = vector.load %arg4[%get3A_97, %get3A_98, %get3A_99] : memref<3x128x256xf32, #tpu.memory_space<vmem>>, vector<1x128x256xf32>
    %get3A_101 = vector.shape_cast %get3A_100 : vector<1x128x256xf32> to vector<128x256xf32>
    %dot_general3A_102 = arith.constant dense<0.000000e+00> : vector<1000x256xf32>
    %dot_general3A_103 = tpu.matmul %div3A_96, %get3A_101, %dot_general3A_102 {dimension_numbers = #tpu.dot_dimension_numbers<[1], [0], [0], [1], [0, 0, 1, 1], [], []>, transpose_lhs_hint = false} : vector<1000x128xf32>, vector<128x256xf32>, vector<1000x256xf32> -> vector<1000x256xf32>
    %get3A_104 = arith.constant 1 : index
    %get3A_105 = arith.constant 0 : index
    %get3A_106 = vector.load %arg5[%get3A_104, %get3A_105] : memref<3x256xf32, #tpu.memory_space<vmem>>, vector<1x256xf32>
    %get3A_107 = vector.shape_cast %get3A_106 : vector<1x256xf32> to vector<256xf32>
    %broadcast_in_dim3A_108 = vector.shape_cast %get3A_107 : vector<256xf32> to vector<1x256xf32>
    %add3A_109 = vector.broadcast %broadcast_in_dim3A_108 : vector<1x256xf32> to vector<1000x256xf32>
    %add3A_110 = arith.addf %dot_general3A_103, %add3A_109 : vector<1000x256xf32>
    %get3A_111 = arith.constant 1 : index
    %get3A_112 = arith.constant 0 : index
    %get3A_113 = arith.constant 0 : index
    %get3A_114 = vector.load %arg6[%get3A_111, %get3A_112, %get3A_113] : memref<3x128x256xf32, #tpu.memory_space<vmem>>, vector<1x128x256xf32>
    %get3A_115 = vector.shape_cast %get3A_114 : vector<1x128x256xf32> to vector<128x256xf32>
    %dot_general3A_116 = arith.constant dense<0.000000e+00> : vector<1000x256xf32>
    %dot_general3A_117 = tpu.matmul %get3A_1, %get3A_115, %dot_general3A_116 {dimension_numbers = #tpu.dot_dimension_numbers<[1], [0], [0], [1], [0, 0, 1, 1], [], []>, transpose_lhs_hint = false} : vector<1000x128xf32>, vector<128x256xf32>, vector<1000x256xf32> -> vector<1000x256xf32>
    %add3A_118 = arith.addf %add3A_110, %dot_general3A_117 : vector<1000x256xf32>
    %mul3A_119 = arith.mulf %add3A_118, %add3A_118 : vector<1000x256xf32>
    %reduce_sum3A_120 = arith.constant dense<0.000000e+00> : vector<1000xf32>
    %reduce_sum3A_121 = vector.multi_reduction <add>, %mul3A_119, %reduce_sum3A_120 [1] : vector<1000x256xf32> to vector<1000xf32>
    %broadcast_in_dim3A_122 = vector.shape_cast %reduce_sum3A_121 : vector<1000xf32> to vector<1000x1xf32>
    %sqrt3A_123 = math.sqrt %broadcast_in_dim3A_122 : vector<1000x1xf32>
    %max3A_124 = arith.constant 9.99999996E-13 : f32
    %max3A_125 = vector.broadcast %max3A_124 : f32 to vector<1000x1xf32>
    %max3A_126 = arith.maximumf %sqrt3A_123, %max3A_125 : vector<1000x1xf32>
    %div3A_127 = vector.broadcast %max3A_126 : vector<1000x1xf32> to vector<1000x256xf32>
    %div3A_128 = arith.divf %add3A_118, %div3A_127 : vector<1000x256xf32>
    %add3A_129 = arith.addf %add3A_62, %div3A_128 : vector<1000x256xf32>
    %get3A_130 = arith.constant 2 : index
    %get3A_131 = arith.constant 0 : index
    %get3A_132 = arith.constant 0 : index
    %get3A_133 = arith.constant 0 : index
    %get3A_134 = vector.load %arg2[%get3A_130, %get3A_131, %get3A_132, %get3A_133] : memref<3x2x1000x128xf32, #tpu.memory_space<vmem>>, vector<1x1x1000x1xf32>
    %get3A_135 = vector.shape_cast %get3A_134 : vector<1x1x1000x1xf32> to vector<1000xf32>
    %get3A_136 = arith.constant 2 : index
    %get3A_137 = arith.constant 1 : index
    %get3A_138 = arith.constant 0 : index
    %get3A_139 = arith.constant 0 : index
    %get3A_140 = vector.load %arg2[%get3A_136, %get3A_137, %get3A_138, %get3A_139] : memref<3x2x1000x128xf32, #tpu.memory_space<vmem>>, vector<1x1x1000x1xf32>
    %get3A_141 = vector.shape_cast %get3A_140 : vector<1x1x1000x1xf32> to vector<1000xf32>
    %add3A_142 = arith.addf %get3A_135, %get3A_141 : vector<1000xf32>
    %max3A_143 = arith.constant 1.000000e+00 : f32
    %max3A_144 = vector.broadcast %max3A_143 : f32 to vector<1000xf32>
    %max3A_145 = arith.maximumf %add3A_142, %max3A_144 : vector<1000xf32>
    %get3A_146 = arith.constant 0 : index
    %get3A_147 = arith.constant 2 : index
    %get3A_148 = arith.constant 0 : index
    %get3A_149 = arith.constant 0 : index
    %get3A_150 = arith.constant 0 : index
    %get3A_151 = vector.load %arg1[%get3A_146, %get3A_147, %get3A_148, %get3A_149, %get3A_150] : memref<1x3x2x1000x128xf32, #tpu.memory_space<vmem>>, vector<1x1x1x1000x128xf32>
    %get3A_152 = vector.shape_cast %get3A_151 : vector<1x1x1x1000x128xf32> to vector<1000x128xf32>
    %get3A_153 = arith.constant 0 : index
    %get3A_154 = arith.constant 2 : index
    %get3A_155 = arith.constant 1 : index
    %get3A_156 = arith.constant 0 : index
    %get3A_157 = arith.constant 0 : index
    %get3A_158 = vector.load %arg1[%get3A_153, %get3A_154, %get3A_155, %get3A_156, %get3A_157] : memref<1x3x2x1000x128xf32, #tpu.memory_space<vmem>>, vector<1x1x1x1000x128xf32>
    %get3A_159 = vector.shape_cast %get3A_158 : vector<1x1x1x1000x128xf32> to vector<1000x128xf32>
    %add3A_160 = arith.addf %get3A_152, %get3A_159 : vector<1000x128xf32>
    %broadcast_in_dim3A_161 = vector.shape_cast %max3A_145 : vector<1000xf32> to vector<1000x1xf32>
    %div3A_162 = vector.broadcast %broadcast_in_dim3A_161 : vector<1000x1xf32> to vector<1000x128xf32>
    %div3A_163 = arith.divf %add3A_160, %div3A_162 : vector<1000x128xf32>
    %get3A_164 = arith.constant 2 : index
    %get3A_165 = arith.constant 0 : index
    %get3A_166 = arith.constant 0 : index
    %get3A_167 = vector.load %arg4[%get3A_164, %get3A_165, %get3A_166] : memref<3x128x256xf32, #tpu.memory_space<vmem>>, vector<1x128x256xf32>
    %get3A_168 = vector.shape_cast %get3A_167 : vector<1x128x256xf32> to vector<128x256xf32>
    %dot_general3A_169 = arith.constant dense<0.000000e+00> : vector<1000x256xf32>
    %dot_general3A_170 = tpu.matmul %div3A_163, %get3A_168, %dot_general3A_169 {dimension_numbers = #tpu.dot_dimension_numbers<[1], [0], [0], [1], [0, 0, 1, 1], [], []>, transpose_lhs_hint = false} : vector<1000x128xf32>, vector<128x256xf32>, vector<1000x256xf32> -> vector<1000x256xf32>
    %get3A_171 = arith.constant 2 : index
    %get3A_172 = arith.constant 0 : index
    %get3A_173 = vector.load %arg5[%get3A_171, %get3A_172] : memref<3x256xf32, #tpu.memory_space<vmem>>, vector<1x256xf32>
    %get3A_174 = vector.shape_cast %get3A_173 : vector<1x256xf32> to vector<256xf32>
    %broadcast_in_dim3A_175 = vector.shape_cast %get3A_174 : vector<256xf32> to vector<1x256xf32>
    %add3A_176 = vector.broadcast %broadcast_in_dim3A_175 : vector<1x256xf32> to vector<1000x256xf32>
    %add3A_177 = arith.addf %dot_general3A_170, %add3A_176 : vector<1000x256xf32>
    %get3A_178 = arith.constant 2 : index
    %get3A_179 = arith.constant 0 : index
    %get3A_180 = arith.constant 0 : index
    %get3A_181 = vector.load %arg6[%get3A_178, %get3A_179, %get3A_180] : memref<3x128x256xf32, #tpu.memory_space<vmem>>, vector<1x128x256xf32>
    %get3A_182 = vector.shape_cast %get3A_181 : vector<1x128x256xf32> to vector<128x256xf32>
    %dot_general3A_183 = arith.constant dense<0.000000e+00> : vector<1000x256xf32>
    %dot_general3A_184 = tpu.matmul %get3A_1, %get3A_182, %dot_general3A_183 {dimension_numbers = #tpu.dot_dimension_numbers<[1], [0], [0], [1], [0, 0, 1, 1], [], []>, transpose_lhs_hint = false} : vector<1000x128xf32>, vector<128x256xf32>, vector<1000x256xf32> -> vector<1000x256xf32>
    %add3A_185 = arith.addf %add3A_177, %dot_general3A_184 : vector<1000x256xf32>
    %mul3A_186 = arith.mulf %add3A_185, %add3A_185 : vector<1000x256xf32>
    %reduce_sum3A_187 = arith.constant dense<0.000000e+00> : vector<1000xf32>
    %reduce_sum3A_188 = vector.multi_reduction <add>, %mul3A_186, %reduce_sum3A_187 [1] : vector<1000x256xf32> to vector<1000xf32>
    %broadcast_in_dim3A_189 = vector.shape_cast %reduce_sum3A_188 : vector<1000xf32> to vector<1000x1xf32>
    %sqrt3A_190 = math.sqrt %broadcast_in_dim3A_189 : vector<1000x1xf32>
    %max3A_191 = arith.constant 9.99999996E-13 : f32
    %max3A_192 = vector.broadcast %max3A_191 : f32 to vector<1000x1xf32>
    %max3A_193 = arith.maximumf %sqrt3A_190, %max3A_192 : vector<1000x1xf32>
    %div3A_194 = vector.broadcast %max3A_193 : vector<1000x1xf32> to vector<1000x256xf32>
    %div3A_195 = arith.divf %add3A_185, %div3A_194 : vector<1000x256xf32>
    %add3A_196 = arith.addf %add3A_129, %div3A_195 : vector<1000x256xf32>
    %div3A_197 = arith.constant 3.000000e+00 : f32
    %div3A_198 = vector.broadcast %div3A_197 : f32 to vector<1000x256xf32>
    %div3A_199 = arith.divf %add3A_196, %div3A_198 : vector<1000x256xf32>
    %max3A_200 = arith.constant 0.000000e+00 : f32
    %max3A_201 = vector.broadcast %max3A_200 : f32 to vector<1000x256xf32>
    %max3A_202 = arith.maximumf %div3A_199, %max3A_201 : vector<1000x256xf32>
    %reduce_sum3A_203 = arith.constant dense<0.000000e+00> : vector<1000xf32>
    %reduce_sum3A_204 = vector.multi_reduction <add>, %max3A_202, %reduce_sum3A_203 [1] : vector<1000x256xf32> to vector<1000xf32>
    %broadcast_in_dim3A_205 = vector.shape_cast %reduce_sum3A_204 : vector<1000xf32> to vector<1000x1xf32>
    %div3A_206 = arith.constant 2.560000e+02 : f32
    %div3A_207 = vector.broadcast %div3A_206 : f32 to vector<1000x1xf32>
    %div3A_208 = arith.divf %broadcast_in_dim3A_205, %div3A_207 : vector<1000x1xf32>
    %sub3A = vector.broadcast %div3A_208 : vector<1000x1xf32> to vector<1000x256xf32>
    %sub3A_209 = arith.subf %max3A_202, %sub3A : vector<1000x256xf32>
    %integer_pow3A = arith.mulf %sub3A_209, %sub3A_209 : vector<1000x256xf32>
    %reduce_sum3A_210 = arith.constant dense<0.000000e+00> : vector<1000xf32>
    %reduce_sum3A_211 = vector.multi_reduction <add>, %integer_pow3A, %reduce_sum3A_210 [1] : vector<1000x256xf32> to vector<1000xf32>
    %broadcast_in_dim3A_212 = vector.shape_cast %reduce_sum3A_211 : vector<1000xf32> to vector<1000x1xf32>
    %div3A_213 = arith.constant 2.560000e+02 : f32
    %div3A_214 = vector.broadcast %div3A_213 : f32 to vector<1000x1xf32>
    %div3A_215 = arith.divf %broadcast_in_dim3A_212, %div3A_214 : vector<1000x1xf32>
    %sub3A_216 = vector.broadcast %div3A_208 : vector<1000x1xf32> to vector<1000x256xf32>
    %sub3A_217 = arith.subf %max3A_202, %sub3A_216 : vector<1000x256xf32>
    %add3A_218 = arith.constant 9.99999974E-6 : f32
    %add3A_219 = vector.broadcast %add3A_218 : f32 to vector<1000x1xf32>
    %add3A_220 = arith.addf %div3A_215, %add3A_219 : vector<1000x1xf32>
    %sqrt3A_221 = math.sqrt %add3A_220 : vector<1000x1xf32>
    %div3A_222 = vector.broadcast %sqrt3A_221 : vector<1000x1xf32> to vector<1000x256xf32>
    %div3A_223 = arith.divf %sub3A_217, %div3A_222 : vector<1000x256xf32>
    %get3A_224 = arith.constant 0 : index
    %get3A_225 = arith.constant 0 : index
    %get3A_226 = vector.load %arg7[%get3A_224, %get3A_225] : memref<1x256xf32, #tpu.memory_space<vmem>>, vector<1x256xf32>
    %get3A_227 = vector.shape_cast %get3A_226 : vector<1x256xf32> to vector<256xf32>
    %broadcast_in_dim3A_228 = vector.shape_cast %get3A_227 : vector<256xf32> to vector<1x256xf32>
    %mul3A_229 = vector.broadcast %broadcast_in_dim3A_228 : vector<1x256xf32> to vector<1000x256xf32>
    %mul3A_230 = arith.mulf %div3A_223, %mul3A_229 : vector<1000x256xf32>
    %get3A_231 = arith.constant 0 : index
    %get3A_232 = arith.constant 0 : index
    %get3A_233 = vector.load %arg8[%get3A_231, %get3A_232] : memref<1x256xf32, #tpu.memory_space<vmem>>, vector<1x256xf32>
    %get3A_234 = vector.shape_cast %get3A_233 : vector<1x256xf32> to vector<256xf32>
    %broadcast_in_dim3A_235 = vector.shape_cast %get3A_234 : vector<256xf32> to vector<1x256xf32>
    %add3A_236 = vector.broadcast %broadcast_in_dim3A_235 : vector<1x256xf32> to vector<1000x256xf32>
    %add3A_237 = arith.addf %mul3A_230, %add3A_236 : vector<1000x256xf32>
    %swap3A = arith.constant 0 : index
    %swap3A_238 = arith.constant 0 : index
    %swap3A_239 = vector.load %arg9[%swap3A, %swap3A_238] : memref<1000x256xf32, #tpu.memory_space<vmem>>, vector<1000x256xf32>
    tpu.vector_store %arg9[%swap3A, %swap3A_238], %add3A_237 {strides = array<i32>} : memref<1000x256xf32, #tpu.memory_space<vmem>>, vector<1000x256xf32>,
    %slice3A = vector.extract_strided_slice %add3A_237 {offsets = [0, 0], sizes = [1000, 128], strides = [1, 1]} : vector<1000x256xf32> to vector<1000x128xf32>
    %swap3A_240 = arith.constant 0 : index
    %swap3A_241 = arith.constant 0 : index
    %swap3A_242 = arith.constant 0 : index
    %swap3A_243 = vector.load %arg10[%swap3A_240, %swap3A_241, %swap3A_242] : memref<2x1000x128xf32, #tpu.memory_space<vmem>>, vector<1x1000x128xf32>
    %swap3A_244 = vector.shape_cast %swap3A_243 : vector<1x1000x128xf32> to vector<1000x128xf32>
    %swap3A_245 = vector.shape_cast %slice3A : vector<1000x128xf32> to vector<1x1000x128xf32>
    tpu.vector_store %arg10[%swap3A_240, %swap3A_241, %swap3A_242], %swap3A_245 {strides = array<i32>} : memref<2x1000x128xf32, #tpu.memory_space<vmem>>, vector<1x1000x128xf32>,
    %slice3A_246 = vector.extract_strided_slice %add3A_237 {offsets = [0, 128], sizes = [1000, 128], strides = [1, 1]} : vector<1000x256xf32> to vector<1000x128xf32>
    %swap3A_247 = arith.constant 1 : index
    %swap3A_248 = arith.constant 0 : index
    %swap3A_249 = arith.constant 0 : index
    %swap3A_250 = vector.load %arg10[%swap3A_247, %swap3A_248, %swap3A_249] : memref<2x1000x128xf32, #tpu.memory_space<vmem>>, vector<1x1000x128xf32>
    %swap3A_251 = vector.shape_cast %swap3A_250 : vector<1x1000x128xf32> to vector<1000x128xf32>
    %swap3A_252 = vector.shape_cast %slice3A_246 : vector<1000x128xf32> to vector<1x1000x128xf32>
    tpu.vector_store %arg10[%swap3A_247, %swap3A_248, %swap3A_249], %swap3A_252 {strides = array<i32>} : memref<2x1000x128xf32, #tpu.memory_space<vmem>>, vector<1x1000x128xf32>,
    return
  }
  func.func @transform_0(%arg0: i32) -> (i32, i32, i32, i32, i32) {
    %c0_i32 = arith.constant 0 : i32
    %c0_i32_0 = arith.constant 0 : i32
    %c0_i32_1 = arith.constant 0 : i32
    %c0_i32_2 = arith.constant 0 : i32
    %c0_i32_3 = arith.constant 0 : i32
    return %c0_i32, %c0_i32_0, %c0_i32_1, %arg0, %c0_i32_2 : i32, i32, i32, i32, i32
  }
  func.func @transform_1(%arg0: i32) -> (i32, i32, i32, i32) {
    %c0_i32 = arith.constant 0 : i32
    %c0_i32_0 = arith.constant 0 : i32
    %c0_i32_1 = arith.constant 0 : i32
    %c0_i32_2 = arith.constant 0 : i32
    return %c0_i32, %c0_i32_0, %arg0, %c0_i32_1 : i32, i32, i32, i32
  }
  func.func @transform_2(%arg0: i32) -> (i32, i32) {
    %c0_i32 = arith.constant 0 : i32
    %c0_i32_0 = arith.constant 0 : i32
    return %arg0, %c0_i32 : i32, i32
  }
  func.func @transform_3(%arg0: i32) -> (i32, i32, i32) {
    %c0_i32 = arith.constant 0 : i32
    %c0_i32_0 = arith.constant 0 : i32
    %c0_i32_1 = arith.constant 0 : i32
    %c0_i32_2 = arith.constant 0 : i32
    return %c0_i32, %c0_i32_0, %c0_i32_1 : i32, i32, i32
  }
  func.func @transform_4(%arg0: i32) -> (i32, i32) {
    %c0_i32 = arith.constant 0 : i32
    %c0_i32_0 = arith.constant 0 : i32
    %c0_i32_1 = arith.constant 0 : i32
    return %c0_i32, %c0_i32_0 : i32, i32
  }
  func.func @transform_5(%arg0: i32) -> (i32, i32, i32) {
    %c0_i32 = arith.constant 0 : i32
    %c0_i32_0 = arith.constant 0 : i32
    %c0_i32_1 = arith.constant 0 : i32
    %c0_i32_2 = arith.constant 0 : i32
    return %c0_i32, %c0_i32_0, %c0_i32_1 : i32, i32, i32
  }
  func.func @transform_6(%arg0: i32) -> (i32, i32) {
    %c0_i32 = arith.constant 0 : i32
    %c0_i32_0 = arith.constant 0 : i32
    %c0_i32_1 = arith.constant 0 : i32
    return %c0_i32, %c0_i32_0 : i32, i32
  }
  func.func @transform_7(%arg0: i32) -> (i32, i32) {
    %c0_i32 = arith.constant 0 : i32
    %c0_i32_0 = arith.constant 0 : i32
    %c0_i32_1 = arith.constant 0 : i32
    return %c0_i32, %c0_i32_0 : i32, i32
  }
  func.func @transform_8(%arg0: i32) -> (i32, i32) {
    %c0_i32 = arith.constant 0 : i32
    %c0_i32_0 = arith.constant 0 : i32
    return %arg0, %c0_i32 : i32, i32
  }
  func.func @transform_9(%arg0: i32) -> (i32, i32, i32) {
    %c0_i32 = arith.constant 0 : i32
    %c0_i32_0 = arith.constant 0 : i32
    %c0_i32_1 = arith.constant 0 : i32
    return %c0_i32, %arg0, %c0_i32_0 : i32, i32, i32
  }
}

module attributes {stable_mosaic.version = 14 : i64} {
  func.func @_combine_body(%arg0: i32, %arg1: memref<3x2x1000x128xf32, #tpu.memory_space<vmem>>, %arg2: memref<3x2x1000x128xf32, #tpu.memory_space<vmem>>, %arg3: memref<1000x256xf32, #tpu.memory_space<vmem>>, %arg4: memref<3x256x256xf32, #tpu.memory_space<vmem>>, %arg5: memref<3x256xf32, #tpu.memory_space<vmem>>, %arg6: memref<3x256x256xf32, #tpu.memory_space<vmem>>, %arg7: memref<1x256xf32, #tpu.memory_space<vmem>>, %arg8: memref<1x256xf32, #tpu.memory_space<vmem>>, %arg9: memref<1000x256xf32, #tpu.memory_space<vmem>>, %arg10: memref<2x1000x128xf32, #tpu.memory_space<vmem>>) attributes {dimension_semantics = [#tpu.dimension_semantics<arbitrary>], iteration_bounds = array<i64: 10>, scalar_prefetch = 0 : i64, scratch_operands = 0 : i64, tpu.core_type = #tpu.core_type<tc>, window_params = [{transform_indices = @transform_0, window_bounds = array<i64: 3, 2, 1000, 128>}, {transform_indices = @transform_1, window_bounds = array<i64: 3, 2, 1000, 128>}, {transform_indices = @transform_2, window_bounds = array<i64: 1000, 256>}, {pipeline_mode = #tpu.pipeline_mode<synchronous>, transform_indices = @transform_3, window_bounds = array<i64: 3, 256, 256>}, {pipeline_mode = #tpu.pipeline_mode<synchronous>, transform_indices = @transform_4, window_bounds = array<i64: 3, 256>}, {pipeline_mode = #tpu.pipeline_mode<synchronous>, transform_indices = @transform_5, window_bounds = array<i64: 3, 256, 256>}, {pipeline_mode = #tpu.pipeline_mode<synchronous>, transform_indices = @transform_6, window_bounds = array<i64: 1, 256>}, {pipeline_mode = #tpu.pipeline_mode<synchronous>, transform_indices = @transform_7, window_bounds = array<i64: 1, 256>}, {transform_indices = @transform_8, window_bounds = array<i64: 1000, 256>}, {transform_indices = @transform_9, window_bounds = array<i64: 2, 1000, 128>}]} {
    %get3A = arith.constant 0 : index
    %get3A_0 = arith.constant 0 : index
    %get3A_1 = vector.load %arg3[%get3A, %get3A_0] : memref<1000x256xf32, #tpu.memory_space<vmem>>, vector<1000x256xf32>
    %broadcast_in_dim3A = arith.constant 0.000000e+00 : f32
    %broadcast_in_dim3A_2 = vector.broadcast %broadcast_in_dim3A : f32 to vector<1000x256xf32>
    %get3A_3 = arith.constant 0 : index
    %get3A_4 = arith.constant 0 : index
    %get3A_5 = arith.constant 0 : index
    %get3A_6 = arith.constant 0 : index
    %get3A_7 = vector.load %arg2[%get3A_3, %get3A_4, %get3A_5, %get3A_6] : memref<3x2x1000x128xf32, #tpu.memory_space<vmem>>, vector<1x1x1000x1xf32>
    %get3A_8 = vector.shape_cast %get3A_7 : vector<1x1x1000x1xf32> to vector<1000xf32>
    %get3A_9 = arith.constant 0 : index
    %get3A_10 = arith.constant 1 : index
    %get3A_11 = arith.constant 0 : index
    %get3A_12 = arith.constant 0 : index
    %get3A_13 = vector.load %arg2[%get3A_9, %get3A_10, %get3A_11, %get3A_12] : memref<3x2x1000x128xf32, #tpu.memory_space<vmem>>, vector<1x1x1000x1xf32>
    %get3A_14 = vector.shape_cast %get3A_13 : vector<1x1x1000x1xf32> to vector<1000xf32>
    %add3A = arith.addf %get3A_8, %get3A_14 : vector<1000xf32>
    %max3A = arith.constant 1.000000e+00 : f32
    %max3A_15 = vector.broadcast %max3A : f32 to vector<1000xf32>
    %max3A_16 = arith.maximumf %add3A, %max3A_15 : vector<1000xf32>
    %get3A_17 = arith.constant 0 : index
    %get3A_18 = arith.constant 0 : index
    %get3A_19 = arith.constant 0 : index
    %get3A_20 = arith.constant 0 : index
    %get3A_21 = vector.load %arg1[%get3A_17, %get3A_18, %get3A_19, %get3A_20] : memref<3x2x1000x128xf32, #tpu.memory_space<vmem>>, vector<1x1x1000x128xf32>
    %get3A_22 = vector.shape_cast %get3A_21 : vector<1x1x1000x128xf32> to vector<1000x128xf32>
    %broadcast_in_dim3A_23 = vector.shape_cast %max3A_16 : vector<1000xf32> to vector<1000x1xf32>
    %div3A = vector.broadcast %broadcast_in_dim3A_23 : vector<1000x1xf32> to vector<1000x128xf32>
    %div3A_24 = arith.divf %get3A_22, %div3A : vector<1000x128xf32>
    %get3A_25 = arith.constant 0 : index
    %get3A_26 = arith.constant 1 : index
    %get3A_27 = arith.constant 0 : index
    %get3A_28 = arith.constant 0 : index
    %get3A_29 = vector.load %arg1[%get3A_25, %get3A_26, %get3A_27, %get3A_28] : memref<3x2x1000x128xf32, #tpu.memory_space<vmem>>, vector<1x1x1000x128xf32>
    %get3A_30 = vector.shape_cast %get3A_29 : vector<1x1x1000x128xf32> to vector<1000x128xf32>
    %broadcast_in_dim3A_31 = vector.shape_cast %max3A_16 : vector<1000xf32> to vector<1000x1xf32>
    %div3A_32 = vector.broadcast %broadcast_in_dim3A_31 : vector<1000x1xf32> to vector<1000x128xf32>
    %div3A_33 = arith.divf %get3A_30, %div3A_32 : vector<1000x128xf32>
    %concatenate3A = tpu.concatenate %div3A_24, %div3A_33 in 1 : vector<1000x128xf32>, vector<1000x128xf32> -> vector<1000x256xf32>
    %get3A_34 = arith.constant 0 : index
    %get3A_35 = arith.constant 0 : index
    %get3A_36 = arith.constant 0 : index
    %get3A_37 = vector.load %arg4[%get3A_34, %get3A_35, %get3A_36] : memref<3x256x256xf32, #tpu.memory_space<vmem>>, vector<1x256x256xf32>
    %get3A_38 = vector.shape_cast %get3A_37 : vector<1x256x256xf32> to vector<256x256xf32>
    %dot_general3A = arith.constant dense<0.000000e+00> : vector<1000x256xf32>
    %dot_general3A_39 = tpu.matmul %concatenate3A, %get3A_38, %dot_general3A {dimension_numbers = #tpu.dot_dimension_numbers<[1], [0], [0], [1], [0, 0, 1, 1], [], []>, transpose_lhs_hint = false} : vector<1000x256xf32>, vector<256x256xf32>, vector<1000x256xf32> -> vector<1000x256xf32>
    %get3A_40 = arith.constant 0 : index
    %get3A_41 = arith.constant 0 : index
    %get3A_42 = vector.load %arg5[%get3A_40, %get3A_41] : memref<3x256xf32, #tpu.memory_space<vmem>>, vector<1x256xf32>
    %get3A_43 = vector.shape_cast %get3A_42 : vector<1x256xf32> to vector<256xf32>
    %broadcast_in_dim3A_44 = vector.shape_cast %get3A_43 : vector<256xf32> to vector<1x256xf32>
    %add3A_45 = vector.broadcast %broadcast_in_dim3A_44 : vector<1x256xf32> to vector<1000x256xf32>
    %add3A_46 = arith.addf %dot_general3A_39, %add3A_45 : vector<1000x256xf32>
    %get3A_47 = arith.constant 0 : index
    %get3A_48 = arith.constant 0 : index
    %get3A_49 = arith.constant 0 : index
    %get3A_50 = vector.load %arg6[%get3A_47, %get3A_48, %get3A_49] : memref<3x256x256xf32, #tpu.memory_space<vmem>>, vector<1x256x256xf32>
    %get3A_51 = vector.shape_cast %get3A_50 : vector<1x256x256xf32> to vector<256x256xf32>
    %dot_general3A_52 = arith.constant dense<0.000000e+00> : vector<1000x256xf32>
    %dot_general3A_53 = tpu.matmul %get3A_1, %get3A_51, %dot_general3A_52 {dimension_numbers = #tpu.dot_dimension_numbers<[1], [0], [0], [1], [0, 0, 1, 1], [], []>, transpose_lhs_hint = false} : vector<1000x256xf32>, vector<256x256xf32>, vector<1000x256xf32> -> vector<1000x256xf32>
    %add3A_54 = arith.addf %add3A_46, %dot_general3A_53 : vector<1000x256xf32>
    %add3A_55 = arith.addf %broadcast_in_dim3A_2, %add3A_54 : vector<1000x256xf32>
    %get3A_56 = arith.constant 1 : index
    %get3A_57 = arith.constant 0 : index
    %get3A_58 = arith.constant 0 : index
    %get3A_59 = arith.constant 0 : index
    %get3A_60 = vector.load %arg2[%get3A_56, %get3A_57, %get3A_58, %get3A_59] : memref<3x2x1000x128xf32, #tpu.memory_space<vmem>>, vector<1x1x1000x1xf32>
    %get3A_61 = vector.shape_cast %get3A_60 : vector<1x1x1000x1xf32> to vector<1000xf32>
    %get3A_62 = arith.constant 1 : index
    %get3A_63 = arith.constant 1 : index
    %get3A_64 = arith.constant 0 : index
    %get3A_65 = arith.constant 0 : index
    %get3A_66 = vector.load %arg2[%get3A_62, %get3A_63, %get3A_64, %get3A_65] : memref<3x2x1000x128xf32, #tpu.memory_space<vmem>>, vector<1x1x1000x1xf32>
    %get3A_67 = vector.shape_cast %get3A_66 : vector<1x1x1000x1xf32> to vector<1000xf32>
    %add3A_68 = arith.addf %get3A_61, %get3A_67 : vector<1000xf32>
    %max3A_69 = arith.constant 1.000000e+00 : f32
    %max3A_70 = vector.broadcast %max3A_69 : f32 to vector<1000xf32>
    %max3A_71 = arith.maximumf %add3A_68, %max3A_70 : vector<1000xf32>
    %get3A_72 = arith.constant 1 : index
    %get3A_73 = arith.constant 0 : index
    %get3A_74 = arith.constant 0 : index
    %get3A_75 = arith.constant 0 : index
    %get3A_76 = vector.load %arg1[%get3A_72, %get3A_73, %get3A_74, %get3A_75] : memref<3x2x1000x128xf32, #tpu.memory_space<vmem>>, vector<1x1x1000x128xf32>
    %get3A_77 = vector.shape_cast %get3A_76 : vector<1x1x1000x128xf32> to vector<1000x128xf32>
    %broadcast_in_dim3A_78 = vector.shape_cast %max3A_71 : vector<1000xf32> to vector<1000x1xf32>
    %div3A_79 = vector.broadcast %broadcast_in_dim3A_78 : vector<1000x1xf32> to vector<1000x128xf32>
    %div3A_80 = arith.divf %get3A_77, %div3A_79 : vector<1000x128xf32>
    %get3A_81 = arith.constant 1 : index
    %get3A_82 = arith.constant 1 : index
    %get3A_83 = arith.constant 0 : index
    %get3A_84 = arith.constant 0 : index
    %get3A_85 = vector.load %arg1[%get3A_81, %get3A_82, %get3A_83, %get3A_84] : memref<3x2x1000x128xf32, #tpu.memory_space<vmem>>, vector<1x1x1000x128xf32>
    %get3A_86 = vector.shape_cast %get3A_85 : vector<1x1x1000x128xf32> to vector<1000x128xf32>
    %broadcast_in_dim3A_87 = vector.shape_cast %max3A_71 : vector<1000xf32> to vector<1000x1xf32>
    %div3A_88 = vector.broadcast %broadcast_in_dim3A_87 : vector<1000x1xf32> to vector<1000x128xf32>
    %div3A_89 = arith.divf %get3A_86, %div3A_88 : vector<1000x128xf32>
    %concatenate3A_90 = tpu.concatenate %div3A_80, %div3A_89 in 1 : vector<1000x128xf32>, vector<1000x128xf32> -> vector<1000x256xf32>
    %get3A_91 = arith.constant 1 : index
    %get3A_92 = arith.constant 0 : index
    %get3A_93 = arith.constant 0 : index
    %get3A_94 = vector.load %arg4[%get3A_91, %get3A_92, %get3A_93] : memref<3x256x256xf32, #tpu.memory_space<vmem>>, vector<1x256x256xf32>
    %get3A_95 = vector.shape_cast %get3A_94 : vector<1x256x256xf32> to vector<256x256xf32>
    %dot_general3A_96 = arith.constant dense<0.000000e+00> : vector<1000x256xf32>
    %dot_general3A_97 = tpu.matmul %concatenate3A_90, %get3A_95, %dot_general3A_96 {dimension_numbers = #tpu.dot_dimension_numbers<[1], [0], [0], [1], [0, 0, 1, 1], [], []>, transpose_lhs_hint = false} : vector<1000x256xf32>, vector<256x256xf32>, vector<1000x256xf32> -> vector<1000x256xf32>
    %get3A_98 = arith.constant 1 : index
    %get3A_99 = arith.constant 0 : index
    %get3A_100 = vector.load %arg5[%get3A_98, %get3A_99] : memref<3x256xf32, #tpu.memory_space<vmem>>, vector<1x256xf32>
    %get3A_101 = vector.shape_cast %get3A_100 : vector<1x256xf32> to vector<256xf32>
    %broadcast_in_dim3A_102 = vector.shape_cast %get3A_101 : vector<256xf32> to vector<1x256xf32>
    %add3A_103 = vector.broadcast %broadcast_in_dim3A_102 : vector<1x256xf32> to vector<1000x256xf32>
    %add3A_104 = arith.addf %dot_general3A_97, %add3A_103 : vector<1000x256xf32>
    %get3A_105 = arith.constant 1 : index
    %get3A_106 = arith.constant 0 : index
    %get3A_107 = arith.constant 0 : index
    %get3A_108 = vector.load %arg6[%get3A_105, %get3A_106, %get3A_107] : memref<3x256x256xf32, #tpu.memory_space<vmem>>, vector<1x256x256xf32>
    %get3A_109 = vector.shape_cast %get3A_108 : vector<1x256x256xf32> to vector<256x256xf32>
    %dot_general3A_110 = arith.constant dense<0.000000e+00> : vector<1000x256xf32>
    %dot_general3A_111 = tpu.matmul %get3A_1, %get3A_109, %dot_general3A_110 {dimension_numbers = #tpu.dot_dimension_numbers<[1], [0], [0], [1], [0, 0, 1, 1], [], []>, transpose_lhs_hint = false} : vector<1000x256xf32>, vector<256x256xf32>, vector<1000x256xf32> -> vector<1000x256xf32>
    %add3A_112 = arith.addf %add3A_104, %dot_general3A_111 : vector<1000x256xf32>
    %add3A_113 = arith.addf %add3A_55, %add3A_112 : vector<1000x256xf32>
    %get3A_114 = arith.constant 2 : index
    %get3A_115 = arith.constant 0 : index
    %get3A_116 = arith.constant 0 : index
    %get3A_117 = arith.constant 0 : index
    %get3A_118 = vector.load %arg2[%get3A_114, %get3A_115, %get3A_116, %get3A_117] : memref<3x2x1000x128xf32, #tpu.memory_space<vmem>>, vector<1x1x1000x1xf32>
    %get3A_119 = vector.shape_cast %get3A_118 : vector<1x1x1000x1xf32> to vector<1000xf32>
    %get3A_120 = arith.constant 2 : index
    %get3A_121 = arith.constant 1 : index
    %get3A_122 = arith.constant 0 : index
    %get3A_123 = arith.constant 0 : index
    %get3A_124 = vector.load %arg2[%get3A_120, %get3A_121, %get3A_122, %get3A_123] : memref<3x2x1000x128xf32, #tpu.memory_space<vmem>>, vector<1x1x1000x1xf32>
    %get3A_125 = vector.shape_cast %get3A_124 : vector<1x1x1000x1xf32> to vector<1000xf32>
    %add3A_126 = arith.addf %get3A_119, %get3A_125 : vector<1000xf32>
    %max3A_127 = arith.constant 1.000000e+00 : f32
    %max3A_128 = vector.broadcast %max3A_127 : f32 to vector<1000xf32>
    %max3A_129 = arith.maximumf %add3A_126, %max3A_128 : vector<1000xf32>
    %get3A_130 = arith.constant 2 : index
    %get3A_131 = arith.constant 0 : index
    %get3A_132 = arith.constant 0 : index
    %get3A_133 = arith.constant 0 : index
    %get3A_134 = vector.load %arg1[%get3A_130, %get3A_131, %get3A_132, %get3A_133] : memref<3x2x1000x128xf32, #tpu.memory_space<vmem>>, vector<1x1x1000x128xf32>
    %get3A_135 = vector.shape_cast %get3A_134 : vector<1x1x1000x128xf32> to vector<1000x128xf32>
    %broadcast_in_dim3A_136 = vector.shape_cast %max3A_129 : vector<1000xf32> to vector<1000x1xf32>
    %div3A_137 = vector.broadcast %broadcast_in_dim3A_136 : vector<1000x1xf32> to vector<1000x128xf32>
    %div3A_138 = arith.divf %get3A_135, %div3A_137 : vector<1000x128xf32>
    %get3A_139 = arith.constant 2 : index
    %get3A_140 = arith.constant 1 : index
    %get3A_141 = arith.constant 0 : index
    %get3A_142 = arith.constant 0 : index
    %get3A_143 = vector.load %arg1[%get3A_139, %get3A_140, %get3A_141, %get3A_142] : memref<3x2x1000x128xf32, #tpu.memory_space<vmem>>, vector<1x1x1000x128xf32>
    %get3A_144 = vector.shape_cast %get3A_143 : vector<1x1x1000x128xf32> to vector<1000x128xf32>
    %broadcast_in_dim3A_145 = vector.shape_cast %max3A_129 : vector<1000xf32> to vector<1000x1xf32>
    %div3A_146 = vector.broadcast %broadcast_in_dim3A_145 : vector<1000x1xf32> to vector<1000x128xf32>
    %div3A_147 = arith.divf %get3A_144, %div3A_146 : vector<1000x128xf32>
    %concatenate3A_148 = tpu.concatenate %div3A_138, %div3A_147 in 1 : vector<1000x128xf32>, vector<1000x128xf32> -> vector<1000x256xf32>
    %get3A_149 = arith.constant 2 : index
    %get3A_150 = arith.constant 0 : index
    %get3A_151 = arith.constant 0 : index
    %get3A_152 = vector.load %arg4[%get3A_149, %get3A_150, %get3A_151] : memref<3x256x256xf32, #tpu.memory_space<vmem>>, vector<1x256x256xf32>
    %get3A_153 = vector.shape_cast %get3A_152 : vector<1x256x256xf32> to vector<256x256xf32>
    %dot_general3A_154 = arith.constant dense<0.000000e+00> : vector<1000x256xf32>
    %dot_general3A_155 = tpu.matmul %concatenate3A_148, %get3A_153, %dot_general3A_154 {dimension_numbers = #tpu.dot_dimension_numbers<[1], [0], [0], [1], [0, 0, 1, 1], [], []>, transpose_lhs_hint = false} : vector<1000x256xf32>, vector<256x256xf32>, vector<1000x256xf32> -> vector<1000x256xf32>
    %get3A_156 = arith.constant 2 : index
    %get3A_157 = arith.constant 0 : index
    %get3A_158 = vector.load %arg5[%get3A_156, %get3A_157] : memref<3x256xf32, #tpu.memory_space<vmem>>, vector<1x256xf32>
    %get3A_159 = vector.shape_cast %get3A_158 : vector<1x256xf32> to vector<256xf32>
    %broadcast_in_dim3A_160 = vector.shape_cast %get3A_159 : vector<256xf32> to vector<1x256xf32>
    %add3A_161 = vector.broadcast %broadcast_in_dim3A_160 : vector<1x256xf32> to vector<1000x256xf32>
    %add3A_162 = arith.addf %dot_general3A_155, %add3A_161 : vector<1000x256xf32>
    %get3A_163 = arith.constant 2 : index
    %get3A_164 = arith.constant 0 : index
    %get3A_165 = arith.constant 0 : index
    %get3A_166 = vector.load %arg6[%get3A_163, %get3A_164, %get3A_165] : memref<3x256x256xf32, #tpu.memory_space<vmem>>, vector<1x256x256xf32>
    %get3A_167 = vector.shape_cast %get3A_166 : vector<1x256x256xf32> to vector<256x256xf32>
    %dot_general3A_168 = arith.constant dense<0.000000e+00> : vector<1000x256xf32>
    %dot_general3A_169 = tpu.matmul %get3A_1, %get3A_167, %dot_general3A_168 {dimension_numbers = #tpu.dot_dimension_numbers<[1], [0], [0], [1], [0, 0, 1, 1], [], []>, transpose_lhs_hint = false} : vector<1000x256xf32>, vector<256x256xf32>, vector<1000x256xf32> -> vector<1000x256xf32>
    %add3A_170 = arith.addf %add3A_162, %dot_general3A_169 : vector<1000x256xf32>
    %add3A_171 = arith.addf %add3A_113, %add3A_170 : vector<1000x256xf32>
    %div3A_172 = arith.constant 3.000000e+00 : f32
    %div3A_173 = vector.broadcast %div3A_172 : f32 to vector<1000x256xf32>
    %div3A_174 = arith.divf %add3A_171, %div3A_173 : vector<1000x256xf32>
    %max3A_175 = arith.constant 0.000000e+00 : f32
    %max3A_176 = vector.broadcast %max3A_175 : f32 to vector<1000x256xf32>
    %max3A_177 = arith.maximumf %div3A_174, %max3A_176 : vector<1000x256xf32>
    %reduce_sum3A = arith.constant dense<0.000000e+00> : vector<1000xf32>
    %reduce_sum3A_178 = vector.multi_reduction <add>, %max3A_177, %reduce_sum3A [1] : vector<1000x256xf32> to vector<1000xf32>
    %broadcast_in_dim3A_179 = vector.shape_cast %reduce_sum3A_178 : vector<1000xf32> to vector<1000x1xf32>
    %div3A_180 = arith.constant 2.560000e+02 : f32
    %div3A_181 = vector.broadcast %div3A_180 : f32 to vector<1000x1xf32>
    %div3A_182 = arith.divf %broadcast_in_dim3A_179, %div3A_181 : vector<1000x1xf32>
    %sub3A = vector.broadcast %div3A_182 : vector<1000x1xf32> to vector<1000x256xf32>
    %sub3A_183 = arith.subf %max3A_177, %sub3A : vector<1000x256xf32>
    %integer_pow3A = arith.mulf %sub3A_183, %sub3A_183 : vector<1000x256xf32>
    %reduce_sum3A_184 = arith.constant dense<0.000000e+00> : vector<1000xf32>
    %reduce_sum3A_185 = vector.multi_reduction <add>, %integer_pow3A, %reduce_sum3A_184 [1] : vector<1000x256xf32> to vector<1000xf32>
    %broadcast_in_dim3A_186 = vector.shape_cast %reduce_sum3A_185 : vector<1000xf32> to vector<1000x1xf32>
    %div3A_187 = arith.constant 2.560000e+02 : f32
    %div3A_188 = vector.broadcast %div3A_187 : f32 to vector<1000x1xf32>
    %div3A_189 = arith.divf %broadcast_in_dim3A_186, %div3A_188 : vector<1000x1xf32>
    %sub3A_190 = vector.broadcast %div3A_182 : vector<1000x1xf32> to vector<1000x256xf32>
    %sub3A_191 = arith.subf %max3A_177, %sub3A_190 : vector<1000x256xf32>
    %add3A_192 = arith.constant 9.99999974E-6 : f32
    %add3A_193 = vector.broadcast %add3A_192 : f32 to vector<1000x1xf32>
    %add3A_194 = arith.addf %div3A_189, %add3A_193 : vector<1000x1xf32>
    %sqrt3A = math.sqrt %add3A_194 : vector<1000x1xf32>
    %div3A_195 = vector.broadcast %sqrt3A : vector<1000x1xf32> to vector<1000x256xf32>
    %div3A_196 = arith.divf %sub3A_191, %div3A_195 : vector<1000x256xf32>
    %get3A_197 = arith.constant 0 : index
    %get3A_198 = arith.constant 0 : index
    %get3A_199 = vector.load %arg7[%get3A_197, %get3A_198] : memref<1x256xf32, #tpu.memory_space<vmem>>, vector<1x256xf32>
    %get3A_200 = vector.shape_cast %get3A_199 : vector<1x256xf32> to vector<256xf32>
    %broadcast_in_dim3A_201 = vector.shape_cast %get3A_200 : vector<256xf32> to vector<1x256xf32>
    %mul3A = vector.broadcast %broadcast_in_dim3A_201 : vector<1x256xf32> to vector<1000x256xf32>
    %mul3A_202 = arith.mulf %div3A_196, %mul3A : vector<1000x256xf32>
    %get3A_203 = arith.constant 0 : index
    %get3A_204 = arith.constant 0 : index
    %get3A_205 = vector.load %arg8[%get3A_203, %get3A_204] : memref<1x256xf32, #tpu.memory_space<vmem>>, vector<1x256xf32>
    %get3A_206 = vector.shape_cast %get3A_205 : vector<1x256xf32> to vector<256xf32>
    %broadcast_in_dim3A_207 = vector.shape_cast %get3A_206 : vector<256xf32> to vector<1x256xf32>
    %add3A_208 = vector.broadcast %broadcast_in_dim3A_207 : vector<1x256xf32> to vector<1000x256xf32>
    %add3A_209 = arith.addf %mul3A_202, %add3A_208 : vector<1000x256xf32>
    %swap3A = arith.constant 0 : index
    %swap3A_210 = arith.constant 0 : index
    %swap3A_211 = vector.load %arg9[%swap3A, %swap3A_210] : memref<1000x256xf32, #tpu.memory_space<vmem>>, vector<1000x256xf32>
    tpu.vector_store %arg9[%swap3A, %swap3A_210], %add3A_209 {strides = array<i32>} : memref<1000x256xf32, #tpu.memory_space<vmem>>, vector<1000x256xf32>,
    %slice3A = vector.extract_strided_slice %add3A_209 {offsets = [0, 0], sizes = [1000, 128], strides = [1, 1]} : vector<1000x256xf32> to vector<1000x128xf32>
    %swap3A_212 = arith.constant 0 : index
    %swap3A_213 = arith.constant 0 : index
    %swap3A_214 = arith.constant 0 : index
    %swap3A_215 = vector.load %arg10[%swap3A_212, %swap3A_213, %swap3A_214] : memref<2x1000x128xf32, #tpu.memory_space<vmem>>, vector<1x1000x128xf32>
    %swap3A_216 = vector.shape_cast %swap3A_215 : vector<1x1000x128xf32> to vector<1000x128xf32>
    %swap3A_217 = vector.shape_cast %slice3A : vector<1000x128xf32> to vector<1x1000x128xf32>
    tpu.vector_store %arg10[%swap3A_212, %swap3A_213, %swap3A_214], %swap3A_217 {strides = array<i32>} : memref<2x1000x128xf32, #tpu.memory_space<vmem>>, vector<1x1000x128xf32>,
    %slice3A_218 = vector.extract_strided_slice %add3A_209 {offsets = [0, 128], sizes = [1000, 128], strides = [1, 1]} : vector<1000x256xf32> to vector<1000x128xf32>
    %swap3A_219 = arith.constant 1 : index
    %swap3A_220 = arith.constant 0 : index
    %swap3A_221 = arith.constant 0 : index
    %swap3A_222 = vector.load %arg10[%swap3A_219, %swap3A_220, %swap3A_221] : memref<2x1000x128xf32, #tpu.memory_space<vmem>>, vector<1x1000x128xf32>
    %swap3A_223 = vector.shape_cast %swap3A_222 : vector<1x1000x128xf32> to vector<1000x128xf32>
    %swap3A_224 = vector.shape_cast %slice3A_218 : vector<1000x128xf32> to vector<1x1000x128xf32>
    tpu.vector_store %arg10[%swap3A_219, %swap3A_220, %swap3A_221], %swap3A_224 {strides = array<i32>} : memref<2x1000x128xf32, #tpu.memory_space<vmem>>, vector<1x1000x128xf32>,
    return
  }
  func.func @transform_0(%arg0: i32) -> (i32, i32, i32, i32) {
    %c0_i32 = arith.constant 0 : i32
    %c0_i32_0 = arith.constant 0 : i32
    %c0_i32_1 = arith.constant 0 : i32
    %c0_i32_2 = arith.constant 0 : i32
    return %c0_i32, %c0_i32_0, %arg0, %c0_i32_1 : i32, i32, i32, i32
  }
  func.func @transform_1(%arg0: i32) -> (i32, i32, i32, i32) {
    %c0_i32 = arith.constant 0 : i32
    %c0_i32_0 = arith.constant 0 : i32
    %c0_i32_1 = arith.constant 0 : i32
    %c0_i32_2 = arith.constant 0 : i32
    return %c0_i32, %c0_i32_0, %arg0, %c0_i32_1 : i32, i32, i32, i32
  }
  func.func @transform_2(%arg0: i32) -> (i32, i32) {
    %c0_i32 = arith.constant 0 : i32
    %c0_i32_0 = arith.constant 0 : i32
    return %arg0, %c0_i32 : i32, i32
  }
  func.func @transform_3(%arg0: i32) -> (i32, i32, i32) {
    %c0_i32 = arith.constant 0 : i32
    %c0_i32_0 = arith.constant 0 : i32
    %c0_i32_1 = arith.constant 0 : i32
    %c0_i32_2 = arith.constant 0 : i32
    return %c0_i32, %c0_i32_0, %c0_i32_1 : i32, i32, i32
  }
  func.func @transform_4(%arg0: i32) -> (i32, i32) {
    %c0_i32 = arith.constant 0 : i32
    %c0_i32_0 = arith.constant 0 : i32
    %c0_i32_1 = arith.constant 0 : i32
    return %c0_i32, %c0_i32_0 : i32, i32
  }
  func.func @transform_5(%arg0: i32) -> (i32, i32, i32) {
    %c0_i32 = arith.constant 0 : i32
    %c0_i32_0 = arith.constant 0 : i32
    %c0_i32_1 = arith.constant 0 : i32
    %c0_i32_2 = arith.constant 0 : i32
    return %c0_i32, %c0_i32_0, %c0_i32_1 : i32, i32, i32
  }
  func.func @transform_6(%arg0: i32) -> (i32, i32) {
    %c0_i32 = arith.constant 0 : i32
    %c0_i32_0 = arith.constant 0 : i32
    %c0_i32_1 = arith.constant 0 : i32
    return %c0_i32, %c0_i32_0 : i32, i32
  }
  func.func @transform_7(%arg0: i32) -> (i32, i32) {
    %c0_i32 = arith.constant 0 : i32
    %c0_i32_0 = arith.constant 0 : i32
    %c0_i32_1 = arith.constant 0 : i32
    return %c0_i32, %c0_i32_0 : i32, i32
  }
  func.func @transform_8(%arg0: i32) -> (i32, i32) {
    %c0_i32 = arith.constant 0 : i32
    %c0_i32_0 = arith.constant 0 : i32
    return %arg0, %c0_i32 : i32, i32
  }
  func.func @transform_9(%arg0: i32) -> (i32, i32, i32) {
    %c0_i32 = arith.constant 0 : i32
    %c0_i32_0 = arith.constant 0 : i32
    %c0_i32_1 = arith.constant 0 : i32
    return %c0_i32, %arg0, %c0_i32_0 : i32, i32, i32
  }
}

module attributes {stable_mosaic.version = 14 : i64} {
  func.func @_final_body(%arg0: i32, %arg1: memref<3x2x1000x128xf32, #tpu.memory_space<vmem>>, %arg2: memref<3x2x1000x128xf32, #tpu.memory_space<vmem>>, %arg3: memref<1000x256xf32, #tpu.memory_space<vmem>>, %arg4: memref<3x256x256xf32, #tpu.memory_space<vmem>>, %arg5: memref<3x256xf32, #tpu.memory_space<vmem>>, %arg6: memref<3x256x256xf32, #tpu.memory_space<vmem>>, %arg7: memref<256x128xf32, #tpu.memory_space<vmem>>, %arg8: memref<128xf32, #tpu.memory_space<vmem>>, %arg9: memref<128x128xf32, #tpu.memory_space<vmem>>, %arg10: memref<128xf32, #tpu.memory_space<vmem>>, %arg11: memref<128xf32, #tpu.memory_space<vmem>>, %arg12: memref<128xf32, #tpu.memory_space<vmem>>, %arg13: memref<128x5xf32, #tpu.memory_space<vmem>>, %arg14: memref<5xf32, #tpu.memory_space<vmem>>, %arg15: memref<1000x5xf32, #tpu.memory_space<vmem>>) attributes {dimension_semantics = [#tpu.dimension_semantics<arbitrary>], iteration_bounds = array<i64: 10>, scalar_prefetch = 0 : i64, scratch_operands = 0 : i64, tpu.core_type = #tpu.core_type<tc>, window_params = [{transform_indices = @transform_0, window_bounds = array<i64: 3, 2, 1000, 128>}, {transform_indices = @transform_1, window_bounds = array<i64: 3, 2, 1000, 128>}, {transform_indices = @transform_2, window_bounds = array<i64: 1000, 256>}, {pipeline_mode = #tpu.pipeline_mode<synchronous>, transform_indices = @transform_3, window_bounds = array<i64: 3, 256, 256>}, {pipeline_mode = #tpu.pipeline_mode<synchronous>, transform_indices = @transform_4, window_bounds = array<i64: 3, 256>}, {pipeline_mode = #tpu.pipeline_mode<synchronous>, transform_indices = @transform_5, window_bounds = array<i64: 3, 256, 256>}, {pipeline_mode = #tpu.pipeline_mode<synchronous>, transform_indices = @transform_6, window_bounds = array<i64: 256, 128>}, {pipeline_mode = #tpu.pipeline_mode<synchronous>, transform_indices = @transform_7, window_bounds = array<i64: 128>}, {pipeline_mode = #tpu.pipeline_mode<synchronous>, transform_indices = @transform_8, window_bounds = array<i64: 128, 128>}, {pipeline_mode = #tpu.pipeline_mode<synchronous>, transform_indices = @transform_9, window_bounds = array<i64: 128>}, {pipeline_mode = #tpu.pipeline_mode<synchronous>, transform_indices = @transform_10, window_bounds = array<i64: 128>}, {pipeline_mode = #tpu.pipeline_mode<synchronous>, transform_indices = @transform_11, window_bounds = array<i64: 128>}, {pipeline_mode = #tpu.pipeline_mode<synchronous>, transform_indices = @transform_12, window_bounds = array<i64: 128, 5>}, {pipeline_mode = #tpu.pipeline_mode<synchronous>, transform_indices = @transform_13, window_bounds = array<i64: 5>}, {transform_indices = @transform_14, window_bounds = array<i64: 1000, 5>}]} {
    %get3A = arith.constant 0 : index
    %get3A_0 = arith.constant 0 : index
    %get3A_1 = vector.load %arg3[%get3A, %get3A_0] : memref<1000x256xf32, #tpu.memory_space<vmem>>, vector<1000x256xf32>
    %broadcast_in_dim3A = arith.constant 0.000000e+00 : f32
    %broadcast_in_dim3A_2 = vector.broadcast %broadcast_in_dim3A : f32 to vector<1000x256xf32>
    %get3A_3 = arith.constant 0 : index
    %get3A_4 = arith.constant 0 : index
    %get3A_5 = arith.constant 0 : index
    %get3A_6 = arith.constant 0 : index
    %get3A_7 = vector.load %arg2[%get3A_3, %get3A_4, %get3A_5, %get3A_6] : memref<3x2x1000x128xf32, #tpu.memory_space<vmem>>, vector<1x1x1000x1xf32>
    %get3A_8 = vector.shape_cast %get3A_7 : vector<1x1x1000x1xf32> to vector<1000xf32>
    %get3A_9 = arith.constant 0 : index
    %get3A_10 = arith.constant 1 : index
    %get3A_11 = arith.constant 0 : index
    %get3A_12 = arith.constant 0 : index
    %get3A_13 = vector.load %arg2[%get3A_9, %get3A_10, %get3A_11, %get3A_12] : memref<3x2x1000x128xf32, #tpu.memory_space<vmem>>, vector<1x1x1000x1xf32>
    %get3A_14 = vector.shape_cast %get3A_13 : vector<1x1x1000x1xf32> to vector<1000xf32>
    %add3A = arith.addf %get3A_8, %get3A_14 : vector<1000xf32>
    %max3A = arith.constant 1.000000e+00 : f32
    %max3A_15 = vector.broadcast %max3A : f32 to vector<1000xf32>
    %max3A_16 = arith.maximumf %add3A, %max3A_15 : vector<1000xf32>
    %get3A_17 = arith.constant 0 : index
    %get3A_18 = arith.constant 0 : index
    %get3A_19 = arith.constant 0 : index
    %get3A_20 = arith.constant 0 : index
    %get3A_21 = vector.load %arg1[%get3A_17, %get3A_18, %get3A_19, %get3A_20] : memref<3x2x1000x128xf32, #tpu.memory_space<vmem>>, vector<1x1x1000x128xf32>
    %get3A_22 = vector.shape_cast %get3A_21 : vector<1x1x1000x128xf32> to vector<1000x128xf32>
    %broadcast_in_dim3A_23 = vector.shape_cast %max3A_16 : vector<1000xf32> to vector<1000x1xf32>
    %div3A = vector.broadcast %broadcast_in_dim3A_23 : vector<1000x1xf32> to vector<1000x128xf32>
    %div3A_24 = arith.divf %get3A_22, %div3A : vector<1000x128xf32>
    %get3A_25 = arith.constant 0 : index
    %get3A_26 = arith.constant 1 : index
    %get3A_27 = arith.constant 0 : index
    %get3A_28 = arith.constant 0 : index
    %get3A_29 = vector.load %arg1[%get3A_25, %get3A_26, %get3A_27, %get3A_28] : memref<3x2x1000x128xf32, #tpu.memory_space<vmem>>, vector<1x1x1000x128xf32>
    %get3A_30 = vector.shape_cast %get3A_29 : vector<1x1x1000x128xf32> to vector<1000x128xf32>
    %broadcast_in_dim3A_31 = vector.shape_cast %max3A_16 : vector<1000xf32> to vector<1000x1xf32>
    %div3A_32 = vector.broadcast %broadcast_in_dim3A_31 : vector<1000x1xf32> to vector<1000x128xf32>
    %div3A_33 = arith.divf %get3A_30, %div3A_32 : vector<1000x128xf32>
    %concatenate3A = tpu.concatenate %div3A_24, %div3A_33 in 1 : vector<1000x128xf32>, vector<1000x128xf32> -> vector<1000x256xf32>
    %get3A_34 = arith.constant 0 : index
    %get3A_35 = arith.constant 0 : index
    %get3A_36 = arith.constant 0 : index
    %get3A_37 = vector.load %arg4[%get3A_34, %get3A_35, %get3A_36] : memref<3x256x256xf32, #tpu.memory_space<vmem>>, vector<1x256x256xf32>
    %get3A_38 = vector.shape_cast %get3A_37 : vector<1x256x256xf32> to vector<256x256xf32>
    %dot_general3A = arith.constant dense<0.000000e+00> : vector<1000x256xf32>
    %dot_general3A_39 = tpu.matmul %concatenate3A, %get3A_38, %dot_general3A {dimension_numbers = #tpu.dot_dimension_numbers<[1], [0], [0], [1], [0, 0, 1, 1], [], []>, transpose_lhs_hint = false} : vector<1000x256xf32>, vector<256x256xf32>, vector<1000x256xf32> -> vector<1000x256xf32>
    %get3A_40 = arith.constant 0 : index
    %get3A_41 = arith.constant 0 : index
    %get3A_42 = vector.load %arg5[%get3A_40, %get3A_41] : memref<3x256xf32, #tpu.memory_space<vmem>>, vector<1x256xf32>
    %get3A_43 = vector.shape_cast %get3A_42 : vector<1x256xf32> to vector<256xf32>
    %broadcast_in_dim3A_44 = vector.shape_cast %get3A_43 : vector<256xf32> to vector<1x256xf32>
    %add3A_45 = vector.broadcast %broadcast_in_dim3A_44 : vector<1x256xf32> to vector<1000x256xf32>
    %add3A_46 = arith.addf %dot_general3A_39, %add3A_45 : vector<1000x256xf32>
    %get3A_47 = arith.constant 0 : index
    %get3A_48 = arith.constant 0 : index
    %get3A_49 = arith.constant 0 : index
    %get3A_50 = vector.load %arg6[%get3A_47, %get3A_48, %get3A_49] : memref<3x256x256xf32, #tpu.memory_space<vmem>>, vector<1x256x256xf32>
    %get3A_51 = vector.shape_cast %get3A_50 : vector<1x256x256xf32> to vector<256x256xf32>
    %dot_general3A_52 = arith.constant dense<0.000000e+00> : vector<1000x256xf32>
    %dot_general3A_53 = tpu.matmul %get3A_1, %get3A_51, %dot_general3A_52 {dimension_numbers = #tpu.dot_dimension_numbers<[1], [0], [0], [1], [0, 0, 1, 1], [], []>, transpose_lhs_hint = false} : vector<1000x256xf32>, vector<256x256xf32>, vector<1000x256xf32> -> vector<1000x256xf32>
    %add3A_54 = arith.addf %add3A_46, %dot_general3A_53 : vector<1000x256xf32>
    %add3A_55 = arith.addf %broadcast_in_dim3A_2, %add3A_54 : vector<1000x256xf32>
    %get3A_56 = arith.constant 1 : index
    %get3A_57 = arith.constant 0 : index
    %get3A_58 = arith.constant 0 : index
    %get3A_59 = arith.constant 0 : index
    %get3A_60 = vector.load %arg2[%get3A_56, %get3A_57, %get3A_58, %get3A_59] : memref<3x2x1000x128xf32, #tpu.memory_space<vmem>>, vector<1x1x1000x1xf32>
    %get3A_61 = vector.shape_cast %get3A_60 : vector<1x1x1000x1xf32> to vector<1000xf32>
    %get3A_62 = arith.constant 1 : index
    %get3A_63 = arith.constant 1 : index
    %get3A_64 = arith.constant 0 : index
    %get3A_65 = arith.constant 0 : index
    %get3A_66 = vector.load %arg2[%get3A_62, %get3A_63, %get3A_64, %get3A_65] : memref<3x2x1000x128xf32, #tpu.memory_space<vmem>>, vector<1x1x1000x1xf32>
    %get3A_67 = vector.shape_cast %get3A_66 : vector<1x1x1000x1xf32> to vector<1000xf32>
    %add3A_68 = arith.addf %get3A_61, %get3A_67 : vector<1000xf32>
    %max3A_69 = arith.constant 1.000000e+00 : f32
    %max3A_70 = vector.broadcast %max3A_69 : f32 to vector<1000xf32>
    %max3A_71 = arith.maximumf %add3A_68, %max3A_70 : vector<1000xf32>
    %get3A_72 = arith.constant 1 : index
    %get3A_73 = arith.constant 0 : index
    %get3A_74 = arith.constant 0 : index
    %get3A_75 = arith.constant 0 : index
    %get3A_76 = vector.load %arg1[%get3A_72, %get3A_73, %get3A_74, %get3A_75] : memref<3x2x1000x128xf32, #tpu.memory_space<vmem>>, vector<1x1x1000x128xf32>
    %get3A_77 = vector.shape_cast %get3A_76 : vector<1x1x1000x128xf32> to vector<1000x128xf32>
    %broadcast_in_dim3A_78 = vector.shape_cast %max3A_71 : vector<1000xf32> to vector<1000x1xf32>
    %div3A_79 = vector.broadcast %broadcast_in_dim3A_78 : vector<1000x1xf32> to vector<1000x128xf32>
    %div3A_80 = arith.divf %get3A_77, %div3A_79 : vector<1000x128xf32>
    %get3A_81 = arith.constant 1 : index
    %get3A_82 = arith.constant 1 : index
    %get3A_83 = arith.constant 0 : index
    %get3A_84 = arith.constant 0 : index
    %get3A_85 = vector.load %arg1[%get3A_81, %get3A_82, %get3A_83, %get3A_84] : memref<3x2x1000x128xf32, #tpu.memory_space<vmem>>, vector<1x1x1000x128xf32>
    %get3A_86 = vector.shape_cast %get3A_85 : vector<1x1x1000x128xf32> to vector<1000x128xf32>
    %broadcast_in_dim3A_87 = vector.shape_cast %max3A_71 : vector<1000xf32> to vector<1000x1xf32>
    %div3A_88 = vector.broadcast %broadcast_in_dim3A_87 : vector<1000x1xf32> to vector<1000x128xf32>
    %div3A_89 = arith.divf %get3A_86, %div3A_88 : vector<1000x128xf32>
    %concatenate3A_90 = tpu.concatenate %div3A_80, %div3A_89 in 1 : vector<1000x128xf32>, vector<1000x128xf32> -> vector<1000x256xf32>
    %get3A_91 = arith.constant 1 : index
    %get3A_92 = arith.constant 0 : index
    %get3A_93 = arith.constant 0 : index
    %get3A_94 = vector.load %arg4[%get3A_91, %get3A_92, %get3A_93] : memref<3x256x256xf32, #tpu.memory_space<vmem>>, vector<1x256x256xf32>
    %get3A_95 = vector.shape_cast %get3A_94 : vector<1x256x256xf32> to vector<256x256xf32>
    %dot_general3A_96 = arith.constant dense<0.000000e+00> : vector<1000x256xf32>
    %dot_general3A_97 = tpu.matmul %concatenate3A_90, %get3A_95, %dot_general3A_96 {dimension_numbers = #tpu.dot_dimension_numbers<[1], [0], [0], [1], [0, 0, 1, 1], [], []>, transpose_lhs_hint = false} : vector<1000x256xf32>, vector<256x256xf32>, vector<1000x256xf32> -> vector<1000x256xf32>
    %get3A_98 = arith.constant 1 : index
    %get3A_99 = arith.constant 0 : index
    %get3A_100 = vector.load %arg5[%get3A_98, %get3A_99] : memref<3x256xf32, #tpu.memory_space<vmem>>, vector<1x256xf32>
    %get3A_101 = vector.shape_cast %get3A_100 : vector<1x256xf32> to vector<256xf32>
    %broadcast_in_dim3A_102 = vector.shape_cast %get3A_101 : vector<256xf32> to vector<1x256xf32>
    %add3A_103 = vector.broadcast %broadcast_in_dim3A_102 : vector<1x256xf32> to vector<1000x256xf32>
    %add3A_104 = arith.addf %dot_general3A_97, %add3A_103 : vector<1000x256xf32>
    %get3A_105 = arith.constant 1 : index
    %get3A_106 = arith.constant 0 : index
    %get3A_107 = arith.constant 0 : index
    %get3A_108 = vector.load %arg6[%get3A_105, %get3A_106, %get3A_107] : memref<3x256x256xf32, #tpu.memory_space<vmem>>, vector<1x256x256xf32>
    %get3A_109 = vector.shape_cast %get3A_108 : vector<1x256x256xf32> to vector<256x256xf32>
    %dot_general3A_110 = arith.constant dense<0.000000e+00> : vector<1000x256xf32>
    %dot_general3A_111 = tpu.matmul %get3A_1, %get3A_109, %dot_general3A_110 {dimension_numbers = #tpu.dot_dimension_numbers<[1], [0], [0], [1], [0, 0, 1, 1], [], []>, transpose_lhs_hint = false} : vector<1000x256xf32>, vector<256x256xf32>, vector<1000x256xf32> -> vector<1000x256xf32>
    %add3A_112 = arith.addf %add3A_104, %dot_general3A_111 : vector<1000x256xf32>
    %add3A_113 = arith.addf %add3A_55, %add3A_112 : vector<1000x256xf32>
    %get3A_114 = arith.constant 2 : index
    %get3A_115 = arith.constant 0 : index
    %get3A_116 = arith.constant 0 : index
    %get3A_117 = arith.constant 0 : index
    %get3A_118 = vector.load %arg2[%get3A_114, %get3A_115, %get3A_116, %get3A_117] : memref<3x2x1000x128xf32, #tpu.memory_space<vmem>>, vector<1x1x1000x1xf32>
    %get3A_119 = vector.shape_cast %get3A_118 : vector<1x1x1000x1xf32> to vector<1000xf32>
    %get3A_120 = arith.constant 2 : index
    %get3A_121 = arith.constant 1 : index
    %get3A_122 = arith.constant 0 : index
    %get3A_123 = arith.constant 0 : index
    %get3A_124 = vector.load %arg2[%get3A_120, %get3A_121, %get3A_122, %get3A_123] : memref<3x2x1000x128xf32, #tpu.memory_space<vmem>>, vector<1x1x1000x1xf32>
    %get3A_125 = vector.shape_cast %get3A_124 : vector<1x1x1000x1xf32> to vector<1000xf32>
    %add3A_126 = arith.addf %get3A_119, %get3A_125 : vector<1000xf32>
    %max3A_127 = arith.constant 1.000000e+00 : f32
    %max3A_128 = vector.broadcast %max3A_127 : f32 to vector<1000xf32>
    %max3A_129 = arith.maximumf %add3A_126, %max3A_128 : vector<1000xf32>
    %get3A_130 = arith.constant 2 : index
    %get3A_131 = arith.constant 0 : index
    %get3A_132 = arith.constant 0 : index
    %get3A_133 = arith.constant 0 : index
    %get3A_134 = vector.load %arg1[%get3A_130, %get3A_131, %get3A_132, %get3A_133] : memref<3x2x1000x128xf32, #tpu.memory_space<vmem>>, vector<1x1x1000x128xf32>
    %get3A_135 = vector.shape_cast %get3A_134 : vector<1x1x1000x128xf32> to vector<1000x128xf32>
    %broadcast_in_dim3A_136 = vector.shape_cast %max3A_129 : vector<1000xf32> to vector<1000x1xf32>
    %div3A_137 = vector.broadcast %broadcast_in_dim3A_136 : vector<1000x1xf32> to vector<1000x128xf32>
    %div3A_138 = arith.divf %get3A_135, %div3A_137 : vector<1000x128xf32>
    %get3A_139 = arith.constant 2 : index
    %get3A_140 = arith.constant 1 : index
    %get3A_141 = arith.constant 0 : index
    %get3A_142 = arith.constant 0 : index
    %get3A_143 = vector.load %arg1[%get3A_139, %get3A_140, %get3A_141, %get3A_142] : memref<3x2x1000x128xf32, #tpu.memory_space<vmem>>, vector<1x1x1000x128xf32>
    %get3A_144 = vector.shape_cast %get3A_143 : vector<1x1x1000x128xf32> to vector<1000x128xf32>
    %broadcast_in_dim3A_145 = vector.shape_cast %max3A_129 : vector<1000xf32> to vector<1000x1xf32>
    %div3A_146 = vector.broadcast %broadcast_in_dim3A_145 : vector<1000x1xf32> to vector<1000x128xf32>
    %div3A_147 = arith.divf %get3A_144, %div3A_146 : vector<1000x128xf32>
    %concatenate3A_148 = tpu.concatenate %div3A_138, %div3A_147 in 1 : vector<1000x128xf32>, vector<1000x128xf32> -> vector<1000x256xf32>
    %get3A_149 = arith.constant 2 : index
    %get3A_150 = arith.constant 0 : index
    %get3A_151 = arith.constant 0 : index
    %get3A_152 = vector.load %arg4[%get3A_149, %get3A_150, %get3A_151] : memref<3x256x256xf32, #tpu.memory_space<vmem>>, vector<1x256x256xf32>
    %get3A_153 = vector.shape_cast %get3A_152 : vector<1x256x256xf32> to vector<256x256xf32>
    %dot_general3A_154 = arith.constant dense<0.000000e+00> : vector<1000x256xf32>
    %dot_general3A_155 = tpu.matmul %concatenate3A_148, %get3A_153, %dot_general3A_154 {dimension_numbers = #tpu.dot_dimension_numbers<[1], [0], [0], [1], [0, 0, 1, 1], [], []>, transpose_lhs_hint = false} : vector<1000x256xf32>, vector<256x256xf32>, vector<1000x256xf32> -> vector<1000x256xf32>
    %get3A_156 = arith.constant 2 : index
    %get3A_157 = arith.constant 0 : index
    %get3A_158 = vector.load %arg5[%get3A_156, %get3A_157] : memref<3x256xf32, #tpu.memory_space<vmem>>, vector<1x256xf32>
    %get3A_159 = vector.shape_cast %get3A_158 : vector<1x256xf32> to vector<256xf32>
    %broadcast_in_dim3A_160 = vector.shape_cast %get3A_159 : vector<256xf32> to vector<1x256xf32>
    %add3A_161 = vector.broadcast %broadcast_in_dim3A_160 : vector<1x256xf32> to vector<1000x256xf32>
    %add3A_162 = arith.addf %dot_general3A_155, %add3A_161 : vector<1000x256xf32>
    %get3A_163 = arith.constant 2 : index
    %get3A_164 = arith.constant 0 : index
    %get3A_165 = arith.constant 0 : index
    %get3A_166 = vector.load %arg6[%get3A_163, %get3A_164, %get3A_165] : memref<3x256x256xf32, #tpu.memory_space<vmem>>, vector<1x256x256xf32>
    %get3A_167 = vector.shape_cast %get3A_166 : vector<1x256x256xf32> to vector<256x256xf32>
    %dot_general3A_168 = arith.constant dense<0.000000e+00> : vector<1000x256xf32>
    %dot_general3A_169 = tpu.matmul %get3A_1, %get3A_167, %dot_general3A_168 {dimension_numbers = #tpu.dot_dimension_numbers<[1], [0], [0], [1], [0, 0, 1, 1], [], []>, transpose_lhs_hint = false} : vector<1000x256xf32>, vector<256x256xf32>, vector<1000x256xf32> -> vector<1000x256xf32>
    %add3A_170 = arith.addf %add3A_162, %dot_general3A_169 : vector<1000x256xf32>
    %add3A_171 = arith.addf %add3A_113, %add3A_170 : vector<1000x256xf32>
    %div3A_172 = arith.constant 3.000000e+00 : f32
    %div3A_173 = vector.broadcast %div3A_172 : f32 to vector<1000x256xf32>
    %div3A_174 = arith.divf %add3A_171, %div3A_173 : vector<1000x256xf32>
    %get3A_175 = arith.constant 0 : index
    %get3A_176 = arith.constant 0 : index
    %get3A_177 = vector.load %arg7[%get3A_175, %get3A_176] : memref<256x128xf32, #tpu.memory_space<vmem>>, vector<256x128xf32>
    %dot_general3A_178 = arith.constant dense<0.000000e+00> : vector<1000x128xf32>
    %dot_general3A_179 = tpu.matmul %div3A_174, %get3A_177, %dot_general3A_178 {dimension_numbers = #tpu.dot_dimension_numbers<[1], [0], [0], [1], [0, 0, 1, 1], [], []>, transpose_lhs_hint = false} : vector<1000x256xf32>, vector<256x128xf32>, vector<1000x128xf32> -> vector<1000x128xf32>
    %get3A_180 = arith.constant 0 : index
    %get3A_181 = vector.load %arg8[%get3A_180] : memref<128xf32, #tpu.memory_space<vmem>>, vector<128xf32>
    %broadcast_in_dim3A_182 = vector.shape_cast %get3A_181 : vector<128xf32> to vector<1x128xf32>
    %add3A_183 = vector.broadcast %broadcast_in_dim3A_182 : vector<1x128xf32> to vector<1000x128xf32>
    %add3A_184 = arith.addf %dot_general3A_179, %add3A_183 : vector<1000x128xf32>
    %max3A_185 = arith.constant 0.000000e+00 : f32
    %max3A_186 = vector.broadcast %max3A_185 : f32 to vector<1000x128xf32>
    %max3A_187 = arith.maximumf %add3A_184, %max3A_186 : vector<1000x128xf32>
    %get3A_188 = arith.constant 0 : index
    %get3A_189 = arith.constant 0 : index
    %get3A_190 = vector.load %arg9[%get3A_188, %get3A_189] : memref<128x128xf32, #tpu.memory_space<vmem>>, vector<128x128xf32>
    %dot_general3A_191 = arith.constant dense<0.000000e+00> : vector<1000x128xf32>
    %dot_general3A_192 = tpu.matmul %max3A_187, %get3A_190, %dot_general3A_191 {dimension_numbers = #tpu.dot_dimension_numbers<[1], [0], [0], [1], [0, 0, 1, 1], [], []>, transpose_lhs_hint = false} : vector<1000x128xf32>, vector<128x128xf32>, vector<1000x128xf32> -> vector<1000x128xf32>
    %get3A_193 = arith.constant 0 : index
    %get3A_194 = vector.load %arg10[%get3A_193] : memref<128xf32, #tpu.memory_space<vmem>>, vector<128xf32>
    %broadcast_in_dim3A_195 = vector.shape_cast %get3A_194 : vector<128xf32> to vector<1x128xf32>
    %add3A_196 = vector.broadcast %broadcast_in_dim3A_195 : vector<1x128xf32> to vector<1000x128xf32>
    %add3A_197 = arith.addf %dot_general3A_192, %add3A_196 : vector<1000x128xf32>
    %max3A_198 = arith.constant 0.000000e+00 : f32
    %max3A_199 = vector.broadcast %max3A_198 : f32 to vector<1000x128xf32>
    %max3A_200 = arith.maximumf %add3A_197, %max3A_199 : vector<1000x128xf32>
    %reduce_sum3A = arith.constant dense<0.000000e+00> : vector<1000xf32>
    %reduce_sum3A_201 = vector.multi_reduction <add>, %max3A_200, %reduce_sum3A [1] : vector<1000x128xf32> to vector<1000xf32>
    %broadcast_in_dim3A_202 = vector.shape_cast %reduce_sum3A_201 : vector<1000xf32> to vector<1000x1xf32>
    %div3A_203 = arith.constant 1.280000e+02 : f32
    %div3A_204 = vector.broadcast %div3A_203 : f32 to vector<1000x1xf32>
    %div3A_205 = arith.divf %broadcast_in_dim3A_202, %div3A_204 : vector<1000x1xf32>
    %sub3A = vector.broadcast %div3A_205 : vector<1000x1xf32> to vector<1000x128xf32>
    %sub3A_206 = arith.subf %max3A_200, %sub3A : vector<1000x128xf32>
    %integer_pow3A = arith.mulf %sub3A_206, %sub3A_206 : vector<1000x128xf32>
    %reduce_sum3A_207 = arith.constant dense<0.000000e+00> : vector<1000xf32>
    %reduce_sum3A_208 = vector.multi_reduction <add>, %integer_pow3A, %reduce_sum3A_207 [1] : vector<1000x128xf32> to vector<1000xf32>
    %broadcast_in_dim3A_209 = vector.shape_cast %reduce_sum3A_208 : vector<1000xf32> to vector<1000x1xf32>
    %div3A_210 = arith.constant 1.280000e+02 : f32
    %div3A_211 = vector.broadcast %div3A_210 : f32 to vector<1000x1xf32>
    %div3A_212 = arith.divf %broadcast_in_dim3A_209, %div3A_211 : vector<1000x1xf32>
    %sub3A_213 = vector.broadcast %div3A_205 : vector<1000x1xf32> to vector<1000x128xf32>
    %sub3A_214 = arith.subf %max3A_200, %sub3A_213 : vector<1000x128xf32>
    %add3A_215 = arith.constant 9.99999974E-6 : f32
    %add3A_216 = vector.broadcast %add3A_215 : f32 to vector<1000x1xf32>
    %add3A_217 = arith.addf %div3A_212, %add3A_216 : vector<1000x1xf32>
    %sqrt3A = math.sqrt %add3A_217 : vector<1000x1xf32>
    %div3A_218 = vector.broadcast %sqrt3A : vector<1000x1xf32> to vector<1000x128xf32>
    %div3A_219 = arith.divf %sub3A_214, %div3A_218 : vector<1000x128xf32>
    %get3A_220 = arith.constant 0 : index
    %get3A_221 = vector.load %arg11[%get3A_220] : memref<128xf32, #tpu.memory_space<vmem>>, vector<128xf32>
    %broadcast_in_dim3A_222 = vector.shape_cast %get3A_221 : vector<128xf32> to vector<1x128xf32>
    %mul3A = vector.broadcast %broadcast_in_dim3A_222 : vector<1x128xf32> to vector<1000x128xf32>
    %mul3A_223 = arith.mulf %div3A_219, %mul3A : vector<1000x128xf32>
    %get3A_224 = arith.constant 0 : index
    %get3A_225 = vector.load %arg12[%get3A_224] : memref<128xf32, #tpu.memory_space<vmem>>, vector<128xf32>
    %broadcast_in_dim3A_226 = vector.shape_cast %get3A_225 : vector<128xf32> to vector<1x128xf32>
    %add3A_227 = vector.broadcast %broadcast_in_dim3A_226 : vector<1x128xf32> to vector<1000x128xf32>
    %add3A_228 = arith.addf %mul3A_223, %add3A_227 : vector<1000x128xf32>
    %get3A_229 = arith.constant 0 : index
    %get3A_230 = arith.constant 0 : index
    %get3A_231 = vector.load %arg13[%get3A_229, %get3A_230] : memref<128x5xf32, #tpu.memory_space<vmem>>, vector<128x5xf32>
    %dot_general3A_232 = arith.constant dense<0.000000e+00> : vector<1000x5xf32>
    %dot_general3A_233 = tpu.matmul %add3A_228, %get3A_231, %dot_general3A_232 {dimension_numbers = #tpu.dot_dimension_numbers<[1], [0], [0], [1], [0, 0, 1, 1], [], []>, transpose_lhs_hint = false} : vector<1000x128xf32>, vector<128x5xf32>, vector<1000x5xf32> -> vector<1000x5xf32>
    %get3A_234 = arith.constant 0 : index
    %get3A_235 = vector.load %arg14[%get3A_234] : memref<5xf32, #tpu.memory_space<vmem>>, vector<5xf32>
    %broadcast_in_dim3A_236 = vector.shape_cast %get3A_235 : vector<5xf32> to vector<1x5xf32>
    %add3A_237 = vector.broadcast %broadcast_in_dim3A_236 : vector<1x5xf32> to vector<1000x5xf32>
    %add3A_238 = arith.addf %dot_general3A_233, %add3A_237 : vector<1000x5xf32>
    %swap3A = arith.constant 0 : index
    %swap3A_239 = arith.constant 0 : index
    %swap3A_240 = vector.load %arg15[%swap3A, %swap3A_239] : memref<1000x5xf32, #tpu.memory_space<vmem>>, vector<1000x5xf32>
    tpu.vector_store %arg15[%swap3A, %swap3A_239], %add3A_238 {strides = array<i32>} : memref<1000x5xf32, #tpu.memory_space<vmem>>, vector<1000x5xf32>,
    return
  }
  func.func @transform_0(%arg0: i32) -> (i32, i32, i32, i32) {
    %c0_i32 = arith.constant 0 : i32
    %c0_i32_0 = arith.constant 0 : i32
    %c0_i32_1 = arith.constant 0 : i32
    %c0_i32_2 = arith.constant 0 : i32
    return %c0_i32, %c0_i32_0, %arg0, %c0_i32_1 : i32, i32, i32, i32
  }
  func.func @transform_1(%arg0: i32) -> (i32, i32, i32, i32) {
    %c0_i32 = arith.constant 0 : i32
    %c0_i32_0 = arith.constant 0 : i32
    %c0_i32_1 = arith.constant 0 : i32
    %c0_i32_2 = arith.constant 0 : i32
    return %c0_i32, %c0_i32_0, %arg0, %c0_i32_1 : i32, i32, i32, i32
  }
  func.func @transform_2(%arg0: i32) -> (i32, i32) {
    %c0_i32 = arith.constant 0 : i32
    %c0_i32_0 = arith.constant 0 : i32
    return %arg0, %c0_i32 : i32, i32
  }
  func.func @transform_3(%arg0: i32) -> (i32, i32, i32) {
    %c0_i32 = arith.constant 0 : i32
    %c0_i32_0 = arith.constant 0 : i32
    %c0_i32_1 = arith.constant 0 : i32
    %c0_i32_2 = arith.constant 0 : i32
    return %c0_i32, %c0_i32_0, %c0_i32_1 : i32, i32, i32
  }
  func.func @transform_4(%arg0: i32) -> (i32, i32) {
    %c0_i32 = arith.constant 0 : i32
    %c0_i32_0 = arith.constant 0 : i32
    %c0_i32_1 = arith.constant 0 : i32
    return %c0_i32, %c0_i32_0 : i32, i32
  }
  func.func @transform_5(%arg0: i32) -> (i32, i32, i32) {
    %c0_i32 = arith.constant 0 : i32
    %c0_i32_0 = arith.constant 0 : i32
    %c0_i32_1 = arith.constant 0 : i32
    %c0_i32_2 = arith.constant 0 : i32
    return %c0_i32, %c0_i32_0, %c0_i32_1 : i32, i32, i32
  }
  func.func @transform_6(%arg0: i32) -> (i32, i32) {
    %c0_i32 = arith.constant 0 : i32
    %c0_i32_0 = arith.constant 0 : i32
    %c0_i32_1 = arith.constant 0 : i32
    return %c0_i32, %c0_i32_0 : i32, i32
  }
  func.func @transform_7(%arg0: i32) -> i32 {
    %c0_i32 = arith.constant 0 : i32
    %c0_i32_0 = arith.constant 0 : i32
    return %c0_i32 : i32
  }
  func.func @transform_8(%arg0: i32) -> (i32, i32) {
    %c0_i32 = arith.constant 0 : i32
    %c0_i32_0 = arith.constant 0 : i32
    %c0_i32_1 = arith.constant 0 : i32
    return %c0_i32, %c0_i32_0 : i32, i32
  }
  func.func @transform_9(%arg0: i32) -> i32 {
    %c0_i32 = arith.constant 0 : i32
    %c0_i32_0 = arith.constant 0 : i32
    return %c0_i32 : i32
  }
  func.func @transform_10(%arg0: i32) -> i32 {
    %c0_i32 = arith.constant 0 : i32
    %c0_i32_0 = arith.constant 0 : i32
    return %c0_i32 : i32
  }
  func.func @transform_11(%arg0: i32) -> i32 {
    %c0_i32 = arith.constant 0 : i32
    %c0_i32_0 = arith.constant 0 : i32
    return %c0_i32 : i32
  }
  func.func @transform_12(%arg0: i32) -> (i32, i32) {
    %c0_i32 = arith.constant 0 : i32
    %c0_i32_0 = arith.constant 0 : i32
    %c0_i32_1 = arith.constant 0 : i32
    return %c0_i32, %c0_i32_0 : i32, i32
  }
  func.func @transform_13(%arg0: i32) -> i32 {
    %c0_i32 = arith.constant 0 : i32
    %c0_i32_0 = arith.constant 0 : i32
    return %c0_i32 : i32
  }
  func.func @transform_14(%arg0: i32) -> (i32, i32) {
    %c0_i32 = arith.constant 0 : i32
    %c0_i32_0 = arith.constant 0 : i32
    return %arg0, %c0_i32 : i32, i32
  }
}

</mosaic_0001>

<sc_bundles>
// kernel: kernel.10.cloned.1.call-start
scs
__scs_entry_jumppad:
0x0: {  	(pc) =	sbr.rel $0x88, $3  }
0x1: {  	(tag) =	ssettag $0x0;
	lr =	simm.s32 $0x1  }
0x2: {  	[smem:$0x3F8A] =	sst lr;
	_ =	strace $0xD0000000  }
0x3: {  	_ = 	snop  }
0x4: {  	_ = 	snop  }
0x5: {  	_ = 	snop  }
0x6: {  	_ = 	snop  }
0x7: {  	_ = 	snop  }
__scs_overlays_trampoline_lowered:
0x8: {  	[smem:$0x3F99] =	sst s0  }
0x9: {  	[smem:$0x3F9A] =	sst s1  }
0xa: {  	[smem:$0x3F9B] =	sst s2  }
0xb: {  	[smem:$0x3F9C] =	sst s3  }
0xc: {  	[smem:$0x3F9D] =	sst s4  }
0xd: {  	[smem:$0x3F9E] =	sst s5  }
0xe: {  	[smem:$0x3F9F] =	sst s6  }
0xf: {  	[smem:$0x3FA0] =	sst s7  }
0x10: {  	[smem:$0x3FA1] =	sst s8  }
0x11: {  	[smem:$0x3FA2] =	sst s9;
	s0 =	simm.s32 @!p0 $0x0  }
0x12: {  	s1 =	sld [smem:$0x3F88];
	s0 =	simm.s32 @p0 $0x1  }
0x13: {  	[smem:$0x3FA3] =	sst s0;
	s0 =	simm.s32 @!p1 $0x0  }
0x14: {  	s2 =	sld [smem:$0x3F87];
	s0 =	simm.s32 @p1 $0x1  }
0x15: {  	[smem:$0x3FA4] =	sst s0;
	s0 =	simm.s32 @!p2 $0x0  }
0x16: {  	s3 =	sld [smem:$0x3FDB];
	s0 =	simm.s32 @p2 $0x1  }
0x17: {  	s4 =	simm.s32 $0x1BF5;
	[smem:$0x3FA6] =	sst s0  }
0x18: {  	s0 =	sld [smem:$0x3F89];
	_ =	swait.ge [sflag:s4], $0x0  }
0x19: {  	s7 =	sld [smem:$0x3F8A]  }
0x1a: {  	s8 =	sadd.s32 $0xFFFFE003, lr  }
0x1b: {  	s9 =	sadd.s32 $0xFFFFFEF7, lr;
	s5 =	simm.s32 $0xFFFFFFFF;
	p2 =	slt.u32 s8, $0xFFFFF086  }
0x1c: {  	p1 =	slt.u32 s9, $0xF7A;
	s5 =	simm.s32 @!p2 $0x0  }
0x1d: {  	s5 =	simm.s32 @p1 $0x1;
	p0 =	seq.s32 s7, s2  }
0x1e: {  	s7 =	smul.u32 @!p0 $0xF7A, s2;
	p2 =	seq.s32 @!p0 s5, $0x0  }
0x1f: {  	s9 =	smul.u32 $0xF7A, s1;
	s8 =	simm.s32 @!p0 $0x1BF5;
	p2 =	por !p2, p0  }
0x20: {  	[sflag:s8] =	ssyncset.s32 @!p0 $0xFFFFF086;
	s6 =	sadd.s32 @!p0 s3, s7;
	s7 =	simm.s32 @!p0 $0x108  }
0x21: {  	s3 =	sadd.s32 s3, s9;
	s6 =	sadd.s32 @!p0 $0x88, s6;
	s7 =	simm.s32 @p2 $0x1082  }
0x22: {  	[simem:s7], [sflag:s8] =	dma.local @!p0 [hbm:s6], $0xF7A  }
0x23: {  	s9 =	sor.u32 $0xD0000000, s2;
	s6 =	simm.s32 $0x108;
	_ =	swait.ge @!p0 [sflag:s8], $0x0  }
0x24: {  	s3 =	sadd.s32 $0x88, s3;
	s6 =	simm.s32 @!p1 $0x1082;
	[sflag:s4] =	ssyncset.s32 $0xFFFFF086  }
0x25: {  	[simem:s6], [sflag:s4] =	dma.local [hbm:s3], $0xF7A  }
0x26: {  	[smem:$0x3F8A] =	sst s1;
	(tag) =	ssettag s2;
	_ =	strace s9  }
0x27: {  	s1 =	sld [smem:$0x3F9A]  }
0x28: {  	s2 =	sld [smem:$0x3F9B]  }
0x29: {  	s4 =	sld [smem:$0x3F9D]  }
0x2a: {  	p0 =	seq.s32 s5, $0x0;
	s5 =	sld [smem:$0x3F9E]  }
0x2b: {  	s6 =	sld [smem:$0x3F9F]  }
0x2c: {  	s7 =	sld [smem:$0x3FA0]  }
0x2d: {  	s3 =	simm.s32 $0x108;
	s8 =	sld [smem:$0x3FA1]  }
0x2e: {  	s3 =	simm.s32 @!p0 $0x1082;
	s9 =	sld [smem:$0x3FA2]  }
0x2f: {  	lr =	sadd.s32 s0, s3;
	s0 =	sld [smem:$0x3F99]  }
0x30: {  	s3 =	sld [smem:$0x3F9C]  }
0x31: {  	[smem:$0x3FA5] =	sst s10  }
0x32: {  	s10 =	sld [smem:$0x3FA3];
	_ =	sdelay $0x3  }
0x33: {  	p0 =	seq.s32 s10, $0x1;
	s10 =	sld [smem:$0x3FA5];
	_ =	sdelay $0x3  }
0x34: {  	[smem:$0x3FA5] =	sst s10  }
0x35: {  	s10 =	sld [smem:$0x3FA4];
	_ =	sdelay $0x3  }
0x36: {  	p1 =	seq.s32 s10, $0x1;
	s10 =	sld [smem:$0x3FA5];
	_ =	sdelay $0x3  }
0x37: {  	[smem:$0x3FA5] =	sst s10  }
0x38: {  	s10 =	sld [smem:$0x3FA6]  }
0x39: {  	_ = 	snop;
	(pc) =	sbr.ind lr, $3  }
0x3a: {  	_ = 	snop  }
0x3b: {  	_ = 	snop  }
0x3c: {  	p2 =	seq.s32 s10, $0x1;
	s10 =	sld [smem:$0x3FA5]  }
0x3d: {  	_ =	shalt  }
0x3e: {  	_ =	shalt  }
0x3f: {  	_ =	shalt  }
0x40: {  	_ =	shalt  }
0x41: {  	_ =	shalt  }
0x42: {  	_ =	shalt  }
0x43: {  	_ =	shalt  }
0x44: {  	_ =	shalt  }
0x45: {  	_ =	shalt  }
0x46: {  	_ =	shalt  }
0x47: {  	_ =	shalt  }
0x48: {  	_ =	shalt  }
0x49: {  	_ =	shalt  }
0x4a: {  	_ =	shalt  }
0x4b: {  	_ =	shalt  }
0x4c: {  	_ =	shalt  }
0x4d: {  	_ =	shalt  }
0x4e: {  	_ =	shalt  }
0x4f: {  	_ =	shalt  }
0x50: {  	_ =	shalt  }
0x51: {  	_ =	shalt  }
0x52: {  	_ =	shalt  }
0x53: {  	_ =	shalt  }
0x54: {  	_ =	shalt  }
0x55: {  	_ =	shalt  }
0x56: {  	_ =	shalt  }
0x57: {  	_ =	shalt  }
0x58: {  	_ =	shalt  }
0x59: {  	_ =	shalt  }
0x5a: {  	_ =	shalt  }
0x5b: {  	_ =	shalt  }
0x5c: {  	_ =	shalt  }
0x5d: {  	_ =	shalt  }
0x5e: {  	_ =	shalt  }
0x5f: {  	_ =	shalt  }
0x60: {  	_ =	shalt  }
0x61: {  	_ =	shalt  }
0x62: {  	_ =	shalt  }
0x63: {  	_ =	shalt  }
0x64: {  	_ =	shalt  }
0x65: {  	_ =	shalt  }
0x66: {  	_ =	shalt  }
0x67: {  	_ =	shalt  }
0x68: {  	_ =	shalt  }
0x69: {  	_ =	shalt  }
0x6a: {  	_ =	shalt  }
0x6b: {  	_ =	shalt  }
0x6c: {  	_ =	shalt  }
0x6d: {  	_ =	shalt  }
0x6e: {  	_ =	shalt  }
0x6f: {  	_ =	shalt  }
0x70: {  	_ =	shalt  }
0x71: {  	_ =	shalt  }
0x72: {  	_ =	shalt  }
0x73: {  	_ =	shalt  }
0x74: {  	_ =	shalt  }
0x75: {  	_ =	shalt  }
0x76: {  	_ =	shalt  }
0x77: {  	_ =	shalt  }
0x78: {  	_ =	shalt  }
0x79: {  	_ =	shalt  }
0x7a: {  	_ =	shalt  }
0x7b: {  	_ =	shalt  }
0x7c: {  	_ =	shalt  }
0x7d: {  	_ =	shalt  }
0x7e: {  	_ =	shalt  }
0x7f: {  	_ =	shalt  }
0x80: {  	_ =	shalt  }
0x81: {  	_ =	shalt  }
0x82: {  	_ =	shalt  }
0x83: {  	_ =	shalt  }
0x84: {  	_ =	shalt  }
0x85: {  	_ =	shalt  }
0x86: {  	_ =	shalt  }
0x87: {  	_ =	shalt  }
.Lfunc_end0:
.L_simem_size_0:
called_computation_lowered:
.L_overlay_start_0:
0x88: {  	s2 =	sld [smem:$0x3FD9]  }
0x89: {  	s3 =	sld [smem:$0x3FFE];
	_ =	sdelay $0x1  }
0x8a: {  	s1 =	srdreg.scid  }
0x8b: {  	s0 =	sand.u32 $0x1, s1  }
0x8c: {  	s17 =	sshll.u32 s0, $0xA;
	s2 =	sadd.s32 s3, s2  }
0x8d: {  	s2 =	sadd.s32 s2, s17  }
0x8e: {  	[smem:$0x3FB1] =	sst s2  }
0x8f: {  	_ = 	snop  }
0x90: {  	s18 =	sld [smem:$0x3FD0];
	(tm) =	ssettm $0x1  }
0x91: {  	s19 =	sld [smem:$0x3FFB];
	_ =	sdelay $0x3  }
0x92: {  	_ =	strace s19  }
0x93: {  	s2 =	sld [smem:$0x3FFC];
	_ =	sdelay $0x3  }
0x94: {  	_ =	strace s2  }
0x95: {  	s2 =	sld [smem:$0x3FFD];
	_ =	sdelay $0x3  }
0x96: {  	_ =	strace s2  }
0x97: {  	_ =	strace $0x8FFFFFFF  }
0x98: {  	s20 =	sld [smem:$0x3FDB];
	_ =	sdelay $0x1  }
0x99: {  	s4 =	simm.s32 $_scs_section_size  }
0x9a: {  	s5 =	simm.s32 $_size__tile_overlayer_lowered;
	s6 =	simm.s32 $_tile_overlayer_lowered  }
0x9b: {  	s7 =	simm.s32 $0x1BFF;
	s21 =	sshll.u32 s6, $0x1;
	s4 =	sadd.s32 s4, s20  }
0x9c: {  	s22 =	simm.s32 $0x0;
	s5 =	sshll.u32 s5, $0x1;
	s6 =	sadd.s32 s21, s4  }
0x9d: {  	[timem:s22], [sflag:s7] =	dma.local [hbm:s6], s5  }
0x9e: {  	_ =	swait.ge [sflag:s7], s5  }
0x9f: {  	s5 =	ssub.s32 $0x0, s5;
	[sflag:s7] =	ssyncset.done $0x0  }
0xa0: {  	[sflag:s7] =	ssyncadd.s32 s5;
	_ =	sdelay $0x1  }
0xa1: {  	s23 =	simm.s32 $0x1B8B  }
0xa2: {  	_ =	swait.ge [sflag:s23], $0x1  }
0xa3: {  	[sflag:s23] =	ssyncset.done $0x0  }
0xa4: {  	[sflag:s23] =	ssyncadd.s32 $0xFFFFFFFF  }
0xa5: {  	s5 =	sld [smem:$0x0]  }
0xa6: {  	s6 =	sand.u32 $0xFFFFFFFE, s1  }
0xa7: {  	p0 =	sne.s32 s1, s6  }
0xa8: {  	s6 =	sshll.u32 @p0 s6, $0xE  }
0xa9: {  	s6 =	sadd.s32 @p0 $0x11B8D, s6;
	s7 =	sshll.u32 @p0 s5, $0x11  }
0xaa: {  	s6 =	sor.u32 @p0 s7, s6  }
0xab: {  	[sflag:s6] =	ssyncadd.remote.s32 @p0 $0x1;
	_ =	sdelay $0x1  }
0xac: {  	s6 =	simm.s32 @p0 $0x1B8D  }
0xad: {  	_ =	swait.eq @p0 [sflag:s6], $0x1  }
0xae: {  	[sflag:s6] =	ssyncadd.s32 @p0 $0xFFFFFFFF  }
0xaf: {  	s7 =	sshll.u32 @!p0 s1, $0xE  }
0xb0: {  	s7 =	sor.u32 @!p0 $0x4000, s7;
	s6 =	simm.s32 @!p0 $0x1B8D  }
0xb1: {  	s5 =	sshll.u32 @!p0 s5, $0x11;
	s7 =	sadd.s32 @!p0 $0x11B8D, s7;
	_ =	swait.eq @!p0 [sflag:s6], $0x1  }
0xb2: {  	s5 =	sor.u32 @!p0 s5, s7;
	[sflag:s6] =	ssyncadd.s32 @!p0 $0xFFFFFFFF  }
0xb3: {  	s25 =	simm.s32 $0x1B8E;
	s24 =	sld [smem:$0x3FFE];
	[sflag:s5] =	ssyncadd.remote.s32 @!p0 $0x1  }
0xb4: {  	s26 =	simm.s32 $execute0_lowered;
	[smem:$0x3FD2] =	sst s25  }
0xb5: {  	s6 =	sshll.u32 s26, $0x1;
	_ =	strace $0x80000049;
	[dreg:$0x1] =	wrdreg $0xFFFFFFFF  }
0xb6: {  	s28 =	simm.s32 $_size_execute0_lowered;
	s4 =	sadd.s32 s4, s6;
	[dreg:$0x0] =	wrdreg $0x0  }
0xb7: {  	s6 =	sshll.u32 s28, $0x1;
	[dreg:$0x2] =	wrdreg s4  }
0xb8: {  	[dreg:$0x3] =	wrdreg s6  }
0xb9: {  	[dreg:$0x4] =	wrdreg $0xC0  }
0xba: {  	_ =	task [dreg:s22], $0x5FFFF  }
0xbb: {  	[dreg:$0x1] =	wrdreg $0xFFFFFFFF  }
0xbc: {  	[dreg:$0x0] =	wrdreg $0x60  }
0xbd: {  	[dreg:$0x2] =	wrdreg s24  }
0xbe: {  	[dreg:$0x3] =	wrdreg s18  }
0xbf: {  	[dreg:$0x4] =	wrdreg $0x51000  }
0xc0: {  	[dreg:$0x5] =	wrdreg $0x9  }
0xc1: {  	_ =	task.clear_ibuf [dreg:s22], $0x6FFFF;
	_ =	strace $0x90000049  }
0xc2: {  	s29 =	simm.s32 $0x9;
	_ =	strace $0x8000004B  }
0xc3: {  	_ =	swait.ge [sflag:s29], $0x1  }
0xc4: {  	[sflag:s29] =	ssyncadd.s32 $0xFFFFFFFF  }
0xc5: {  	_ =	strace $0x9000004B  }
0xc6: {  	_ =	sfence  }
0xc7: {  	s30 =	sld [smem:$0x0];
	_ =	sdelay $0x2  }
0xc8: {  	s31 =	sshll.u32 s1, $0xD;
	s1 =	sshrl.u32 s1, $0x2  }
0xc9: {  	s4 =	sand.u32 $0x4000, s31;
	s1 =	sadd.s32 s1, s30  }
0xca: {  	s0 =	sor.u32 s4, s0;
	s1 =	sshll.u32 s1, $0x11  }
0xcb: {  	s0 =	sor.u32 s1, s0  }
0xcc: {  	s0 =	sadd.s32 $0x8F2B, s0  }
0xcd: {  	[sflag:s0] =	ssyncadd.remote.s32 $0x1  }
0xce: {  	_ =	sfence.sel $0xFFFF  }
0xcf: {  	[dreg:$0x0] =	wrdreg $0xFFFFFFFF;
	(pc) =	sbr.abs _section_cstart, $3  }
0xd0: {  	[dreg:$0x1] =	wrdreg $0xFFFFFFFF  }
0xd1: {  	_ =	task.clear_ibuf [dreg:s22], $0x2FFFF;
	_ =	strace $0x9FFFFFFF  }
0xd2: {  	(tm) =	ssettm $0x7FFFFFFF  }
0xd3: {  	_ =	shalt  }
tec
execute0_lowered:
.L_overlay_start_1:
0x0: {  	(tag) =	ssettag $0x1  }
0x1: {  	s5 =	rddreg [dreg:$0x0]  }
0x2: {  	s2 =	rddreg [dreg:$0x1]  }
0x3: {  	s3 =	rddreg [dreg:$0x2]  }
0x4: {  	s0 =	stileid.u32;
	s7 =	srdreg.scid  }
0x5: {  	s1 =	rddreg [dreg:$0x3];
	s4 =	simm.s32 $0x0;
	s16 =	simm.s32 $0x5000  }
0x6: {  	s17 =	simm.s32 $0xA0;
	s18 =	simm.s32 $0x0;
	s6 =	smul.u32 $0x14000, s0  }
0x7: {  	s7 =	sand.u32 $0x1, s7;
	[smem:$0x7FF] =	sst s4;
	s11 =	smul.u32 $0x50000, s0  }
0x8: {  	s12 =	sadd.s32 $0x14600, s5;
	s26 =	smul.u32 $0x1400, s0;
	s31 =	sshll.u32 s0, $0x6  }
0x9: {  	s9 =	smul.u32 $0x140000, s7;
	_ =	strace $0x8000004A;
	s23 =	ssub.s32 $0x2, s7  }
0xa: {  	s24 =	smul.u32 $0x14000, s7;
	s8 =	sshrl.u32 s6, $0x3;
	s10 =	sshrl.u32 s23, $0x1  }
0xb: {  	s25 =	sshrl.u32 s11, $0x2;
	s8 =	sadd.s32 s8, s5;
	s6 =	sadd.s32 s6, s9  }
0xc: {  	s9 =	ssub.s32 s23, s10;
	s15 =	sadd.s32 s25, s3;
	s10 =	sadd.s32 s26, s24  }
0xd: {  	s6 =	sshrl.u32 s6, $0x3;
	s9 =	smax.u32 s9, $0x1;
	s11 =	sshrl.u32 s10, $0x3  }
0xe: {  	s28 =	sadd.s32 $0x28000, s10;
	s14 =	sadd.s32 $0x50000, s10;
	s15 =	sshrl.u32 s15, $0x3  }
0xf: {  	s13 =	sadd.s32 s6, s5;
	s5 =	sadd.s32 $0x98A00, s8;
	s10 =	sadd.s32 s11, s12  }
0x10: {  	s30 =	sshrl.u32 s14, $0x3;
	s14 =	sor.u32 $0x1C01, s31;
	s6 =	sadd.s32 $0x1B0A00, s13  }
0x11: {  	s29 =	sshrl.u32 s28, $0x3;
	s7 =	sadd.s32 $0x200A00, s13;
	s8 =	sadd.s32 $0x250A00, s13  }
0x12: {  	s11 =	sadd.s32 s29, s12;
	s12 =	sadd.s32 s30, s12;
	s13 =	simm.s32 $0x1  }
.LBB2_1:
0x13: {  	[tilespmem:s4], [sflag:$0x1] =	stream.linear.gather [hbm4b:s2+s4], $0x5000, $0x38;
	[tilespmem:$0x19100] =	vst v63  }
0x14: {  	_ =	swait.ge [sflag:s13], $0x5000  }
0x15: {  	[sflag:s13] =	ssyncset.done $0x0  }
0x16: {  	[sflag:s13] =	ssyncadd.s32 $0xFFFFB000  }
0x17: {  	[spmem:s15], [sflag:s14] =	dma.local [hbm:s5], $0x2800  }
0x18: {  	_ =	swait.ge [sflag:s13], $0x2800  }
0x19: {  	[sflag:s13] =	ssyncset.done $0x0  }
0x1a: {  	[sflag:s13] =	ssyncadd.s32 $0xFFFFD800  }
0x1b: {  	s19 =	sadd.s32 $0x0, s10;
	[bflag:$0x0] =	sbarrier.arrive $0xFFFF  }
0x1c: {  	[tilespmem:s16], [sflag:$0x1] =	stream.linear.gather [hbm4b:s19+s4], $0x100, $0x38;
	[tilespmem:$0x19100] =	vst v63  }
0x1d: {  	_ =	swait.ge [sflag:s13], $0x100  }
0x1e: {  	[sflag:s13] =	ssyncset.done $0x0  }
0x1f: {  	[sflag:s13] =	ssyncadd.s32 $0xFFFFFF00  }
0x20: {  	[spmem:s3] =	stream.indirect.scatter.add.f32 [tilespmem:s4], [sflag:$0x1], $0x80, s16, s17, $0xb8;
	[tilespmem:$0x19100] =	vst v63  }
0x21: {  	_ =	swait.ge [sflag:s13], $0x5000  }
0x22: {  	s20 =	simm.s32 $0x40;
	s19 =	simm.s32 $0x20;
	[sflag:s13] =	ssyncset.done $0x0  }
.LBB2_2:
0x23: {  	s21 =	sadd.s32 s19, s10  }
0x24: {  	[sflag:s13] =	ssyncadd.s32 $0xFFFFB000;
	s19 =	smov.u32 s20;
	s22 =	sadd.s32 $0x20, s20  }
0x25: {  	[tilespmem:s16], [sflag:$0x1] =	stream.linear.gather [hbm4b:s21+s4], $0x100, $0x38;
	[tilespmem:$0x19100] =	vst v63  }
0x26: {  	p0 =	sne.s32 s20, $0x260;
	_ =	swait.ge [sflag:s13], $0x100  }
.Ltmp0:
0x27: {  	[sflag:s13] =	ssyncset.done $0x0;
	(pc) =	sbr.rel @p0 .LBB2_2-.Ltmp0, $4  }
0x28: {  	[sflag:s13] =	ssyncadd.s32 $0xFFFFFF00  }
0x29: {  	[spmem:s3] =	stream.indirect.scatter.add.f32 [tilespmem:s4], [sflag:$0x1], $0x80, s16, s17, $0xb8;
	[tilespmem:$0x19100] =	vst v63  }
0x2a: {  	_ =	swait.ge [sflag:s13], $0x5000  }
0x2b: {  	s20 =	smov.u32 s22;
	[sflag:s13] =	ssyncset.done $0x0  }
0x2c: {  	s19 =	sadd.s32 s19, s10;
	[sflag:s13] =	ssyncadd.s32 $0xFFFFB000  }
0x2d: {  	[tilespmem:s16], [sflag:$0x1] =	stream.linear.gather [hbm4b:s19+s4], $0x100, $0x38;
	[tilespmem:$0x19100] =	vst v63  }
0x2e: {  	_ =	swait.ge [sflag:s13], $0x100  }
0x2f: {  	[sflag:s13] =	ssyncset.done $0x0  }
0x30: {  	[sflag:s13] =	ssyncadd.s32 $0xFFFFFF00  }
0x31: {  	[spmem:s3] =	stream.indirect.scatter.add.f32 [tilespmem:s4], [sflag:$0x1], $0x80, s16, s17, $0xb8;
	[tilespmem:$0x19100] =	vst v63  }
0x32: {  	_ =	swait.ge [sflag:s13], $0x5000  }
0x33: {  	[sflag:s13] =	ssyncset.done $0x0  }
0x34: {  	[sflag:s13] =	ssyncadd.s32 $0xFFFFB000  }
0x35: {  	[bflag:$0x0] =	sbarrier.arrive $0xFFFF  }
0x36: {  	[hbm:s6], [sflag:s14] =	dma.local [spmem:s15], $0x2800  }
0x37: {  	_ =	swait.ge [sflag:s13], $0x2800  }
0x38: {  	[sflag:s13] =	ssyncset.done $0x0  }
0x39: {  	[sflag:s13] =	ssyncadd.s32 $0xFFFFD800  }
0x3a: {  	[bflag:$0x0] =	sbarrier.arrive $0xFFFF  }
0x3b: {  	[spmem:s15], [sflag:s14] =	dma.local [hbm:s5], $0x2800  }
0x3c: {  	_ =	swait.ge [sflag:s13], $0x2800  }
0x3d: {  	[sflag:s13] =	ssyncset.done $0x0  }
0x3e: {  	[sflag:s13] =	ssyncadd.s32 $0xFFFFD800  }
0x3f: {  	s31 =	sadd.s32 $0x0, s11;
	[bflag:$0x0] =	sbarrier.arrive $0xFFFF  }
0x40: {  	[tilespmem:s16], [sflag:$0x1] =	stream.linear.gather [hbm4b:s31+s4], $0x100, $0x38;
	[tilespmem:$0x19100] =	vst v63  }
0x41: {  	_ =	swait.ge [sflag:s13], $0x100  }
0x42: {  	[sflag:s13] =	ssyncset.done $0x0  }
0x43: {  	[sflag:s13] =	ssyncadd.s32 $0xFFFFFF00  }
0x44: {  	[spmem:s3] =	stream.indirect.scatter.add.f32 [tilespmem:s4], [sflag:$0x1], $0x80, s16, s17, $0xb8;
	[tilespmem:$0x19100] =	vst v63  }
0x45: {  	_ =	swait.ge [sflag:s13], $0x5000  }
0x46: {  	s20 =	simm.s32 $0x40;
	s19 =	simm.s32 $0x20;
	[sflag:s13] =	ssyncset.done $0x0  }
.LBB2_4:
0x47: {  	s21 =	sadd.s32 s19, s11  }
0x48: {  	[sflag:s13] =	ssyncadd.s32 $0xFFFFB000;
	s19 =	smov.u32 s20;
	s22 =	sadd.s32 $0x20, s20  }
0x49: {  	[tilespmem:s16], [sflag:$0x1] =	stream.linear.gather [hbm4b:s21+s4], $0x100, $0x38;
	[tilespmem:$0x19100] =	vst v63  }
0x4a: {  	p0 =	sne.s32 s20, $0x260;
	_ =	swait.ge [sflag:s13], $0x100  }
.Ltmp1:
0x4b: {  	[sflag:s13] =	ssyncset.done $0x0;
	(pc) =	sbr.rel @p0 .LBB2_4-.Ltmp1, $4  }
0x4c: {  	[sflag:s13] =	ssyncadd.s32 $0xFFFFFF00  }
0x4d: {  	[spmem:s3] =	stream.indirect.scatter.add.f32 [tilespmem:s4], [sflag:$0x1], $0x80, s16, s17, $0xb8;
	[tilespmem:$0x19100] =	vst v63  }
0x4e: {  	_ =	swait.ge [sflag:s13], $0x5000  }
0x4f: {  	s20 =	smov.u32 s22;
	[sflag:s13] =	ssyncset.done $0x0  }
0x50: {  	s19 =	sadd.s32 s19, s11;
	[sflag:s13] =	ssyncadd.s32 $0xFFFFB000  }
0x51: {  	[tilespmem:s16], [sflag:$0x1] =	stream.linear.gather [hbm4b:s19+s4], $0x100, $0x38;
	[tilespmem:$0x19100] =	vst v63  }
0x52: {  	_ =	swait.ge [sflag:s13], $0x100  }
0x53: {  	[sflag:s13] =	ssyncset.done $0x0  }
0x54: {  	[sflag:s13] =	ssyncadd.s32 $0xFFFFFF00  }
0x55: {  	[spmem:s3] =	stream.indirect.scatter.add.f32 [tilespmem:s4], [sflag:$0x1], $0x80, s16, s17, $0xb8;
	[tilespmem:$0x19100] =	vst v63  }
0x56: {  	_ =	swait.ge [sflag:s13], $0x5000  }
0x57: {  	[sflag:s13] =	ssyncset.done $0x0  }
0x58: {  	[sflag:s13] =	ssyncadd.s32 $0xFFFFB000  }
0x59: {  	[bflag:$0x0] =	sbarrier.arrive $0xFFFF  }
0x5a: {  	[hbm:s7], [sflag:s14] =	dma.local [spmem:s15], $0x2800  }
0x5b: {  	_ =	swait.ge [sflag:s13], $0x2800  }
0x5c: {  	[sflag:s13] =	ssyncset.done $0x0  }
0x5d: {  	[sflag:s13] =	ssyncadd.s32 $0xFFFFD800  }
0x5e: {  	[bflag:$0x0] =	sbarrier.arrive $0xFFFF  }
0x5f: {  	[spmem:s15], [sflag:s14] =	dma.local [hbm:s5], $0x2800  }
0x60: {  	_ =	swait.ge [sflag:s13], $0x2800  }
0x61: {  	[sflag:s13] =	ssyncset.done $0x0  }
0x62: {  	[sflag:s13] =	ssyncadd.s32 $0xFFFFD800  }
0x63: {  	s31 =	sadd.s32 $0x0, s12;
	[bflag:$0x0] =	sbarrier.arrive $0xFFFF  }
0x64: {  	[tilespmem:s16], [sflag:$0x1] =	stream.linear.gather [hbm4b:s31+s4], $0x100, $0x38;
	[tilespmem:$0x19100] =	vst v63  }
0x65: {  	_ =	swait.ge [sflag:s13], $0x100  }
0x66: {  	[sflag:s13] =	ssyncset.done $0x0  }
0x67: {  	[sflag:s13] =	ssyncadd.s32 $0xFFFFFF00  }
0x68: {  	[spmem:s3] =	stream.indirect.scatter.add.f32 [tilespmem:s4], [sflag:$0x1], $0x80, s16, s17, $0xb8;
	[tilespmem:$0x19100] =	vst v63  }
0x69: {  	_ =	swait.ge [sflag:s13], $0x5000  }
0x6a: {  	s20 =	simm.s32 $0x40;
	s19 =	simm.s32 $0x20;
	[sflag:s13] =	ssyncset.done $0x0  }
.LBB2_6:
0x6b: {  	s21 =	sadd.s32 s19, s12  }
0x6c: {  	[sflag:s13] =	ssyncadd.s32 $0xFFFFB000;
	s19 =	smov.u32 s20;
	s22 =	sadd.s32 $0x20, s20  }
0x6d: {  	[tilespmem:s16], [sflag:$0x1] =	stream.linear.gather [hbm4b:s21+s4], $0x100, $0x38;
	[tilespmem:$0x19100] =	vst v63  }
0x6e: {  	p0 =	sne.s32 s20, $0x260;
	_ =	swait.ge [sflag:s13], $0x100  }
.Ltmp2:
0x6f: {  	[sflag:s13] =	ssyncset.done $0x0;
	(pc) =	sbr.rel @p0 .LBB2_6-.Ltmp2, $4  }
0x70: {  	[sflag:s13] =	ssyncadd.s32 $0xFFFFFF00  }
0x71: {  	[spmem:s3] =	stream.indirect.scatter.add.f32 [tilespmem:s4], [sflag:$0x1], $0x80, s16, s17, $0xb8;
	[tilespmem:$0x19100] =	vst v63  }
0x72: {  	_ =	swait.ge [sflag:s13], $0x5000  }
0x73: {  	s20 =	smov.u32 s22;
	[sflag:s13] =	ssyncset.done $0x0  }
0x74: {  	s19 =	sadd.s32 s19, s12;
	[sflag:s13] =	ssyncadd.s32 $0xFFFFB000  }
0x75: {  	[tilespmem:s16], [sflag:$0x1] =	stream.linear.gather [hbm4b:s19+s4], $0x100, $0x38;
	[tilespmem:$0x19100] =	vst v63  }
0x76: {  	_ =	swait.ge [sflag:s13], $0x100  }
0x77: {  	[sflag:s13] =	ssyncset.done $0x0  }
0x78: {  	[sflag:s13] =	ssyncadd.s32 $0xFFFFFF00  }
0x79: {  	[spmem:s3] =	stream.indirect.scatter.add.f32 [tilespmem:s4], [sflag:$0x1], $0x80, s16, s17, $0xb8;
	[tilespmem:$0x19100] =	vst v63  }
0x7a: {  	_ =	swait.ge [sflag:s13], $0x5000  }
0x7b: {  	[sflag:s13] =	ssyncset.done $0x0  }
0x7c: {  	s18 =	sadd.s32 $0x1, s18;
	[sflag:s13] =	ssyncadd.s32 $0xFFFFB000  }
0x7d: {  	p0 =	sne.s32 s18, s9;
	[bflag:$0x0] =	sbarrier.arrive $0xFFFF  }
0x7e: {  	[hbm:s8], [sflag:s14] =	dma.local [spmem:s15], $0x2800  }
.Ltmp3:
0x7f: {  	_ =	swait.ge [sflag:s13], $0x2800;
	(pc) =	sbr.rel @p0 .LBB2_1-.Ltmp3, $3  }
0x80: {  	[sflag:s13] =	ssyncset.done $0x0  }
0x81: {  	[sflag:s13] =	ssyncadd.s32 $0xFFFFD800  }
0x82: {  	[bflag:$0x0] =	sbarrier.arrive $0xFFFF;
	_ =	sdelay $0x1  }
0x83: {  	_ =	sfence.sel $0x180000  }
0x84: {  	[bflag:$0x0] =	sbarrier.arrive $0xFFFF  }
0x85: {  	p0 =	sne.s32 s0, $0x0;
	_ =	strace $0x9000004A  }
0x86: {  	s0 =	sadd.s32 @!p0 $0x100000, s1;
	[bflag:$0x2] =	sbarrier.arrive $0xFFFF  }
0x87: {  	[sflag:s0] =	ssyncadd.tile.s32 @!p0 $0x1;
	_ =	shalt  }
.Lfunc_end2:
_tile_overlayer_lowered:
.L_overlay_start_2:
0x88: {  	(tag) =	ssettag $0x2  }
0x89: {  	s0 =	rddreg [dreg:$0x0];
	s2 =	stileid.u32  }
0x8a: {  	s1 =	rddreg [dreg:$0x1];
	p0 =	sne.s32 s2, $0x0  }
0x8b: {  	s3 =	rddreg [dreg:$0x2];
	[bflag:$0x3] =	sbarrier.arrive $0xFFFF;
	s2 =	simm.s32 @!p0 $0x1C01  }
0x8c: {  	[timem:s3], [sflag:s2] =	dma.local @!p0 [hbm:s0], s1  }
0x8d: {  	s0 =	simm.s32 @!p0 $0x1  }
0x8e: {  	_ =	swait.ge @!p0 [sflag:s0], s1  }
0x8f: {  	s1 =	ssub.s32 @!p0 $0x0, s1;
	[sflag:s0] =	ssyncset.done @!p0 $0x0  }
0x90: {  	[sflag:s0] =	ssyncadd.s32 @!p0 s1  }
0x91: {  	[bflag:$0x3] =	sbarrier.arrive $0xFFFF  }
0x92: {  	_ =	shalt  }

// kernel: kernel.13.cloned.1.call-start
scs
__scs_entry_jumppad:
0x0: {  	(pc) =	sbr.rel $0x88, $3  }
0x1: {  	(tag) =	ssettag $0x0;
	lr =	simm.s32 $0x1  }
0x2: {  	[smem:$0x3F8A] =	sst lr;
	_ =	strace $0xD0000000  }
0x3: {  	_ = 	snop  }
0x4: {  	_ = 	snop  }
0x5: {  	_ = 	snop  }
0x6: {  	_ = 	snop  }
0x7: {  	_ = 	snop  }
__scs_overlays_trampoline_lowered:
0x8: {  	[smem:$0x3F99] =	sst s0  }
0x9: {  	[smem:$0x3F9A] =	sst s1  }
0xa: {  	[smem:$0x3F9B] =	sst s2  }
0xb: {  	[smem:$0x3F9C] =	sst s3  }
0xc: {  	[smem:$0x3F9D] =	sst s4  }
0xd: {  	[smem:$0x3F9E] =	sst s5  }
0xe: {  	[smem:$0x3F9F] =	sst s6  }
0xf: {  	[smem:$0x3FA0] =	sst s7  }
0x10: {  	[smem:$0x3FA1] =	sst s8  }
0x11: {  	[smem:$0x3FA2] =	sst s9;
	s0 =	simm.s32 @!p0 $0x0  }
0x12: {  	s1 =	sld [smem:$0x3F88];
	s0 =	simm.s32 @p0 $0x1  }
0x13: {  	[smem:$0x3FA3] =	sst s0;
	s0 =	simm.s32 @!p1 $0x0  }
0x14: {  	s2 =	sld [smem:$0x3F87];
	s0 =	simm.s32 @p1 $0x1  }
0x15: {  	[smem:$0x3FA4] =	sst s0;
	s0 =	simm.s32 @!p2 $0x0  }
0x16: {  	s3 =	sld [smem:$0x3FDB];
	s0 =	simm.s32 @p2 $0x1  }
0x17: {  	s4 =	simm.s32 $0x1BF5;
	[smem:$0x3FA6] =	sst s0  }
0x18: {  	s0 =	sld [smem:$0x3F89];
	_ =	swait.ge [sflag:s4], $0x0  }
0x19: {  	s7 =	sld [smem:$0x3F8A]  }
0x1a: {  	s8 =	sadd.s32 $0xFFFFE003, lr  }
0x1b: {  	s9 =	sadd.s32 $0xFFFFFEF7, lr;
	s5 =	simm.s32 $0xFFFFFFFF;
	p2 =	slt.u32 s8, $0xFFFFF086  }
0x1c: {  	p1 =	slt.u32 s9, $0xF7A;
	s5 =	simm.s32 @!p2 $0x0  }
0x1d: {  	s5 =	simm.s32 @p1 $0x1;
	p0 =	seq.s32 s7, s2  }
0x1e: {  	s7 =	smul.u32 @!p0 $0xF7A, s2;
	p2 =	seq.s32 @!p0 s5, $0x0  }
0x1f: {  	s9 =	smul.u32 $0xF7A, s1;
	s8 =	simm.s32 @!p0 $0x1BF5;
	p2 =	por !p2, p0  }
0x20: {  	[sflag:s8] =	ssyncset.s32 @!p0 $0xFFFFF086;
	s6 =	sadd.s32 @!p0 s3, s7;
	s7 =	simm.s32 @!p0 $0x108  }
0x21: {  	s3 =	sadd.s32 s3, s9;
	s6 =	sadd.s32 @!p0 $0x88, s6;
	s7 =	simm.s32 @p2 $0x1082  }
0x22: {  	[simem:s7], [sflag:s8] =	dma.local @!p0 [hbm:s6], $0xF7A  }
0x23: {  	s9 =	sor.u32 $0xD0000000, s2;
	s6 =	simm.s32 $0x108;
	_ =	swait.ge @!p0 [sflag:s8], $0x0  }
0x24: {  	s3 =	sadd.s32 $0x88, s3;
	s6 =	simm.s32 @!p1 $0x1082;
	[sflag:s4] =	ssyncset.s32 $0xFFFFF086  }
0x25: {  	[simem:s6], [sflag:s4] =	dma.local [hbm:s3], $0xF7A  }
0x26: {  	[smem:$0x3F8A] =	sst s1;
	(tag) =	ssettag s2;
	_ =	strace s9  }
0x27: {  	s1 =	sld [smem:$0x3F9A]  }
0x28: {  	s2 =	sld [smem:$0x3F9B]  }
0x29: {  	s4 =	sld [smem:$0x3F9D]  }
0x2a: {  	p0 =	seq.s32 s5, $0x0;
	s5 =	sld [smem:$0x3F9E]  }
0x2b: {  	s6 =	sld [smem:$0x3F9F]  }
0x2c: {  	s7 =	sld [smem:$0x3FA0]  }
0x2d: {  	s3 =	simm.s32 $0x108;
	s8 =	sld [smem:$0x3FA1]  }
0x2e: {  	s3 =	simm.s32 @!p0 $0x1082;
	s9 =	sld [smem:$0x3FA2]  }
0x2f: {  	lr =	sadd.s32 s0, s3;
	s0 =	sld [smem:$0x3F99]  }
0x30: {  	s3 =	sld [smem:$0x3F9C]  }
0x31: {  	[smem:$0x3FA5] =	sst s10  }
0x32: {  	s10 =	sld [smem:$0x3FA3];
	_ =	sdelay $0x3  }
0x33: {  	p0 =	seq.s32 s10, $0x1;
	s10 =	sld [smem:$0x3FA5];
	_ =	sdelay $0x3  }
0x34: {  	[smem:$0x3FA5] =	sst s10  }
0x35: {  	s10 =	sld [smem:$0x3FA4];
	_ =	sdelay $0x3  }
0x36: {  	p1 =	seq.s32 s10, $0x1;
	s10 =	sld [smem:$0x3FA5];
	_ =	sdelay $0x3  }
0x37: {  	[smem:$0x3FA5] =	sst s10  }
0x38: {  	s10 =	sld [smem:$0x3FA6]  }
0x39: {  	_ = 	snop;
	(pc) =	sbr.ind lr, $3  }
0x3a: {  	_ = 	snop  }
0x3b: {  	_ = 	snop  }
0x3c: {  	p2 =	seq.s32 s10, $0x1;
	s10 =	sld [smem:$0x3FA5]  }
0x3d: {  	_ =	shalt  }
0x3e: {  	_ =	shalt  }
0x3f: {  	_ =	shalt  }
0x40: {  	_ =	shalt  }
0x41: {  	_ =	shalt  }
0x42: {  	_ =	shalt  }
0x43: {  	_ =	shalt  }
0x44: {  	_ =	shalt  }
0x45: {  	_ =	shalt  }
0x46: {  	_ =	shalt  }
0x47: {  	_ =	shalt  }
0x48: {  	_ =	shalt  }
0x49: {  	_ =	shalt  }
0x4a: {  	_ =	shalt  }
0x4b: {  	_ =	shalt  }
0x4c: {  	_ =	shalt  }
0x4d: {  	_ =	shalt  }
0x4e: {  	_ =	shalt  }
0x4f: {  	_ =	shalt  }
0x50: {  	_ =	shalt  }
0x51: {  	_ =	shalt  }
0x52: {  	_ =	shalt  }
0x53: {  	_ =	shalt  }
0x54: {  	_ =	shalt  }
0x55: {  	_ =	shalt  }
0x56: {  	_ =	shalt  }
0x57: {  	_ =	shalt  }
0x58: {  	_ =	shalt  }
0x59: {  	_ =	shalt  }
0x5a: {  	_ =	shalt  }
0x5b: {  	_ =	shalt  }
0x5c: {  	_ =	shalt  }
0x5d: {  	_ =	shalt  }
0x5e: {  	_ =	shalt  }
0x5f: {  	_ =	shalt  }
0x60: {  	_ =	shalt  }
0x61: {  	_ =	shalt  }
0x62: {  	_ =	shalt  }
0x63: {  	_ =	shalt  }
0x64: {  	_ =	shalt  }
0x65: {  	_ =	shalt  }
0x66: {  	_ =	shalt  }
0x67: {  	_ =	shalt  }
0x68: {  	_ =	shalt  }
0x69: {  	_ =	shalt  }
0x6a: {  	_ =	shalt  }
0x6b: {  	_ =	shalt  }
0x6c: {  	_ =	shalt  }
0x6d: {  	_ =	shalt  }
0x6e: {  	_ =	shalt  }
0x6f: {  	_ =	shalt  }
0x70: {  	_ =	shalt  }
0x71: {  	_ =	shalt  }
0x72: {  	_ =	shalt  }
0x73: {  	_ =	shalt  }
0x74: {  	_ =	shalt  }
0x75: {  	_ =	shalt  }
0x76: {  	_ =	shalt  }
0x77: {  	_ =	shalt  }
0x78: {  	_ =	shalt  }
0x79: {  	_ =	shalt  }
0x7a: {  	_ =	shalt  }
0x7b: {  	_ =	shalt  }
0x7c: {  	_ =	shalt  }
0x7d: {  	_ =	shalt  }
0x7e: {  	_ =	shalt  }
0x7f: {  	_ =	shalt  }
0x80: {  	_ =	shalt  }
0x81: {  	_ =	shalt  }
0x82: {  	_ =	shalt  }
0x83: {  	_ =	shalt  }
0x84: {  	_ =	shalt  }
0x85: {  	_ =	shalt  }
0x86: {  	_ =	shalt  }
0x87: {  	_ =	shalt  }
.Lfunc_end0:
.L_simem_size_0:
called_computation.1_lowered:
.L_overlay_start_0:
0x88: {  	s2 =	sld [smem:$0x3FD9]  }
0x89: {  	s3 =	sld [smem:$0x3FFE];
	_ =	sdelay $0x1  }
0x8a: {  	s1 =	srdreg.scid  }
0x8b: {  	s0 =	sand.u32 $0x1, s1  }
0x8c: {  	s16 =	sshll.u32 s0, $0xA;
	s2 =	sadd.s32 s3, s2  }
0x8d: {  	s2 =	sadd.s32 s2, s16  }
0x8e: {  	[smem:$0x3FB1] =	sst s2  }
0x8f: {  	_ = 	snop  }
0x90: {  	(tm) =	ssettm $0x1  }
0x91: {  	s17 =	sld [smem:$0x3FFB];
	_ =	sdelay $0x3  }
0x92: {  	_ =	strace s17  }
0x93: {  	s2 =	sld [smem:$0x3FFC];
	_ =	sdelay $0x3  }
0x94: {  	_ =	strace s2  }
0x95: {  	s2 =	sld [smem:$0x3FFD];
	_ =	sdelay $0x3  }
0x96: {  	_ =	strace s2  }
0x97: {  	_ =	strace $0x8FFFFFFF  }
0x98: {  	s18 =	sld [smem:$0x3FDB];
	_ =	sdelay $0x1  }
0x99: {  	s19 =	simm.s32 $_scs_section_size  }
0x9a: {  	s4 =	simm.s32 $_size__tile_overlayer_lowered;
	s5 =	simm.s32 $_tile_overlayer_lowered  }
0x9b: {  	s22 =	simm.s32 $0x1BFF;
	s21 =	sshll.u32 s5, $0x1;
	s2 =	sadd.s32 s19, s18  }
0x9c: {  	s6 =	simm.s32 $0x0;
	s20 =	sshll.u32 s4, $0x1;
	s4 =	sadd.s32 s21, s2  }
0x9d: {  	[timem:s6], [sflag:s22] =	dma.local [hbm:s4], s20  }
0x9e: {  	_ =	swait.ge [sflag:s22], s20  }
0x9f: {  	s3 =	ssub.s32 $0x0, s20;
	[sflag:s22] =	ssyncset.done $0x0  }
0xa0: {  	[sflag:s22] =	ssyncadd.s32 s3;
	_ =	sdelay $0x1  }
0xa1: {  	s23 =	simm.s32 $0x1B8B  }
0xa2: {  	_ =	swait.ge [sflag:s23], $0x1  }
0xa3: {  	[sflag:s23] =	ssyncset.done $0x0  }
0xa4: {  	s25 =	simm.s32 $0x1B8E;
	s24 =	sld [smem:$0x3FFE];
	[sflag:s23] =	ssyncadd.s32 $0xFFFFFFFF  }
0xa5: {  	s26 =	simm.s32 $execute0_lowered;
	[smem:$0x3FD2] =	sst s25  }
0xa6: {  	s4 =	sshll.u32 s26, $0x1;
	_ =	strace $0x80000046;
	[dreg:$0x1] =	wrdreg $0xFFFFFFFF  }
0xa7: {  	s28 =	simm.s32 $_size_execute0_lowered;
	s2 =	sadd.s32 s2, s4;
	[dreg:$0x0] =	wrdreg $0x0  }
0xa8: {  	s4 =	sshll.u32 s28, $0x1;
	[dreg:$0x2] =	wrdreg s2  }
0xa9: {  	[dreg:$0x3] =	wrdreg s4  }
0xaa: {  	[dreg:$0x4] =	wrdreg $0xC0  }
0xab: {  	_ =	task [dreg:s6], $0x5FFFF  }
0xac: {  	[dreg:$0x1] =	wrdreg $0xFFFFFFFF  }
0xad: {  	[dreg:$0x0] =	wrdreg $0x60  }
0xae: {  	[dreg:$0x2] =	wrdreg s24  }
0xaf: {  	[dreg:$0x3] =	wrdreg $0x52000  }
0xb0: {  	[dreg:$0x4] =	wrdreg $0xA  }
0xb1: {  	_ =	task.clear_ibuf [dreg:s6], $0x5FFFF;
	_ =	strace $0x90000046  }
0xb2: {  	s29 =	simm.s32 $0xA;
	_ =	strace $0x80000048  }
0xb3: {  	_ =	swait.ge [sflag:s29], $0x1  }
0xb4: {  	[sflag:s29] =	ssyncadd.s32 $0xFFFFFFFF  }
0xb5: {  	_ =	strace $0x90000048  }
0xb6: {  	_ =	sfence  }
0xb7: {  	s30 =	sld [smem:$0x0];
	_ =	sdelay $0x2  }
0xb8: {  	s31 =	sshll.u32 s1, $0xD;
	s1 =	sshrl.u32 s1, $0x2  }
0xb9: {  	s3 =	sand.u32 $0x4000, s31;
	s1 =	sadd.s32 s1, s30  }
0xba: {  	s0 =	sor.u32 s3, s0;
	s1 =	sshll.u32 s1, $0x11  }
0xbb: {  	s0 =	sor.u32 s1, s0  }
0xbc: {  	s0 =	sadd.s32 $0x8F2B, s0  }
0xbd: {  	[sflag:s0] =	ssyncadd.remote.s32 $0x1  }
0xbe: {  	_ =	sfence.sel $0xFFFF  }
0xbf: {  	[dreg:$0x0] =	wrdreg $0xFFFFFFFF;
	(pc) =	sbr.abs _section_cstart, $3  }
0xc0: {  	[dreg:$0x1] =	wrdreg $0xFFFFFFFF  }
0xc1: {  	_ =	task.clear_ibuf [dreg:s6], $0x2FFFF;
	_ =	strace $0x9FFFFFFF  }
0xc2: {  	(tm) =	ssettm $0x7FFFFFFF  }
0xc3: {  	_ =	shalt  }
tec
execute0_lowered:
.L_overlay_start_1:
0x0: {  	(tag) =	ssettag $0x1  }
0x1: {  	s5 =	rddreg [dreg:$0x0]  }
0x2: {  	s2 =	rddreg [dreg:$0x1]  }
0x3: {  	s0 =	rddreg [dreg:$0x2];
	s1 =	stileid.u32  }
0x4: {  	s4 =	srdreg.scid;
	s3 =	simm.s32 $0x0;
	s19 =	simm.s32 $0x100  }
0x5: {  	s20 =	simm.s32 $0xA0;
	s21 =	simm.s32 $0x200;
	s22 =	simm.s32 $0x0  }
0x6: {  	s6 =	smul.u32 $0x14000, s1;
	s7 =	sand.u32 $0x1, s4;
	[smem:$0x7FF] =	sst s3  }
0x7: {  	s4 =	sadd.s32 $0x23600, s5;
	s16 =	sadd.s32 $0x5600, s5;
	s10 =	smul.u32 $0x50000, s1  }
0x8: {  	s15 =	sadd.s32 $0x14600, s5;
	s30 =	sshll.u32 s1, $0x6;
	s13 =	smul.u32 $0x1400, s1  }
0x9: {  	s8 =	smul.u32 $0x140000, s7;
	_ =	strace $0x80000047;
	s25 =	ssub.s32 $0x2, s7  }
0xa: {  	s29 =	smul.u32 $0x14000, s7;
	s9 =	sshrl.u32 s6, $0x3;
	s26 =	sshrl.u32 s25, $0x1  }
0xb: {  	s28 =	sshrl.u32 s10, $0x2;
	s9 =	sadd.s32 s9, s5;
	s6 =	sadd.s32 s6, s8  }
0xc: {  	s12 =	ssub.s32 s25, s26;
	s17 =	sadd.s32 s28, s2;
	s13 =	sadd.s32 s13, s29  }
0xd: {  	s6 =	sshrl.u32 s6, $0x3;
	s10 =	smax.u32 s12, $0x1;
	s31 =	sshrl.u32 s13, $0x3  }
0xe: {  	s14 =	sadd.s32 $0x28000, s13;
	s18 =	sadd.s32 $0x50000, s13;
	s17 =	sshrl.u32 s17, $0x3  }
0xf: {  	s11 =	sadd.s32 s6, s5;
	s5 =	sadd.s32 $0x98A00, s9;
	s6 =	sor.u32 $0x1C01, s30  }
0x10: {  	s14 =	sshrl.u32 s14, $0x3;
	s12 =	sadd.s32 s31, s16;
	s7 =	sadd.s32 $0xC0A00, s11  }
0x11: {  	s18 =	sshrl.u32 s18, $0x3;
	s8 =	sadd.s32 $0x110A00, s11;
	s9 =	sadd.s32 $0x160A00, s11  }
0x12: {  	s11 =	sadd.s32 s31, s15;
	s13 =	sadd.s32 s14, s15;
	s14 =	sadd.s32 s14, s16  }
0x13: {  	s15 =	sadd.s32 s18, s15;
	s16 =	sadd.s32 s18, s16;
	s18 =	simm.s32 $0x1  }
.LBB2_1:
0x14: {  	[spmem:s17], [sflag:s6] =	dma.local [hbm:s5], $0x2800  }
0x15: {  	_ =	swait.ge [sflag:s18], $0x2800  }
0x16: {  	[sflag:s18] =	ssyncset.done $0x0  }
0x17: {  	[sflag:s18] =	ssyncadd.s32 $0xFFFFD800  }
0x18: {  	s23 =	sadd.s32 $0x0, s12;
	[bflag:$0x0] =	sbarrier.arrive $0xFFFF  }
0x19: {  	[tilespmem:s3], [sflag:$0x1] =	stream.linear.gather [hbm4b:s23+s3], $0x100, $0x38;
	[tilespmem:$0x19200] =	vst v63  }
0x1a: {  	_ =	swait.ge [sflag:s18], $0x100  }
0x1b: {  	[sflag:s18] =	ssyncset.done $0x0  }
0x1c: {  	s31 =	sadd.s32 $0x0, s11;
	[sflag:s18] =	ssyncadd.s32 $0xFFFFFF00  }
0x1d: {  	[tilespmem:s19], [sflag:$0x1] =	stream.linear.gather [hbm4b:s31+s3], $0x100, $0x38;
	[tilespmem:$0x19200] =	vst v63  }
0x1e: {  	_ =	swait.ge [sflag:s18], $0x100  }
0x1f: {  	[sflag:s18] =	ssyncset.done $0x0  }
0x20: {  	[sflag:s18] =	ssyncadd.s32 $0xFFFFFF00  }
0x21: {  	[tilespmem:s21], [sflag:$0x1] =	stream.indirect.gather [hbm4b:s4+s20], $0x80, s3, s20, $0xb8;
	[tilespmem:$0x19200] =	vst v63  }
0x22: {  	_ =	swait.ge [sflag:s18], $0x5000  }
0x23: {  	[sflag:s18] =	ssyncset.done $0x0  }
0x24: {  	[sflag:s18] =	ssyncadd.s32 $0xFFFFB000  }
0x25: {  	[spmem:s2] =	stream.indirect.scatter.add.f32 [tilespmem:s21], [sflag:$0x1], $0x80, s19, s20, $0xb8;
	[tilespmem:$0x19200] =	vst v63  }
0x26: {  	_ =	swait.ge [sflag:s18], $0x5000  }
0x27: {  	s24 =	simm.s32 $0x40;
	s23 =	simm.s32 $0x20;
	[sflag:s18] =	ssyncset.done $0x0  }
.LBB2_2:
0x28: {  	s25 =	sadd.s32 s23, s12  }
0x29: {  	[sflag:s18] =	ssyncadd.s32 $0xFFFFB000;
	s26 =	smov.u32 s24;
	s28 =	sadd.s32 $0x20, s24  }
0x2a: {  	[tilespmem:s3], [sflag:$0x1] =	stream.linear.gather [hbm4b:s25+s3], $0x100, $0x38;
	[tilespmem:$0x19200] =	vst v63  }
0x2b: {  	p0 =	sne.s32 s24, $0x260;
	_ =	swait.ge [sflag:s18], $0x100  }
0x2c: {  	[sflag:s18] =	ssyncset.done $0x0  }
0x2d: {  	s24 =	sadd.s32 s23, s11;
	s23 =	smov.u32 s26;
	[sflag:s18] =	ssyncadd.s32 $0xFFFFFF00  }
0x2e: {  	[tilespmem:s19], [sflag:$0x1] =	stream.linear.gather [hbm4b:s24+s3], $0x100, $0x38;
	[tilespmem:$0x19200] =	vst v63  }
0x2f: {  	_ =	swait.ge [sflag:s18], $0x100  }
0x30: {  	[sflag:s18] =	ssyncset.done $0x0  }
0x31: {  	[sflag:s18] =	ssyncadd.s32 $0xFFFFFF00  }
0x32: {  	[tilespmem:s21], [sflag:$0x1] =	stream.indirect.gather [hbm4b:s4+s20], $0x80, s3, s20, $0xb8;
	[tilespmem:$0x19200] =	vst v63  }
0x33: {  	_ =	swait.ge [sflag:s18], $0x5000  }
.Ltmp0:
0x34: {  	[sflag:s18] =	ssyncset.done $0x0;
	(pc) =	sbr.rel @p0 .LBB2_2-.Ltmp0, $4  }
0x35: {  	[sflag:s18] =	ssyncadd.s32 $0xFFFFB000  }
0x36: {  	[spmem:s2] =	stream.indirect.scatter.add.f32 [tilespmem:s21], [sflag:$0x1], $0x80, s19, s20, $0xb8;
	[tilespmem:$0x19200] =	vst v63  }
0x37: {  	_ =	swait.ge [sflag:s18], $0x5000  }
0x38: {  	s24 =	smov.u32 s28;
	[sflag:s18] =	ssyncset.done $0x0  }
0x39: {  	s24 =	sadd.s32 s23, s12;
	[sflag:s18] =	ssyncadd.s32 $0xFFFFB000  }
0x3a: {  	[tilespmem:s3], [sflag:$0x1] =	stream.linear.gather [hbm4b:s24+s3], $0x100, $0x38;
	[tilespmem:$0x19200] =	vst v63  }
0x3b: {  	_ =	swait.ge [sflag:s18], $0x100  }
0x3c: {  	[sflag:s18] =	ssyncset.done $0x0  }
0x3d: {  	s29 =	sadd.s32 s23, s11;
	[sflag:s18] =	ssyncadd.s32 $0xFFFFFF00  }
0x3e: {  	[tilespmem:s19], [sflag:$0x1] =	stream.linear.gather [hbm4b:s29+s3], $0x100, $0x38;
	[tilespmem:$0x19200] =	vst v63  }
0x3f: {  	_ =	swait.ge [sflag:s18], $0x100  }
0x40: {  	[sflag:s18] =	ssyncset.done $0x0  }
0x41: {  	[sflag:s18] =	ssyncadd.s32 $0xFFFFFF00  }
0x42: {  	[tilespmem:s21], [sflag:$0x1] =	stream.indirect.gather [hbm4b:s4+s20], $0x80, s3, s20, $0xb8;
	[tilespmem:$0x19200] =	vst v63  }
0x43: {  	_ =	swait.ge [sflag:s18], $0x5000  }
0x44: {  	[sflag:s18] =	ssyncset.done $0x0  }
0x45: {  	[sflag:s18] =	ssyncadd.s32 $0xFFFFB000  }
0x46: {  	[spmem:s2] =	stream.indirect.scatter.add.f32 [tilespmem:s21], [sflag:$0x1], $0x80, s19, s20, $0xb8;
	[tilespmem:$0x19200] =	vst v63  }
0x47: {  	_ =	swait.ge [sflag:s18], $0x5000  }
0x48: {  	[sflag:s18] =	ssyncset.done $0x0  }
0x49: {  	[sflag:s18] =	ssyncadd.s32 $0xFFFFB000  }
0x4a: {  	[bflag:$0x0] =	sbarrier.arrive $0xFFFF  }
0x4b: {  	[hbm:s7], [sflag:s6] =	dma.local [spmem:s17], $0x2800  }
0x4c: {  	_ =	swait.ge [sflag:s18], $0x2800  }
0x4d: {  	[sflag:s18] =	ssyncset.done $0x0  }
0x4e: {  	[sflag:s18] =	ssyncadd.s32 $0xFFFFD800  }
0x4f: {  	[bflag:$0x0] =	sbarrier.arrive $0xFFFF  }
0x50: {  	[spmem:s17], [sflag:s6] =	dma.local [hbm:s5], $0x2800  }
0x51: {  	_ =	swait.ge [sflag:s18], $0x2800  }
0x52: {  	[sflag:s18] =	ssyncset.done $0x0  }
0x53: {  	[sflag:s18] =	ssyncadd.s32 $0xFFFFD800  }
0x54: {  	s30 =	sadd.s32 $0x0, s14;
	[bflag:$0x0] =	sbarrier.arrive $0xFFFF  }
0x55: {  	[tilespmem:s3], [sflag:$0x1] =	stream.linear.gather [hbm4b:s30+s3], $0x100, $0x38;
	[tilespmem:$0x19200] =	vst v63  }
0x56: {  	_ =	swait.ge [sflag:s18], $0x100  }
0x57: {  	[sflag:s18] =	ssyncset.done $0x0  }
0x58: {  	s31 =	sadd.s32 $0x0, s13;
	[sflag:s18] =	ssyncadd.s32 $0xFFFFFF00  }
0x59: {  	[tilespmem:s19], [sflag:$0x1] =	stream.linear.gather [hbm4b:s31+s3], $0x100, $0x38;
	[tilespmem:$0x19200] =	vst v63  }
0x5a: {  	_ =	swait.ge [sflag:s18], $0x100  }
0x5b: {  	[sflag:s18] =	ssyncset.done $0x0  }
0x5c: {  	[sflag:s18] =	ssyncadd.s32 $0xFFFFFF00  }
0x5d: {  	[tilespmem:s21], [sflag:$0x1] =	stream.indirect.gather [hbm4b:s4+s20], $0x80, s3, s20, $0xb8;
	[tilespmem:$0x19200] =	vst v63  }
0x5e: {  	_ =	swait.ge [sflag:s18], $0x5000  }
0x5f: {  	[sflag:s18] =	ssyncset.done $0x0  }
0x60: {  	[sflag:s18] =	ssyncadd.s32 $0xFFFFB000  }
0x61: {  	[spmem:s2] =	stream.indirect.scatter.add.f32 [tilespmem:s21], [sflag:$0x1], $0x80, s19, s20, $0xb8;
	[tilespmem:$0x19200] =	vst v63  }
0x62: {  	_ =	swait.ge [sflag:s18], $0x5000  }
0x63: {  	s23 =	simm.s32 $0x20;
	s24 =	simm.s32 $0x40;
	[sflag:s18] =	ssyncset.done $0x0  }
.LBB2_4:
0x64: {  	s25 =	sadd.s32 s23, s14  }
0x65: {  	[sflag:s18] =	ssyncadd.s32 $0xFFFFB000;
	s26 =	smov.u32 s24;
	s28 =	sadd.s32 $0x20, s24  }
0x66: {  	[tilespmem:s3], [sflag:$0x1] =	stream.linear.gather [hbm4b:s25+s3], $0x100, $0x38;
	[tilespmem:$0x19200] =	vst v63  }
0x67: {  	p0 =	sne.s32 s24, $0x260;
	_ =	swait.ge [sflag:s18], $0x100  }
0x68: {  	[sflag:s18] =	ssyncset.done $0x0  }
0x69: {  	s24 =	sadd.s32 s23, s13;
	s23 =	smov.u32 s26;
	[sflag:s18] =	ssyncadd.s32 $0xFFFFFF00  }
0x6a: {  	[tilespmem:s19], [sflag:$0x1] =	stream.linear.gather [hbm4b:s24+s3], $0x100, $0x38;
	[tilespmem:$0x19200] =	vst v63  }
0x6b: {  	_ =	swait.ge [sflag:s18], $0x100  }
0x6c: {  	[sflag:s18] =	ssyncset.done $0x0  }
0x6d: {  	[sflag:s18] =	ssyncadd.s32 $0xFFFFFF00  }
0x6e: {  	[tilespmem:s21], [sflag:$0x1] =	stream.indirect.gather [hbm4b:s4+s20], $0x80, s3, s20, $0xb8;
	[tilespmem:$0x19200] =	vst v63  }
0x6f: {  	_ =	swait.ge [sflag:s18], $0x5000  }
.Ltmp1:
0x70: {  	[sflag:s18] =	ssyncset.done $0x0;
	(pc) =	sbr.rel @p0 .LBB2_4-.Ltmp1, $4  }
0x71: {  	[sflag:s18] =	ssyncadd.s32 $0xFFFFB000  }
0x72: {  	[spmem:s2] =	stream.indirect.scatter.add.f32 [tilespmem:s21], [sflag:$0x1], $0x80, s19, s20, $0xb8;
	[tilespmem:$0x19200] =	vst v63  }
0x73: {  	_ =	swait.ge [sflag:s18], $0x5000  }
0x74: {  	s24 =	smov.u32 s28;
	[sflag:s18] =	ssyncset.done $0x0  }
0x75: {  	s24 =	sadd.s32 s23, s14;
	[sflag:s18] =	ssyncadd.s32 $0xFFFFB000  }
0x76: {  	[tilespmem:s3], [sflag:$0x1] =	stream.linear.gather [hbm4b:s24+s3], $0x100, $0x38;
	[tilespmem:$0x19200] =	vst v63  }
0x77: {  	_ =	swait.ge [sflag:s18], $0x100  }
0x78: {  	[sflag:s18] =	ssyncset.done $0x0  }
0x79: {  	s29 =	sadd.s32 s23, s13;
	[sflag:s18] =	ssyncadd.s32 $0xFFFFFF00  }
0x7a: {  	[tilespmem:s19], [sflag:$0x1] =	stream.linear.gather [hbm4b:s29+s3], $0x100, $0x38;
	[tilespmem:$0x19200] =	vst v63  }
0x7b: {  	_ =	swait.ge [sflag:s18], $0x100  }
0x7c: {  	[sflag:s18] =	ssyncset.done $0x0  }
0x7d: {  	[sflag:s18] =	ssyncadd.s32 $0xFFFFFF00  }
0x7e: {  	[tilespmem:s21], [sflag:$0x1] =	stream.indirect.gather [hbm4b:s4+s20], $0x80, s3, s20, $0xb8;
	[tilespmem:$0x19200] =	vst v63  }
0x7f: {  	_ =	swait.ge [sflag:s18], $0x5000  }
0x80: {  	[sflag:s18] =	ssyncset.done $0x0  }
0x81: {  	[sflag:s18] =	ssyncadd.s32 $0xFFFFB000  }
0x82: {  	[spmem:s2] =	stream.indirect.scatter.add.f32 [tilespmem:s21], [sflag:$0x1], $0x80, s19, s20, $0xb8;
	[tilespmem:$0x19200] =	vst v63  }
0x83: {  	_ =	swait.ge [sflag:s18], $0x5000  }
0x84: {  	[sflag:s18] =	ssyncset.done $0x0  }
0x85: {  	[sflag:s18] =	ssyncadd.s32 $0xFFFFB000  }
0x86: {  	[bflag:$0x0] =	sbarrier.arrive $0xFFFF  }
0x87: {  	[hbm:s8], [sflag:s6] =	dma.local [spmem:s17], $0x2800  }
0x88: {  	_ =	swait.ge [sflag:s18], $0x2800  }
0x89: {  	[sflag:s18] =	ssyncset.done $0x0  }
0x8a: {  	[sflag:s18] =	ssyncadd.s32 $0xFFFFD800  }
0x8b: {  	[bflag:$0x0] =	sbarrier.arrive $0xFFFF  }
0x8c: {  	[spmem:s17], [sflag:s6] =	dma.local [hbm:s5], $0x2800  }
0x8d: {  	_ =	swait.ge [sflag:s18], $0x2800  }
0x8e: {  	[sflag:s18] =	ssyncset.done $0x0  }
0x8f: {  	[sflag:s18] =	ssyncadd.s32 $0xFFFFD800  }
0x90: {  	s30 =	sadd.s32 $0x0, s16;
	[bflag:$0x0] =	sbarrier.arrive $0xFFFF  }
0x91: {  	[tilespmem:s3], [sflag:$0x1] =	stream.linear.gather [hbm4b:s30+s3], $0x100, $0x38;
	[tilespmem:$0x19200] =	vst v63  }
0x92: {  	_ =	swait.ge [sflag:s18], $0x100  }
0x93: {  	[sflag:s18] =	ssyncset.done $0x0  }
0x94: {  	s31 =	sadd.s32 $0x0, s15;
	[sflag:s18] =	ssyncadd.s32 $0xFFFFFF00  }
0x95: {  	[tilespmem:s19], [sflag:$0x1] =	stream.linear.gather [hbm4b:s31+s3], $0x100, $0x38;
	[tilespmem:$0x19200] =	vst v63  }
0x96: {  	_ =	swait.ge [sflag:s18], $0x100  }
0x97: {  	[sflag:s18] =	ssyncset.done $0x0  }
0x98: {  	[sflag:s18] =	ssyncadd.s32 $0xFFFFFF00  }
0x99: {  	[tilespmem:s21], [sflag:$0x1] =	stream.indirect.gather [hbm4b:s4+s20], $0x80, s3, s20, $0xb8;
	[tilespmem:$0x19200] =	vst v63  }
0x9a: {  	_ =	swait.ge [sflag:s18], $0x5000  }
0x9b: {  	[sflag:s18] =	ssyncset.done $0x0  }
0x9c: {  	[sflag:s18] =	ssyncadd.s32 $0xFFFFB000  }
0x9d: {  	[spmem:s2] =	stream.indirect.scatter.add.f32 [tilespmem:s21], [sflag:$0x1], $0x80, s19, s20, $0xb8;
	[tilespmem:$0x19200] =	vst v63  }
0x9e: {  	_ =	swait.ge [sflag:s18], $0x5000  }
0x9f: {  	s23 =	simm.s32 $0x20;
	s24 =	simm.s32 $0x40;
	[sflag:s18] =	ssyncset.done $0x0  }
.LBB2_6:
0xa0: {  	s25 =	sadd.s32 s23, s16  }
0xa1: {  	[sflag:s18] =	ssyncadd.s32 $0xFFFFB000;
	s26 =	smov.u32 s24;
	s28 =	sadd.s32 $0x20, s24  }
0xa2: {  	[tilespmem:s3], [sflag:$0x1] =	stream.linear.gather [hbm4b:s25+s3], $0x100, $0x38;
	[tilespmem:$0x19200] =	vst v63  }
0xa3: {  	p0 =	sne.s32 s24, $0x260;
	_ =	swait.ge [sflag:s18], $0x100  }
0xa4: {  	[sflag:s18] =	ssyncset.done $0x0  }
0xa5: {  	s24 =	sadd.s32 s23, s15;
	s23 =	smov.u32 s26;
	[sflag:s18] =	ssyncadd.s32 $0xFFFFFF00  }
0xa6: {  	[tilespmem:s19], [sflag:$0x1] =	stream.linear.gather [hbm4b:s24+s3], $0x100, $0x38;
	[tilespmem:$0x19200] =	vst v63  }
0xa7: {  	_ =	swait.ge [sflag:s18], $0x100  }
0xa8: {  	[sflag:s18] =	ssyncset.done $0x0  }
0xa9: {  	[sflag:s18] =	ssyncadd.s32 $0xFFFFFF00  }
0xaa: {  	[tilespmem:s21], [sflag:$0x1] =	stream.indirect.gather [hbm4b:s4+s20], $0x80, s3, s20, $0xb8;
	[tilespmem:$0x19200] =	vst v63  }
0xab: {  	_ =	swait.ge [sflag:s18], $0x5000  }
.Ltmp2:
0xac: {  	[sflag:s18] =	ssyncset.done $0x0;
	(pc) =	sbr.rel @p0 .LBB2_6-.Ltmp2, $4  }
0xad: {  	[sflag:s18] =	ssyncadd.s32 $0xFFFFB000  }
0xae: {  	[spmem:s2] =	stream.indirect.scatter.add.f32 [tilespmem:s21], [sflag:$0x1], $0x80, s19, s20, $0xb8;
	[tilespmem:$0x19200] =	vst v63  }
0xaf: {  	_ =	swait.ge [sflag:s18], $0x5000  }
0xb0: {  	s24 =	smov.u32 s28;
	[sflag:s18] =	ssyncset.done $0x0  }
0xb1: {  	s24 =	sadd.s32 s23, s16;
	[sflag:s18] =	ssyncadd.s32 $0xFFFFB000  }
0xb2: {  	[tilespmem:s3], [sflag:$0x1] =	stream.linear.gather [hbm4b:s24+s3], $0x100, $0x38;
	[tilespmem:$0x19200] =	vst v63  }
0xb3: {  	_ =	swait.ge [sflag:s18], $0x100  }
0xb4: {  	[sflag:s18] =	ssyncset.done $0x0  }
0xb5: {  	s31 =	sadd.s32 s23, s15;
	[sflag:s18] =	ssyncadd.s32 $0xFFFFFF00  }
0xb6: {  	[tilespmem:s19], [sflag:$0x1] =	stream.linear.gather [hbm4b:s31+s3], $0x100, $0x38;
	[tilespmem:$0x19200] =	vst v63  }
0xb7: {  	_ =	swait.ge [sflag:s18], $0x100  }
0xb8: {  	[sflag:s18] =	ssyncset.done $0x0  }
0xb9: {  	[sflag:s18] =	ssyncadd.s32 $0xFFFFFF00  }
0xba: {  	[tilespmem:s21], [sflag:$0x1] =	stream.indirect.gather [hbm4b:s4+s20], $0x80, s3, s20, $0xb8;
	[tilespmem:$0x19200] =	vst v63  }
0xbb: {  	_ =	swait.ge [sflag:s18], $0x5000  }
0xbc: {  	[sflag:s18] =	ssyncset.done $0x0  }
0xbd: {  	[sflag:s18] =	ssyncadd.s32 $0xFFFFB000  }
0xbe: {  	[spmem:s2] =	stream.indirect.scatter.add.f32 [tilespmem:s21], [sflag:$0x1], $0x80, s19, s20, $0xb8;
	[tilespmem:$0x19200] =	vst v63  }
0xbf: {  	_ =	swait.ge [sflag:s18], $0x5000  }
0xc0: {  	[sflag:s18] =	ssyncset.done $0x0  }
0xc1: {  	s22 =	sadd.s32 $0x1, s22;
	[sflag:s18] =	ssyncadd.s32 $0xFFFFB000  }
0xc2: {  	p0 =	sne.s32 s22, s10;
	[bflag:$0x0] =	sbarrier.arrive $0xFFFF  }
0xc3: {  	[hbm:s9], [sflag:s6] =	dma.local [spmem:s17], $0x2800  }
.Ltmp3:
0xc4: {  	_ =	swait.ge [sflag:s18], $0x2800;
	(pc) =	sbr.rel @p0 .LBB2_1-.Ltmp3, $3  }
0xc5: {  	[sflag:s18] =	ssyncset.done $0x0  }
0xc6: {  	[sflag:s18] =	ssyncadd.s32 $0xFFFFD800  }
0xc7: {  	[bflag:$0x0] =	sbarrier.arrive $0xFFFF;
	_ =	sdelay $0x1  }
0xc8: {  	_ =	sfence.sel $0x180000  }
0xc9: {  	[bflag:$0x0] =	sbarrier.arrive $0xFFFF  }
0xca: {  	p0 =	sne.s32 s1, $0x0;
	_ =	strace $0x90000047  }
0xcb: {  	s0 =	sadd.s32 @!p0 $0x100000, s0;
	[bflag:$0x2] =	sbarrier.arrive $0xFFFF  }
0xcc: {  	[sflag:s0] =	ssyncadd.tile.s32 @!p0 $0x1;
	_ =	shalt  }
.Lfunc_end2:
_tile_overlayer_lowered:
.L_overlay_start_2:
0xcd: {  	(tag) =	ssettag $0x2  }
0xce: {  	s0 =	rddreg [dreg:$0x0];
	s2 =	stileid.u32  }
0xcf: {  	s1 =	rddreg [dreg:$0x1];
	p0 =	sne.s32 s2, $0x0  }
0xd0: {  	s3 =	rddreg [dreg:$0x2];
	[bflag:$0x3] =	sbarrier.arrive $0xFFFF;
	s2 =	simm.s32 @!p0 $0x1C01  }
0xd1: {  	[timem:s3], [sflag:s2] =	dma.local @!p0 [hbm:s0], s1  }
0xd2: {  	s0 =	simm.s32 @!p0 $0x1  }
0xd3: {  	_ =	swait.ge @!p0 [sflag:s0], s1  }
0xd4: {  	s1 =	ssub.s32 @!p0 $0x0, s1;
	[sflag:s0] =	ssyncset.done @!p0 $0x0  }
0xd5: {  	[sflag:s0] =	ssyncadd.s32 @!p0 s1  }
0xd6: {  	[bflag:$0x3] =	sbarrier.arrive $0xFFFF  }
0xd7: {  	_ =	shalt  }

// kernel: kernel.16.cloned.1.call-start
scs
__scs_entry_jumppad:
0x0: {  	(pc) =	sbr.rel $0x88, $3  }
0x1: {  	(tag) =	ssettag $0x0;
	lr =	simm.s32 $0x1  }
0x2: {  	[smem:$0x3F8A] =	sst lr;
	_ =	strace $0xD0000000  }
0x3: {  	_ = 	snop  }
0x4: {  	_ = 	snop  }
0x5: {  	_ = 	snop  }
0x6: {  	_ = 	snop  }
0x7: {  	_ = 	snop  }
__scs_overlays_trampoline_lowered:
0x8: {  	[smem:$0x3F99] =	sst s0  }
0x9: {  	[smem:$0x3F9A] =	sst s1  }
0xa: {  	[smem:$0x3F9B] =	sst s2  }
0xb: {  	[smem:$0x3F9C] =	sst s3  }
0xc: {  	[smem:$0x3F9D] =	sst s4  }
0xd: {  	[smem:$0x3F9E] =	sst s5  }
0xe: {  	[smem:$0x3F9F] =	sst s6  }
0xf: {  	[smem:$0x3FA0] =	sst s7  }
0x10: {  	[smem:$0x3FA1] =	sst s8  }
0x11: {  	[smem:$0x3FA2] =	sst s9;
	s0 =	simm.s32 @!p0 $0x0  }
0x12: {  	s1 =	sld [smem:$0x3F88];
	s0 =	simm.s32 @p0 $0x1  }
0x13: {  	[smem:$0x3FA3] =	sst s0;
	s0 =	simm.s32 @!p1 $0x0  }
0x14: {  	s2 =	sld [smem:$0x3F87];
	s0 =	simm.s32 @p1 $0x1  }
0x15: {  	[smem:$0x3FA4] =	sst s0;
	s0 =	simm.s32 @!p2 $0x0  }
0x16: {  	s3 =	sld [smem:$0x3FDB];
	s0 =	simm.s32 @p2 $0x1  }
0x17: {  	s4 =	simm.s32 $0x1BF5;
	[smem:$0x3FA6] =	sst s0  }
0x18: {  	s0 =	sld [smem:$0x3F89];
	_ =	swait.ge [sflag:s4], $0x0  }
0x19: {  	s7 =	sld [smem:$0x3F8A]  }
0x1a: {  	s8 =	sadd.s32 $0xFFFFE003, lr  }
0x1b: {  	s9 =	sadd.s32 $0xFFFFFEF7, lr;
	s5 =	simm.s32 $0xFFFFFFFF;
	p2 =	slt.u32 s8, $0xFFFFF086  }
0x1c: {  	p1 =	slt.u32 s9, $0xF7A;
	s5 =	simm.s32 @!p2 $0x0  }
0x1d: {  	s5 =	simm.s32 @p1 $0x1;
	p0 =	seq.s32 s7, s2  }
0x1e: {  	s7 =	smul.u32 @!p0 $0xF7A, s2;
	p2 =	seq.s32 @!p0 s5, $0x0  }
0x1f: {  	s9 =	smul.u32 $0xF7A, s1;
	s8 =	simm.s32 @!p0 $0x1BF5;
	p2 =	por !p2, p0  }
0x20: {  	[sflag:s8] =	ssyncset.s32 @!p0 $0xFFFFF086;
	s6 =	sadd.s32 @!p0 s3, s7;
	s7 =	simm.s32 @!p0 $0x108  }
0x21: {  	s3 =	sadd.s32 s3, s9;
	s6 =	sadd.s32 @!p0 $0x88, s6;
	s7 =	simm.s32 @p2 $0x1082  }
0x22: {  	[simem:s7], [sflag:s8] =	dma.local @!p0 [hbm:s6], $0xF7A  }
0x23: {  	s9 =	sor.u32 $0xD0000000, s2;
	s6 =	simm.s32 $0x108;
	_ =	swait.ge @!p0 [sflag:s8], $0x0  }
0x24: {  	s3 =	sadd.s32 $0x88, s3;
	s6 =	simm.s32 @!p1 $0x1082;
	[sflag:s4] =	ssyncset.s32 $0xFFFFF086  }
0x25: {  	[simem:s6], [sflag:s4] =	dma.local [hbm:s3], $0xF7A  }
0x26: {  	[smem:$0x3F8A] =	sst s1;
	(tag) =	ssettag s2;
	_ =	strace s9  }
0x27: {  	s1 =	sld [smem:$0x3F9A]  }
0x28: {  	s2 =	sld [smem:$0x3F9B]  }
0x29: {  	s4 =	sld [smem:$0x3F9D]  }
0x2a: {  	p0 =	seq.s32 s5, $0x0;
	s5 =	sld [smem:$0x3F9E]  }
0x2b: {  	s6 =	sld [smem:$0x3F9F]  }
0x2c: {  	s7 =	sld [smem:$0x3FA0]  }
0x2d: {  	s3 =	simm.s32 $0x108;
	s8 =	sld [smem:$0x3FA1]  }
0x2e: {  	s3 =	simm.s32 @!p0 $0x1082;
	s9 =	sld [smem:$0x3FA2]  }
0x2f: {  	lr =	sadd.s32 s0, s3;
	s0 =	sld [smem:$0x3F99]  }
0x30: {  	s3 =	sld [smem:$0x3F9C]  }
0x31: {  	[smem:$0x3FA5] =	sst s10  }
0x32: {  	s10 =	sld [smem:$0x3FA3];
	_ =	sdelay $0x3  }
0x33: {  	p0 =	seq.s32 s10, $0x1;
	s10 =	sld [smem:$0x3FA5];
	_ =	sdelay $0x3  }
0x34: {  	[smem:$0x3FA5] =	sst s10  }
0x35: {  	s10 =	sld [smem:$0x3FA4];
	_ =	sdelay $0x3  }
0x36: {  	p1 =	seq.s32 s10, $0x1;
	s10 =	sld [smem:$0x3FA5];
	_ =	sdelay $0x3  }
0x37: {  	[smem:$0x3FA5] =	sst s10  }
0x38: {  	s10 =	sld [smem:$0x3FA6]  }
0x39: {  	_ = 	snop;
	(pc) =	sbr.ind lr, $3  }
0x3a: {  	_ = 	snop  }
0x3b: {  	_ = 	snop  }
0x3c: {  	p2 =	seq.s32 s10, $0x1;
	s10 =	sld [smem:$0x3FA5]  }
0x3d: {  	_ =	shalt  }
0x3e: {  	_ =	shalt  }
0x3f: {  	_ =	shalt  }
0x40: {  	_ =	shalt  }
0x41: {  	_ =	shalt  }
0x42: {  	_ =	shalt  }
0x43: {  	_ =	shalt  }
0x44: {  	_ =	shalt  }
0x45: {  	_ =	shalt  }
0x46: {  	_ =	shalt  }
0x47: {  	_ =	shalt  }
0x48: {  	_ =	shalt  }
0x49: {  	_ =	shalt  }
0x4a: {  	_ =	shalt  }
0x4b: {  	_ =	shalt  }
0x4c: {  	_ =	shalt  }
0x4d: {  	_ =	shalt  }
0x4e: {  	_ =	shalt  }
0x4f: {  	_ =	shalt  }
0x50: {  	_ =	shalt  }
0x51: {  	_ =	shalt  }
0x52: {  	_ =	shalt  }
0x53: {  	_ =	shalt  }
0x54: {  	_ =	shalt  }
0x55: {  	_ =	shalt  }
0x56: {  	_ =	shalt  }
0x57: {  	_ =	shalt  }
0x58: {  	_ =	shalt  }
0x59: {  	_ =	shalt  }
0x5a: {  	_ =	shalt  }
0x5b: {  	_ =	shalt  }
0x5c: {  	_ =	shalt  }
0x5d: {  	_ =	shalt  }
0x5e: {  	_ =	shalt  }
0x5f: {  	_ =	shalt  }
0x60: {  	_ =	shalt  }
0x61: {  	_ =	shalt  }
0x62: {  	_ =	shalt  }
0x63: {  	_ =	shalt  }
0x64: {  	_ =	shalt  }
0x65: {  	_ =	shalt  }
0x66: {  	_ =	shalt  }
0x67: {  	_ =	shalt  }
0x68: {  	_ =	shalt  }
0x69: {  	_ =	shalt  }
0x6a: {  	_ =	shalt  }
0x6b: {  	_ =	shalt  }
0x6c: {  	_ =	shalt  }
0x6d: {  	_ =	shalt  }
0x6e: {  	_ =	shalt  }
0x6f: {  	_ =	shalt  }
0x70: {  	_ =	shalt  }
0x71: {  	_ =	shalt  }
0x72: {  	_ =	shalt  }
0x73: {  	_ =	shalt  }
0x74: {  	_ =	shalt  }
0x75: {  	_ =	shalt  }
0x76: {  	_ =	shalt  }
0x77: {  	_ =	shalt  }
0x78: {  	_ =	shalt  }
0x79: {  	_ =	shalt  }
0x7a: {  	_ =	shalt  }
0x7b: {  	_ =	shalt  }
0x7c: {  	_ =	shalt  }
0x7d: {  	_ =	shalt  }
0x7e: {  	_ =	shalt  }
0x7f: {  	_ =	shalt  }
0x80: {  	_ =	shalt  }
0x81: {  	_ =	shalt  }
0x82: {  	_ =	shalt  }
0x83: {  	_ =	shalt  }
0x84: {  	_ =	shalt  }
0x85: {  	_ =	shalt  }
0x86: {  	_ =	shalt  }
0x87: {  	_ =	shalt  }
.Lfunc_end0:
.L_simem_size_0:
called_computation.2_lowered:
.L_overlay_start_0:
0x88: {  	s2 =	sld [smem:$0x3FD9]  }
0x89: {  	s3 =	sld [smem:$0x3FFE];
	_ =	sdelay $0x1  }
0x8a: {  	s1 =	srdreg.scid  }
0x8b: {  	s0 =	sand.u32 $0x1, s1  }
0x8c: {  	s16 =	sshll.u32 s0, $0xA;
	s2 =	sadd.s32 s3, s2  }
0x8d: {  	s2 =	sadd.s32 s2, s16  }
0x8e: {  	[smem:$0x3FB1] =	sst s2  }
0x8f: {  	_ = 	snop  }
0x90: {  	(tm) =	ssettm $0x1  }
0x91: {  	s17 =	sld [smem:$0x3FFB];
	_ =	sdelay $0x3  }
0x92: {  	_ =	strace s17  }
0x93: {  	s2 =	sld [smem:$0x3FFC];
	_ =	sdelay $0x3  }
0x94: {  	_ =	strace s2  }
0x95: {  	s2 =	sld [smem:$0x3FFD];
	_ =	sdelay $0x3  }
0x96: {  	_ =	strace s2  }
0x97: {  	_ =	strace $0x8FFFFFFF  }
0x98: {  	s18 =	sld [smem:$0x3FDB];
	_ =	sdelay $0x1  }
0x99: {  	s19 =	simm.s32 $_scs_section_size  }
0x9a: {  	s4 =	simm.s32 $_size__tile_overlayer_lowered;
	s5 =	simm.s32 $_tile_overlayer_lowered  }
0x9b: {  	s22 =	simm.s32 $0x1BFF;
	s21 =	sshll.u32 s5, $0x1;
	s2 =	sadd.s32 s19, s18  }
0x9c: {  	s6 =	simm.s32 $0x0;
	s20 =	sshll.u32 s4, $0x1;
	s4 =	sadd.s32 s21, s2  }
0x9d: {  	[timem:s6], [sflag:s22] =	dma.local [hbm:s4], s20  }
0x9e: {  	_ =	swait.ge [sflag:s22], s20  }
0x9f: {  	s3 =	ssub.s32 $0x0, s20;
	[sflag:s22] =	ssyncset.done $0x0  }
0xa0: {  	[sflag:s22] =	ssyncadd.s32 s3;
	_ =	sdelay $0x1  }
0xa1: {  	s23 =	simm.s32 $0x1B8B  }
0xa2: {  	_ =	swait.ge [sflag:s23], $0x1  }
0xa3: {  	[sflag:s23] =	ssyncset.done $0x0  }
0xa4: {  	s25 =	simm.s32 $0x1B8E;
	s24 =	sld [smem:$0x3FFE];
	[sflag:s23] =	ssyncadd.s32 $0xFFFFFFFF  }
0xa5: {  	s26 =	simm.s32 $execute0_lowered;
	[smem:$0x3FD2] =	sst s25  }
0xa6: {  	s4 =	sshll.u32 s26, $0x1;
	_ =	strace $0x8000004C;
	[dreg:$0x1] =	wrdreg $0xFFFFFFFF  }
0xa7: {  	s28 =	simm.s32 $_size_execute0_lowered;
	s2 =	sadd.s32 s2, s4;
	[dreg:$0x0] =	wrdreg $0x0  }
0xa8: {  	s4 =	sshll.u32 s28, $0x1;
	[dreg:$0x2] =	wrdreg s2  }
0xa9: {  	[dreg:$0x3] =	wrdreg s4  }
0xaa: {  	[dreg:$0x4] =	wrdreg $0xC0  }
0xab: {  	_ =	task [dreg:s6], $0x5FFFF  }
0xac: {  	[dreg:$0x1] =	wrdreg $0xFFFFFFFF  }
0xad: {  	[dreg:$0x0] =	wrdreg $0x60  }
0xae: {  	[dreg:$0x2] =	wrdreg s24  }
0xaf: {  	[dreg:$0x3] =	wrdreg $0xA4000  }
0xb0: {  	[dreg:$0x4] =	wrdreg $0x9  }
0xb1: {  	_ =	task.clear_ibuf [dreg:s6], $0x5FFFF;
	_ =	strace $0x9000004C  }
0xb2: {  	s29 =	simm.s32 $0x9;
	_ =	strace $0x8000004E  }
0xb3: {  	_ =	swait.ge [sflag:s29], $0x1  }
0xb4: {  	[sflag:s29] =	ssyncadd.s32 $0xFFFFFFFF  }
0xb5: {  	_ =	strace $0x9000004E  }
0xb6: {  	_ =	sfence  }
0xb7: {  	s30 =	sld [smem:$0x0];
	_ =	sdelay $0x2  }
0xb8: {  	s31 =	sshll.u32 s1, $0xD;
	s1 =	sshrl.u32 s1, $0x2  }
0xb9: {  	s3 =	sand.u32 $0x4000, s31;
	s1 =	sadd.s32 s1, s30  }
0xba: {  	s0 =	sor.u32 s3, s0;
	s1 =	sshll.u32 s1, $0x11  }
0xbb: {  	s0 =	sor.u32 s1, s0  }
0xbc: {  	s0 =	sadd.s32 $0x8F2B, s0  }
0xbd: {  	[sflag:s0] =	ssyncadd.remote.s32 $0x1  }
0xbe: {  	_ =	sfence.sel $0xFFFF  }
0xbf: {  	[dreg:$0x0] =	wrdreg $0xFFFFFFFF;
	(pc) =	sbr.abs _section_cstart, $3  }
0xc0: {  	[dreg:$0x1] =	wrdreg $0xFFFFFFFF  }
0xc1: {  	_ =	task.clear_ibuf [dreg:s6], $0x2FFFF;
	_ =	strace $0x9FFFFFFF  }
0xc2: {  	(tm) =	ssettm $0x7FFFFFFF  }
0xc3: {  	_ =	shalt  }
tec
execute0_lowered:
.L_overlay_start_1:
0x0: {  	(tag) =	ssettag $0x1  }
0x1: {  	s1 =	rddreg [dreg:$0x0]  }
0x2: {  	s2 =	rddreg [dreg:$0x1];
	s0 =	stileid.u32  }
0x3: {  	s4 =	srdreg.scid;
	s5 =	smul.u32 $0x14000, s0  }
0x4: {  	s3 =	simm.s32 $0x0;
	s28 =	simm.s32 $0x2;
	s9 =	smul.u32 $0x500, s0  }
0x5: {  	s29 =	simm.s32 $0x0;
	s6 =	sand.u32 $0x1, s4;
	s10 =	smul.u32 $0x50000, s0  }
0x6: {  	[smem:$0x7FF] =	sst s3;
	s4 =	sadd.s32 $0x5600, s1;
	s22 =	smul.u32 $0x2800, s0  }
0x7: {  	s17 =	sadd.s32 $0x2AFA00, s1;
	s21 =	sshll.u32 s0, $0x6;
	s8 =	smul.u32 $0x140000, s6  }
0x8: {  	_ =	strace $0x8000004D;
	s16 =	ssub.s32 $0x2, s6;
	s20 =	smul.u32 $0x78000, s6  }
0x9: {  	s6 =	sor.u32 $0x1C03, s21;
	s21 =	simm.s32 $0x200;
	s7 =	sshrl.u32 s5, $0x3  }
0xa: {  	s12 =	sadd.s32 s9, s1;
	s18 =	sshrl.u32 s16, $0x1;
	s19 =	sshrl.u32 s10, $0x2  }
0xb: {  	s7 =	sadd.s32 s7, s1;
	s5 =	sadd.s32 s5, s8;
	s11 =	ssub.s32 s16, s18  }
0xc: {  	s18 =	sadd.s32 s19, s2;
	s15 =	sadd.s32 s22, s20;
	s12 =	sadd.s32 $0x2A0A00, s12  }
0xd: {  	s20 =	simm.s32 $0x100;
	s22 =	simm.s32 $0x300;
	s5 =	sshrl.u32 s5, $0x3  }
0xe: {  	s10 =	smax.u32 s11, $0x1;
	s24 =	sshrl.u32 s15, $0x3;
	s13 =	sor.u32 $0x100, s15  }
0xf: {  	s14 =	sadd.s32 $0x28000, s15;
	s30 =	sadd.s32 $0x28100, s15;
	s16 =	sadd.s32 $0x50000, s15  }
0x10: {  	s19 =	sadd.s32 $0x50100, s15;
	s18 =	sshrl.u32 s18, $0x3;
	s1 =	sadd.s32 s5, s1  }
0x11: {  	s5 =	sadd.s32 $0x98A00, s7;
	s11 =	sadd.s32 s24, s17;
	s25 =	sshrl.u32 s13, $0x3  }
0x12: {  	s26 =	sshrl.u32 s14, $0x3;
	s16 =	sshrl.u32 s16, $0x3;
	s31 =	sshrl.u32 s19, $0x3  }
0x13: {  	s19 =	simm.s32 $0x3;
	s24 =	simm.s32 $0x400;
	s23 =	sadd.s32 $0x2CDA00, s1  }
0x14: {  	s8 =	sadd.s32 $0x31DA00, s1;
	s9 =	sadd.s32 $0x36DA00, s1;
	s13 =	sadd.s32 s25, s17  }
0x15: {  	s14 =	sadd.s32 s26, s17;
	s1 =	sshrl.u32 s30, $0x3;
	s16 =	sadd.s32 s16, s17  }
0x16: {  	s25 =	simm.s32 $0x5400;
	s26 =	simm.s32 $0x1;
	[dreg:$0x3] =	wrdreg s23  }
0x17: {  	s15 =	sadd.s32 s1, s17;
	s17 =	sadd.s32 s31, s17;
	s23 =	simm.s32 $0xA0  }
.LBB2_1:
0x18: {  	[spmem:s18], [sflag:s6] =	dma.local [hbm:s5], $0x2800  }
0x19: {  	_ =	swait.ge [sflag:s19], $0x2800  }
0x1a: {  	[sflag:s19] =	ssyncset.done $0x0  }
0x1b: {  	[sflag:s19] =	ssyncadd.s32 $0xFFFFD800  }
0x1c: {  	s1 =	sadd.s32 $0x0, s11;
	[bflag:$0x0] =	sbarrier.arrive $0xFFFF  }
0x1d: {  	[tilespmem:s3], [sflag:$0x3] =	stream.linear.gather [hbm4b:s1+s3], $0x100, $0x38;
	[tilespmem:$0x1E400] =	vst v63  }
0x1e: {  	_ =	swait.ge [sflag:s19], $0x100  }
0x1f: {  	[sflag:s19] =	ssyncset.done $0x0  }
0x20: {  	s7 =	sadd.s32 $0x0, s12;
	[sflag:s19] =	ssyncadd.s32 $0xFFFFFF00  }
0x21: {  	[tilespmem:s20], [sflag:$0x3] =	stream.linear.gather [hbm4b:s7+s3], $0x100, $0x38;
	[tilespmem:$0x1E400] =	vst v63  }
0x22: {  	_ =	swait.ge [sflag:s19], $0x100  }
0x23: {  	[sflag:s19] =	ssyncset.done $0x0  }
0x24: {  	s30 =	sadd.s32 $0x0, s13;
	[sflag:s19] =	ssyncadd.s32 $0xFFFFFF00  }
0x25: {  	[tilespmem:s21], [sflag:$0x3] =	stream.linear.gather [hbm4b:s30+s3], $0x100, $0x38;
	[tilespmem:$0x1E400] =	vst v63  }
0x26: {  	_ =	swait.ge [sflag:s19], $0x100  }
0x27: {  	[sflag:s19] =	ssyncset.done $0x0  }
0x28: {  	s1 =	sadd.s32 $0x20, s7;
	[sflag:s19] =	ssyncadd.s32 $0xFFFFFF00  }
0x29: {  	[tilespmem:s22], [sflag:$0x3] =	stream.linear.gather [hbm4b:s1+s3], $0x100, $0x38;
	[tilespmem:$0x1E400] =	vst v63  }
0x2a: {  	_ =	swait.ge [sflag:s19], $0x100  }
0x2b: {  	[sflag:s19] =	ssyncset.done $0x0  }
0x2c: {  	[sflag:s19] =	ssyncadd.s32 $0xFFFFFF00  }
0x2d: {  	[tilespmem:s24], [sflag:$0x1] =	stream.indirect.gather [hbm4b:s4+s23], $0x80, s3, s23, $0xb8;
	[tilespmem:$0x1E400] =	vst v63  }
0x2e: {  	_ = 	snop  }
0x2f: {  	[tilespmem:s25], [sflag:$0x2] =	stream.indirect.gather [hbm4b:s4+s23], $0x80, s21, s23, $0xb8;
	[tilespmem:$0x1E400] =	vst v63  }
0x30: {  	_ =	swait.ge [sflag:s26], $0x5000  }
0x31: {  	[sflag:s26] =	ssyncset.done $0x0  }
0x32: {  	[sflag:s26] =	ssyncadd.s32 $0xFFFFB000  }
0x33: {  	[spmem:s2] =	stream.indirect.scatter.add.f32 [tilespmem:s24], [sflag:$0x3], $0x80, s20, s23, $0xb8;
	[tilespmem:$0x1E400] =	vst v63  }
0x34: {  	_ =	swait.ge [sflag:s19], $0x5000  }
0x35: {  	[sflag:s19] =	ssyncset.done $0x0  }
0x36: {  	[sflag:s19] =	ssyncadd.s32 $0xFFFFB000  }
0x37: {  	_ =	swait.ge [sflag:s28], $0x5000  }
0x38: {  	[sflag:s28] =	ssyncset.done $0x0  }
0x39: {  	[sflag:s28] =	ssyncadd.s32 $0xFFFFB000  }
0x3a: {  	[spmem:s2] =	stream.indirect.scatter.add.f32 [tilespmem:s25], [sflag:$0x3], $0x80, s22, s23, $0xb8;
	[tilespmem:$0x1E400] =	vst v63  }
0x3b: {  	_ =	swait.ge [sflag:s19], $0x5000  }
0x3c: {  	s31 =	simm.s32 $0x80;
	s30 =	simm.s32 $0x40;
	[sflag:s19] =	ssyncset.done $0x0  }
.LBB2_2:
0x3d: {  	s0 =	sadd.s32 s30, s11  }
0x3e: {  	[sflag:s19] =	ssyncadd.s32 $0xFFFFB000;
	s7 =	smov.u32 s31;
	s1 =	sadd.s32 $0x40, s31  }
0x3f: {  	[tilespmem:s3], [sflag:$0x3] =	stream.linear.gather [hbm4b:s0+s3], $0x100, $0x38;
	[tilespmem:$0x1E400] =	vst v63  }
0x40: {  	p0 =	sne.s32 s31, $0x4C0;
	_ =	swait.ge [sflag:s19], $0x100  }
0x41: {  	[sflag:s19] =	ssyncset.done $0x0  }
0x42: {  	s0 =	sadd.s32 s30, s12;
	[sflag:s19] =	ssyncadd.s32 $0xFFFFFF00  }
0x43: {  	[tilespmem:s20], [sflag:$0x3] =	stream.linear.gather [hbm4b:s0+s3], $0x100, $0x38;
	[tilespmem:$0x1E400] =	vst v63  }
0x44: {  	_ =	swait.ge [sflag:s19], $0x100  }
0x45: {  	[sflag:s19] =	ssyncset.done $0x0  }
0x46: {  	s31 =	sadd.s32 s30, s13;
	s30 =	smov.u32 s7;
	[sflag:s19] =	ssyncadd.s32 $0xFFFFFF00  }
0x47: {  	[tilespmem:s21], [sflag:$0x3] =	stream.linear.gather [hbm4b:s31+s3], $0x100, $0x38;
	[tilespmem:$0x1E400] =	vst v63  }
0x48: {  	_ =	swait.ge [sflag:s19], $0x100  }
0x49: {  	[sflag:s19] =	ssyncset.done $0x0  }
0x4a: {  	s0 =	sadd.s32 $0x20, s0;
	[sflag:s19] =	ssyncadd.s32 $0xFFFFFF00  }
0x4b: {  	[tilespmem:s22], [sflag:$0x3] =	stream.linear.gather [hbm4b:s0+s3], $0x100, $0x38;
	[tilespmem:$0x1E400] =	vst v63  }
0x4c: {  	_ =	swait.ge [sflag:s19], $0x100  }
0x4d: {  	[sflag:s19] =	ssyncset.done $0x0  }
0x4e: {  	[sflag:s19] =	ssyncadd.s32 $0xFFFFFF00  }
0x4f: {  	[tilespmem:s24], [sflag:$0x1] =	stream.indirect.gather [hbm4b:s4+s23], $0x80, s3, s23, $0xb8;
	[tilespmem:$0x1E400] =	vst v63  }
0x50: {  	_ = 	snop  }
0x51: {  	[tilespmem:s25], [sflag:$0x2] =	stream.indirect.gather [hbm4b:s4+s23], $0x80, s21, s23, $0xb8;
	[tilespmem:$0x1E400] =	vst v63  }
0x52: {  	_ =	swait.ge [sflag:s26], $0x5000  }
0x53: {  	[sflag:s26] =	ssyncset.done $0x0  }
0x54: {  	[sflag:s26] =	ssyncadd.s32 $0xFFFFB000  }
0x55: {  	[spmem:s2] =	stream.indirect.scatter.add.f32 [tilespmem:s24], [sflag:$0x3], $0x80, s20, s23, $0xb8;
	[tilespmem:$0x1E400] =	vst v63  }
0x56: {  	_ =	swait.ge [sflag:s19], $0x5000  }
0x57: {  	[sflag:s19] =	ssyncset.done $0x0  }
0x58: {  	[sflag:s19] =	ssyncadd.s32 $0xFFFFB000  }
0x59: {  	_ =	swait.ge [sflag:s28], $0x5000  }
.Ltmp0:
0x5a: {  	[sflag:s28] =	ssyncset.done $0x0;
	(pc) =	sbr.rel @p0 .LBB2_2-.Ltmp0, $4  }
0x5b: {  	[sflag:s28] =	ssyncadd.s32 $0xFFFFB000  }
0x5c: {  	[spmem:s2] =	stream.indirect.scatter.add.f32 [tilespmem:s25], [sflag:$0x3], $0x80, s22, s23, $0xb8;
	[tilespmem:$0x1E400] =	vst v63  }
0x5d: {  	_ =	swait.ge [sflag:s19], $0x5000  }
0x5e: {  	s31 =	smov.u32 s1;
	[sflag:s19] =	ssyncset.done $0x0  }
0x5f: {  	s0 =	sadd.s32 s30, s11;
	[sflag:s19] =	ssyncadd.s32 $0xFFFFB000  }
0x60: {  	[tilespmem:s3], [sflag:$0x3] =	stream.linear.gather [hbm4b:s0+s3], $0x100, $0x38;
	[tilespmem:$0x1E400] =	vst v63  }
0x61: {  	_ =	swait.ge [sflag:s19], $0x100  }
0x62: {  	[sflag:s19] =	ssyncset.done $0x0  }
0x63: {  	s7 =	sadd.s32 s30, s12;
	[sflag:s19] =	ssyncadd.s32 $0xFFFFFF00  }
0x64: {  	[tilespmem:s20], [sflag:$0x3] =	stream.linear.gather [hbm4b:s7+s3], $0x100, $0x38;
	[tilespmem:$0x1E400] =	vst v63  }
0x65: {  	_ =	swait.ge [sflag:s19], $0x100  }
0x66: {  	[sflag:s19] =	ssyncset.done $0x0  }
0x67: {  	s1 =	sadd.s32 s30, s13;
	[sflag:s19] =	ssyncadd.s32 $0xFFFFFF00  }
0x68: {  	[tilespmem:s21], [sflag:$0x3] =	stream.linear.gather [hbm4b:s1+s3], $0x100, $0x38;
	[tilespmem:$0x1E400] =	vst v63  }
0x69: {  	_ =	swait.ge [sflag:s19], $0x100  }
0x6a: {  	[sflag:s19] =	ssyncset.done $0x0  }
0x6b: {  	s0 =	sadd.s32 $0x20, s7;
	[sflag:s19] =	ssyncadd.s32 $0xFFFFFF00  }
0x6c: {  	[tilespmem:s22], [sflag:$0x3] =	stream.linear.gather [hbm4b:s0+s3], $0x100, $0x38;
	[tilespmem:$0x1E400] =	vst v63  }
0x6d: {  	_ =	swait.ge [sflag:s19], $0x100  }
0x6e: {  	[sflag:s19] =	ssyncset.done $0x0  }
0x6f: {  	[sflag:s19] =	ssyncadd.s32 $0xFFFFFF00  }
0x70: {  	[tilespmem:s24], [sflag:$0x1] =	stream.indirect.gather [hbm4b:s4+s23], $0x80, s3, s23, $0xb8;
	[tilespmem:$0x1E400] =	vst v63  }
0x71: {  	_ = 	snop  }
0x72: {  	[tilespmem:s25], [sflag:$0x2] =	stream.indirect.gather [hbm4b:s4+s23], $0x80, s21, s23, $0xb8;
	[tilespmem:$0x1E400] =	vst v63  }
0x73: {  	_ =	swait.ge [sflag:s26], $0x5000  }
0x74: {  	[sflag:s26] =	ssyncset.done $0x0  }
0x75: {  	[sflag:s26] =	ssyncadd.s32 $0xFFFFB000  }
0x76: {  	[spmem:s2] =	stream.indirect.scatter.add.f32 [tilespmem:s24], [sflag:$0x3], $0x80, s20, s23, $0xb8;
	[tilespmem:$0x1E400] =	vst v63  }
0x77: {  	_ =	swait.ge [sflag:s19], $0x5000  }
0x78: {  	[sflag:s19] =	ssyncset.done $0x0  }
0x79: {  	[sflag:s19] =	ssyncadd.s32 $0xFFFFB000  }
0x7a: {  	_ =	swait.ge [sflag:s28], $0x5000  }
0x7b: {  	[sflag:s28] =	ssyncset.done $0x0  }
0x7c: {  	[sflag:s28] =	ssyncadd.s32 $0xFFFFB000  }
0x7d: {  	[spmem:s2] =	stream.indirect.scatter.add.f32 [tilespmem:s25], [sflag:$0x3], $0x80, s22, s23, $0xb8;
	[tilespmem:$0x1E400] =	vst v63  }
0x7e: {  	_ =	swait.ge [sflag:s19], $0x5000  }
0x7f: {  	[sflag:s19] =	ssyncset.done $0x0  }
0x80: {  	[sflag:s19] =	ssyncadd.s32 $0xFFFFB000  }
0x81: {  	[bflag:$0x0] =	sbarrier.arrive $0xFFFF  }
0x82: {  	s31 =	rddreg [dreg:$0x3]  }
0x83: {  	[hbm:s31], [sflag:s6] =	dma.local [spmem:s18], $0x2800  }
0x84: {  	_ =	swait.ge [sflag:s19], $0x2800  }
0x85: {  	[sflag:s19] =	ssyncset.done $0x0  }
0x86: {  	[sflag:s19] =	ssyncadd.s32 $0xFFFFD800  }
0x87: {  	[bflag:$0x0] =	sbarrier.arrive $0xFFFF  }
0x88: {  	[spmem:s18], [sflag:s6] =	dma.local [hbm:s5], $0x2800  }
0x89: {  	_ =	swait.ge [sflag:s19], $0x2800  }
0x8a: {  	[sflag:s19] =	ssyncset.done $0x0  }
0x8b: {  	[sflag:s19] =	ssyncadd.s32 $0xFFFFD800  }
0x8c: {  	s1 =	sadd.s32 $0x0, s14;
	[bflag:$0x0] =	sbarrier.arrive $0xFFFF  }
0x8d: {  	[tilespmem:s3], [sflag:$0x3] =	stream.linear.gather [hbm4b:s1+s3], $0x100, $0x38;
	[tilespmem:$0x1E400] =	vst v63  }
0x8e: {  	_ =	swait.ge [sflag:s19], $0x100  }
0x8f: {  	s0 =	sadd.s32 $0x0, s12;
	[sflag:s19] =	ssyncset.done $0x0  }
0x90: {  	s7 =	sadd.s32 $0x5000, s0;
	[sflag:s19] =	ssyncadd.s32 $0xFFFFFF00  }
0x91: {  	[tilespmem:s20], [sflag:$0x3] =	stream.linear.gather [hbm4b:s7+s3], $0x100, $0x38;
	[tilespmem:$0x1E400] =	vst v63  }
0x92: {  	_ =	swait.ge [sflag:s19], $0x100  }
0x93: {  	[sflag:s19] =	ssyncset.done $0x0  }
0x94: {  	s31 =	sadd.s32 $0x0, s15;
	[sflag:s19] =	ssyncadd.s32 $0xFFFFFF00  }
0x95: {  	[tilespmem:s21], [sflag:$0x3] =	stream.linear.gather [hbm4b:s31+s3], $0x100, $0x38;
	[tilespmem:$0x1E400] =	vst v63  }
0x96: {  	_ =	swait.ge [sflag:s19], $0x100  }
0x97: {  	[sflag:s19] =	ssyncset.done $0x0  }
0x98: {  	s0 =	sadd.s32 $0x5020, s0;
	[sflag:s19] =	ssyncadd.s32 $0xFFFFFF00  }
0x99: {  	[tilespmem:s22], [sflag:$0x3] =	stream.linear.gather [hbm4b:s0+s3], $0x100, $0x38;
	[tilespmem:$0x1E400] =	vst v63  }
0x9a: {  	_ =	swait.ge [sflag:s19], $0x100  }
0x9b: {  	[sflag:s19] =	ssyncset.done $0x0  }
0x9c: {  	[sflag:s19] =	ssyncadd.s32 $0xFFFFFF00  }
0x9d: {  	[tilespmem:s24], [sflag:$0x1] =	stream.indirect.gather [hbm4b:s4+s23], $0x80, s3, s23, $0xb8;
	[tilespmem:$0x1E400] =	vst v63  }
0x9e: {  	_ = 	snop  }
0x9f: {  	[tilespmem:s25], [sflag:$0x2] =	stream.indirect.gather [hbm4b:s4+s23], $0x80, s21, s23, $0xb8;
	[tilespmem:$0x1E400] =	vst v63  }
0xa0: {  	_ =	swait.ge [sflag:s26], $0x5000  }
0xa1: {  	[sflag:s26] =	ssyncset.done $0x0  }
0xa2: {  	[sflag:s26] =	ssyncadd.s32 $0xFFFFB000  }
0xa3: {  	[spmem:s2] =	stream.indirect.scatter.add.f32 [tilespmem:s24], [sflag:$0x3], $0x80, s20, s23, $0xb8;
	[tilespmem:$0x1E400] =	vst v63  }
0xa4: {  	_ =	swait.ge [sflag:s19], $0x5000  }
0xa5: {  	[sflag:s19] =	ssyncset.done $0x0  }
0xa6: {  	[sflag:s19] =	ssyncadd.s32 $0xFFFFB000  }
0xa7: {  	_ =	swait.ge [sflag:s28], $0x5000  }
0xa8: {  	[sflag:s28] =	ssyncset.done $0x0  }
0xa9: {  	[sflag:s28] =	ssyncadd.s32 $0xFFFFB000  }
0xaa: {  	[spmem:s2] =	stream.indirect.scatter.add.f32 [tilespmem:s25], [sflag:$0x3], $0x80, s22, s23, $0xb8;
	[tilespmem:$0x1E400] =	vst v63  }
0xab: {  	_ =	swait.ge [sflag:s19], $0x5000  }
0xac: {  	s30 =	simm.s32 $0x40;
	s1 =	simm.s32 $0x80;
	[sflag:s19] =	ssyncset.done $0x0  }
.LBB2_4:
0xad: {  	s0 =	sadd.s32 s30, s14  }
0xae: {  	[sflag:s19] =	ssyncadd.s32 $0xFFFFB000;
	s7 =	smov.u32 s1;
	s31 =	sadd.s32 $0x40, s1  }
0xaf: {  	[tilespmem:s3], [sflag:$0x3] =	stream.linear.gather [hbm4b:s0+s3], $0x100, $0x38;
	[tilespmem:$0x1E400] =	vst v63  }
0xb0: {  	p0 =	sne.s32 s1, $0x4C0;
	_ =	swait.ge [sflag:s19], $0x100  }
0xb1: {  	s0 =	sadd.s32 s30, s12;
	[sflag:s19] =	ssyncset.done $0x0  }
0xb2: {  	s1 =	sadd.s32 $0x5000, s0;
	[sflag:s19] =	ssyncadd.s32 $0xFFFFFF00  }
0xb3: {  	[tilespmem:s20], [sflag:$0x3] =	stream.linear.gather [hbm4b:s1+s3], $0x100, $0x38;
	[tilespmem:$0x1E400] =	vst v63  }
0xb4: {  	_ =	swait.ge [sflag:s19], $0x100  }
0xb5: {  	[sflag:s19] =	ssyncset.done $0x0  }
0xb6: {  	s1 =	sadd.s32 s30, s15;
	s30 =	smov.u32 s7;
	[sflag:s19] =	ssyncadd.s32 $0xFFFFFF00  }
0xb7: {  	[tilespmem:s21], [sflag:$0x3] =	stream.linear.gather [hbm4b:s1+s3], $0x100, $0x38;
	[tilespmem:$0x1E400] =	vst v63  }
0xb8: {  	_ =	swait.ge [sflag:s19], $0x100  }
0xb9: {  	[sflag:s19] =	ssyncset.done $0x0  }
0xba: {  	s0 =	sadd.s32 $0x5020, s0;
	[sflag:s19] =	ssyncadd.s32 $0xFFFFFF00  }
0xbb: {  	[tilespmem:s22], [sflag:$0x3] =	stream.linear.gather [hbm4b:s0+s3], $0x100, $0x38;
	[tilespmem:$0x1E400] =	vst v63  }
0xbc: {  	_ =	swait.ge [sflag:s19], $0x100  }
0xbd: {  	[sflag:s19] =	ssyncset.done $0x0  }
0xbe: {  	[sflag:s19] =	ssyncadd.s32 $0xFFFFFF00  }
0xbf: {  	[tilespmem:s24], [sflag:$0x1] =	stream.indirect.gather [hbm4b:s4+s23], $0x80, s3, s23, $0xb8;
	[tilespmem:$0x1E400] =	vst v63  }
0xc0: {  	_ = 	snop  }
0xc1: {  	[tilespmem:s25], [sflag:$0x2] =	stream.indirect.gather [hbm4b:s4+s23], $0x80, s21, s23, $0xb8;
	[tilespmem:$0x1E400] =	vst v63  }
0xc2: {  	_ =	swait.ge [sflag:s26], $0x5000  }
0xc3: {  	[sflag:s26] =	ssyncset.done $0x0  }
0xc4: {  	[sflag:s26] =	ssyncadd.s32 $0xFFFFB000  }
0xc5: {  	[spmem:s2] =	stream.indirect.scatter.add.f32 [tilespmem:s24], [sflag:$0x3], $0x80, s20, s23, $0xb8;
	[tilespmem:$0x1E400] =	vst v63  }
0xc6: {  	_ =	swait.ge [sflag:s19], $0x5000  }
0xc7: {  	[sflag:s19] =	ssyncset.done $0x0  }
0xc8: {  	[sflag:s19] =	ssyncadd.s32 $0xFFFFB000  }
0xc9: {  	_ =	swait.ge [sflag:s28], $0x5000  }
.Ltmp1:
0xca: {  	[sflag:s28] =	ssyncset.done $0x0;
	(pc) =	sbr.rel @p0 .LBB2_4-.Ltmp1, $4  }
0xcb: {  	[sflag:s28] =	ssyncadd.s32 $0xFFFFB000  }
0xcc: {  	[spmem:s2] =	stream.indirect.scatter.add.f32 [tilespmem:s25], [sflag:$0x3], $0x80, s22, s23, $0xb8;
	[tilespmem:$0x1E400] =	vst v63  }
0xcd: {  	_ =	swait.ge [sflag:s19], $0x5000  }
0xce: {  	s1 =	smov.u32 s31;
	[sflag:s19] =	ssyncset.done $0x0  }
0xcf: {  	s0 =	sadd.s32 s30, s14;
	[sflag:s19] =	ssyncadd.s32 $0xFFFFB000  }
0xd0: {  	[tilespmem:s3], [sflag:$0x3] =	stream.linear.gather [hbm4b:s0+s3], $0x100, $0x38;
	[tilespmem:$0x1E400] =	vst v63  }
0xd1: {  	_ =	swait.ge [sflag:s19], $0x100  }
0xd2: {  	s7 =	sadd.s32 s30, s12;
	[sflag:s19] =	ssyncset.done $0x0  }
0xd3: {  	s1 =	sadd.s32 $0x5000, s7;
	[sflag:s19] =	ssyncadd.s32 $0xFFFFFF00  }
0xd4: {  	[tilespmem:s20], [sflag:$0x3] =	stream.linear.gather [hbm4b:s1+s3], $0x100, $0x38;
	[tilespmem:$0x1E400] =	vst v63  }
0xd5: {  	_ =	swait.ge [sflag:s19], $0x100  }
0xd6: {  	[sflag:s19] =	ssyncset.done $0x0  }
0xd7: {  	s31 =	sadd.s32 s30, s15;
	[sflag:s19] =	ssyncadd.s32 $0xFFFFFF00  }
0xd8: {  	[tilespmem:s21], [sflag:$0x3] =	stream.linear.gather [hbm4b:s31+s3], $0x100, $0x38;
	[tilespmem:$0x1E400] =	vst v63  }
0xd9: {  	_ =	swait.ge [sflag:s19], $0x100  }
0xda: {  	[sflag:s19] =	ssyncset.done $0x0  }
0xdb: {  	s0 =	sadd.s32 $0x5020, s7;
	[sflag:s19] =	ssyncadd.s32 $0xFFFFFF00  }
0xdc: {  	[tilespmem:s22], [sflag:$0x3] =	stream.linear.gather [hbm4b:s0+s3], $0x100, $0x38;
	[tilespmem:$0x1E400] =	vst v63  }
0xdd: {  	_ =	swait.ge [sflag:s19], $0x100  }
0xde: {  	[sflag:s19] =	ssyncset.done $0x0  }
0xdf: {  	[sflag:s19] =	ssyncadd.s32 $0xFFFFFF00  }
0xe0: {  	[tilespmem:s24], [sflag:$0x1] =	stream.indirect.gather [hbm4b:s4+s23], $0x80, s3, s23, $0xb8;
	[tilespmem:$0x1E400] =	vst v63  }
0xe1: {  	_ = 	snop  }
0xe2: {  	[tilespmem:s25], [sflag:$0x2] =	stream.indirect.gather [hbm4b:s4+s23], $0x80, s21, s23, $0xb8;
	[tilespmem:$0x1E400] =	vst v63  }
0xe3: {  	_ =	swait.ge [sflag:s26], $0x5000  }
0xe4: {  	[sflag:s26] =	ssyncset.done $0x0  }
0xe5: {  	[sflag:s26] =	ssyncadd.s32 $0xFFFFB000  }
0xe6: {  	[spmem:s2] =	stream.indirect.scatter.add.f32 [tilespmem:s24], [sflag:$0x3], $0x80, s20, s23, $0xb8;
	[tilespmem:$0x1E400] =	vst v63  }
0xe7: {  	_ =	swait.ge [sflag:s19], $0x5000  }
0xe8: {  	[sflag:s19] =	ssyncset.done $0x0  }
0xe9: {  	[sflag:s19] =	ssyncadd.s32 $0xFFFFB000  }
0xea: {  	_ =	swait.ge [sflag:s28], $0x5000  }
0xeb: {  	[sflag:s28] =	ssyncset.done $0x0  }
0xec: {  	[sflag:s28] =	ssyncadd.s32 $0xFFFFB000  }
0xed: {  	[spmem:s2] =	stream.indirect.scatter.add.f32 [tilespmem:s25], [sflag:$0x3], $0x80, s22, s23, $0xb8;
	[tilespmem:$0x1E400] =	vst v63  }
0xee: {  	_ =	swait.ge [sflag:s19], $0x5000  }
0xef: {  	[sflag:s19] =	ssyncset.done $0x0  }
0xf0: {  	[sflag:s19] =	ssyncadd.s32 $0xFFFFB000  }
0xf1: {  	[bflag:$0x0] =	sbarrier.arrive $0xFFFF  }
0xf2: {  	[hbm:s8], [sflag:s6] =	dma.local [spmem:s18], $0x2800  }
0xf3: {  	_ =	swait.ge [sflag:s19], $0x2800  }
0xf4: {  	[sflag:s19] =	ssyncset.done $0x0  }
0xf5: {  	[sflag:s19] =	ssyncadd.s32 $0xFFFFD800  }
0xf6: {  	[bflag:$0x0] =	sbarrier.arrive $0xFFFF  }
0xf7: {  	[spmem:s18], [sflag:s6] =	dma.local [hbm:s5], $0x2800  }
0xf8: {  	_ =	swait.ge [sflag:s19], $0x2800  }
0xf9: {  	[sflag:s19] =	ssyncset.done $0x0  }
0xfa: {  	[sflag:s19] =	ssyncadd.s32 $0xFFFFD800  }
0xfb: {  	s1 =	sadd.s32 $0x0, s16;
	[bflag:$0x0] =	sbarrier.arrive $0xFFFF  }
0xfc: {  	[tilespmem:s3], [sflag:$0x3] =	stream.linear.gather [hbm4b:s1+s3], $0x100, $0x38;
	[tilespmem:$0x1E400] =	vst v63  }
0xfd: {  	_ =	swait.ge [sflag:s19], $0x100  }
0xfe: {  	s0 =	sadd.s32 $0x0, s12;
	[sflag:s19] =	ssyncset.done $0x0  }
0xff: {  	s7 =	sadd.s32 $0xA000, s0;
	[sflag:s19] =	ssyncadd.s32 $0xFFFFFF00  }
0x100: {  	[tilespmem:s20], [sflag:$0x3] =	stream.linear.gather [hbm4b:s7+s3], $0x100, $0x38;
	[tilespmem:$0x1E400] =	vst v63  }
0x101: {  	_ =	swait.ge [sflag:s19], $0x100  }
0x102: {  	[sflag:s19] =	ssyncset.done $0x0  }
0x103: {  	s31 =	sadd.s32 $0x0, s17;
	[sflag:s19] =	ssyncadd.s32 $0xFFFFFF00  }
0x104: {  	[tilespmem:s21], [sflag:$0x3] =	stream.linear.gather [hbm4b:s31+s3], $0x100, $0x38;
	[tilespmem:$0x1E400] =	vst v63  }
0x105: {  	_ =	swait.ge [sflag:s19], $0x100  }
0x106: {  	[sflag:s19] =	ssyncset.done $0x0  }
0x107: {  	s0 =	sadd.s32 $0xA020, s0;
	[sflag:s19] =	ssyncadd.s32 $0xFFFFFF00  }
0x108: {  	[tilespmem:s22], [sflag:$0x3] =	stream.linear.gather [hbm4b:s0+s3], $0x100, $0x38;
	[tilespmem:$0x1E400] =	vst v63  }
0x109: {  	_ =	swait.ge [sflag:s19], $0x100  }
0x10a: {  	[sflag:s19] =	ssyncset.done $0x0  }
0x10b: {  	[sflag:s19] =	ssyncadd.s32 $0xFFFFFF00  }
0x10c: {  	[tilespmem:s24], [sflag:$0x1] =	stream.indirect.gather [hbm4b:s4+s23], $0x80, s3, s23, $0xb8;
	[tilespmem:$0x1E400] =	vst v63  }
0x10d: {  	_ = 	snop  }
0x10e: {  	[tilespmem:s25], [sflag:$0x2] =	stream.indirect.gather [hbm4b:s4+s23], $0x80, s21, s23, $0xb8;
	[tilespmem:$0x1E400] =	vst v63  }
0x10f: {  	_ =	swait.ge [sflag:s26], $0x5000  }
0x110: {  	[sflag:s26] =	ssyncset.done $0x0  }
0x111: {  	[sflag:s26] =	ssyncadd.s32 $0xFFFFB000  }
0x112: {  	[spmem:s2] =	stream.indirect.scatter.add.f32 [tilespmem:s24], [sflag:$0x3], $0x80, s20, s23, $0xb8;
	[tilespmem:$0x1E400] =	vst v63  }
0x113: {  	_ =	swait.ge [sflag:s19], $0x5000  }
0x114: {  	[sflag:s19] =	ssyncset.done $0x0  }
0x115: {  	[sflag:s19] =	ssyncadd.s32 $0xFFFFB000  }
0x116: {  	_ =	swait.ge [sflag:s28], $0x5000  }
0x117: {  	[sflag:s28] =	ssyncset.done $0x0  }
0x118: {  	[sflag:s28] =	ssyncadd.s32 $0xFFFFB000  }
0x119: {  	[spmem:s2] =	stream.indirect.scatter.add.f32 [tilespmem:s25], [sflag:$0x3], $0x80, s22, s23, $0xb8;
	[tilespmem:$0x1E400] =	vst v63  }
0x11a: {  	_ =	swait.ge [sflag:s19], $0x5000  }
0x11b: {  	s30 =	simm.s32 $0x40;
	s1 =	simm.s32 $0x80;
	[sflag:s19] =	ssyncset.done $0x0  }
.LBB2_6:
0x11c: {  	s0 =	sadd.s32 s30, s16  }
0x11d: {  	[sflag:s19] =	ssyncadd.s32 $0xFFFFB000;
	s7 =	smov.u32 s1;
	s31 =	sadd.s32 $0x40, s1  }
0x11e: {  	[tilespmem:s3], [sflag:$0x3] =	stream.linear.gather [hbm4b:s0+s3], $0x100, $0x38;
	[tilespmem:$0x1E400] =	vst v63  }
0x11f: {  	p0 =	sne.s32 s1, $0x4C0;
	_ =	swait.ge [sflag:s19], $0x100  }
0x120: {  	s0 =	sadd.s32 s30, s12;
	[sflag:s19] =	ssyncset.done $0x0  }
0x121: {  	s1 =	sadd.s32 $0xA000, s0;
	[sflag:s19] =	ssyncadd.s32 $0xFFFFFF00  }
0x122: {  	[tilespmem:s20], [sflag:$0x3] =	stream.linear.gather [hbm4b:s1+s3], $0x100, $0x38;
	[tilespmem:$0x1E400] =	vst v63  }
0x123: {  	_ =	swait.ge [sflag:s19], $0x100  }
0x124: {  	[sflag:s19] =	ssyncset.done $0x0  }
0x125: {  	s1 =	sadd.s32 s30, s17;
	s30 =	smov.u32 s7;
	[sflag:s19] =	ssyncadd.s32 $0xFFFFFF00  }
0x126: {  	[tilespmem:s21], [sflag:$0x3] =	stream.linear.gather [hbm4b:s1+s3], $0x100, $0x38;
	[tilespmem:$0x1E400] =	vst v63  }
0x127: {  	_ =	swait.ge [sflag:s19], $0x100  }
0x128: {  	[sflag:s19] =	ssyncset.done $0x0  }
0x129: {  	s0 =	sadd.s32 $0xA020, s0;
	[sflag:s19] =	ssyncadd.s32 $0xFFFFFF00  }
0x12a: {  	[tilespmem:s22], [sflag:$0x3] =	stream.linear.gather [hbm4b:s0+s3], $0x100, $0x38;
	[tilespmem:$0x1E400] =	vst v63  }
0x12b: {  	_ =	swait.ge [sflag:s19], $0x100  }
0x12c: {  	[sflag:s19] =	ssyncset.done $0x0  }
0x12d: {  	[sflag:s19] =	ssyncadd.s32 $0xFFFFFF00  }
0x12e: {  	[tilespmem:s24], [sflag:$0x1] =	stream.indirect.gather [hbm4b:s4+s23], $0x80, s3, s23, $0xb8;
	[tilespmem:$0x1E400] =	vst v63  }
0x12f: {  	_ = 	snop  }
0x130: {  	[tilespmem:s25], [sflag:$0x2] =	stream.indirect.gather [hbm4b:s4+s23], $0x80, s21, s23, $0xb8;
	[tilespmem:$0x1E400] =	vst v63  }
0x131: {  	_ =	swait.ge [sflag:s26], $0x5000  }
0x132: {  	[sflag:s26] =	ssyncset.done $0x0  }
0x133: {  	[sflag:s26] =	ssyncadd.s32 $0xFFFFB000  }
0x134: {  	[spmem:s2] =	stream.indirect.scatter.add.f32 [tilespmem:s24], [sflag:$0x3], $0x80, s20, s23, $0xb8;
	[tilespmem:$0x1E400] =	vst v63  }
0x135: {  	_ =	swait.ge [sflag:s19], $0x5000  }
0x136: {  	[sflag:s19] =	ssyncset.done $0x0  }
0x137: {  	[sflag:s19] =	ssyncadd.s32 $0xFFFFB000  }
0x138: {  	_ =	swait.ge [sflag:s28], $0x5000  }
.Ltmp2:
0x139: {  	[sflag:s28] =	ssyncset.done $0x0;
	(pc) =	sbr.rel @p0 .LBB2_6-.Ltmp2, $4  }
0x13a: {  	[sflag:s28] =	ssyncadd.s32 $0xFFFFB000  }
0x13b: {  	[spmem:s2] =	stream.indirect.scatter.add.f32 [tilespmem:s25], [sflag:$0x3], $0x80, s22, s23, $0xb8;
	[tilespmem:$0x1E400] =	vst v63  }
0x13c: {  	_ =	swait.ge [sflag:s19], $0x5000  }
0x13d: {  	s1 =	smov.u32 s31;
	[sflag:s19] =	ssyncset.done $0x0  }
0x13e: {  	s0 =	sadd.s32 s30, s16;
	[sflag:s19] =	ssyncadd.s32 $0xFFFFB000  }
0x13f: {  	[tilespmem:s3], [sflag:$0x3] =	stream.linear.gather [hbm4b:s0+s3], $0x100, $0x38;
	[tilespmem:$0x1E400] =	vst v63  }
0x140: {  	_ =	swait.ge [sflag:s19], $0x100  }
0x141: {  	s7 =	sadd.s32 s30, s12;
	[sflag:s19] =	ssyncset.done $0x0  }
0x142: {  	s1 =	sadd.s32 $0xA000, s7;
	[sflag:s19] =	ssyncadd.s32 $0xFFFFFF00  }
0x143: {  	[tilespmem:s20], [sflag:$0x3] =	stream.linear.gather [hbm4b:s1+s3], $0x100, $0x38;
	[tilespmem:$0x1E400] =	vst v63  }
0x144: {  	_ =	swait.ge [sflag:s19], $0x100  }
0x145: {  	[sflag:s19] =	ssyncset.done $0x0  }
0x146: {  	s31 =	sadd.s32 s30, s17;
	[sflag:s19] =	ssyncadd.s32 $0xFFFFFF00  }
0x147: {  	[tilespmem:s21], [sflag:$0x3] =	stream.linear.gather [hbm4b:s31+s3], $0x100, $0x38;
	[tilespmem:$0x1E400] =	vst v63  }
0x148: {  	_ =	swait.ge [sflag:s19], $0x100  }
0x149: {  	[sflag:s19] =	ssyncset.done $0x0  }
0x14a: {  	s0 =	sadd.s32 $0xA020, s7;
	[sflag:s19] =	ssyncadd.s32 $0xFFFFFF00  }
0x14b: {  	[tilespmem:s22], [sflag:$0x3] =	stream.linear.gather [hbm4b:s0+s3], $0x100, $0x38;
	[tilespmem:$0x1E400] =	vst v63  }
0x14c: {  	_ =	swait.ge [sflag:s19], $0x100  }
0x14d: {  	[sflag:s19] =	ssyncset.done $0x0  }
0x14e: {  	[sflag:s19] =	ssyncadd.s32 $0xFFFFFF00  }
0x14f: {  	[tilespmem:s24], [sflag:$0x1] =	stream.indirect.gather [hbm4b:s4+s23], $0x80, s3, s23, $0xb8;
	[tilespmem:$0x1E400] =	vst v63  }
0x150: {  	_ = 	snop  }
0x151: {  	[tilespmem:s25], [sflag:$0x2] =	stream.indirect.gather [hbm4b:s4+s23], $0x80, s21, s23, $0xb8;
	[tilespmem:$0x1E400] =	vst v63  }
0x152: {  	_ =	swait.ge [sflag:s26], $0x5000  }
0x153: {  	[sflag:s26] =	ssyncset.done $0x0  }
0x154: {  	[sflag:s26] =	ssyncadd.s32 $0xFFFFB000  }
0x155: {  	[spmem:s2] =	stream.indirect.scatter.add.f32 [tilespmem:s24], [sflag:$0x3], $0x80, s20, s23, $0xb8;
	[tilespmem:$0x1E400] =	vst v63  }
0x156: {  	_ =	swait.ge [sflag:s19], $0x5000  }
0x157: {  	[sflag:s19] =	ssyncset.done $0x0  }
0x158: {  	[sflag:s19] =	ssyncadd.s32 $0xFFFFB000  }
0x159: {  	_ =	swait.ge [sflag:s28], $0x5000  }
0x15a: {  	[sflag:s28] =	ssyncset.done $0x0  }
0x15b: {  	[sflag:s28] =	ssyncadd.s32 $0xFFFFB000  }
0x15c: {  	[spmem:s2] =	stream.indirect.scatter.add.f32 [tilespmem:s25], [sflag:$0x3], $0x80, s22, s23, $0xb8;
	[tilespmem:$0x1E400] =	vst v63  }
0x15d: {  	_ =	swait.ge [sflag:s19], $0x5000  }
0x15e: {  	[sflag:s19] =	ssyncset.done $0x0  }
0x15f: {  	s29 =	sadd.s32 $0x1, s29;
	[sflag:s19] =	ssyncadd.s32 $0xFFFFB000  }
0x160: {  	p0 =	sne.s32 s29, s10;
	[bflag:$0x0] =	sbarrier.arrive $0xFFFF  }
0x161: {  	[hbm:s9], [sflag:s6] =	dma.local [spmem:s18], $0x2800  }
.Ltmp3:
0x162: {  	_ =	swait.ge [sflag:s19], $0x2800;
	(pc) =	sbr.rel @p0 .LBB2_1-.Ltmp3, $3  }
0x163: {  	[sflag:s19] =	ssyncset.done $0x0  }
0x164: {  	[sflag:s19] =	ssyncadd.s32 $0xFFFFD800  }
0x165: {  	[bflag:$0x0] =	sbarrier.arrive $0xFFFF;
	_ =	sdelay $0x1  }
0x166: {  	_ =	sfence.sel $0x180000  }
0x167: {  	[bflag:$0x0] =	sbarrier.arrive $0xFFFF  }
0x168: {  	_ =	strace $0x9000004D  }
0x169: {  	s0 =	stileid.u32;
	[bflag:$0x2] =	sbarrier.arrive $0xFFFF  }
0x16a: {  	p0 =	sne.s32 s0, $0x0;
	s0 =	rddreg [dreg:$0x2]  }
0x16b: {  	s0 =	sadd.s32 @!p0 $0x100000, s0  }
0x16c: {  	[sflag:s0] =	ssyncadd.tile.s32 @!p0 $0x1;
	_ =	shalt  }
.Lfunc_end2:
_tile_overlayer_lowered:
.L_overlay_start_2:
0x16d: {  	(tag) =	ssettag $0x2  }
0x16e: {  	s0 =	rddreg [dreg:$0x0];
	s2 =	stileid.u32  }
0x16f: {  	s1 =	rddreg [dreg:$0x1];
	p0 =	sne.s32 s2, $0x0  }
0x170: {  	s3 =	rddreg [dreg:$0x2];
	[bflag:$0x3] =	sbarrier.arrive $0xFFFF;
	s2 =	simm.s32 @!p0 $0x1C03  }
0x171: {  	[timem:s3], [sflag:s2] =	dma.local @!p0 [hbm:s0], s1  }
0x172: {  	s0 =	simm.s32 @!p0 $0x3  }
0x173: {  	_ =	swait.ge @!p0 [sflag:s0], s1  }
0x174: {  	s1 =	ssub.s32 @!p0 $0x0, s1;
	[sflag:s0] =	ssyncset.done @!p0 $0x0  }
0x175: {  	[sflag:s0] =	ssyncadd.s32 @!p0 s1  }
0x176: {  	[bflag:$0x3] =	sbarrier.arrive $0xFFFF  }
0x177: {  	_ =	shalt  }

// kernel: kernel.19.cloned.1.call-start
scs
__scs_entry_jumppad:
0x0: {  	(pc) =	sbr.rel $0x88, $3  }
0x1: {  	(tag) =	ssettag $0x0;
	lr =	simm.s32 $0x1  }
0x2: {  	[smem:$0x3F8A] =	sst lr;
	_ =	strace $0xD0000000  }
0x3: {  	_ = 	snop  }
0x4: {  	_ = 	snop  }
0x5: {  	_ = 	snop  }
0x6: {  	_ = 	snop  }
0x7: {  	_ = 	snop  }
__scs_overlays_trampoline_lowered:
0x8: {  	[smem:$0x3F99] =	sst s0  }
0x9: {  	[smem:$0x3F9A] =	sst s1  }
0xa: {  	[smem:$0x3F9B] =	sst s2  }
0xb: {  	[smem:$0x3F9C] =	sst s3  }
0xc: {  	[smem:$0x3F9D] =	sst s4  }
0xd: {  	[smem:$0x3F9E] =	sst s5  }
0xe: {  	[smem:$0x3F9F] =	sst s6  }
0xf: {  	[smem:$0x3FA0] =	sst s7  }
0x10: {  	[smem:$0x3FA1] =	sst s8  }
0x11: {  	[smem:$0x3FA2] =	sst s9;
	s0 =	simm.s32 @!p0 $0x0  }
0x12: {  	s1 =	sld [smem:$0x3F88];
	s0 =	simm.s32 @p0 $0x1  }
0x13: {  	[smem:$0x3FA3] =	sst s0;
	s0 =	simm.s32 @!p1 $0x0  }
0x14: {  	s2 =	sld [smem:$0x3F87];
	s0 =	simm.s32 @p1 $0x1  }
0x15: {  	[smem:$0x3FA4] =	sst s0;
	s0 =	simm.s32 @!p2 $0x0  }
0x16: {  	s3 =	sld [smem:$0x3FDB];
	s0 =	simm.s32 @p2 $0x1  }
0x17: {  	s4 =	simm.s32 $0x1BF5;
	[smem:$0x3FA6] =	sst s0  }
0x18: {  	s0 =	sld [smem:$0x3F89];
	_ =	swait.ge [sflag:s4], $0x0  }
0x19: {  	s7 =	sld [smem:$0x3F8A]  }
0x1a: {  	s8 =	sadd.s32 $0xFFFFE003, lr  }
0x1b: {  	s9 =	sadd.s32 $0xFFFFFEF7, lr;
	s5 =	simm.s32 $0xFFFFFFFF;
	p2 =	slt.u32 s8, $0xFFFFF086  }
0x1c: {  	p1 =	slt.u32 s9, $0xF7A;
	s5 =	simm.s32 @!p2 $0x0  }
0x1d: {  	s5 =	simm.s32 @p1 $0x1;
	p0 =	seq.s32 s7, s2  }
0x1e: {  	s7 =	smul.u32 @!p0 $0xF7A, s2;
	p2 =	seq.s32 @!p0 s5, $0x0  }
0x1f: {  	s9 =	smul.u32 $0xF7A, s1;
	s8 =	simm.s32 @!p0 $0x1BF5;
	p2 =	por !p2, p0  }
0x20: {  	[sflag:s8] =	ssyncset.s32 @!p0 $0xFFFFF086;
	s6 =	sadd.s32 @!p0 s3, s7;
	s7 =	simm.s32 @!p0 $0x108  }
0x21: {  	s3 =	sadd.s32 s3, s9;
	s6 =	sadd.s32 @!p0 $0x88, s6;
	s7 =	simm.s32 @p2 $0x1082  }
0x22: {  	[simem:s7], [sflag:s8] =	dma.local @!p0 [hbm:s6], $0xF7A  }
0x23: {  	s9 =	sor.u32 $0xD0000000, s2;
	s6 =	simm.s32 $0x108;
	_ =	swait.ge @!p0 [sflag:s8], $0x0  }
0x24: {  	s3 =	sadd.s32 $0x88, s3;
	s6 =	simm.s32 @!p1 $0x1082;
	[sflag:s4] =	ssyncset.s32 $0xFFFFF086  }
0x25: {  	[simem:s6], [sflag:s4] =	dma.local [hbm:s3], $0xF7A  }
0x26: {  	[smem:$0x3F8A] =	sst s1;
	(tag) =	ssettag s2;
	_ =	strace s9  }
0x27: {  	s1 =	sld [smem:$0x3F9A]  }
0x28: {  	s2 =	sld [smem:$0x3F9B]  }
0x29: {  	s4 =	sld [smem:$0x3F9D]  }
0x2a: {  	p0 =	seq.s32 s5, $0x0;
	s5 =	sld [smem:$0x3F9E]  }
0x2b: {  	s6 =	sld [smem:$0x3F9F]  }
0x2c: {  	s7 =	sld [smem:$0x3FA0]  }
0x2d: {  	s3 =	simm.s32 $0x108;
	s8 =	sld [smem:$0x3FA1]  }
0x2e: {  	s3 =	simm.s32 @!p0 $0x1082;
	s9 =	sld [smem:$0x3FA2]  }
0x2f: {  	lr =	sadd.s32 s0, s3;
	s0 =	sld [smem:$0x3F99]  }
0x30: {  	s3 =	sld [smem:$0x3F9C]  }
0x31: {  	[smem:$0x3FA5] =	sst s10  }
0x32: {  	s10 =	sld [smem:$0x3FA3];
	_ =	sdelay $0x3  }
0x33: {  	p0 =	seq.s32 s10, $0x1;
	s10 =	sld [smem:$0x3FA5];
	_ =	sdelay $0x3  }
0x34: {  	[smem:$0x3FA5] =	sst s10  }
0x35: {  	s10 =	sld [smem:$0x3FA4];
	_ =	sdelay $0x3  }
0x36: {  	p1 =	seq.s32 s10, $0x1;
	s10 =	sld [smem:$0x3FA5];
	_ =	sdelay $0x3  }
0x37: {  	[smem:$0x3FA5] =	sst s10  }
0x38: {  	s10 =	sld [smem:$0x3FA6]  }
0x39: {  	_ = 	snop;
	(pc) =	sbr.ind lr, $3  }
0x3a: {  	_ = 	snop  }
0x3b: {  	_ = 	snop  }
0x3c: {  	p2 =	seq.s32 s10, $0x1;
	s10 =	sld [smem:$0x3FA5]  }
0x3d: {  	_ =	shalt  }
0x3e: {  	_ =	shalt  }
0x3f: {  	_ =	shalt  }
0x40: {  	_ =	shalt  }
0x41: {  	_ =	shalt  }
0x42: {  	_ =	shalt  }
0x43: {  	_ =	shalt  }
0x44: {  	_ =	shalt  }
0x45: {  	_ =	shalt  }
0x46: {  	_ =	shalt  }
0x47: {  	_ =	shalt  }
0x48: {  	_ =	shalt  }
0x49: {  	_ =	shalt  }
0x4a: {  	_ =	shalt  }
0x4b: {  	_ =	shalt  }
0x4c: {  	_ =	shalt  }
0x4d: {  	_ =	shalt  }
0x4e: {  	_ =	shalt  }
0x4f: {  	_ =	shalt  }
0x50: {  	_ =	shalt  }
0x51: {  	_ =	shalt  }
0x52: {  	_ =	shalt  }
0x53: {  	_ =	shalt  }
0x54: {  	_ =	shalt  }
0x55: {  	_ =	shalt  }
0x56: {  	_ =	shalt  }
0x57: {  	_ =	shalt  }
0x58: {  	_ =	shalt  }
0x59: {  	_ =	shalt  }
0x5a: {  	_ =	shalt  }
0x5b: {  	_ =	shalt  }
0x5c: {  	_ =	shalt  }
0x5d: {  	_ =	shalt  }
0x5e: {  	_ =	shalt  }
0x5f: {  	_ =	shalt  }
0x60: {  	_ =	shalt  }
0x61: {  	_ =	shalt  }
0x62: {  	_ =	shalt  }
0x63: {  	_ =	shalt  }
0x64: {  	_ =	shalt  }
0x65: {  	_ =	shalt  }
0x66: {  	_ =	shalt  }
0x67: {  	_ =	shalt  }
0x68: {  	_ =	shalt  }
0x69: {  	_ =	shalt  }
0x6a: {  	_ =	shalt  }
0x6b: {  	_ =	shalt  }
0x6c: {  	_ =	shalt  }
0x6d: {  	_ =	shalt  }
0x6e: {  	_ =	shalt  }
0x6f: {  	_ =	shalt  }
0x70: {  	_ =	shalt  }
0x71: {  	_ =	shalt  }
0x72: {  	_ =	shalt  }
0x73: {  	_ =	shalt  }
0x74: {  	_ =	shalt  }
0x75: {  	_ =	shalt  }
0x76: {  	_ =	shalt  }
0x77: {  	_ =	shalt  }
0x78: {  	_ =	shalt  }
0x79: {  	_ =	shalt  }
0x7a: {  	_ =	shalt  }
0x7b: {  	_ =	shalt  }
0x7c: {  	_ =	shalt  }
0x7d: {  	_ =	shalt  }
0x7e: {  	_ =	shalt  }
0x7f: {  	_ =	shalt  }
0x80: {  	_ =	shalt  }
0x81: {  	_ =	shalt  }
0x82: {  	_ =	shalt  }
0x83: {  	_ =	shalt  }
0x84: {  	_ =	shalt  }
0x85: {  	_ =	shalt  }
0x86: {  	_ =	shalt  }
0x87: {  	_ =	shalt  }
.Lfunc_end0:
.L_simem_size_0:
called_computation.3_lowered:
.L_overlay_start_0:
0x88: {  	s2 =	sld [smem:$0x3FD9]  }
0x89: {  	s3 =	sld [smem:$0x3FFE];
	_ =	sdelay $0x1  }
0x8a: {  	s1 =	srdreg.scid  }
0x8b: {  	s0 =	sand.u32 $0x1, s1  }
0x8c: {  	s16 =	sshll.u32 s0, $0xA;
	s2 =	sadd.s32 s3, s2  }
0x8d: {  	s2 =	sadd.s32 s2, s16  }
0x8e: {  	[smem:$0x3FB1] =	sst s2  }
0x8f: {  	_ = 	snop  }
0x90: {  	(tm) =	ssettm $0x1  }
0x91: {  	s17 =	sld [smem:$0x3FFB];
	_ =	sdelay $0x3  }
0x92: {  	_ =	strace s17  }
0x93: {  	s2 =	sld [smem:$0x3FFC];
	_ =	sdelay $0x3  }
0x94: {  	_ =	strace s2  }
0x95: {  	s2 =	sld [smem:$0x3FFD];
	_ =	sdelay $0x3  }
0x96: {  	_ =	strace s2  }
0x97: {  	_ =	strace $0x8FFFFFFF  }
0x98: {  	s18 =	sld [smem:$0x3FDB];
	_ =	sdelay $0x1  }
0x99: {  	s19 =	simm.s32 $_scs_section_size  }
0x9a: {  	s4 =	simm.s32 $_size__tile_overlayer_lowered;
	s5 =	simm.s32 $_tile_overlayer_lowered  }
0x9b: {  	s22 =	simm.s32 $0x1BFF;
	s21 =	sshll.u32 s5, $0x1;
	s2 =	sadd.s32 s19, s18  }
0x9c: {  	s6 =	simm.s32 $0x0;
	s20 =	sshll.u32 s4, $0x1;
	s4 =	sadd.s32 s21, s2  }
0x9d: {  	[timem:s6], [sflag:s22] =	dma.local [hbm:s4], s20  }
0x9e: {  	_ =	swait.ge [sflag:s22], s20  }
0x9f: {  	s3 =	ssub.s32 $0x0, s20;
	[sflag:s22] =	ssyncset.done $0x0  }
0xa0: {  	[sflag:s22] =	ssyncadd.s32 s3;
	_ =	sdelay $0x1  }
0xa1: {  	s23 =	simm.s32 $0x1B8B  }
0xa2: {  	_ =	swait.ge [sflag:s23], $0x1  }
0xa3: {  	[sflag:s23] =	ssyncset.done $0x0  }
0xa4: {  	s25 =	simm.s32 $0x1B8E;
	s24 =	sld [smem:$0x3FFE];
	[sflag:s23] =	ssyncadd.s32 $0xFFFFFFFF  }
0xa5: {  	s26 =	simm.s32 $execute0_lowered;
	[smem:$0x3FD2] =	sst s25  }
0xa6: {  	s4 =	sshll.u32 s26, $0x1;
	_ =	strace $0x8000004F;
	[dreg:$0x1] =	wrdreg $0xFFFFFFFF  }
0xa7: {  	s28 =	simm.s32 $_size_execute0_lowered;
	s2 =	sadd.s32 s2, s4;
	[dreg:$0x0] =	wrdreg $0x0  }
0xa8: {  	s4 =	sshll.u32 s28, $0x1;
	[dreg:$0x2] =	wrdreg s2  }
0xa9: {  	[dreg:$0x3] =	wrdreg s4  }
0xaa: {  	[dreg:$0x4] =	wrdreg $0xC0  }
0xab: {  	_ =	task [dreg:s6], $0x5FFFF  }
0xac: {  	[dreg:$0x1] =	wrdreg $0xFFFFFFFF  }
0xad: {  	[dreg:$0x0] =	wrdreg $0x60  }
0xae: {  	[dreg:$0x2] =	wrdreg s24  }
0xaf: {  	[dreg:$0x3] =	wrdreg $0xA4000  }
0xb0: {  	[dreg:$0x4] =	wrdreg $0x9  }
0xb1: {  	_ =	task.clear_ibuf [dreg:s6], $0x5FFFF;
	_ =	strace $0x9000004F  }
0xb2: {  	s29 =	simm.s32 $0x9;
	_ =	strace $0x80000051  }
0xb3: {  	_ =	swait.ge [sflag:s29], $0x1  }
0xb4: {  	[sflag:s29] =	ssyncadd.s32 $0xFFFFFFFF  }
0xb5: {  	_ =	strace $0x90000051  }
0xb6: {  	_ =	sfence  }
0xb7: {  	s30 =	sld [smem:$0x0];
	_ =	sdelay $0x2  }
0xb8: {  	s31 =	sshll.u32 s1, $0xD;
	s1 =	sshrl.u32 s1, $0x2  }
0xb9: {  	s3 =	sand.u32 $0x4000, s31;
	s1 =	sadd.s32 s1, s30  }
0xba: {  	s0 =	sor.u32 s3, s0;
	s1 =	sshll.u32 s1, $0x11  }
0xbb: {  	s0 =	sor.u32 s1, s0  }
0xbc: {  	s0 =	sadd.s32 $0x8F2B, s0  }
0xbd: {  	[sflag:s0] =	ssyncadd.remote.s32 $0x1  }
0xbe: {  	_ =	sfence.sel $0xFFFF  }
0xbf: {  	[dreg:$0x0] =	wrdreg $0xFFFFFFFF;
	(pc) =	sbr.abs _section_cstart, $3  }
0xc0: {  	[dreg:$0x1] =	wrdreg $0xFFFFFFFF  }
0xc1: {  	_ =	task.clear_ibuf [dreg:s6], $0x2FFFF;
	_ =	strace $0x9FFFFFFF  }
0xc2: {  	(tm) =	ssettm $0x7FFFFFFF  }
0xc3: {  	_ =	shalt  }
tec
execute0_lowered:
.L_overlay_start_1:
0x0: {  	(tag) =	ssettag $0x1  }
0x1: {  	s1 =	rddreg [dreg:$0x0]  }
0x2: {  	s2 =	rddreg [dreg:$0x1];
	s0 =	stileid.u32  }
0x3: {  	s4 =	srdreg.scid;
	s5 =	smul.u32 $0x14000, s0  }
0x4: {  	s3 =	simm.s32 $0x0;
	s28 =	simm.s32 $0x2;
	s9 =	smul.u32 $0x500, s0  }
0x5: {  	s29 =	simm.s32 $0x0;
	s6 =	sand.u32 $0x1, s4;
	s10 =	smul.u32 $0x50000, s0  }
0x6: {  	[smem:$0x7FF] =	sst s3;
	s4 =	sadd.s32 $0x5600, s1;
	s22 =	smul.u32 $0x2800, s0  }
0x7: {  	s17 =	sadd.s32 $0x2AFA00, s1;
	s21 =	sshll.u32 s0, $0x6;
	s8 =	smul.u32 $0x140000, s6  }
0x8: {  	_ =	strace $0x80000050;
	s16 =	ssub.s32 $0x2, s6;
	s20 =	smul.u32 $0x78000, s6  }
0x9: {  	s6 =	sor.u32 $0x1C03, s21;
	s21 =	simm.s32 $0x200;
	s7 =	sshrl.u32 s5, $0x3  }
0xa: {  	s12 =	sadd.s32 s9, s1;
	s18 =	sshrl.u32 s16, $0x1;
	s19 =	sshrl.u32 s10, $0x2  }
0xb: {  	s7 =	sadd.s32 s7, s1;
	s5 =	sadd.s32 s5, s8;
	s11 =	ssub.s32 s16, s18  }
0xc: {  	s18 =	sadd.s32 s19, s2;
	s15 =	sadd.s32 s22, s20;
	s12 =	sadd.s32 $0x2A0A00, s12  }
0xd: {  	s20 =	simm.s32 $0x100;
	s22 =	simm.s32 $0x300;
	s5 =	sshrl.u32 s5, $0x3  }
0xe: {  	s10 =	smax.u32 s11, $0x1;
	s24 =	sshrl.u32 s15, $0x3;
	s13 =	sor.u32 $0x100, s15  }
0xf: {  	s14 =	sadd.s32 $0x28000, s15;
	s30 =	sadd.s32 $0x28100, s15;
	s16 =	sadd.s32 $0x50000, s15  }
0x10: {  	s19 =	sadd.s32 $0x50100, s15;
	s18 =	sshrl.u32 s18, $0x3;
	s1 =	sadd.s32 s5, s1  }
0x11: {  	s5 =	sadd.s32 $0x98A00, s7;
	s11 =	sadd.s32 s24, s17;
	s25 =	sshrl.u32 s13, $0x3  }
0x12: {  	s26 =	sshrl.u32 s14, $0x3;
	s16 =	sshrl.u32 s16, $0x3;
	s31 =	sshrl.u32 s19, $0x3  }
0x13: {  	s19 =	simm.s32 $0x3;
	s24 =	simm.s32 $0x400;
	s23 =	sadd.s32 $0xC0A00, s1  }
0x14: {  	s8 =	sadd.s32 $0x110A00, s1;
	s9 =	sadd.s32 $0x160A00, s1;
	s13 =	sadd.s32 s25, s17  }
0x15: {  	s14 =	sadd.s32 s26, s17;
	s1 =	sshrl.u32 s30, $0x3;
	s16 =	sadd.s32 s16, s17  }
0x16: {  	s25 =	simm.s32 $0x5400;
	s26 =	simm.s32 $0x1;
	[dreg:$0x3] =	wrdreg s23  }
0x17: {  	s15 =	sadd.s32 s1, s17;
	s17 =	sadd.s32 s31, s17;
	s23 =	simm.s32 $0xA0  }
.LBB2_1:
0x18: {  	[spmem:s18], [sflag:s6] =	dma.local [hbm:s5], $0x2800  }
0x19: {  	_ =	swait.ge [sflag:s19], $0x2800  }
0x1a: {  	[sflag:s19] =	ssyncset.done $0x0  }
0x1b: {  	[sflag:s19] =	ssyncadd.s32 $0xFFFFD800  }
0x1c: {  	s1 =	sadd.s32 $0x0, s11;
	[bflag:$0x0] =	sbarrier.arrive $0xFFFF  }
0x1d: {  	[tilespmem:s3], [sflag:$0x3] =	stream.linear.gather [hbm4b:s1+s3], $0x100, $0x38;
	[tilespmem:$0x1E400] =	vst v63  }
0x1e: {  	_ =	swait.ge [sflag:s19], $0x100  }
0x1f: {  	[sflag:s19] =	ssyncset.done $0x0  }
0x20: {  	s7 =	sadd.s32 $0x0, s12;
	[sflag:s19] =	ssyncadd.s32 $0xFFFFFF00  }
0x21: {  	[tilespmem:s20], [sflag:$0x3] =	stream.linear.gather [hbm4b:s7+s3], $0x100, $0x38;
	[tilespmem:$0x1E400] =	vst v63  }
0x22: {  	_ =	swait.ge [sflag:s19], $0x100  }
0x23: {  	[sflag:s19] =	ssyncset.done $0x0  }
0x24: {  	s30 =	sadd.s32 $0x0, s13;
	[sflag:s19] =	ssyncadd.s32 $0xFFFFFF00  }
0x25: {  	[tilespmem:s21], [sflag:$0x3] =	stream.linear.gather [hbm4b:s30+s3], $0x100, $0x38;
	[tilespmem:$0x1E400] =	vst v63  }
0x26: {  	_ =	swait.ge [sflag:s19], $0x100  }
0x27: {  	[sflag:s19] =	ssyncset.done $0x0  }
0x28: {  	s1 =	sadd.s32 $0x20, s7;
	[sflag:s19] =	ssyncadd.s32 $0xFFFFFF00  }
0x29: {  	[tilespmem:s22], [sflag:$0x3] =	stream.linear.gather [hbm4b:s1+s3], $0x100, $0x38;
	[tilespmem:$0x1E400] =	vst v63  }
0x2a: {  	_ =	swait.ge [sflag:s19], $0x100  }
0x2b: {  	[sflag:s19] =	ssyncset.done $0x0  }
0x2c: {  	[sflag:s19] =	ssyncadd.s32 $0xFFFFFF00  }
0x2d: {  	[tilespmem:s24], [sflag:$0x1] =	stream.indirect.gather [hbm4b:s4+s23], $0x80, s3, s23, $0xb8;
	[tilespmem:$0x1E400] =	vst v63  }
0x2e: {  	_ = 	snop  }
0x2f: {  	[tilespmem:s25], [sflag:$0x2] =	stream.indirect.gather [hbm4b:s4+s23], $0x80, s21, s23, $0xb8;
	[tilespmem:$0x1E400] =	vst v63  }
0x30: {  	_ =	swait.ge [sflag:s26], $0x5000  }
0x31: {  	[sflag:s26] =	ssyncset.done $0x0  }
0x32: {  	[sflag:s26] =	ssyncadd.s32 $0xFFFFB000  }
0x33: {  	[spmem:s2] =	stream.indirect.scatter.add.f32 [tilespmem:s24], [sflag:$0x3], $0x80, s20, s23, $0xb8;
	[tilespmem:$0x1E400] =	vst v63  }
0x34: {  	_ =	swait.ge [sflag:s19], $0x5000  }
0x35: {  	[sflag:s19] =	ssyncset.done $0x0  }
0x36: {  	[sflag:s19] =	ssyncadd.s32 $0xFFFFB000  }
0x37: {  	_ =	swait.ge [sflag:s28], $0x5000  }
0x38: {  	[sflag:s28] =	ssyncset.done $0x0  }
0x39: {  	[sflag:s28] =	ssyncadd.s32 $0xFFFFB000  }
0x3a: {  	[spmem:s2] =	stream.indirect.scatter.add.f32 [tilespmem:s25], [sflag:$0x3], $0x80, s22, s23, $0xb8;
	[tilespmem:$0x1E400] =	vst v63  }
0x3b: {  	_ =	swait.ge [sflag:s19], $0x5000  }
0x3c: {  	s31 =	simm.s32 $0x80;
	s30 =	simm.s32 $0x40;
	[sflag:s19] =	ssyncset.done $0x0  }
.LBB2_2:
0x3d: {  	s0 =	sadd.s32 s30, s11  }
0x3e: {  	[sflag:s19] =	ssyncadd.s32 $0xFFFFB000;
	s7 =	smov.u32 s31;
	s1 =	sadd.s32 $0x40, s31  }
0x3f: {  	[tilespmem:s3], [sflag:$0x3] =	stream.linear.gather [hbm4b:s0+s3], $0x100, $0x38;
	[tilespmem:$0x1E400] =	vst v63  }
0x40: {  	p0 =	sne.s32 s31, $0x4C0;
	_ =	swait.ge [sflag:s19], $0x100  }
0x41: {  	[sflag:s19] =	ssyncset.done $0x0  }
0x42: {  	s0 =	sadd.s32 s30, s12;
	[sflag:s19] =	ssyncadd.s32 $0xFFFFFF00  }
0x43: {  	[tilespmem:s20], [sflag:$0x3] =	stream.linear.gather [hbm4b:s0+s3], $0x100, $0x38;
	[tilespmem:$0x1E400] =	vst v63  }
0x44: {  	_ =	swait.ge [sflag:s19], $0x100  }
0x45: {  	[sflag:s19] =	ssyncset.done $0x0  }
0x46: {  	s31 =	sadd.s32 s30, s13;
	s30 =	smov.u32 s7;
	[sflag:s19] =	ssyncadd.s32 $0xFFFFFF00  }
0x47: {  	[tilespmem:s21], [sflag:$0x3] =	stream.linear.gather [hbm4b:s31+s3], $0x100, $0x38;
	[tilespmem:$0x1E400] =	vst v63  }
0x48: {  	_ =	swait.ge [sflag:s19], $0x100  }
0x49: {  	[sflag:s19] =	ssyncset.done $0x0  }
0x4a: {  	s0 =	sadd.s32 $0x20, s0;
	[sflag:s19] =	ssyncadd.s32 $0xFFFFFF00  }
0x4b: {  	[tilespmem:s22], [sflag:$0x3] =	stream.linear.gather [hbm4b:s0+s3], $0x100, $0x38;
	[tilespmem:$0x1E400] =	vst v63  }
0x4c: {  	_ =	swait.ge [sflag:s19], $0x100  }
0x4d: {  	[sflag:s19] =	ssyncset.done $0x0  }
0x4e: {  	[sflag:s19] =	ssyncadd.s32 $0xFFFFFF00  }
0x4f: {  	[tilespmem:s24], [sflag:$0x1] =	stream.indirect.gather [hbm4b:s4+s23], $0x80, s3, s23, $0xb8;
	[tilespmem:$0x1E400] =	vst v63  }
0x50: {  	_ = 	snop  }
0x51: {  	[tilespmem:s25], [sflag:$0x2] =	stream.indirect.gather [hbm4b:s4+s23], $0x80, s21, s23, $0xb8;
	[tilespmem:$0x1E400] =	vst v63  }
0x52: {  	_ =	swait.ge [sflag:s26], $0x5000  }
0x53: {  	[sflag:s26] =	ssyncset.done $0x0  }
0x54: {  	[sflag:s26] =	ssyncadd.s32 $0xFFFFB000  }
0x55: {  	[spmem:s2] =	stream.indirect.scatter.add.f32 [tilespmem:s24], [sflag:$0x3], $0x80, s20, s23, $0xb8;
	[tilespmem:$0x1E400] =	vst v63  }
0x56: {  	_ =	swait.ge [sflag:s19], $0x5000  }
0x57: {  	[sflag:s19] =	ssyncset.done $0x0  }
0x58: {  	[sflag:s19] =	ssyncadd.s32 $0xFFFFB000  }
0x59: {  	_ =	swait.ge [sflag:s28], $0x5000  }
.Ltmp0:
0x5a: {  	[sflag:s28] =	ssyncset.done $0x0;
	(pc) =	sbr.rel @p0 .LBB2_2-.Ltmp0, $4  }
0x5b: {  	[sflag:s28] =	ssyncadd.s32 $0xFFFFB000  }
0x5c: {  	[spmem:s2] =	stream.indirect.scatter.add.f32 [tilespmem:s25], [sflag:$0x3], $0x80, s22, s23, $0xb8;
	[tilespmem:$0x1E400] =	vst v63  }
0x5d: {  	_ =	swait.ge [sflag:s19], $0x5000  }
0x5e: {  	s31 =	smov.u32 s1;
	[sflag:s19] =	ssyncset.done $0x0  }
0x5f: {  	s0 =	sadd.s32 s30, s11;
	[sflag:s19] =	ssyncadd.s32 $0xFFFFB000  }
0x60: {  	[tilespmem:s3], [sflag:$0x3] =	stream.linear.gather [hbm4b:s0+s3], $0x100, $0x38;
	[tilespmem:$0x1E400] =	vst v63  }
0x61: {  	_ =	swait.ge [sflag:s19], $0x100  }
0x62: {  	[sflag:s19] =	ssyncset.done $0x0  }
0x63: {  	s7 =	sadd.s32 s30, s12;
	[sflag:s19] =	ssyncadd.s32 $0xFFFFFF00  }
0x64: {  	[tilespmem:s20], [sflag:$0x3] =	stream.linear.gather [hbm4b:s7+s3], $0x100, $0x38;
	[tilespmem:$0x1E400] =	vst v63  }
0x65: {  	_ =	swait.ge [sflag:s19], $0x100  }
0x66: {  	[sflag:s19] =	ssyncset.done $0x0  }
0x67: {  	s1 =	sadd.s32 s30, s13;
	[sflag:s19] =	ssyncadd.s32 $0xFFFFFF00  }
0x68: {  	[tilespmem:s21], [sflag:$0x3] =	stream.linear.gather [hbm4b:s1+s3], $0x100, $0x38;
	[tilespmem:$0x1E400] =	vst v63  }
0x69: {  	_ =	swait.ge [sflag:s19], $0x100  }
0x6a: {  	[sflag:s19] =	ssyncset.done $0x0  }
0x6b: {  	s0 =	sadd.s32 $0x20, s7;
	[sflag:s19] =	ssyncadd.s32 $0xFFFFFF00  }
0x6c: {  	[tilespmem:s22], [sflag:$0x3] =	stream.linear.gather [hbm4b:s0+s3], $0x100, $0x38;
	[tilespmem:$0x1E400] =	vst v63  }
0x6d: {  	_ =	swait.ge [sflag:s19], $0x100  }
0x6e: {  	[sflag:s19] =	ssyncset.done $0x0  }
0x6f: {  	[sflag:s19] =	ssyncadd.s32 $0xFFFFFF00  }
0x70: {  	[tilespmem:s24], [sflag:$0x1] =	stream.indirect.gather [hbm4b:s4+s23], $0x80, s3, s23, $0xb8;
	[tilespmem:$0x1E400] =	vst v63  }
0x71: {  	_ = 	snop  }
0x72: {  	[tilespmem:s25], [sflag:$0x2] =	stream.indirect.gather [hbm4b:s4+s23], $0x80, s21, s23, $0xb8;
	[tilespmem:$0x1E400] =	vst v63  }
0x73: {  	_ =	swait.ge [sflag:s26], $0x5000  }
0x74: {  	[sflag:s26] =	ssyncset.done $0x0  }
0x75: {  	[sflag:s26] =	ssyncadd.s32 $0xFFFFB000  }
0x76: {  	[spmem:s2] =	stream.indirect.scatter.add.f32 [tilespmem:s24], [sflag:$0x3], $0x80, s20, s23, $0xb8;
	[tilespmem:$0x1E400] =	vst v63  }
0x77: {  	_ =	swait.ge [sflag:s19], $0x5000  }
0x78: {  	[sflag:s19] =	ssyncset.done $0x0  }
0x79: {  	[sflag:s19] =	ssyncadd.s32 $0xFFFFB000  }
0x7a: {  	_ =	swait.ge [sflag:s28], $0x5000  }
0x7b: {  	[sflag:s28] =	ssyncset.done $0x0  }
0x7c: {  	[sflag:s28] =	ssyncadd.s32 $0xFFFFB000  }
0x7d: {  	[spmem:s2] =	stream.indirect.scatter.add.f32 [tilespmem:s25], [sflag:$0x3], $0x80, s22, s23, $0xb8;
	[tilespmem:$0x1E400] =	vst v63  }
0x7e: {  	_ =	swait.ge [sflag:s19], $0x5000  }
0x7f: {  	[sflag:s19] =	ssyncset.done $0x0  }
0x80: {  	[sflag:s19] =	ssyncadd.s32 $0xFFFFB000  }
0x81: {  	[bflag:$0x0] =	sbarrier.arrive $0xFFFF  }
0x82: {  	s31 =	rddreg [dreg:$0x3]  }
0x83: {  	[hbm:s31], [sflag:s6] =	dma.local [spmem:s18], $0x2800  }
0x84: {  	_ =	swait.ge [sflag:s19], $0x2800  }
0x85: {  	[sflag:s19] =	ssyncset.done $0x0  }
0x86: {  	[sflag:s19] =	ssyncadd.s32 $0xFFFFD800  }
0x87: {  	[bflag:$0x0] =	sbarrier.arrive $0xFFFF  }
0x88: {  	[spmem:s18], [sflag:s6] =	dma.local [hbm:s5], $0x2800  }
0x89: {  	_ =	swait.ge [sflag:s19], $0x2800  }
0x8a: {  	[sflag:s19] =	ssyncset.done $0x0  }
0x8b: {  	[sflag:s19] =	ssyncadd.s32 $0xFFFFD800  }
0x8c: {  	s1 =	sadd.s32 $0x0, s14;
	[bflag:$0x0] =	sbarrier.arrive $0xFFFF  }
0x8d: {  	[tilespmem:s3], [sflag:$0x3] =	stream.linear.gather [hbm4b:s1+s3], $0x100, $0x38;
	[tilespmem:$0x1E400] =	vst v63  }
0x8e: {  	_ =	swait.ge [sflag:s19], $0x100  }
0x8f: {  	s0 =	sadd.s32 $0x0, s12;
	[sflag:s19] =	ssyncset.done $0x0  }
0x90: {  	s7 =	sadd.s32 $0x5000, s0;
	[sflag:s19] =	ssyncadd.s32 $0xFFFFFF00  }
0x91: {  	[tilespmem:s20], [sflag:$0x3] =	stream.linear.gather [hbm4b:s7+s3], $0x100, $0x38;
	[tilespmem:$0x1E400] =	vst v63  }
0x92: {  	_ =	swait.ge [sflag:s19], $0x100  }
0x93: {  	[sflag:s19] =	ssyncset.done $0x0  }
0x94: {  	s31 =	sadd.s32 $0x0, s15;
	[sflag:s19] =	ssyncadd.s32 $0xFFFFFF00  }
0x95: {  	[tilespmem:s21], [sflag:$0x3] =	stream.linear.gather [hbm4b:s31+s3], $0x100, $0x38;
	[tilespmem:$0x1E400] =	vst v63  }
0x96: {  	_ =	swait.ge [sflag:s19], $0x100  }
0x97: {  	[sflag:s19] =	ssyncset.done $0x0  }
0x98: {  	s0 =	sadd.s32 $0x5020, s0;
	[sflag:s19] =	ssyncadd.s32 $0xFFFFFF00  }
0x99: {  	[tilespmem:s22], [sflag:$0x3] =	stream.linear.gather [hbm4b:s0+s3], $0x100, $0x38;
	[tilespmem:$0x1E400] =	vst v63  }
0x9a: {  	_ =	swait.ge [sflag:s19], $0x100  }
0x9b: {  	[sflag:s19] =	ssyncset.done $0x0  }
0x9c: {  	[sflag:s19] =	ssyncadd.s32 $0xFFFFFF00  }
0x9d: {  	[tilespmem:s24], [sflag:$0x1] =	stream.indirect.gather [hbm4b:s4+s23], $0x80, s3, s23, $0xb8;
	[tilespmem:$0x1E400] =	vst v63  }
0x9e: {  	_ = 	snop  }
0x9f: {  	[tilespmem:s25], [sflag:$0x2] =	stream.indirect.gather [hbm4b:s4+s23], $0x80, s21, s23, $0xb8;
	[tilespmem:$0x1E400] =	vst v63  }
0xa0: {  	_ =	swait.ge [sflag:s26], $0x5000  }
0xa1: {  	[sflag:s26] =	ssyncset.done $0x0  }
0xa2: {  	[sflag:s26] =	ssyncadd.s32 $0xFFFFB000  }
0xa3: {  	[spmem:s2] =	stream.indirect.scatter.add.f32 [tilespmem:s24], [sflag:$0x3], $0x80, s20, s23, $0xb8;
	[tilespmem:$0x1E400] =	vst v63  }
0xa4: {  	_ =	swait.ge [sflag:s19], $0x5000  }
0xa5: {  	[sflag:s19] =	ssyncset.done $0x0  }
0xa6: {  	[sflag:s19] =	ssyncadd.s32 $0xFFFFB000  }
0xa7: {  	_ =	swait.ge [sflag:s28], $0x5000  }
0xa8: {  	[sflag:s28] =	ssyncset.done $0x0  }
0xa9: {  	[sflag:s28] =	ssyncadd.s32 $0xFFFFB000  }
0xaa: {  	[spmem:s2] =	stream.indirect.scatter.add.f32 [tilespmem:s25], [sflag:$0x3], $0x80, s22, s23, $0xb8;
	[tilespmem:$0x1E400] =	vst v63  }
0xab: {  	_ =	swait.ge [sflag:s19], $0x5000  }
0xac: {  	s30 =	simm.s32 $0x40;
	s1 =	simm.s32 $0x80;
	[sflag:s19] =	ssyncset.done $0x0  }
.LBB2_4:
0xad: {  	s0 =	sadd.s32 s30, s14  }
0xae: {  	[sflag:s19] =	ssyncadd.s32 $0xFFFFB000;
	s7 =	smov.u32 s1;
	s31 =	sadd.s32 $0x40, s1  }
0xaf: {  	[tilespmem:s3], [sflag:$0x3] =	stream.linear.gather [hbm4b:s0+s3], $0x100, $0x38;
	[tilespmem:$0x1E400] =	vst v63  }
0xb0: {  	p0 =	sne.s32 s1, $0x4C0;
	_ =	swait.ge [sflag:s19], $0x100  }
0xb1: {  	s0 =	sadd.s32 s30, s12;
	[sflag:s19] =	ssyncset.done $0x0  }
0xb2: {  	s1 =	sadd.s32 $0x5000, s0;
	[sflag:s19] =	ssyncadd.s32 $0xFFFFFF00  }
0xb3: {  	[tilespmem:s20], [sflag:$0x3] =	stream.linear.gather [hbm4b:s1+s3], $0x100, $0x38;
	[tilespmem:$0x1E400] =	vst v63  }
0xb4: {  	_ =	swait.ge [sflag:s19], $0x100  }
0xb5: {  	[sflag:s19] =	ssyncset.done $0x0  }
0xb6: {  	s1 =	sadd.s32 s30, s15;
	s30 =	smov.u32 s7;
	[sflag:s19] =	ssyncadd.s32 $0xFFFFFF00  }
0xb7: {  	[tilespmem:s21], [sflag:$0x3] =	stream.linear.gather [hbm4b:s1+s3], $0x100, $0x38;
	[tilespmem:$0x1E400] =	vst v63  }
0xb8: {  	_ =	swait.ge [sflag:s19], $0x100  }
0xb9: {  	[sflag:s19] =	ssyncset.done $0x0  }
0xba: {  	s0 =	sadd.s32 $0x5020, s0;
	[sflag:s19] =	ssyncadd.s32 $0xFFFFFF00  }
0xbb: {  	[tilespmem:s22], [sflag:$0x3] =	stream.linear.gather [hbm4b:s0+s3], $0x100, $0x38;
	[tilespmem:$0x1E400] =	vst v63  }
0xbc: {  	_ =	swait.ge [sflag:s19], $0x100  }
0xbd: {  	[sflag:s19] =	ssyncset.done $0x0  }
0xbe: {  	[sflag:s19] =	ssyncadd.s32 $0xFFFFFF00  }
0xbf: {  	[tilespmem:s24], [sflag:$0x1] =	stream.indirect.gather [hbm4b:s4+s23], $0x80, s3, s23, $0xb8;
	[tilespmem:$0x1E400] =	vst v63  }
0xc0: {  	_ = 	snop  }
0xc1: {  	[tilespmem:s25], [sflag:$0x2] =	stream.indirect.gather [hbm4b:s4+s23], $0x80, s21, s23, $0xb8;
	[tilespmem:$0x1E400] =	vst v63  }
0xc2: {  	_ =	swait.ge [sflag:s26], $0x5000  }
0xc3: {  	[sflag:s26] =	ssyncset.done $0x0  }
0xc4: {  	[sflag:s26] =	ssyncadd.s32 $0xFFFFB000  }
0xc5: {  	[spmem:s2] =	stream.indirect.scatter.add.f32 [tilespmem:s24], [sflag:$0x3], $0x80, s20, s23, $0xb8;
	[tilespmem:$0x1E400] =	vst v63  }
0xc6: {  	_ =	swait.ge [sflag:s19], $0x5000  }
0xc7: {  	[sflag:s19] =	ssyncset.done $0x0  }
0xc8: {  	[sflag:s19] =	ssyncadd.s32 $0xFFFFB000  }
0xc9: {  	_ =	swait.ge [sflag:s28], $0x5000  }
.Ltmp1:
0xca: {  	[sflag:s28] =	ssyncset.done $0x0;
	(pc) =	sbr.rel @p0 .LBB2_4-.Ltmp1, $4  }
0xcb: {  	[sflag:s28] =	ssyncadd.s32 $0xFFFFB000  }
0xcc: {  	[spmem:s2] =	stream.indirect.scatter.add.f32 [tilespmem:s25], [sflag:$0x3], $0x80, s22, s23, $0xb8;
	[tilespmem:$0x1E400] =	vst v63  }
0xcd: {  	_ =	swait.ge [sflag:s19], $0x5000  }
0xce: {  	s1 =	smov.u32 s31;
	[sflag:s19] =	ssyncset.done $0x0  }
0xcf: {  	s0 =	sadd.s32 s30, s14;
	[sflag:s19] =	ssyncadd.s32 $0xFFFFB000  }
0xd0: {  	[tilespmem:s3], [sflag:$0x3] =	stream.linear.gather [hbm4b:s0+s3], $0x100, $0x38;
	[tilespmem:$0x1E400] =	vst v63  }
0xd1: {  	_ =	swait.ge [sflag:s19], $0x100  }
0xd2: {  	s7 =	sadd.s32 s30, s12;
	[sflag:s19] =	ssyncset.done $0x0  }
0xd3: {  	s1 =	sadd.s32 $0x5000, s7;
	[sflag:s19] =	ssyncadd.s32 $0xFFFFFF00  }
0xd4: {  	[tilespmem:s20], [sflag:$0x3] =	stream.linear.gather [hbm4b:s1+s3], $0x100, $0x38;
	[tilespmem:$0x1E400] =	vst v63  }
0xd5: {  	_ =	swait.ge [sflag:s19], $0x100  }
0xd6: {  	[sflag:s19] =	ssyncset.done $0x0  }
0xd7: {  	s31 =	sadd.s32 s30, s15;
	[sflag:s19] =	ssyncadd.s32 $0xFFFFFF00  }
0xd8: {  	[tilespmem:s21], [sflag:$0x3] =	stream.linear.gather [hbm4b:s31+s3], $0x100, $0x38;
	[tilespmem:$0x1E400] =	vst v63  }
0xd9: {  	_ =	swait.ge [sflag:s19], $0x100  }
0xda: {  	[sflag:s19] =	ssyncset.done $0x0  }
0xdb: {  	s0 =	sadd.s32 $0x5020, s7;
	[sflag:s19] =	ssyncadd.s32 $0xFFFFFF00  }
0xdc: {  	[tilespmem:s22], [sflag:$0x3] =	stream.linear.gather [hbm4b:s0+s3], $0x100, $0x38;
	[tilespmem:$0x1E400] =	vst v63  }
0xdd: {  	_ =	swait.ge [sflag:s19], $0x100  }
0xde: {  	[sflag:s19] =	ssyncset.done $0x0  }
0xdf: {  	[sflag:s19] =	ssyncadd.s32 $0xFFFFFF00  }
0xe0: {  	[tilespmem:s24], [sflag:$0x1] =	stream.indirect.gather [hbm4b:s4+s23], $0x80, s3, s23, $0xb8;
	[tilespmem:$0x1E400] =	vst v63  }
0xe1: {  	_ = 	snop  }
0xe2: {  	[tilespmem:s25], [sflag:$0x2] =	stream.indirect.gather [hbm4b:s4+s23], $0x80, s21, s23, $0xb8;
	[tilespmem:$0x1E400] =	vst v63  }
0xe3: {  	_ =	swait.ge [sflag:s26], $0x5000  }
0xe4: {  	[sflag:s26] =	ssyncset.done $0x0  }
0xe5: {  	[sflag:s26] =	ssyncadd.s32 $0xFFFFB000  }
0xe6: {  	[spmem:s2] =	stream.indirect.scatter.add.f32 [tilespmem:s24], [sflag:$0x3], $0x80, s20, s23, $0xb8;
	[tilespmem:$0x1E400] =	vst v63  }
0xe7: {  	_ =	swait.ge [sflag:s19], $0x5000  }
0xe8: {  	[sflag:s19] =	ssyncset.done $0x0  }
0xe9: {  	[sflag:s19] =	ssyncadd.s32 $0xFFFFB000  }
0xea: {  	_ =	swait.ge [sflag:s28], $0x5000  }
0xeb: {  	[sflag:s28] =	ssyncset.done $0x0  }
0xec: {  	[sflag:s28] =	ssyncadd.s32 $0xFFFFB000  }
0xed: {  	[spmem:s2] =	stream.indirect.scatter.add.f32 [tilespmem:s25], [sflag:$0x3], $0x80, s22, s23, $0xb8;
	[tilespmem:$0x1E400] =	vst v63  }
0xee: {  	_ =	swait.ge [sflag:s19], $0x5000  }
0xef: {  	[sflag:s19] =	ssyncset.done $0x0  }
0xf0: {  	[sflag:s19] =	ssyncadd.s32 $0xFFFFB000  }
0xf1: {  	[bflag:$0x0] =	sbarrier.arrive $0xFFFF  }
0xf2: {  	[hbm:s8], [sflag:s6] =	dma.local [spmem:s18], $0x2800  }
0xf3: {  	_ =	swait.ge [sflag:s19], $0x2800  }
0xf4: {  	[sflag:s19] =	ssyncset.done $0x0  }
0xf5: {  	[sflag:s19] =	ssyncadd.s32 $0xFFFFD800  }
0xf6: {  	[bflag:$0x0] =	sbarrier.arrive $0xFFFF  }
0xf7: {  	[spmem:s18], [sflag:s6] =	dma.local [hbm:s5], $0x2800  }
0xf8: {  	_ =	swait.ge [sflag:s19], $0x2800  }
0xf9: {  	[sflag:s19] =	ssyncset.done $0x0  }
0xfa: {  	[sflag:s19] =	ssyncadd.s32 $0xFFFFD800  }
0xfb: {  	s1 =	sadd.s32 $0x0, s16;
	[bflag:$0x0] =	sbarrier.arrive $0xFFFF  }
0xfc: {  	[tilespmem:s3], [sflag:$0x3] =	stream.linear.gather [hbm4b:s1+s3], $0x100, $0x38;
	[tilespmem:$0x1E400] =	vst v63  }
0xfd: {  	_ =	swait.ge [sflag:s19], $0x100  }
0xfe: {  	s0 =	sadd.s32 $0x0, s12;
	[sflag:s19] =	ssyncset.done $0x0  }
0xff: {  	s7 =	sadd.s32 $0xA000, s0;
	[sflag:s19] =	ssyncadd.s32 $0xFFFFFF00  }
0x100: {  	[tilespmem:s20], [sflag:$0x3] =	stream.linear.gather [hbm4b:s7+s3], $0x100, $0x38;
	[tilespmem:$0x1E400] =	vst v63  }
0x101: {  	_ =	swait.ge [sflag:s19], $0x100  }
0x102: {  	[sflag:s19] =	ssyncset.done $0x0  }
0x103: {  	s31 =	sadd.s32 $0x0, s17;
	[sflag:s19] =	ssyncadd.s32 $0xFFFFFF00  }
0x104: {  	[tilespmem:s21], [sflag:$0x3] =	stream.linear.gather [hbm4b:s31+s3], $0x100, $0x38;
	[tilespmem:$0x1E400] =	vst v63  }
0x105: {  	_ =	swait.ge [sflag:s19], $0x100  }
0x106: {  	[sflag:s19] =	ssyncset.done $0x0  }
0x107: {  	s0 =	sadd.s32 $0xA020, s0;
	[sflag:s19] =	ssyncadd.s32 $0xFFFFFF00  }
0x108: {  	[tilespmem:s22], [sflag:$0x3] =	stream.linear.gather [hbm4b:s0+s3], $0x100, $0x38;
	[tilespmem:$0x1E400] =	vst v63  }
0x109: {  	_ =	swait.ge [sflag:s19], $0x100  }
0x10a: {  	[sflag:s19] =	ssyncset.done $0x0  }
0x10b: {  	[sflag:s19] =	ssyncadd.s32 $0xFFFFFF00  }
0x10c: {  	[tilespmem:s24], [sflag:$0x1] =	stream.indirect.gather [hbm4b:s4+s23], $0x80, s3, s23, $0xb8;
	[tilespmem:$0x1E400] =	vst v63  }
0x10d: {  	_ = 	snop  }
0x10e: {  	[tilespmem:s25], [sflag:$0x2] =	stream.indirect.gather [hbm4b:s4+s23], $0x80, s21, s23, $0xb8;
	[tilespmem:$0x1E400] =	vst v63  }
0x10f: {  	_ =	swait.ge [sflag:s26], $0x5000  }
0x110: {  	[sflag:s26] =	ssyncset.done $0x0  }
0x111: {  	[sflag:s26] =	ssyncadd.s32 $0xFFFFB000  }
0x112: {  	[spmem:s2] =	stream.indirect.scatter.add.f32 [tilespmem:s24], [sflag:$0x3], $0x80, s20, s23, $0xb8;
	[tilespmem:$0x1E400] =	vst v63  }
0x113: {  	_ =	swait.ge [sflag:s19], $0x5000  }
0x114: {  	[sflag:s19] =	ssyncset.done $0x0  }
0x115: {  	[sflag:s19] =	ssyncadd.s32 $0xFFFFB000  }
0x116: {  	_ =	swait.ge [sflag:s28], $0x5000  }
0x117: {  	[sflag:s28] =	ssyncset.done $0x0  }
0x118: {  	[sflag:s28] =	ssyncadd.s32 $0xFFFFB000  }
0x119: {  	[spmem:s2] =	stream.indirect.scatter.add.f32 [tilespmem:s25], [sflag:$0x3], $0x80, s22, s23, $0xb8;
	[tilespmem:$0x1E400] =	vst v63  }
0x11a: {  	_ =	swait.ge [sflag:s19], $0x5000  }
0x11b: {  	s30 =	simm.s32 $0x40;
	s1 =	simm.s32 $0x80;
	[sflag:s19] =	ssyncset.done $0x0  }
.LBB2_6:
0x11c: {  	s0 =	sadd.s32 s30, s16  }
0x11d: {  	[sflag:s19] =	ssyncadd.s32 $0xFFFFB000;
	s7 =	smov.u32 s1;
	s31 =	sadd.s32 $0x40, s1  }
0x11e: {  	[tilespmem:s3], [sflag:$0x3] =	stream.linear.gather [hbm4b:s0+s3], $0x100, $0x38;
	[tilespmem:$0x1E400] =	vst v63  }
0x11f: {  	p0 =	sne.s32 s1, $0x4C0;
	_ =	swait.ge [sflag:s19], $0x100  }
0x120: {  	s0 =	sadd.s32 s30, s12;
	[sflag:s19] =	ssyncset.done $0x0  }
0x121: {  	s1 =	sadd.s32 $0xA000, s0;
	[sflag:s19] =	ssyncadd.s32 $0xFFFFFF00  }
0x122: {  	[tilespmem:s20], [sflag:$0x3] =	stream.linear.gather [hbm4b:s1+s3], $0x100, $0x38;
	[tilespmem:$0x1E400] =	vst v63  }
0x123: {  	_ =	swait.ge [sflag:s19], $0x100  }
0x124: {  	[sflag:s19] =	ssyncset.done $0x0  }
0x125: {  	s1 =	sadd.s32 s30, s17;
	s30 =	smov.u32 s7;
	[sflag:s19] =	ssyncadd.s32 $0xFFFFFF00  }
0x126: {  	[tilespmem:s21], [sflag:$0x3] =	stream.linear.gather [hbm4b:s1+s3], $0x100, $0x38;
	[tilespmem:$0x1E400] =	vst v63  }
0x127: {  	_ =	swait.ge [sflag:s19], $0x100  }
0x128: {  	[sflag:s19] =	ssyncset.done $0x0  }
0x129: {  	s0 =	sadd.s32 $0xA020, s0;
	[sflag:s19] =	ssyncadd.s32 $0xFFFFFF00  }
0x12a: {  	[tilespmem:s22], [sflag:$0x3] =	stream.linear.gather [hbm4b:s0+s3], $0x100, $0x38;
	[tilespmem:$0x1E400] =	vst v63  }
0x12b: {  	_ =	swait.ge [sflag:s19], $0x100  }
0x12c: {  	[sflag:s19] =	ssyncset.done $0x0  }
0x12d: {  	[sflag:s19] =	ssyncadd.s32 $0xFFFFFF00  }
0x12e: {  	[tilespmem:s24], [sflag:$0x1] =	stream.indirect.gather [hbm4b:s4+s23], $0x80, s3, s23, $0xb8;
	[tilespmem:$0x1E400] =	vst v63  }
0x12f: {  	_ = 	snop  }
0x130: {  	[tilespmem:s25], [sflag:$0x2] =	stream.indirect.gather [hbm4b:s4+s23], $0x80, s21, s23, $0xb8;
	[tilespmem:$0x1E400] =	vst v63  }
0x131: {  	_ =	swait.ge [sflag:s26], $0x5000  }
0x132: {  	[sflag:s26] =	ssyncset.done $0x0  }
0x133: {  	[sflag:s26] =	ssyncadd.s32 $0xFFFFB000  }
0x134: {  	[spmem:s2] =	stream.indirect.scatter.add.f32 [tilespmem:s24], [sflag:$0x3], $0x80, s20, s23, $0xb8;
	[tilespmem:$0x1E400] =	vst v63  }
0x135: {  	_ =	swait.ge [sflag:s19], $0x5000  }
0x136: {  	[sflag:s19] =	ssyncset.done $0x0  }
0x137: {  	[sflag:s19] =	ssyncadd.s32 $0xFFFFB000  }
0x138: {  	_ =	swait.ge [sflag:s28], $0x5000  }
.Ltmp2:
0x139: {  	[sflag:s28] =	ssyncset.done $0x0;
	(pc) =	sbr.rel @p0 .LBB2_6-.Ltmp2, $4  }
0x13a: {  	[sflag:s28] =	ssyncadd.s32 $0xFFFFB000  }
0x13b: {  	[spmem:s2] =	stream.indirect.scatter.add.f32 [tilespmem:s25], [sflag:$0x3], $0x80, s22, s23, $0xb8;
	[tilespmem:$0x1E400] =	vst v63  }
0x13c: {  	_ =	swait.ge [sflag:s19], $0x5000  }
0x13d: {  	s1 =	smov.u32 s31;
	[sflag:s19] =	ssyncset.done $0x0  }
0x13e: {  	s0 =	sadd.s32 s30, s16;
	[sflag:s19] =	ssyncadd.s32 $0xFFFFB000  }
0x13f: {  	[tilespmem:s3], [sflag:$0x3] =	stream.linear.gather [hbm4b:s0+s3], $0x100, $0x38;
	[tilespmem:$0x1E400] =	vst v63  }
0x140: {  	_ =	swait.ge [sflag:s19], $0x100  }
0x141: {  	s7 =	sadd.s32 s30, s12;
	[sflag:s19] =	ssyncset.done $0x0  }
0x142: {  	s1 =	sadd.s32 $0xA000, s7;
	[sflag:s19] =	ssyncadd.s32 $0xFFFFFF00  }
0x143: {  	[tilespmem:s20], [sflag:$0x3] =	stream.linear.gather [hbm4b:s1+s3], $0x100, $0x38;
	[tilespmem:$0x1E400] =	vst v63  }
0x144: {  	_ =	swait.ge [sflag:s19], $0x100  }
0x145: {  	[sflag:s19] =	ssyncset.done $0x0  }
0x146: {  	s31 =	sadd.s32 s30, s17;
	[sflag:s19] =	ssyncadd.s32 $0xFFFFFF00  }
0x147: {  	[tilespmem:s21], [sflag:$0x3] =	stream.linear.gather [hbm4b:s31+s3], $0x100, $0x38;
	[tilespmem:$0x1E400] =	vst v63  }
0x148: {  	_ =	swait.ge [sflag:s19], $0x100  }
0x149: {  	[sflag:s19] =	ssyncset.done $0x0  }
0x14a: {  	s0 =	sadd.s32 $0xA020, s7;
	[sflag:s19] =	ssyncadd.s32 $0xFFFFFF00  }
0x14b: {  	[tilespmem:s22], [sflag:$0x3] =	stream.linear.gather [hbm4b:s0+s3], $0x100, $0x38;
	[tilespmem:$0x1E400] =	vst v63  }
0x14c: {  	_ =	swait.ge [sflag:s19], $0x100  }
0x14d: {  	[sflag:s19] =	ssyncset.done $0x0  }
0x14e: {  	[sflag:s19] =	ssyncadd.s32 $0xFFFFFF00  }
0x14f: {  	[tilespmem:s24], [sflag:$0x1] =	stream.indirect.gather [hbm4b:s4+s23], $0x80, s3, s23, $0xb8;
	[tilespmem:$0x1E400] =	vst v63  }
0x150: {  	_ = 	snop  }
0x151: {  	[tilespmem:s25], [sflag:$0x2] =	stream.indirect.gather [hbm4b:s4+s23], $0x80, s21, s23, $0xb8;
	[tilespmem:$0x1E400] =	vst v63  }
0x152: {  	_ =	swait.ge [sflag:s26], $0x5000  }
0x153: {  	[sflag:s26] =	ssyncset.done $0x0  }
0x154: {  	[sflag:s26] =	ssyncadd.s32 $0xFFFFB000  }
0x155: {  	[spmem:s2] =	stream.indirect.scatter.add.f32 [tilespmem:s24], [sflag:$0x3], $0x80, s20, s23, $0xb8;
	[tilespmem:$0x1E400] =	vst v63  }
0x156: {  	_ =	swait.ge [sflag:s19], $0x5000  }
0x157: {  	[sflag:s19] =	ssyncset.done $0x0  }
0x158: {  	[sflag:s19] =	ssyncadd.s32 $0xFFFFB000  }
0x159: {  	_ =	swait.ge [sflag:s28], $0x5000  }
0x15a: {  	[sflag:s28] =	ssyncset.done $0x0  }
0x15b: {  	[sflag:s28] =	ssyncadd.s32 $0xFFFFB000  }
0x15c: {  	[spmem:s2] =	stream.indirect.scatter.add.f32 [tilespmem:s25], [sflag:$0x3], $0x80, s22, s23, $0xb8;
	[tilespmem:$0x1E400] =	vst v63  }
0x15d: {  	_ =	swait.ge [sflag:s19], $0x5000  }
0x15e: {  	[sflag:s19] =	ssyncset.done $0x0  }
0x15f: {  	s29 =	sadd.s32 $0x1, s29;
	[sflag:s19] =	ssyncadd.s32 $0xFFFFB000  }
0x160: {  	p0 =	sne.s32 s29, s10;
	[bflag:$0x0] =	sbarrier.arrive $0xFFFF  }
0x161: {  	[hbm:s9], [sflag:s6] =	dma.local [spmem:s18], $0x2800  }
.Ltmp3:
0x162: {  	_ =	swait.ge [sflag:s19], $0x2800;
	(pc) =	sbr.rel @p0 .LBB2_1-.Ltmp3, $3  }
0x163: {  	[sflag:s19] =	ssyncset.done $0x0  }
0x164: {  	[sflag:s19] =	ssyncadd.s32 $0xFFFFD800  }
0x165: {  	[bflag:$0x0] =	sbarrier.arrive $0xFFFF;
	_ =	sdelay $0x1  }
0x166: {  	_ =	sfence.sel $0x180000  }
0x167: {  	[bflag:$0x0] =	sbarrier.arrive $0xFFFF  }
0x168: {  	_ =	strace $0x90000050  }
0x169: {  	s0 =	stileid.u32;
	[bflag:$0x2] =	sbarrier.arrive $0xFFFF  }
0x16a: {  	p0 =	sne.s32 s0, $0x0;
	s0 =	rddreg [dreg:$0x2]  }
0x16b: {  	s0 =	sadd.s32 @!p0 $0x100000, s0  }
0x16c: {  	[sflag:s0] =	ssyncadd.tile.s32 @!p0 $0x1;
	_ =	shalt  }
.Lfunc_end2:
_tile_overlayer_lowered:
.L_overlay_start_2:
0x16d: {  	(tag) =	ssettag $0x2  }
0x16e: {  	s0 =	rddreg [dreg:$0x0];
	s2 =	stileid.u32  }
0x16f: {  	s1 =	rddreg [dreg:$0x1];
	p0 =	sne.s32 s2, $0x0  }
0x170: {  	s3 =	rddreg [dreg:$0x2];
	[bflag:$0x3] =	sbarrier.arrive $0xFFFF;
	s2 =	simm.s32 @!p0 $0x1C03  }
0x171: {  	[timem:s3], [sflag:s2] =	dma.local @!p0 [hbm:s0], s1  }
0x172: {  	s0 =	simm.s32 @!p0 $0x3  }
0x173: {  	_ =	swait.ge @!p0 [sflag:s0], s1  }
0x174: {  	s1 =	ssub.s32 @!p0 $0x0, s1;
	[sflag:s0] =	ssyncset.done @!p0 $0x0  }
0x175: {  	[sflag:s0] =	ssyncadd.s32 @!p0 s1  }
0x176: {  	[bflag:$0x3] =	sbarrier.arrive $0xFFFF  }
0x177: {  	_ =	shalt  }

</sc_bundles>
